<compile_context>
chip_gen: v7x
topology: tpu7x:2x2x1
jax: 0.10.2.dev20260603
libtpu: 0.0.44.dev20260713+nightly
codegen_flags: <defaults>
</compile_context>

<pallas_src>
import functools

import jax
import jax.numpy as jnp
from jax import lax
from jax.experimental import pallas as pl
from jax.experimental.pallas import tpu as pltpu
from jax.experimental.pallas import tpu_sc as plsc

N = 10000
NP = 10240
D = 128
E = 320000
NC = 2
NS = 16
NW = NC * NS
K = 80
NCHUNK = 128
EP = NW * NCHUNK * K
EPW = NCHUNK * K
RPT = NP // NS
RB = 128
CH = NP // D

_f32 = jnp.float32


def _sc_agg_body(with_counts, *refs):
    if with_counts:
        (z_hbm, src_hbm, dst_hbm, zrow_hbm, s_hbm, co_hbm, acc_sh,
         sidx0, sidx1, didx0, didx1, rows0, rows1, cnt, gsem0, gsem1) = refs
        sidxs, didxs = (sidx0, sidx1), (didx0, didx1)
    else:
        (z_hbm, src_hbm, dst_hbm, zrow_hbm, s_hbm, acc_sh,
         sall, dall, rows0, rows1, gsem0, gsem1) = refs
    rowss, gsems = (rows0, rows1), (gsem0, gsem1)

    c = lax.axis_index("c")
    s = lax.axis_index("s")
    wid = c * NS + s
    base = wid * EPW

    if not with_counts:
        pltpu.sync_copy(src_hbm.at[pl.ds(base, EPW)], sall)
        pltpu.sync_copy(dst_hbm.at[pl.ds(base, EPW)], dall)

    pltpu.sync_copy(zrow_hbm.at[pl.ds(0, K)], rows0)
    for j in range(RPT // K):
        pltpu.sync_copy(rows0, acc_sh.at[pl.ds(s * RPT + j * K, K)])
    if with_counts:
        pltpu.sync_copy(zrow_hbm.at[pl.ds(0, CH)], cnt)
    plsc.subcore_barrier()

    ones16 = jnp.ones((16,), _f32)

    if with_counts:
        def load_idx(ci, b):
            off = base + ci * K
            pltpu.sync_copy(src_hbm.at[pl.ds(off, K)], sidxs[b])
            pltpu.sync_copy(dst_hbm.at[pl.ds(off, K)], didxs[b])

        def fire(ci, b):
            pltpu.async_copy(z_hbm.at[sidxs[b]], rowss[b], gsems[b])

        def drain(ci, b):
            pltpu.make_async_copy(z_hbm.at[sidxs[b]], rowss[b],
                                  gsems[b]).wait()

        def scatter(ci, b):
            pltpu.sync_copy(rowss[b], acc_sh.at[didxs[b]], add=True)
            for t in range(K // 16):
                d = didxs[b][pl.ds(t * 16, 16)]
                plsc.addupdate_scatter(
                    cnt,
                    [lax.shift_right_logical(d, 7), lax.bitwise_and(d, 127)],
                    ones16)
    else:
        def load_idx(ci, b):
            pass

        def fire(ci, b):
            pltpu.async_copy(z_hbm.at[sall.at[pl.ds(ci * K, K)]],
                             rowss[b], gsems[b])

        def drain(ci, b):
            pltpu.make_async_copy(z_hbm.at[sall.at[pl.ds(ci * K, K)]],
                                  rowss[b], gsems[b]).wait()

        def scatter(ci, b):
            pltpu.sync_copy(rowss[b], acc_sh.at[dall.at[pl.ds(ci * K, K)]],
                            add=True)

    load_idx(0, 0)
    fire(0, 0)

    def pair(p, carry):
        for b in (0, 1):
            ci = 2 * p + b
            load_idx(ci + 1, 1 - b)
            drain(ci, b)
            fire(ci + 1, 1 - b)
            scatter(ci, b)
        return carry

    lax.fori_loop(0, NCHUNK // 2 - 1, pair, 0)
    load_idx(NCHUNK - 1, 1)
    drain(NCHUNK - 2, 0)
    fire(NCHUNK - 1, 1)
    scatter(NCHUNK - 2, 0)
    drain(NCHUNK - 1, 1)
    scatter(NCHUNK - 1, 1)
    plsc.subcore_barrier()

    for j in range(RPT // K):
        pltpu.sync_copy(acc_sh.at[pl.ds(s * RPT + j * K, K)], rows0)
        pltpu.sync_copy(rows0, s_hbm.at[c, pl.ds(s * RPT + j * K, K)])
    if with_counts:
        pltpu.sync_copy(cnt, co_hbm.at[wid])


def _make_sc_agg(with_counts):
    out_type = [jax.ShapeDtypeStruct((NC, NP, D), _f32)]
    scratch = [pltpu.VMEM_SHARED((NP, D), _f32)]
    if with_counts:
        out_type.append(jax.ShapeDtypeStruct((NW, CH, D), _f32))
        scratch.append(pltpu.VMEM((K,), jnp.int32))
        scratch.append(pltpu.VMEM((K,), jnp.int32))
        scratch.append(pltpu.VMEM((K,), jnp.int32))
        scratch.append(pltpu.VMEM((K,), jnp.int32))
    else:
        scratch.append(pltpu.VMEM((EPW,), jnp.int32))
        scratch.append(pltpu.VMEM((EPW,), jnp.int32))
    scratch.append(pltpu.VMEM((K, D), _f32))
    scratch.append(pltpu.VMEM((K, D), _f32))
    if with_counts:
        scratch.append(pltpu.VMEM((CH, D), _f32))
    scratch.append(pltpu.SemaphoreType.DMA)
    scratch.append(pltpu.SemaphoreType.DMA)

    mesh = plsc.VectorSubcoreMesh(core_axis_name="c", subcore_axis_name="s")
    return pl.kernel(
        functools.partial(_sc_agg_body, with_counts),
        out_type=tuple(out_type) if len(out_type) > 1 else out_type[0],
        mesh=mesh,
        scratch_types=tuple(scratch),
        compiler_params=pltpu.CompilerParams(needs_layout_passes=False),
        name="sc_edge_agg_cnt" if with_counts else "sc_edge_agg",
    )


_sc_agg_counts = _make_sc_agg(True)
_sc_agg = _make_sc_agg(False)


def _tc_z0_body(x_ref, w_ref, o_ref):
    o_ref[...] = jnp.dot(x_ref[...], w_ref[...],
                         preferred_element_type=_f32)


_tc_z0 = pl.pallas_call(
    _tc_z0_body,
    out_shape=jax.ShapeDtypeStruct((N, D), _f32),
)


def _tc_csum_body(c_ref, o_ref):
    o_ref[...] = jnp.sum(c_ref[...], axis=0)


_tc_csum = pl.pallas_call(
    _tc_csum_body,
    out_shape=jax.ShapeDtypeStruct((CH, D), _f32),
)


def _bn_relu(u, g_ref, be_ref):
    m = jnp.mean(u, axis=0, keepdims=True)
    var = jnp.mean((u - m) ** 2, axis=0, keepdims=True)
    return jnp.maximum(
        g_ref[...] * (u - m) * lax.rsqrt(var + 1e-5) + be_ref[...], 0.0)


def _sage_update(s_ref, c_ref, h_ref, wr_ref, bl_ref):
    inv = 1.0 / jnp.maximum(c_ref[0:N], 1.0)
    return ((s_ref[0, :N, :] + s_ref[1, :N, :]) * inv + bl_ref[...]
            + jnp.dot(h_ref[...], wr_ref[...], preferred_element_type=_f32))


def _tc_combine_body(s_ref, c_ref, h_ref, wr_ref, bl_ref, g_ref, be_ref,
                     wln_ref, hn_ref, zn_ref):
    hn = _bn_relu(_sage_update(s_ref, c_ref, h_ref, wr_ref, bl_ref),
                  g_ref, be_ref)
    hn_ref[...] = hn
    zn_ref[...] = jnp.dot(hn, wln_ref[...], preferred_element_type=_f32)


_tc_combine = pl.pallas_call(
    _tc_combine_body,
    out_shape=(jax.ShapeDtypeStruct((N, D), _f32),
               jax.ShapeDtypeStruct((N, D), _f32)),
)


def _tc_final_body(s_ref, c_ref, h_ref, wr_ref, bl_ref, g_ref, be_ref,
                   wh1_ref, bh1_ref, wh2_ref, bh2_ref, out_ref):
    hn = _bn_relu(_sage_update(s_ref, c_ref, h_ref, wr_ref, bl_ref),
                  g_ref, be_ref)
    t = jnp.maximum(
        jnp.dot(hn, wh1_ref[...], preferred_element_type=_f32)
        + bh1_ref[...], 0.0)
    out_ref[...] = (jnp.dot(t, wh2_ref[...], preferred_element_type=_f32)
                    + bh2_ref[...])


_tc_final = pl.pallas_call(
    _tc_final_body,
    out_shape=jax.ShapeDtypeStruct((N, 2), _f32),
)


def kernel(x, edge_index, Wl0, bl0, Wr0, g0, be0, Wl1, bl1, Wr1, g1, be1,
           Wl2, bl2, Wr2, g2, be2, Wh1, bh1, Wh2, bh2):
    pad = EP - E
    src = jnp.pad(edge_index[0], (0, pad))
    dst = jnp.pad(edge_index[1], (0, pad), constant_values=NP - 1)
    zrow = jnp.zeros((RB, D), _f32)

    r2 = lambda v: v.reshape(1, -1)

    z0 = _tc_z0(x, Wl0)
    S0, C32 = _sc_agg_counts(z0, src, dst, zrow)
    C = _tc_csum(C32).reshape(NP, 1)
    h1, z1 = _tc_combine(S0, C, x, Wr0, r2(bl0), r2(g0), r2(be0), Wl1)
    S1 = _sc_agg(z1, src, dst, zrow)
    h2, z2 = _tc_combine(S1, C, h1, Wr1, r2(bl1), r2(g1), r2(be1), Wl2)
    S2 = _sc_agg(z2, src, dst, zrow)
    return _tc_final(S2, C, h2, Wr2, r2(bl2), r2(g2), r2(be2),
                     Wh1, r2(bh1), Wh2, r2(bh2))

# --- scband reference (transcript-rebuilt; emitter-appended) ---
"""Pipeline reference for scband-node-classifier-73624329388568 (READ-ONLY COPY).

The authoritative reference and input builder live on the scoring server;
editing this copy changes nothing except your own understanding.
"""

import jax, jax.numpy as jnp
import numpy as np

N = 10000
E = 320000
D = 128
H = 128
C = 2


def setup_inputs(seed: int = 0) -> dict:
    key = jax.random.key(seed)
    ks = jax.random.split(key, 32)
    inp = {}
    inp['x'] = jax.random.normal(ks[0], (N, D), dtype=jnp.float32)
    inp['edge_index'] = jax.random.randint(ks[1], (2, E), 0, N, dtype=jnp.int32)
    # SAGEConv params per layer: lin_l (applied to aggregated neighbors, with bias), lin_r (applied to root, no bias)
    dims = [(D, H), (H, H), (H, H)]
    for i, (di, do) in enumerate(dims):
        s = 1.0 / np.sqrt(di)
        inp[f'Wl{i}'] = jax.random.uniform(ks[2 + 4 * i], (di, do), jnp.float32, -s, s)
        inp[f'bl{i}'] = jnp.zeros((do,), jnp.float32)
        inp[f'Wr{i}'] = jax.random.uniform(ks[3 + 4 * i], (di, do), jnp.float32, -s, s)
        inp[f'g{i}'] = jnp.ones((do,), jnp.float32)
        inp[f'be{i}'] = jnp.zeros((do,), jnp.float32)
    sh = 1.0 / np.sqrt(H)
    inp['Wh1'] = jax.random.uniform(ks[20], (H, 64), jnp.float32, -sh, sh)
    inp['bh1'] = jnp.zeros((64,), jnp.float32)
    s2 = 1.0 / np.sqrt(64)
    inp['Wh2'] = jax.random.uniform(ks[21], (64, C), jnp.float32, -s2, s2)
    inp['bh2'] = jnp.zeros((C,), jnp.float32)
    return inp


def _sage(x, src, dst, Wl, bl, Wr):
    msgs = jnp.take(x, src, axis=0)
    agg_sum = jax.ops.segment_sum(msgs, dst, num_segments=N)
    cnt = jax.ops.segment_sum(jnp.ones((src.shape[0],), jnp.float32), dst, num_segments=N)
    agg = agg_sum / jnp.maximum(cnt, 1.0)[:, None]
    return agg @ Wl + bl + x @ Wr


def _bn(x, g, b):
    m = x.mean(axis=0)
    v = x.var(axis=0)
    return g * (x - m) / jnp.sqrt(v + 1e-5) + b


def reference(x, edge_index, Wl0, bl0, Wr0, g0, be0, Wl1, bl1, Wr1, g1, be1, Wl2, bl2, Wr2, g2, be2, Wh1, bh1, Wh2, bh2):
    src = edge_index[0]
    dst = edge_index[1]
    h = x
    layers = [(Wl0, bl0, Wr0, g0, be0), (Wl1, bl1, Wr1, g1, be1), (Wl2, bl2, Wr2, g2, be2)]
    for (Wl, bl, Wr, g, be) in layers:
        h = _sage(h, src, dst, Wl, bl, Wr)
        h = _bn(h, g, be)
        h = jax.nn.relu(h)
        # dropout: identity (eval / deterministic)
    h = jax.nn.relu(h @ Wh1 + bh1)
    return h @ Wh2 + bh2

if __name__ == "__main__":
    import jax
    _d = setup_inputs()
    print(jax.jit(kernel)(*tuple(_d.values())))

</pallas_src>

<mosaic_0001>
#map = affine_map<(d0, d1) -> (0, 0)>
#map1 = affine_map<(d0, d1) -> (0)>
#map2 = affine_map<(d0, d1) -> (0, 0, 0)>
module attributes {stable_mosaic.version = 14 : i64} {
  func.func @sc_edge_agg_cnt(%arg0: i32, %arg1: i32, %arg2: memref<10000x128xf32, #tpu.memory_space<hbm>>, %arg3: memref<327680xi32, #tpu.memory_space<hbm>>, %arg4: memref<327680xi32, #tpu.memory_space<hbm>>, %arg5: memref<128x128xf32, #tpu.memory_space<hbm>>, %arg6: memref<2x10240x128xf32, #tpu.memory_space<hbm>>, %arg7: memref<32x80x128xf32, #tpu.memory_space<hbm>>, %arg8: memref<10240x128xf32, #tpu.memory_space<vmem_shared>>, %arg9: memref<80xi32, #tpu.memory_space<vmem>>, %arg10: memref<80xi32, #tpu.memory_space<vmem>>, %arg11: memref<80xi32, #tpu.memory_space<vmem>>, %arg12: memref<80xi32, #tpu.memory_space<vmem>>, %arg13: memref<80x128xf32, #tpu.memory_space<vmem>>, %arg14: memref<80x128xf32, #tpu.memory_space<vmem>>, %arg15: memref<80x128xf32, #tpu.memory_space<vmem>>, %arg16: memref<!tpu.dma_semaphore, #tpu.memory_space<semaphore_mem>>, %arg17: memref<!tpu.dma_semaphore, #tpu.memory_space<semaphore_mem>>) attributes {dimension_semantics = [#tpu.dimension_semantics<core_parallel>, #tpu.dimension_semantics<subcore_parallel>], iteration_bounds = array<i64: 2, 16>, scalar_prefetch = 0 : i64, scratch_operands = 10 : i64, tpu.core_type = #tpu.core_type<sc_vector_subcore>, window_params = [{transform_indices = #map}, {transform_indices = #map1}, {transform_indices = #map1}, {transform_indices = #map}, {transform_indices = #map2}, {transform_indices = #map2}]} {
    %mul3A = arith.constant 16 : i32
    %mul3A_0 = arith.muli %arg0, %mul3A : i32
    %add3A = arith.addi %mul3A_0, %arg1 : i32
    %mul3A_1 = arith.constant 10240 : i32
    %mul3A_2 = arith.muli %add3A, %mul3A_1 : i32
    "tpu.region"() ({
      %run_scoped3A = tpu.sem_alloc : memref<!tpu.dma_semaphore, #tpu.memory_space<semaphore_mem>>
      %dma_start3A_197 = arith.constant 0 : i32
      %dma_start3A_198 = arith.constant 0 : i32
      %dma_start3A_199 = tpu.memref_slice %arg5[%dma_start3A_197, %dma_start3A_198] : memref<128x128xf32, #tpu.memory_space<hbm>> -> memref<80x128xf32, #tpu.memory_space<hbm>>
      %dma_start3A_200 = arith.constant 0 : i32
      %dma_start3A_201 = arith.constant 0 : i32
      %dma_start3A_202 = tpu.memref_slice %arg5[%dma_start3A_200, %dma_start3A_201] : memref<128x128xf32, #tpu.memory_space<hbm>> -> memref<80x128xf32, #tpu.memory_space<hbm>>
      tpu.enqueue_dma source(%dma_start3A_202 : memref<80x128xf32, #tpu.memory_space<hbm>>) target(%arg13 : memref<80x128xf32, #tpu.memory_space<vmem>>) target_semaphore(%run_scoped3A : memref<!tpu.dma_semaphore, #tpu.memory_space<semaphore_mem>>)
      %dma_wait3A_203 = arith.constant 0 : i32
      %dma_wait3A_204 = arith.constant 0 : i32
      %dma_wait3A_205 = tpu.memref_slice %arg5[%dma_wait3A_203, %dma_wait3A_204] : memref<128x128xf32, #tpu.memory_space<hbm>> -> memref<80x128xf32, #tpu.memory_space<hbm>>
      %dma_wait3A_206 = arith.constant 0 : i32
      %dma_wait3A_207 = arith.constant 0 : i32
      %dma_wait3A_208 = tpu.memref_slice %arg5[%dma_wait3A_206, %dma_wait3A_207] : memref<128x128xf32, #tpu.memory_space<hbm>> -> memref<80x128xf32, #tpu.memory_space<hbm>>
      tpu.wait_dma2 semaphore(%run_scoped3A : memref<!tpu.dma_semaphore, #tpu.memory_space<semaphore_mem>>) src(%dma_wait3A_208 : memref<80x128xf32, #tpu.memory_space<hbm>>) dst(%arg13 : memref<80x128xf32, #tpu.memory_space<vmem>>)
      tpu.yield
    }) : () -> ()
    %mul3A_3 = arith.constant 640 : i32
    %mul3A_4 = arith.muli %arg1, %mul3A_3 : i32
    %add3A_5 = arith.constant 0 : i32
    %add3A_6 = arith.addi %mul3A_4, %add3A_5 : i32
    "tpu.region"() ({
      %run_scoped3A = tpu.sem_alloc : memref<!tpu.dma_semaphore, #tpu.memory_space<semaphore_mem>>
      %dma_start3A_197 = arith.constant 0 : i32
      %dma_start3A_198 = tpu.memref_slice %arg8[%add3A_6, %dma_start3A_197] : memref<10240x128xf32, #tpu.memory_space<vmem_shared>> -> memref<80x128xf32, #tpu.memory_space<vmem_shared>>
      %dma_start3A_199 = arith.constant 0 : i32
      %dma_start3A_200 = tpu.memref_slice %arg8[%add3A_6, %dma_start3A_199] : memref<10240x128xf32, #tpu.memory_space<vmem_shared>> -> memref<80x128xf32, #tpu.memory_space<vmem_shared>>
      tpu.enqueue_dma source(%arg13 : memref<80x128xf32, #tpu.memory_space<vmem>>) target(%dma_start3A_200 : memref<80x128xf32, #tpu.memory_space<vmem_shared>>) target_semaphore(%run_scoped3A : memref<!tpu.dma_semaphore, #tpu.memory_space<semaphore_mem>>)
      %dma_wait3A_201 = arith.constant 0 : i32
      %dma_wait3A_202 = tpu.memref_slice %arg8[%add3A_6, %dma_wait3A_201] : memref<10240x128xf32, #tpu.memory_space<vmem_shared>> -> memref<80x128xf32, #tpu.memory_space<vmem_shared>>
      %dma_wait3A_203 = arith.constant 0 : i32
      %dma_wait3A_204 = tpu.memref_slice %arg8[%add3A_6, %dma_wait3A_203] : memref<10240x128xf32, #tpu.memory_space<vmem_shared>> -> memref<80x128xf32, #tpu.memory_space<vmem_shared>>
      tpu.wait_dma2 semaphore(%run_scoped3A : memref<!tpu.dma_semaphore, #tpu.memory_space<semaphore_mem>>) src(%arg13 : memref<80x128xf32, #tpu.memory_space<vmem>>) dst(%dma_wait3A_204 : memref<80x128xf32, #tpu.memory_space<vmem_shared>>)
      tpu.yield
    }) : () -> ()
    %mul3A_7 = arith.constant 640 : i32
    %mul3A_8 = arith.muli %arg1, %mul3A_7 : i32
    %add3A_9 = arith.constant 80 : i32
    %add3A_10 = arith.addi %mul3A_8, %add3A_9 : i32
    "tpu.region"() ({
      %run_scoped3A = tpu.sem_alloc : memref<!tpu.dma_semaphore, #tpu.memory_space<semaphore_mem>>
      %dma_start3A_197 = arith.constant 0 : i32
      %dma_start3A_198 = tpu.memref_slice %arg8[%add3A_10, %dma_start3A_197] : memref<10240x128xf32, #tpu.memory_space<vmem_shared>> -> memref<80x128xf32, #tpu.memory_space<vmem_shared>>
      %dma_start3A_199 = arith.constant 0 : i32
      %dma_start3A_200 = tpu.memref_slice %arg8[%add3A_10, %dma_start3A_199] : memref<10240x128xf32, #tpu.memory_space<vmem_shared>> -> memref<80x128xf32, #tpu.memory_space<vmem_shared>>
      tpu.enqueue_dma source(%arg13 : memref<80x128xf32, #tpu.memory_space<vmem>>) target(%dma_start3A_200 : memref<80x128xf32, #tpu.memory_space<vmem_shared>>) target_semaphore(%run_scoped3A : memref<!tpu.dma_semaphore, #tpu.memory_space<semaphore_mem>>)
      %dma_wait3A_201 = arith.constant 0 : i32
      %dma_wait3A_202 = tpu.memref_slice %arg8[%add3A_10, %dma_wait3A_201] : memref<10240x128xf32, #tpu.memory_space<vmem_shared>> -> memref<80x128xf32, #tpu.memory_space<vmem_shared>>
      %dma_wait3A_203 = arith.constant 0 : i32
      %dma_wait3A_204 = tpu.memref_slice %arg8[%add3A_10, %dma_wait3A_203] : memref<10240x128xf32, #tpu.memory_space<vmem_shared>> -> memref<80x128xf32, #tpu.memory_space<vmem_shared>>
      tpu.wait_dma2 semaphore(%run_scoped3A : memref<!tpu.dma_semaphore, #tpu.memory_space<semaphore_mem>>) src(%arg13 : memref<80x128xf32, #tpu.memory_space<vmem>>) dst(%dma_wait3A_204 : memref<80x128xf32, #tpu.memory_space<vmem_shared>>)
      tpu.yield
    }) : () -> ()
    %mul3A_11 = arith.constant 640 : i32
    %mul3A_12 = arith.muli %arg1, %mul3A_11 : i32
    %add3A_13 = arith.constant 160 : i32
    %add3A_14 = arith.addi %mul3A_12, %add3A_13 : i32
    "tpu.region"() ({
      %run_scoped3A = tpu.sem_alloc : memref<!tpu.dma_semaphore, #tpu.memory_space<semaphore_mem>>
      %dma_start3A_197 = arith.constant 0 : i32
      %dma_start3A_198 = tpu.memref_slice %arg8[%add3A_14, %dma_start3A_197] : memref<10240x128xf32, #tpu.memory_space<vmem_shared>> -> memref<80x128xf32, #tpu.memory_space<vmem_shared>>
      %dma_start3A_199 = arith.constant 0 : i32
      %dma_start3A_200 = tpu.memref_slice %arg8[%add3A_14, %dma_start3A_199] : memref<10240x128xf32, #tpu.memory_space<vmem_shared>> -> memref<80x128xf32, #tpu.memory_space<vmem_shared>>
      tpu.enqueue_dma source(%arg13 : memref<80x128xf32, #tpu.memory_space<vmem>>) target(%dma_start3A_200 : memref<80x128xf32, #tpu.memory_space<vmem_shared>>) target_semaphore(%run_scoped3A : memref<!tpu.dma_semaphore, #tpu.memory_space<semaphore_mem>>)
      %dma_wait3A_201 = arith.constant 0 : i32
      %dma_wait3A_202 = tpu.memref_slice %arg8[%add3A_14, %dma_wait3A_201] : memref<10240x128xf32, #tpu.memory_space<vmem_shared>> -> memref<80x128xf32, #tpu.memory_space<vmem_shared>>
      %dma_wait3A_203 = arith.constant 0 : i32
      %dma_wait3A_204 = tpu.memref_slice %arg8[%add3A_14, %dma_wait3A_203] : memref<10240x128xf32, #tpu.memory_space<vmem_shared>> -> memref<80x128xf32, #tpu.memory_space<vmem_shared>>
      tpu.wait_dma2 semaphore(%run_scoped3A : memref<!tpu.dma_semaphore, #tpu.memory_space<semaphore_mem>>) src(%arg13 : memref<80x128xf32, #tpu.memory_space<vmem>>) dst(%dma_wait3A_204 : memref<80x128xf32, #tpu.memory_space<vmem_shared>>)
      tpu.yield
    }) : () -> ()
    %mul3A_15 = arith.constant 640 : i32
    %mul3A_16 = arith.muli %arg1, %mul3A_15 : i32
    %add3A_17 = arith.constant 240 : i32
    %add3A_18 = arith.addi %mul3A_16, %add3A_17 : i32
    "tpu.region"() ({
      %run_scoped3A = tpu.sem_alloc : memref<!tpu.dma_semaphore, #tpu.memory_space<semaphore_mem>>
      %dma_start3A_197 = arith.constant 0 : i32
      %dma_start3A_198 = tpu.memref_slice %arg8[%add3A_18, %dma_start3A_197] : memref<10240x128xf32, #tpu.memory_space<vmem_shared>> -> memref<80x128xf32, #tpu.memory_space<vmem_shared>>
      %dma_start3A_199 = arith.constant 0 : i32
      %dma_start3A_200 = tpu.memref_slice %arg8[%add3A_18, %dma_start3A_199] : memref<10240x128xf32, #tpu.memory_space<vmem_shared>> -> memref<80x128xf32, #tpu.memory_space<vmem_shared>>
      tpu.enqueue_dma source(%arg13 : memref<80x128xf32, #tpu.memory_space<vmem>>) target(%dma_start3A_200 : memref<80x128xf32, #tpu.memory_space<vmem_shared>>) target_semaphore(%run_scoped3A : memref<!tpu.dma_semaphore, #tpu.memory_space<semaphore_mem>>)
      %dma_wait3A_201 = arith.constant 0 : i32
      %dma_wait3A_202 = tpu.memref_slice %arg8[%add3A_18, %dma_wait3A_201] : memref<10240x128xf32, #tpu.memory_space<vmem_shared>> -> memref<80x128xf32, #tpu.memory_space<vmem_shared>>
      %dma_wait3A_203 = arith.constant 0 : i32
      %dma_wait3A_204 = tpu.memref_slice %arg8[%add3A_18, %dma_wait3A_203] : memref<10240x128xf32, #tpu.memory_space<vmem_shared>> -> memref<80x128xf32, #tpu.memory_space<vmem_shared>>
      tpu.wait_dma2 semaphore(%run_scoped3A : memref<!tpu.dma_semaphore, #tpu.memory_space<semaphore_mem>>) src(%arg13 : memref<80x128xf32, #tpu.memory_space<vmem>>) dst(%dma_wait3A_204 : memref<80x128xf32, #tpu.memory_space<vmem_shared>>)
      tpu.yield
    }) : () -> ()
    %mul3A_19 = arith.constant 640 : i32
    %mul3A_20 = arith.muli %arg1, %mul3A_19 : i32
    %add3A_21 = arith.constant 320 : i32
    %add3A_22 = arith.addi %mul3A_20, %add3A_21 : i32
    "tpu.region"() ({
      %run_scoped3A = tpu.sem_alloc : memref<!tpu.dma_semaphore, #tpu.memory_space<semaphore_mem>>
      %dma_start3A_197 = arith.constant 0 : i32
      %dma_start3A_198 = tpu.memref_slice %arg8[%add3A_22, %dma_start3A_197] : memref<10240x128xf32, #tpu.memory_space<vmem_shared>> -> memref<80x128xf32, #tpu.memory_space<vmem_shared>>
      %dma_start3A_199 = arith.constant 0 : i32
      %dma_start3A_200 = tpu.memref_slice %arg8[%add3A_22, %dma_start3A_199] : memref<10240x128xf32, #tpu.memory_space<vmem_shared>> -> memref<80x128xf32, #tpu.memory_space<vmem_shared>>
      tpu.enqueue_dma source(%arg13 : memref<80x128xf32, #tpu.memory_space<vmem>>) target(%dma_start3A_200 : memref<80x128xf32, #tpu.memory_space<vmem_shared>>) target_semaphore(%run_scoped3A : memref<!tpu.dma_semaphore, #tpu.memory_space<semaphore_mem>>)
      %dma_wait3A_201 = arith.constant 0 : i32
      %dma_wait3A_202 = tpu.memref_slice %arg8[%add3A_22, %dma_wait3A_201] : memref<10240x128xf32, #tpu.memory_space<vmem_shared>> -> memref<80x128xf32, #tpu.memory_space<vmem_shared>>
      %dma_wait3A_203 = arith.constant 0 : i32
      %dma_wait3A_204 = tpu.memref_slice %arg8[%add3A_22, %dma_wait3A_203] : memref<10240x128xf32, #tpu.memory_space<vmem_shared>> -> memref<80x128xf32, #tpu.memory_space<vmem_shared>>
      tpu.wait_dma2 semaphore(%run_scoped3A : memref<!tpu.dma_semaphore, #tpu.memory_space<semaphore_mem>>) src(%arg13 : memref<80x128xf32, #tpu.memory_space<vmem>>) dst(%dma_wait3A_204 : memref<80x128xf32, #tpu.memory_space<vmem_shared>>)
      tpu.yield
    }) : () -> ()
    %mul3A_23 = arith.constant 640 : i32
    %mul3A_24 = arith.muli %arg1, %mul3A_23 : i32
    %add3A_25 = arith.constant 400 : i32
    %add3A_26 = arith.addi %mul3A_24, %add3A_25 : i32
    "tpu.region"() ({
      %run_scoped3A = tpu.sem_alloc : memref<!tpu.dma_semaphore, #tpu.memory_space<semaphore_mem>>
      %dma_start3A_197 = arith.constant 0 : i32
      %dma_start3A_198 = tpu.memref_slice %arg8[%add3A_26, %dma_start3A_197] : memref<10240x128xf32, #tpu.memory_space<vmem_shared>> -> memref<80x128xf32, #tpu.memory_space<vmem_shared>>
      %dma_start3A_199 = arith.constant 0 : i32
      %dma_start3A_200 = tpu.memref_slice %arg8[%add3A_26, %dma_start3A_199] : memref<10240x128xf32, #tpu.memory_space<vmem_shared>> -> memref<80x128xf32, #tpu.memory_space<vmem_shared>>
      tpu.enqueue_dma source(%arg13 : memref<80x128xf32, #tpu.memory_space<vmem>>) target(%dma_start3A_200 : memref<80x128xf32, #tpu.memory_space<vmem_shared>>) target_semaphore(%run_scoped3A : memref<!tpu.dma_semaphore, #tpu.memory_space<semaphore_mem>>)
      %dma_wait3A_201 = arith.constant 0 : i32
      %dma_wait3A_202 = tpu.memref_slice %arg8[%add3A_26, %dma_wait3A_201] : memref<10240x128xf32, #tpu.memory_space<vmem_shared>> -> memref<80x128xf32, #tpu.memory_space<vmem_shared>>
      %dma_wait3A_203 = arith.constant 0 : i32
      %dma_wait3A_204 = tpu.memref_slice %arg8[%add3A_26, %dma_wait3A_203] : memref<10240x128xf32, #tpu.memory_space<vmem_shared>> -> memref<80x128xf32, #tpu.memory_space<vmem_shared>>
      tpu.wait_dma2 semaphore(%run_scoped3A : memref<!tpu.dma_semaphore, #tpu.memory_space<semaphore_mem>>) src(%arg13 : memref<80x128xf32, #tpu.memory_space<vmem>>) dst(%dma_wait3A_204 : memref<80x128xf32, #tpu.memory_space<vmem_shared>>)
      tpu.yield
    }) : () -> ()
    %mul3A_27 = arith.constant 640 : i32
    %mul3A_28 = arith.muli %arg1, %mul3A_27 : i32
    %add3A_29 = arith.constant 480 : i32
    %add3A_30 = arith.addi %mul3A_28, %add3A_29 : i32
    "tpu.region"() ({
      %run_scoped3A = tpu.sem_alloc : memref<!tpu.dma_semaphore, #tpu.memory_space<semaphore_mem>>
      %dma_start3A_197 = arith.constant 0 : i32
      %dma_start3A_198 = tpu.memref_slice %arg8[%add3A_30, %dma_start3A_197] : memref<10240x128xf32, #tpu.memory_space<vmem_shared>> -> memref<80x128xf32, #tpu.memory_space<vmem_shared>>
      %dma_start3A_199 = arith.constant 0 : i32
      %dma_start3A_200 = tpu.memref_slice %arg8[%add3A_30, %dma_start3A_199] : memref<10240x128xf32, #tpu.memory_space<vmem_shared>> -> memref<80x128xf32, #tpu.memory_space<vmem_shared>>
      tpu.enqueue_dma source(%arg13 : memref<80x128xf32, #tpu.memory_space<vmem>>) target(%dma_start3A_200 : memref<80x128xf32, #tpu.memory_space<vmem_shared>>) target_semaphore(%run_scoped3A : memref<!tpu.dma_semaphore, #tpu.memory_space<semaphore_mem>>)
      %dma_wait3A_201 = arith.constant 0 : i32
      %dma_wait3A_202 = tpu.memref_slice %arg8[%add3A_30, %dma_wait3A_201] : memref<10240x128xf32, #tpu.memory_space<vmem_shared>> -> memref<80x128xf32, #tpu.memory_space<vmem_shared>>
      %dma_wait3A_203 = arith.constant 0 : i32
      %dma_wait3A_204 = tpu.memref_slice %arg8[%add3A_30, %dma_wait3A_203] : memref<10240x128xf32, #tpu.memory_space<vmem_shared>> -> memref<80x128xf32, #tpu.memory_space<vmem_shared>>
      tpu.wait_dma2 semaphore(%run_scoped3A : memref<!tpu.dma_semaphore, #tpu.memory_space<semaphore_mem>>) src(%arg13 : memref<80x128xf32, #tpu.memory_space<vmem>>) dst(%dma_wait3A_204 : memref<80x128xf32, #tpu.memory_space<vmem_shared>>)
      tpu.yield
    }) : () -> ()
    %mul3A_31 = arith.constant 640 : i32
    %mul3A_32 = arith.muli %arg1, %mul3A_31 : i32
    %add3A_33 = arith.constant 560 : i32
    %add3A_34 = arith.addi %mul3A_32, %add3A_33 : i32
    "tpu.region"() ({
      %run_scoped3A = tpu.sem_alloc : memref<!tpu.dma_semaphore, #tpu.memory_space<semaphore_mem>>
      %dma_start3A_197 = arith.constant 0 : i32
      %dma_start3A_198 = tpu.memref_slice %arg8[%add3A_34, %dma_start3A_197] : memref<10240x128xf32, #tpu.memory_space<vmem_shared>> -> memref<80x128xf32, #tpu.memory_space<vmem_shared>>
      %dma_start3A_199 = arith.constant 0 : i32
      %dma_start3A_200 = tpu.memref_slice %arg8[%add3A_34, %dma_start3A_199] : memref<10240x128xf32, #tpu.memory_space<vmem_shared>> -> memref<80x128xf32, #tpu.memory_space<vmem_shared>>
      tpu.enqueue_dma source(%arg13 : memref<80x128xf32, #tpu.memory_space<vmem>>) target(%dma_start3A_200 : memref<80x128xf32, #tpu.memory_space<vmem_shared>>) target_semaphore(%run_scoped3A : memref<!tpu.dma_semaphore, #tpu.memory_space<semaphore_mem>>)
      %dma_wait3A_201 = arith.constant 0 : i32
      %dma_wait3A_202 = tpu.memref_slice %arg8[%add3A_34, %dma_wait3A_201] : memref<10240x128xf32, #tpu.memory_space<vmem_shared>> -> memref<80x128xf32, #tpu.memory_space<vmem_shared>>
      %dma_wait3A_203 = arith.constant 0 : i32
      %dma_wait3A_204 = tpu.memref_slice %arg8[%add3A_34, %dma_wait3A_203] : memref<10240x128xf32, #tpu.memory_space<vmem_shared>> -> memref<80x128xf32, #tpu.memory_space<vmem_shared>>
      tpu.wait_dma2 semaphore(%run_scoped3A : memref<!tpu.dma_semaphore, #tpu.memory_space<semaphore_mem>>) src(%arg13 : memref<80x128xf32, #tpu.memory_space<vmem>>) dst(%dma_wait3A_204 : memref<80x128xf32, #tpu.memory_space<vmem_shared>>)
      tpu.yield
    }) : () -> ()
    "tpu.region"() ({
      %run_scoped3A = tpu.sem_alloc : memref<!tpu.dma_semaphore, #tpu.memory_space<semaphore_mem>>
      %dma_start3A_197 = arith.constant 0 : i32
      %dma_start3A_198 = arith.constant 0 : i32
      %dma_start3A_199 = tpu.memref_slice %arg5[%dma_start3A_197, %dma_start3A_198] : memref<128x128xf32, #tpu.memory_space<hbm>> -> memref<80x128xf32, #tpu.memory_space<hbm>>
      %dma_start3A_200 = arith.constant 0 : i32
      %dma_start3A_201 = arith.constant 0 : i32
      %dma_start3A_202 = tpu.memref_slice %arg5[%dma_start3A_200, %dma_start3A_201] : memref<128x128xf32, #tpu.memory_space<hbm>> -> memref<80x128xf32, #tpu.memory_space<hbm>>
      tpu.enqueue_dma source(%dma_start3A_202 : memref<80x128xf32, #tpu.memory_space<hbm>>) target(%arg15 : memref<80x128xf32, #tpu.memory_space<vmem>>) target_semaphore(%run_scoped3A : memref<!tpu.dma_semaphore, #tpu.memory_space<semaphore_mem>>)
      %dma_wait3A_203 = arith.constant 0 : i32
      %dma_wait3A_204 = arith.constant 0 : i32
      %dma_wait3A_205 = tpu.memref_slice %arg5[%dma_wait3A_203, %dma_wait3A_204] : memref<128x128xf32, #tpu.memory_space<hbm>> -> memref<80x128xf32, #tpu.memory_space<hbm>>
      %dma_wait3A_206 = arith.constant 0 : i32
      %dma_wait3A_207 = arith.constant 0 : i32
      %dma_wait3A_208 = tpu.memref_slice %arg5[%dma_wait3A_206, %dma_wait3A_207] : memref<128x128xf32, #tpu.memory_space<hbm>> -> memref<80x128xf32, #tpu.memory_space<hbm>>
      tpu.wait_dma2 semaphore(%run_scoped3A : memref<!tpu.dma_semaphore, #tpu.memory_space<semaphore_mem>>) src(%dma_wait3A_208 : memref<80x128xf32, #tpu.memory_space<hbm>>) dst(%arg15 : memref<80x128xf32, #tpu.memory_space<vmem>>)
      tpu.yield
    }) : () -> ()
    %barrier3A = arith.constant 0 : index
    tpu.barrier barrier_id(%barrier3A)
    %broadcast_in_dim3A = arith.constant 1.000000e+00 : f32
    %broadcast_in_dim3A_35 = vector.broadcast %broadcast_in_dim3A : f32 to vector<16xf32>
    %add3A_36 = arith.constant 0 : i32
    %add3A_37 = arith.addi %mul3A_2, %add3A_36 : i32
    "tpu.region"() ({
      %run_scoped3A = tpu.sem_alloc : memref<!tpu.dma_semaphore, #tpu.memory_space<semaphore_mem>>
      %dma_start3A_197 = tpu.memref_slice %arg3[%add3A_37] : memref<327680xi32, #tpu.memory_space<hbm>> -> memref<80xi32, #tpu.memory_space<hbm>>
      %dma_start3A_198 = tpu.memref_slice %arg3[%add3A_37] : memref<327680xi32, #tpu.memory_space<hbm>> -> memref<80xi32, #tpu.memory_space<hbm>>
      tpu.enqueue_dma source(%dma_start3A_198 : memref<80xi32, #tpu.memory_space<hbm>>) target(%arg9 : memref<80xi32, #tpu.memory_space<vmem>>) target_semaphore(%run_scoped3A : memref<!tpu.dma_semaphore, #tpu.memory_space<semaphore_mem>>)
      %dma_wait3A_199 = tpu.memref_slice %arg3[%add3A_37] : memref<327680xi32, #tpu.memory_space<hbm>> -> memref<80xi32, #tpu.memory_space<hbm>>
      %dma_wait3A_200 = tpu.memref_slice %arg3[%add3A_37] : memref<327680xi32, #tpu.memory_space<hbm>> -> memref<80xi32, #tpu.memory_space<hbm>>
      tpu.wait_dma2 semaphore(%run_scoped3A : memref<!tpu.dma_semaphore, #tpu.memory_space<semaphore_mem>>) src(%dma_wait3A_200 : memref<80xi32, #tpu.memory_space<hbm>>) dst(%arg9 : memref<80xi32, #tpu.memory_space<vmem>>)
      tpu.yield
    }) : () -> ()
    "tpu.region"() ({
      %run_scoped3A = tpu.sem_alloc : memref<!tpu.dma_semaphore, #tpu.memory_space<semaphore_mem>>
      %dma_start3A_197 = tpu.memref_slice %arg4[%add3A_37] : memref<327680xi32, #tpu.memory_space<hbm>> -> memref<80xi32, #tpu.memory_space<hbm>>
      %dma_start3A_198 = tpu.memref_slice %arg4[%add3A_37] : memref<327680xi32, #tpu.memory_space<hbm>> -> memref<80xi32, #tpu.memory_space<hbm>>
      tpu.enqueue_dma source(%dma_start3A_198 : memref<80xi32, #tpu.memory_space<hbm>>) target(%arg11 : memref<80xi32, #tpu.memory_space<vmem>>) target_semaphore(%run_scoped3A : memref<!tpu.dma_semaphore, #tpu.memory_space<semaphore_mem>>)
      %dma_wait3A_199 = tpu.memref_slice %arg4[%add3A_37] : memref<327680xi32, #tpu.memory_space<hbm>> -> memref<80xi32, #tpu.memory_space<hbm>>
      %dma_wait3A_200 = tpu.memref_slice %arg4[%add3A_37] : memref<327680xi32, #tpu.memory_space<hbm>> -> memref<80xi32, #tpu.memory_space<hbm>>
      tpu.wait_dma2 semaphore(%run_scoped3A : memref<!tpu.dma_semaphore, #tpu.memory_space<semaphore_mem>>) src(%dma_wait3A_200 : memref<80xi32, #tpu.memory_space<hbm>>) dst(%arg11 : memref<80xi32, #tpu.memory_space<vmem>>)
      tpu.yield
    }) : () -> ()
    %dma_start3A = arith.constant 0 : i32
    %dma_start3A_38 = arith.constant 0 : i32
    %dma_start3A_39 = tpu.memref_slice %arg2[%dma_start3A, %dma_start3A_38] : memref<10000x128xf32, #tpu.memory_space<hbm>> -> memref<10000x128xf32, #tpu.memory_space<hbm>>
    tpu.enqueue_indirect_dma source(%dma_start3A_39 : memref<10000x128xf32, #tpu.memory_space<hbm>>) target(%arg13 : memref<80x128xf32, #tpu.memory_space<vmem>>) offsets(%arg9 : memref<80xi32, #tpu.memory_space<vmem>>) semaphore(%arg16 : memref<!tpu.dma_semaphore, #tpu.memory_space<semaphore_mem>>)
    %scan3A = arith.constant 0 : i32
    %scan3A_40 = arith.constant 0 : i32
    %scan3A_41 = arith.constant 63 : i32
    %scan3A_42 = arith.addi %scan3A_40, %scan3A_41 : i32
    %scan3A_43 = arith.constant 1 : i32
    scf.for %scan3A_197 = %scan3A_40 to %scan3A_42 step %scan3A_43  : i32 {
      %mul3A_198 = arith.constant 2 : i32
      %mul3A_199 = arith.muli %mul3A_198, %scan3A_197 : i32
      %add3A_200 = arith.constant 0 : i32
      %add3A_201 = arith.addi %mul3A_199, %add3A_200 : i32
      %add3A_202 = arith.constant 1 : i32
      %add3A_203 = arith.addi %add3A_201, %add3A_202 : i32
      %mul3A_204 = arith.constant 80 : i32
      %mul3A_205 = arith.muli %add3A_203, %mul3A_204 : i32
      %add3A_206 = arith.addi %mul3A_2, %mul3A_205 : i32
      "tpu.region"() ({
        %run_scoped3A = tpu.sem_alloc : memref<!tpu.dma_semaphore, #tpu.memory_space<semaphore_mem>>
        %dma_start3A_312 = tpu.memref_slice %arg3[%add3A_206] : memref<327680xi32, #tpu.memory_space<hbm>> -> memref<80xi32, #tpu.memory_space<hbm>>
        %dma_start3A_313 = tpu.memref_slice %arg3[%add3A_206] : memref<327680xi32, #tpu.memory_space<hbm>> -> memref<80xi32, #tpu.memory_space<hbm>>
        tpu.enqueue_dma source(%dma_start3A_313 : memref<80xi32, #tpu.memory_space<hbm>>) target(%arg10 : memref<80xi32, #tpu.memory_space<vmem>>) target_semaphore(%run_scoped3A : memref<!tpu.dma_semaphore, #tpu.memory_space<semaphore_mem>>)
        %dma_wait3A_314 = tpu.memref_slice %arg3[%add3A_206] : memref<327680xi32, #tpu.memory_space<hbm>> -> memref<80xi32, #tpu.memory_space<hbm>>
        %dma_wait3A_315 = tpu.memref_slice %arg3[%add3A_206] : memref<327680xi32, #tpu.memory_space<hbm>> -> memref<80xi32, #tpu.memory_space<hbm>>
        tpu.wait_dma2 semaphore(%run_scoped3A : memref<!tpu.dma_semaphore, #tpu.memory_space<semaphore_mem>>) src(%dma_wait3A_315 : memref<80xi32, #tpu.memory_space<hbm>>) dst(%arg10 : memref<80xi32, #tpu.memory_space<vmem>>)
        tpu.yield
      }) : () -> ()
      "tpu.region"() ({
        %run_scoped3A = tpu.sem_alloc : memref<!tpu.dma_semaphore, #tpu.memory_space<semaphore_mem>>
        %dma_start3A_312 = tpu.memref_slice %arg4[%add3A_206] : memref<327680xi32, #tpu.memory_space<hbm>> -> memref<80xi32, #tpu.memory_space<hbm>>
        %dma_start3A_313 = tpu.memref_slice %arg4[%add3A_206] : memref<327680xi32, #tpu.memory_space<hbm>> -> memref<80xi32, #tpu.memory_space<hbm>>
        tpu.enqueue_dma source(%dma_start3A_313 : memref<80xi32, #tpu.memory_space<hbm>>) target(%arg12 : memref<80xi32, #tpu.memory_space<vmem>>) target_semaphore(%run_scoped3A : memref<!tpu.dma_semaphore, #tpu.memory_space<semaphore_mem>>)
        %dma_wait3A_314 = tpu.memref_slice %arg4[%add3A_206] : memref<327680xi32, #tpu.memory_space<hbm>> -> memref<80xi32, #tpu.memory_space<hbm>>
        %dma_wait3A_315 = tpu.memref_slice %arg4[%add3A_206] : memref<327680xi32, #tpu.memory_space<hbm>> -> memref<80xi32, #tpu.memory_space<hbm>>
        tpu.wait_dma2 semaphore(%run_scoped3A : memref<!tpu.dma_semaphore, #tpu.memory_space<semaphore_mem>>) src(%dma_wait3A_315 : memref<80xi32, #tpu.memory_space<hbm>>) dst(%arg12 : memref<80xi32, #tpu.memory_space<vmem>>)
        tpu.yield
      }) : () -> ()
      %dma_wait3A_207 = arith.constant 0 : i32
      %dma_wait3A_208 = arith.constant 0 : i32
      %dma_wait3A_209 = tpu.memref_slice %arg2[%dma_wait3A_207, %dma_wait3A_208] : memref<10000x128xf32, #tpu.memory_space<hbm>> -> memref<10000x128xf32, #tpu.memory_space<hbm>>
      tpu.wait_indirect_dma semaphore(%arg16 : memref<!tpu.dma_semaphore, #tpu.memory_space<semaphore_mem>>) src(%dma_wait3A_209 : memref<10000x128xf32, #tpu.memory_space<hbm>>) dst(%arg13 : memref<80x128xf32, #tpu.memory_space<vmem>>)
      %add3A_210 = arith.constant 1 : i32
      %add3A_211 = arith.addi %add3A_201, %add3A_210 : i32
      %dma_start3A_212 = arith.constant 0 : i32
      %dma_start3A_213 = arith.constant 0 : i32
      %dma_start3A_214 = tpu.memref_slice %arg2[%dma_start3A_212, %dma_start3A_213] : memref<10000x128xf32, #tpu.memory_space<hbm>> -> memref<10000x128xf32, #tpu.memory_space<hbm>>
      tpu.enqueue_indirect_dma source(%dma_start3A_214 : memref<10000x128xf32, #tpu.memory_space<hbm>>) target(%arg14 : memref<80x128xf32, #tpu.memory_space<vmem>>) offsets(%arg10 : memref<80xi32, #tpu.memory_space<vmem>>) semaphore(%arg17 : memref<!tpu.dma_semaphore, #tpu.memory_space<semaphore_mem>>)
      "tpu.region"() ({
        %run_scoped3A = tpu.sem_alloc : memref<!tpu.dma_semaphore, #tpu.memory_space<semaphore_mem>>
        %dma_start3A_312 = arith.constant 0 : i32
        %dma_start3A_313 = arith.constant 0 : i32
        %dma_start3A_314 = tpu.memref_slice %arg8[%dma_start3A_312, %dma_start3A_313] : memref<10240x128xf32, #tpu.memory_space<vmem_shared>> -> memref<10240x128xf32, #tpu.memory_space<vmem_shared>>
        tpu.enqueue_indirect_dma source(%arg13 : memref<80x128xf32, #tpu.memory_space<vmem>>) target(%dma_start3A_314 : memref<10240x128xf32, #tpu.memory_space<vmem_shared>>) offsets(%arg11 : memref<80xi32, #tpu.memory_space<vmem>>) semaphore(%run_scoped3A : memref<!tpu.dma_semaphore, #tpu.memory_space<semaphore_mem>>) {add = true}
        %dma_wait3A_315 = arith.constant 0 : i32
        %dma_wait3A_316 = arith.constant 0 : i32
        %dma_wait3A_317 = tpu.memref_slice %arg8[%dma_wait3A_315, %dma_wait3A_316] : memref<10240x128xf32, #tpu.memory_space<vmem_shared>> -> memref<10240x128xf32, #tpu.memory_space<vmem_shared>>
        tpu.wait_indirect_dma semaphore(%run_scoped3A : memref<!tpu.dma_semaphore, #tpu.memory_space<semaphore_mem>>) src(%arg13 : memref<80x128xf32, #tpu.memory_space<vmem>>) dst(%dma_wait3A_317 : memref<10240x128xf32, #tpu.memory_space<vmem_shared>>)
        tpu.yield
      }) : () -> ()
      %get3A_215 = arith.constant 0 : index
      %get3A_216 = tpu.vector_load %arg11[%get3A_215] {strides = array<i32>} : memref<80xi32, #tpu.memory_space<vmem>>, vector<16xi32>,
      %shift_right_logical3A_217 = arith.constant 7 : i32
      %shift_right_logical3A_218 = vector.broadcast %shift_right_logical3A_217 : i32 to vector<16xi32>
      %shift_right_logical3A_219 = arith.shrui %get3A_216, %shift_right_logical3A_218 : vector<16xi32>
      %and3A_220 = arith.constant 127 : i32
      %and3A_221 = vector.broadcast %and3A_220 : i32 to vector<16xi32>
      %and3A_222 = arith.andi %get3A_216, %and3A_221 : vector<16xi32>
      tpu.vector_store_idx %arg15[%shift_right_logical3A_219, %and3A_222], %broadcast_in_dim3A_35 {add = true} : memref<80x128xf32, #tpu.memory_space<vmem>>[vector<16xi32>, vector<16xi32>], vector<16xf32>,
      %get3A_223 = arith.constant 16 : index
      %get3A_224 = tpu.vector_load %arg11[%get3A_223] {strides = array<i32>} : memref<80xi32, #tpu.memory_space<vmem>>, vector<16xi32>,
      %shift_right_logical3A_225 = arith.constant 7 : i32
      %shift_right_logical3A_226 = vector.broadcast %shift_right_logical3A_225 : i32 to vector<16xi32>
      %shift_right_logical3A_227 = arith.shrui %get3A_224, %shift_right_logical3A_226 : vector<16xi32>
      %and3A_228 = arith.constant 127 : i32
      %and3A_229 = vector.broadcast %and3A_228 : i32 to vector<16xi32>
      %and3A_230 = arith.andi %get3A_224, %and3A_229 : vector<16xi32>
      tpu.vector_store_idx %arg15[%shift_right_logical3A_227, %and3A_230], %broadcast_in_dim3A_35 {add = true} : memref<80x128xf32, #tpu.memory_space<vmem>>[vector<16xi32>, vector<16xi32>], vector<16xf32>,
      %get3A_231 = arith.constant 32 : index
      %get3A_232 = tpu.vector_load %arg11[%get3A_231] {strides = array<i32>} : memref<80xi32, #tpu.memory_space<vmem>>, vector<16xi32>,
      %shift_right_logical3A_233 = arith.constant 7 : i32
      %shift_right_logical3A_234 = vector.broadcast %shift_right_logical3A_233 : i32 to vector<16xi32>
      %shift_right_logical3A_235 = arith.shrui %get3A_232, %shift_right_logical3A_234 : vector<16xi32>
      %and3A_236 = arith.constant 127 : i32
      %and3A_237 = vector.broadcast %and3A_236 : i32 to vector<16xi32>
      %and3A_238 = arith.andi %get3A_232, %and3A_237 : vector<16xi32>
      tpu.vector_store_idx %arg15[%shift_right_logical3A_235, %and3A_238], %broadcast_in_dim3A_35 {add = true} : memref<80x128xf32, #tpu.memory_space<vmem>>[vector<16xi32>, vector<16xi32>], vector<16xf32>,
      %get3A_239 = arith.constant 48 : index
      %get3A_240 = tpu.vector_load %arg11[%get3A_239] {strides = array<i32>} : memref<80xi32, #tpu.memory_space<vmem>>, vector<16xi32>,
      %shift_right_logical3A_241 = arith.constant 7 : i32
      %shift_right_logical3A_242 = vector.broadcast %shift_right_logical3A_241 : i32 to vector<16xi32>
      %shift_right_logical3A_243 = arith.shrui %get3A_240, %shift_right_logical3A_242 : vector<16xi32>
      %and3A_244 = arith.constant 127 : i32
      %and3A_245 = vector.broadcast %and3A_244 : i32 to vector<16xi32>
      %and3A_246 = arith.andi %get3A_240, %and3A_245 : vector<16xi32>
      tpu.vector_store_idx %arg15[%shift_right_logical3A_243, %and3A_246], %broadcast_in_dim3A_35 {add = true} : memref<80x128xf32, #tpu.memory_space<vmem>>[vector<16xi32>, vector<16xi32>], vector<16xf32>,
      %get3A_247 = arith.constant 64 : index
      %get3A_248 = tpu.vector_load %arg11[%get3A_247] {strides = array<i32>} : memref<80xi32, #tpu.memory_space<vmem>>, vector<16xi32>,
      %shift_right_logical3A_249 = arith.constant 7 : i32
      %shift_right_logical3A_250 = vector.broadcast %shift_right_logical3A_249 : i32 to vector<16xi32>
      %shift_right_logical3A_251 = arith.shrui %get3A_248, %shift_right_logical3A_250 : vector<16xi32>
      %and3A_252 = arith.constant 127 : i32
      %and3A_253 = vector.broadcast %and3A_252 : i32 to vector<16xi32>
      %and3A_254 = arith.andi %get3A_248, %and3A_253 : vector<16xi32>
      tpu.vector_store_idx %arg15[%shift_right_logical3A_251, %and3A_254], %broadcast_in_dim3A_35 {add = true} : memref<80x128xf32, #tpu.memory_space<vmem>>[vector<16xi32>, vector<16xi32>], vector<16xf32>,
      %mul3A_255 = arith.constant 2 : i32
      %mul3A_256 = arith.muli %mul3A_255, %scan3A_197 : i32
      %add3A_257 = arith.constant 1 : i32
      %add3A_258 = arith.addi %mul3A_256, %add3A_257 : i32
      %add3A_259 = arith.constant 1 : i32
      %add3A_260 = arith.addi %add3A_258, %add3A_259 : i32
      %mul3A_261 = arith.constant 80 : i32
      %mul3A_262 = arith.muli %add3A_260, %mul3A_261 : i32
      %add3A_263 = arith.addi %mul3A_2, %mul3A_262 : i32
      "tpu.region"() ({
        %run_scoped3A = tpu.sem_alloc : memref<!tpu.dma_semaphore, #tpu.memory_space<semaphore_mem>>
        %dma_start3A_312 = tpu.memref_slice %arg3[%add3A_263] : memref<327680xi32, #tpu.memory_space<hbm>> -> memref<80xi32, #tpu.memory_space<hbm>>
        %dma_start3A_313 = tpu.memref_slice %arg3[%add3A_263] : memref<327680xi32, #tpu.memory_space<hbm>> -> memref<80xi32, #tpu.memory_space<hbm>>
        tpu.enqueue_dma source(%dma_start3A_313 : memref<80xi32, #tpu.memory_space<hbm>>) target(%arg9 : memref<80xi32, #tpu.memory_space<vmem>>) target_semaphore(%run_scoped3A : memref<!tpu.dma_semaphore, #tpu.memory_space<semaphore_mem>>)
        %dma_wait3A_314 = tpu.memref_slice %arg3[%add3A_263] : memref<327680xi32, #tpu.memory_space<hbm>> -> memref<80xi32, #tpu.memory_space<hbm>>
        %dma_wait3A_315 = tpu.memref_slice %arg3[%add3A_263] : memref<327680xi32, #tpu.memory_space<hbm>> -> memref<80xi32, #tpu.memory_space<hbm>>
        tpu.wait_dma2 semaphore(%run_scoped3A : memref<!tpu.dma_semaphore, #tpu.memory_space<semaphore_mem>>) src(%dma_wait3A_315 : memref<80xi32, #tpu.memory_space<hbm>>) dst(%arg9 : memref<80xi32, #tpu.memory_space<vmem>>)
        tpu.yield
      }) : () -> ()
      "tpu.region"() ({
        %run_scoped3A = tpu.sem_alloc : memref<!tpu.dma_semaphore, #tpu.memory_space<semaphore_mem>>
        %dma_start3A_312 = tpu.memref_slice %arg4[%add3A_263] : memref<327680xi32, #tpu.memory_space<hbm>> -> memref<80xi32, #tpu.memory_space<hbm>>
        %dma_start3A_313 = tpu.memref_slice %arg4[%add3A_263] : memref<327680xi32, #tpu.memory_space<hbm>> -> memref<80xi32, #tpu.memory_space<hbm>>
        tpu.enqueue_dma source(%dma_start3A_313 : memref<80xi32, #tpu.memory_space<hbm>>) target(%arg11 : memref<80xi32, #tpu.memory_space<vmem>>) target_semaphore(%run_scoped3A : memref<!tpu.dma_semaphore, #tpu.memory_space<semaphore_mem>>)
        %dma_wait3A_314 = tpu.memref_slice %arg4[%add3A_263] : memref<327680xi32, #tpu.memory_space<hbm>> -> memref<80xi32, #tpu.memory_space<hbm>>
        %dma_wait3A_315 = tpu.memref_slice %arg4[%add3A_263] : memref<327680xi32, #tpu.memory_space<hbm>> -> memref<80xi32, #tpu.memory_space<hbm>>
        tpu.wait_dma2 semaphore(%run_scoped3A : memref<!tpu.dma_semaphore, #tpu.memory_space<semaphore_mem>>) src(%dma_wait3A_315 : memref<80xi32, #tpu.memory_space<hbm>>) dst(%arg11 : memref<80xi32, #tpu.memory_space<vmem>>)
        tpu.yield
      }) : () -> ()
      %dma_wait3A_264 = arith.constant 0 : i32
      %dma_wait3A_265 = arith.constant 0 : i32
      %dma_wait3A_266 = tpu.memref_slice %arg2[%dma_wait3A_264, %dma_wait3A_265] : memref<10000x128xf32, #tpu.memory_space<hbm>> -> memref<10000x128xf32, #tpu.memory_space<hbm>>
      tpu.wait_indirect_dma semaphore(%arg17 : memref<!tpu.dma_semaphore, #tpu.memory_space<semaphore_mem>>) src(%dma_wait3A_266 : memref<10000x128xf32, #tpu.memory_space<hbm>>) dst(%arg14 : memref<80x128xf32, #tpu.memory_space<vmem>>)
      %add3A_267 = arith.constant 1 : i32
      %add3A_268 = arith.addi %add3A_258, %add3A_267 : i32
      %dma_start3A_269 = arith.constant 0 : i32
      %dma_start3A_270 = arith.constant 0 : i32
      %dma_start3A_271 = tpu.memref_slice %arg2[%dma_start3A_269, %dma_start3A_270] : memref<10000x128xf32, #tpu.memory_space<hbm>> -> memref<10000x128xf32, #tpu.memory_space<hbm>>
      tpu.enqueue_indirect_dma source(%dma_start3A_271 : memref<10000x128xf32, #tpu.memory_space<hbm>>) target(%arg13 : memref<80x128xf32, #tpu.memory_space<vmem>>) offsets(%arg9 : memref<80xi32, #tpu.memory_space<vmem>>) semaphore(%arg16 : memref<!tpu.dma_semaphore, #tpu.memory_space<semaphore_mem>>)
      "tpu.region"() ({
        %run_scoped3A = tpu.sem_alloc : memref<!tpu.dma_semaphore, #tpu.memory_space<semaphore_mem>>
        %dma_start3A_312 = arith.constant 0 : i32
        %dma_start3A_313 = arith.constant 0 : i32
        %dma_start3A_314 = tpu.memref_slice %arg8[%dma_start3A_312, %dma_start3A_313] : memref<10240x128xf32, #tpu.memory_space<vmem_shared>> -> memref<10240x128xf32, #tpu.memory_space<vmem_shared>>
        tpu.enqueue_indirect_dma source(%arg14 : memref<80x128xf32, #tpu.memory_space<vmem>>) target(%dma_start3A_314 : memref<10240x128xf32, #tpu.memory_space<vmem_shared>>) offsets(%arg12 : memref<80xi32, #tpu.memory_space<vmem>>) semaphore(%run_scoped3A : memref<!tpu.dma_semaphore, #tpu.memory_space<semaphore_mem>>) {add = true}
        %dma_wait3A_315 = arith.constant 0 : i32
        %dma_wait3A_316 = arith.constant 0 : i32
        %dma_wait3A_317 = tpu.memref_slice %arg8[%dma_wait3A_315, %dma_wait3A_316] : memref<10240x128xf32, #tpu.memory_space<vmem_shared>> -> memref<10240x128xf32, #tpu.memory_space<vmem_shared>>
        tpu.wait_indirect_dma semaphore(%run_scoped3A : memref<!tpu.dma_semaphore, #tpu.memory_space<semaphore_mem>>) src(%arg14 : memref<80x128xf32, #tpu.memory_space<vmem>>) dst(%dma_wait3A_317 : memref<10240x128xf32, #tpu.memory_space<vmem_shared>>)
        tpu.yield
      }) : () -> ()
      %get3A_272 = arith.constant 0 : index
      %get3A_273 = tpu.vector_load %arg12[%get3A_272] {strides = array<i32>} : memref<80xi32, #tpu.memory_space<vmem>>, vector<16xi32>,
      %shift_right_logical3A_274 = arith.constant 7 : i32
      %shift_right_logical3A_275 = vector.broadcast %shift_right_logical3A_274 : i32 to vector<16xi32>
      %shift_right_logical3A_276 = arith.shrui %get3A_273, %shift_right_logical3A_275 : vector<16xi32>
      %and3A_277 = arith.constant 127 : i32
      %and3A_278 = vector.broadcast %and3A_277 : i32 to vector<16xi32>
      %and3A_279 = arith.andi %get3A_273, %and3A_278 : vector<16xi32>
      tpu.vector_store_idx %arg15[%shift_right_logical3A_276, %and3A_279], %broadcast_in_dim3A_35 {add = true} : memref<80x128xf32, #tpu.memory_space<vmem>>[vector<16xi32>, vector<16xi32>], vector<16xf32>,
      %get3A_280 = arith.constant 16 : index
      %get3A_281 = tpu.vector_load %arg12[%get3A_280] {strides = array<i32>} : memref<80xi32, #tpu.memory_space<vmem>>, vector<16xi32>,
      %shift_right_logical3A_282 = arith.constant 7 : i32
      %shift_right_logical3A_283 = vector.broadcast %shift_right_logical3A_282 : i32 to vector<16xi32>
      %shift_right_logical3A_284 = arith.shrui %get3A_281, %shift_right_logical3A_283 : vector<16xi32>
      %and3A_285 = arith.constant 127 : i32
      %and3A_286 = vector.broadcast %and3A_285 : i32 to vector<16xi32>
      %and3A_287 = arith.andi %get3A_281, %and3A_286 : vector<16xi32>
      tpu.vector_store_idx %arg15[%shift_right_logical3A_284, %and3A_287], %broadcast_in_dim3A_35 {add = true} : memref<80x128xf32, #tpu.memory_space<vmem>>[vector<16xi32>, vector<16xi32>], vector<16xf32>,
      %get3A_288 = arith.constant 32 : index
      %get3A_289 = tpu.vector_load %arg12[%get3A_288] {strides = array<i32>} : memref<80xi32, #tpu.memory_space<vmem>>, vector<16xi32>,
      %shift_right_logical3A_290 = arith.constant 7 : i32
      %shift_right_logical3A_291 = vector.broadcast %shift_right_logical3A_290 : i32 to vector<16xi32>
      %shift_right_logical3A_292 = arith.shrui %get3A_289, %shift_right_logical3A_291 : vector<16xi32>
      %and3A_293 = arith.constant 127 : i32
      %and3A_294 = vector.broadcast %and3A_293 : i32 to vector<16xi32>
      %and3A_295 = arith.andi %get3A_289, %and3A_294 : vector<16xi32>
      tpu.vector_store_idx %arg15[%shift_right_logical3A_292, %and3A_295], %broadcast_in_dim3A_35 {add = true} : memref<80x128xf32, #tpu.memory_space<vmem>>[vector<16xi32>, vector<16xi32>], vector<16xf32>,
      %get3A_296 = arith.constant 48 : index
      %get3A_297 = tpu.vector_load %arg12[%get3A_296] {strides = array<i32>} : memref<80xi32, #tpu.memory_space<vmem>>, vector<16xi32>,
      %shift_right_logical3A_298 = arith.constant 7 : i32
      %shift_right_logical3A_299 = vector.broadcast %shift_right_logical3A_298 : i32 to vector<16xi32>
      %shift_right_logical3A_300 = arith.shrui %get3A_297, %shift_right_logical3A_299 : vector<16xi32>
      %and3A_301 = arith.constant 127 : i32
      %and3A_302 = vector.broadcast %and3A_301 : i32 to vector<16xi32>
      %and3A_303 = arith.andi %get3A_297, %and3A_302 : vector<16xi32>
      tpu.vector_store_idx %arg15[%shift_right_logical3A_300, %and3A_303], %broadcast_in_dim3A_35 {add = true} : memref<80x128xf32, #tpu.memory_space<vmem>>[vector<16xi32>, vector<16xi32>], vector<16xf32>,
      %get3A_304 = arith.constant 64 : index
      %get3A_305 = tpu.vector_load %arg12[%get3A_304] {strides = array<i32>} : memref<80xi32, #tpu.memory_space<vmem>>, vector<16xi32>,
      %shift_right_logical3A_306 = arith.constant 7 : i32
      %shift_right_logical3A_307 = vector.broadcast %shift_right_logical3A_306 : i32 to vector<16xi32>
      %shift_right_logical3A_308 = arith.shrui %get3A_305, %shift_right_logical3A_307 : vector<16xi32>
      %and3A_309 = arith.constant 127 : i32
      %and3A_310 = vector.broadcast %and3A_309 : i32 to vector<16xi32>
      %and3A_311 = arith.andi %get3A_305, %and3A_310 : vector<16xi32>
      tpu.vector_store_idx %arg15[%shift_right_logical3A_308, %and3A_311], %broadcast_in_dim3A_35 {add = true} : memref<80x128xf32, #tpu.memory_space<vmem>>[vector<16xi32>, vector<16xi32>], vector<16xf32>,
    }
    %scan3A_44 = arith.constant 63 : i32
    %add3A_45 = arith.constant 10160 : i32
    %add3A_46 = arith.addi %mul3A_2, %add3A_45 : i32
    "tpu.region"() ({
      %run_scoped3A = tpu.sem_alloc : memref<!tpu.dma_semaphore, #tpu.memory_space<semaphore_mem>>
      %dma_start3A_197 = tpu.memref_slice %arg3[%add3A_46] : memref<327680xi32, #tpu.memory_space<hbm>> -> memref<80xi32, #tpu.memory_space<hbm>>
      %dma_start3A_198 = tpu.memref_slice %arg3[%add3A_46] : memref<327680xi32, #tpu.memory_space<hbm>> -> memref<80xi32, #tpu.memory_space<hbm>>
      tpu.enqueue_dma source(%dma_start3A_198 : memref<80xi32, #tpu.memory_space<hbm>>) target(%arg10 : memref<80xi32, #tpu.memory_space<vmem>>) target_semaphore(%run_scoped3A : memref<!tpu.dma_semaphore, #tpu.memory_space<semaphore_mem>>)
      %dma_wait3A_199 = tpu.memref_slice %arg3[%add3A_46] : memref<327680xi32, #tpu.memory_space<hbm>> -> memref<80xi32, #tpu.memory_space<hbm>>
      %dma_wait3A_200 = tpu.memref_slice %arg3[%add3A_46] : memref<327680xi32, #tpu.memory_space<hbm>> -> memref<80xi32, #tpu.memory_space<hbm>>
      tpu.wait_dma2 semaphore(%run_scoped3A : memref<!tpu.dma_semaphore, #tpu.memory_space<semaphore_mem>>) src(%dma_wait3A_200 : memref<80xi32, #tpu.memory_space<hbm>>) dst(%arg10 : memref<80xi32, #tpu.memory_space<vmem>>)
      tpu.yield
    }) : () -> ()
    "tpu.region"() ({
      %run_scoped3A = tpu.sem_alloc : memref<!tpu.dma_semaphore, #tpu.memory_space<semaphore_mem>>
      %dma_start3A_197 = tpu.memref_slice %arg4[%add3A_46] : memref<327680xi32, #tpu.memory_space<hbm>> -> memref<80xi32, #tpu.memory_space<hbm>>
      %dma_start3A_198 = tpu.memref_slice %arg4[%add3A_46] : memref<327680xi32, #tpu.memory_space<hbm>> -> memref<80xi32, #tpu.memory_space<hbm>>
      tpu.enqueue_dma source(%dma_start3A_198 : memref<80xi32, #tpu.memory_space<hbm>>) target(%arg12 : memref<80xi32, #tpu.memory_space<vmem>>) target_semaphore(%run_scoped3A : memref<!tpu.dma_semaphore, #tpu.memory_space<semaphore_mem>>)
      %dma_wait3A_199 = tpu.memref_slice %arg4[%add3A_46] : memref<327680xi32, #tpu.memory_space<hbm>> -> memref<80xi32, #tpu.memory_space<hbm>>
      %dma_wait3A_200 = tpu.memref_slice %arg4[%add3A_46] : memref<327680xi32, #tpu.memory_space<hbm>> -> memref<80xi32, #tpu.memory_space<hbm>>
      tpu.wait_dma2 semaphore(%run_scoped3A : memref<!tpu.dma_semaphore, #tpu.memory_space<semaphore_mem>>) src(%dma_wait3A_200 : memref<80xi32, #tpu.memory_space<hbm>>) dst(%arg12 : memref<80xi32, #tpu.memory_space<vmem>>)
      tpu.yield
    }) : () -> ()
    %dma_wait3A = arith.constant 0 : i32
    %dma_wait3A_47 = arith.constant 0 : i32
    %dma_wait3A_48 = tpu.memref_slice %arg2[%dma_wait3A, %dma_wait3A_47] : memref<10000x128xf32, #tpu.memory_space<hbm>> -> memref<10000x128xf32, #tpu.memory_space<hbm>>
    tpu.wait_indirect_dma semaphore(%arg16 : memref<!tpu.dma_semaphore, #tpu.memory_space<semaphore_mem>>) src(%dma_wait3A_48 : memref<10000x128xf32, #tpu.memory_space<hbm>>) dst(%arg13 : memref<80x128xf32, #tpu.memory_space<vmem>>)
    %dma_start3A_49 = arith.constant 0 : i32
    %dma_start3A_50 = arith.constant 0 : i32
    %dma_start3A_51 = tpu.memref_slice %arg2[%dma_start3A_49, %dma_start3A_50] : memref<10000x128xf32, #tpu.memory_space<hbm>> -> memref<10000x128xf32, #tpu.memory_space<hbm>>
    tpu.enqueue_indirect_dma source(%dma_start3A_51 : memref<10000x128xf32, #tpu.memory_space<hbm>>) target(%arg14 : memref<80x128xf32, #tpu.memory_space<vmem>>) offsets(%arg10 : memref<80xi32, #tpu.memory_space<vmem>>) semaphore(%arg17 : memref<!tpu.dma_semaphore, #tpu.memory_space<semaphore_mem>>)
    "tpu.region"() ({
      %run_scoped3A = tpu.sem_alloc : memref<!tpu.dma_semaphore, #tpu.memory_space<semaphore_mem>>
      %dma_start3A_197 = arith.constant 0 : i32
      %dma_start3A_198 = arith.constant 0 : i32
      %dma_start3A_199 = tpu.memref_slice %arg8[%dma_start3A_197, %dma_start3A_198] : memref<10240x128xf32, #tpu.memory_space<vmem_shared>> -> memref<10240x128xf32, #tpu.memory_space<vmem_shared>>
      tpu.enqueue_indirect_dma source(%arg13 : memref<80x128xf32, #tpu.memory_space<vmem>>) target(%dma_start3A_199 : memref<10240x128xf32, #tpu.memory_space<vmem_shared>>) offsets(%arg11 : memref<80xi32, #tpu.memory_space<vmem>>) semaphore(%run_scoped3A : memref<!tpu.dma_semaphore, #tpu.memory_space<semaphore_mem>>) {add = true}
      %dma_wait3A_200 = arith.constant 0 : i32
      %dma_wait3A_201 = arith.constant 0 : i32
      %dma_wait3A_202 = tpu.memref_slice %arg8[%dma_wait3A_200, %dma_wait3A_201] : memref<10240x128xf32, #tpu.memory_space<vmem_shared>> -> memref<10240x128xf32, #tpu.memory_space<vmem_shared>>
      tpu.wait_indirect_dma semaphore(%run_scoped3A : memref<!tpu.dma_semaphore, #tpu.memory_space<semaphore_mem>>) src(%arg13 : memref<80x128xf32, #tpu.memory_space<vmem>>) dst(%dma_wait3A_202 : memref<10240x128xf32, #tpu.memory_space<vmem_shared>>)
      tpu.yield
    }) : () -> ()
    %get3A = arith.constant 0 : index
    %get3A_52 = tpu.vector_load %arg11[%get3A] {strides = array<i32>} : memref<80xi32, #tpu.memory_space<vmem>>, vector<16xi32>,
    %shift_right_logical3A = arith.constant 7 : i32
    %shift_right_logical3A_53 = vector.broadcast %shift_right_logical3A : i32 to vector<16xi32>
    %shift_right_logical3A_54 = arith.shrui %get3A_52, %shift_right_logical3A_53 : vector<16xi32>
    %and3A = arith.constant 127 : i32
    %and3A_55 = vector.broadcast %and3A : i32 to vector<16xi32>
    %and3A_56 = arith.andi %get3A_52, %and3A_55 : vector<16xi32>
    tpu.vector_store_idx %arg15[%shift_right_logical3A_54, %and3A_56], %broadcast_in_dim3A_35 {add = true} : memref<80x128xf32, #tpu.memory_space<vmem>>[vector<16xi32>, vector<16xi32>], vector<16xf32>,
    %get3A_57 = arith.constant 16 : index
    %get3A_58 = tpu.vector_load %arg11[%get3A_57] {strides = array<i32>} : memref<80xi32, #tpu.memory_space<vmem>>, vector<16xi32>,
    %shift_right_logical3A_59 = arith.constant 7 : i32
    %shift_right_logical3A_60 = vector.broadcast %shift_right_logical3A_59 : i32 to vector<16xi32>
    %shift_right_logical3A_61 = arith.shrui %get3A_58, %shift_right_logical3A_60 : vector<16xi32>
    %and3A_62 = arith.constant 127 : i32
    %and3A_63 = vector.broadcast %and3A_62 : i32 to vector<16xi32>
    %and3A_64 = arith.andi %get3A_58, %and3A_63 : vector<16xi32>
    tpu.vector_store_idx %arg15[%shift_right_logical3A_61, %and3A_64], %broadcast_in_dim3A_35 {add = true} : memref<80x128xf32, #tpu.memory_space<vmem>>[vector<16xi32>, vector<16xi32>], vector<16xf32>,
    %get3A_65 = arith.constant 32 : index
    %get3A_66 = tpu.vector_load %arg11[%get3A_65] {strides = array<i32>} : memref<80xi32, #tpu.memory_space<vmem>>, vector<16xi32>,
    %shift_right_logical3A_67 = arith.constant 7 : i32
    %shift_right_logical3A_68 = vector.broadcast %shift_right_logical3A_67 : i32 to vector<16xi32>
    %shift_right_logical3A_69 = arith.shrui %get3A_66, %shift_right_logical3A_68 : vector<16xi32>
    %and3A_70 = arith.constant 127 : i32
    %and3A_71 = vector.broadcast %and3A_70 : i32 to vector<16xi32>
    %and3A_72 = arith.andi %get3A_66, %and3A_71 : vector<16xi32>
    tpu.vector_store_idx %arg15[%shift_right_logical3A_69, %and3A_72], %broadcast_in_dim3A_35 {add = true} : memref<80x128xf32, #tpu.memory_space<vmem>>[vector<16xi32>, vector<16xi32>], vector<16xf32>,
    %get3A_73 = arith.constant 48 : index
    %get3A_74 = tpu.vector_load %arg11[%get3A_73] {strides = array<i32>} : memref<80xi32, #tpu.memory_space<vmem>>, vector<16xi32>,
    %shift_right_logical3A_75 = arith.constant 7 : i32
    %shift_right_logical3A_76 = vector.broadcast %shift_right_logical3A_75 : i32 to vector<16xi32>
    %shift_right_logical3A_77 = arith.shrui %get3A_74, %shift_right_logical3A_76 : vector<16xi32>
    %and3A_78 = arith.constant 127 : i32
    %and3A_79 = vector.broadcast %and3A_78 : i32 to vector<16xi32>
    %and3A_80 = arith.andi %get3A_74, %and3A_79 : vector<16xi32>
    tpu.vector_store_idx %arg15[%shift_right_logical3A_77, %and3A_80], %broadcast_in_dim3A_35 {add = true} : memref<80x128xf32, #tpu.memory_space<vmem>>[vector<16xi32>, vector<16xi32>], vector<16xf32>,
    %get3A_81 = arith.constant 64 : index
    %get3A_82 = tpu.vector_load %arg11[%get3A_81] {strides = array<i32>} : memref<80xi32, #tpu.memory_space<vmem>>, vector<16xi32>,
    %shift_right_logical3A_83 = arith.constant 7 : i32
    %shift_right_logical3A_84 = vector.broadcast %shift_right_logical3A_83 : i32 to vector<16xi32>
    %shift_right_logical3A_85 = arith.shrui %get3A_82, %shift_right_logical3A_84 : vector<16xi32>
    %and3A_86 = arith.constant 127 : i32
    %and3A_87 = vector.broadcast %and3A_86 : i32 to vector<16xi32>
    %and3A_88 = arith.andi %get3A_82, %and3A_87 : vector<16xi32>
    tpu.vector_store_idx %arg15[%shift_right_logical3A_85, %and3A_88], %broadcast_in_dim3A_35 {add = true} : memref<80x128xf32, #tpu.memory_space<vmem>>[vector<16xi32>, vector<16xi32>], vector<16xf32>,
    %dma_wait3A_89 = arith.constant 0 : i32
    %dma_wait3A_90 = arith.constant 0 : i32
    %dma_wait3A_91 = tpu.memref_slice %arg2[%dma_wait3A_89, %dma_wait3A_90] : memref<10000x128xf32, #tpu.memory_space<hbm>> -> memref<10000x128xf32, #tpu.memory_space<hbm>>
    tpu.wait_indirect_dma semaphore(%arg17 : memref<!tpu.dma_semaphore, #tpu.memory_space<semaphore_mem>>) src(%dma_wait3A_91 : memref<10000x128xf32, #tpu.memory_space<hbm>>) dst(%arg14 : memref<80x128xf32, #tpu.memory_space<vmem>>)
    "tpu.region"() ({
      %run_scoped3A = tpu.sem_alloc : memref<!tpu.dma_semaphore, #tpu.memory_space<semaphore_mem>>
      %dma_start3A_197 = arith.constant 0 : i32
      %dma_start3A_198 = arith.constant 0 : i32
      %dma_start3A_199 = tpu.memref_slice %arg8[%dma_start3A_197, %dma_start3A_198] : memref<10240x128xf32, #tpu.memory_space<vmem_shared>> -> memref<10240x128xf32, #tpu.memory_space<vmem_shared>>
      tpu.enqueue_indirect_dma source(%arg14 : memref<80x128xf32, #tpu.memory_space<vmem>>) target(%dma_start3A_199 : memref<10240x128xf32, #tpu.memory_space<vmem_shared>>) offsets(%arg12 : memref<80xi32, #tpu.memory_space<vmem>>) semaphore(%run_scoped3A : memref<!tpu.dma_semaphore, #tpu.memory_space<semaphore_mem>>) {add = true}
      %dma_wait3A_200 = arith.constant 0 : i32
      %dma_wait3A_201 = arith.constant 0 : i32
      %dma_wait3A_202 = tpu.memref_slice %arg8[%dma_wait3A_200, %dma_wait3A_201] : memref<10240x128xf32, #tpu.memory_space<vmem_shared>> -> memref<10240x128xf32, #tpu.memory_space<vmem_shared>>
      tpu.wait_indirect_dma semaphore(%run_scoped3A : memref<!tpu.dma_semaphore, #tpu.memory_space<semaphore_mem>>) src(%arg14 : memref<80x128xf32, #tpu.memory_space<vmem>>) dst(%dma_wait3A_202 : memref<10240x128xf32, #tpu.memory_space<vmem_shared>>)
      tpu.yield
    }) : () -> ()
    %get3A_92 = arith.constant 0 : index
    %get3A_93 = tpu.vector_load %arg12[%get3A_92] {strides = array<i32>} : memref<80xi32, #tpu.memory_space<vmem>>, vector<16xi32>,
    %shift_right_logical3A_94 = arith.constant 7 : i32
    %shift_right_logical3A_95 = vector.broadcast %shift_right_logical3A_94 : i32 to vector<16xi32>
    %shift_right_logical3A_96 = arith.shrui %get3A_93, %shift_right_logical3A_95 : vector<16xi32>
    %and3A_97 = arith.constant 127 : i32
    %and3A_98 = vector.broadcast %and3A_97 : i32 to vector<16xi32>
    %and3A_99 = arith.andi %get3A_93, %and3A_98 : vector<16xi32>
    tpu.vector_store_idx %arg15[%shift_right_logical3A_96, %and3A_99], %broadcast_in_dim3A_35 {add = true} : memref<80x128xf32, #tpu.memory_space<vmem>>[vector<16xi32>, vector<16xi32>], vector<16xf32>,
    %get3A_100 = arith.constant 16 : index
    %get3A_101 = tpu.vector_load %arg12[%get3A_100] {strides = array<i32>} : memref<80xi32, #tpu.memory_space<vmem>>, vector<16xi32>,
    %shift_right_logical3A_102 = arith.constant 7 : i32
    %shift_right_logical3A_103 = vector.broadcast %shift_right_logical3A_102 : i32 to vector<16xi32>
    %shift_right_logical3A_104 = arith.shrui %get3A_101, %shift_right_logical3A_103 : vector<16xi32>
    %and3A_105 = arith.constant 127 : i32
    %and3A_106 = vector.broadcast %and3A_105 : i32 to vector<16xi32>
    %and3A_107 = arith.andi %get3A_101, %and3A_106 : vector<16xi32>
    tpu.vector_store_idx %arg15[%shift_right_logical3A_104, %and3A_107], %broadcast_in_dim3A_35 {add = true} : memref<80x128xf32, #tpu.memory_space<vmem>>[vector<16xi32>, vector<16xi32>], vector<16xf32>,
    %get3A_108 = arith.constant 32 : index
    %get3A_109 = tpu.vector_load %arg12[%get3A_108] {strides = array<i32>} : memref<80xi32, #tpu.memory_space<vmem>>, vector<16xi32>,
    %shift_right_logical3A_110 = arith.constant 7 : i32
    %shift_right_logical3A_111 = vector.broadcast %shift_right_logical3A_110 : i32 to vector<16xi32>
    %shift_right_logical3A_112 = arith.shrui %get3A_109, %shift_right_logical3A_111 : vector<16xi32>
    %and3A_113 = arith.constant 127 : i32
    %and3A_114 = vector.broadcast %and3A_113 : i32 to vector<16xi32>
    %and3A_115 = arith.andi %get3A_109, %and3A_114 : vector<16xi32>
    tpu.vector_store_idx %arg15[%shift_right_logical3A_112, %and3A_115], %broadcast_in_dim3A_35 {add = true} : memref<80x128xf32, #tpu.memory_space<vmem>>[vector<16xi32>, vector<16xi32>], vector<16xf32>,
    %get3A_116 = arith.constant 48 : index
    %get3A_117 = tpu.vector_load %arg12[%get3A_116] {strides = array<i32>} : memref<80xi32, #tpu.memory_space<vmem>>, vector<16xi32>,
    %shift_right_logical3A_118 = arith.constant 7 : i32
    %shift_right_logical3A_119 = vector.broadcast %shift_right_logical3A_118 : i32 to vector<16xi32>
    %shift_right_logical3A_120 = arith.shrui %get3A_117, %shift_right_logical3A_119 : vector<16xi32>
    %and3A_121 = arith.constant 127 : i32
    %and3A_122 = vector.broadcast %and3A_121 : i32 to vector<16xi32>
    %and3A_123 = arith.andi %get3A_117, %and3A_122 : vector<16xi32>
    tpu.vector_store_idx %arg15[%shift_right_logical3A_120, %and3A_123], %broadcast_in_dim3A_35 {add = true} : memref<80x128xf32, #tpu.memory_space<vmem>>[vector<16xi32>, vector<16xi32>], vector<16xf32>,
    %get3A_124 = arith.constant 64 : index
    %get3A_125 = tpu.vector_load %arg12[%get3A_124] {strides = array<i32>} : memref<80xi32, #tpu.memory_space<vmem>>, vector<16xi32>,
    %shift_right_logical3A_126 = arith.constant 7 : i32
    %shift_right_logical3A_127 = vector.broadcast %shift_right_logical3A_126 : i32 to vector<16xi32>
    %shift_right_logical3A_128 = arith.shrui %get3A_125, %shift_right_logical3A_127 : vector<16xi32>
    %and3A_129 = arith.constant 127 : i32
    %and3A_130 = vector.broadcast %and3A_129 : i32 to vector<16xi32>
    %and3A_131 = arith.andi %get3A_125, %and3A_130 : vector<16xi32>
    tpu.vector_store_idx %arg15[%shift_right_logical3A_128, %and3A_131], %broadcast_in_dim3A_35 {add = true} : memref<80x128xf32, #tpu.memory_space<vmem>>[vector<16xi32>, vector<16xi32>], vector<16xf32>,
    %barrier3A_132 = arith.constant 0 : index
    tpu.barrier barrier_id(%barrier3A_132)
    %mul3A_133 = arith.constant 640 : i32
    %mul3A_134 = arith.muli %arg1, %mul3A_133 : i32
    %add3A_135 = arith.constant 0 : i32
    %add3A_136 = arith.addi %mul3A_134, %add3A_135 : i32
    "tpu.region"() ({
      %run_scoped3A = tpu.sem_alloc : memref<!tpu.dma_semaphore, #tpu.memory_space<semaphore_mem>>
      %dma_start3A_197 = arith.constant 0 : i32
      %dma_start3A_198 = tpu.memref_slice %arg8[%add3A_136, %dma_start3A_197] : memref<10240x128xf32, #tpu.memory_space<vmem_shared>> -> memref<80x128xf32, #tpu.memory_space<vmem_shared>>
      %dma_start3A_199 = arith.constant 0 : i32
      %dma_start3A_200 = tpu.memref_slice %arg8[%add3A_136, %dma_start3A_199] : memref<10240x128xf32, #tpu.memory_space<vmem_shared>> -> memref<80x128xf32, #tpu.memory_space<vmem_shared>>
      tpu.enqueue_dma source(%dma_start3A_200 : memref<80x128xf32, #tpu.memory_space<vmem_shared>>) target(%arg13 : memref<80x128xf32, #tpu.memory_space<vmem>>) target_semaphore(%run_scoped3A : memref<!tpu.dma_semaphore, #tpu.memory_space<semaphore_mem>>)
      %dma_wait3A_201 = arith.constant 0 : i32
      %dma_wait3A_202 = tpu.memref_slice %arg8[%add3A_136, %dma_wait3A_201] : memref<10240x128xf32, #tpu.memory_space<vmem_shared>> -> memref<80x128xf32, #tpu.memory_space<vmem_shared>>
      %dma_wait3A_203 = arith.constant 0 : i32
      %dma_wait3A_204 = tpu.memref_slice %arg8[%add3A_136, %dma_wait3A_203] : memref<10240x128xf32, #tpu.memory_space<vmem_shared>> -> memref<80x128xf32, #tpu.memory_space<vmem_shared>>
      tpu.wait_dma2 semaphore(%run_scoped3A : memref<!tpu.dma_semaphore, #tpu.memory_space<semaphore_mem>>) src(%dma_wait3A_204 : memref<80x128xf32, #tpu.memory_space<vmem_shared>>) dst(%arg13 : memref<80x128xf32, #tpu.memory_space<vmem>>)
      tpu.yield
    }) : () -> ()
    %mul3A_137 = arith.constant 640 : i32
    %mul3A_138 = arith.muli %arg1, %mul3A_137 : i32
    %add3A_139 = arith.constant 0 : i32
    %add3A_140 = arith.addi %mul3A_138, %add3A_139 : i32
    "tpu.region"() ({
      %run_scoped3A = tpu.sem_alloc : memref<!tpu.dma_semaphore, #tpu.memory_space<semaphore_mem>>
      %dma_start3A_197 = arith.constant 0 : i32
      %dma_start3A_198 = tpu.memref_slice %arg6[%arg0, %add3A_140, %dma_start3A_197] : memref<2x10240x128xf32, #tpu.memory_space<hbm>> -> memref<1x80x128xf32, #tpu.memory_space<hbm>>
      %dma_start3A_199 = tpu.memref_squeeze %dma_start3A_198 : memref<1x80x128xf32, #tpu.memory_space<hbm>> -> memref<80x128xf32, #tpu.memory_space<hbm>>
      %dma_start3A_200 = arith.constant 0 : i32
      %dma_start3A_201 = tpu.memref_slice %arg6[%arg0, %add3A_140, %dma_start3A_200] : memref<2x10240x128xf32, #tpu.memory_space<hbm>> -> memref<1x80x128xf32, #tpu.memory_space<hbm>>
      %dma_start3A_202 = tpu.memref_squeeze %dma_start3A_201 : memref<1x80x128xf32, #tpu.memory_space<hbm>> -> memref<80x128xf32, #tpu.memory_space<hbm>>
      tpu.enqueue_dma source(%arg13 : memref<80x128xf32, #tpu.memory_space<vmem>>) target(%dma_start3A_202 : memref<80x128xf32, #tpu.memory_space<hbm>>) target_semaphore(%run_scoped3A : memref<!tpu.dma_semaphore, #tpu.memory_space<semaphore_mem>>)
      %dma_wait3A_203 = arith.constant 0 : i32
      %dma_wait3A_204 = tpu.memref_slice %arg6[%arg0, %add3A_140, %dma_wait3A_203] : memref<2x10240x128xf32, #tpu.memory_space<hbm>> -> memref<1x80x128xf32, #tpu.memory_space<hbm>>
      %dma_wait3A_205 = tpu.memref_squeeze %dma_wait3A_204 : memref<1x80x128xf32, #tpu.memory_space<hbm>> -> memref<80x128xf32, #tpu.memory_space<hbm>>
      %dma_wait3A_206 = arith.constant 0 : i32
      %dma_wait3A_207 = tpu.memref_slice %arg6[%arg0, %add3A_140, %dma_wait3A_206] : memref<2x10240x128xf32, #tpu.memory_space<hbm>> -> memref<1x80x128xf32, #tpu.memory_space<hbm>>
      %dma_wait3A_208 = tpu.memref_squeeze %dma_wait3A_207 : memref<1x80x128xf32, #tpu.memory_space<hbm>> -> memref<80x128xf32, #tpu.memory_space<hbm>>
      tpu.wait_dma2 semaphore(%run_scoped3A : memref<!tpu.dma_semaphore, #tpu.memory_space<semaphore_mem>>) src(%arg13 : memref<80x128xf32, #tpu.memory_space<vmem>>) dst(%dma_wait3A_208 : memref<80x128xf32, #tpu.memory_space<hbm>>)
      tpu.yield
    }) : () -> ()
    %mul3A_141 = arith.constant 640 : i32
    %mul3A_142 = arith.muli %arg1, %mul3A_141 : i32
    %add3A_143 = arith.constant 80 : i32
    %add3A_144 = arith.addi %mul3A_142, %add3A_143 : i32
    "tpu.region"() ({
      %run_scoped3A = tpu.sem_alloc : memref<!tpu.dma_semaphore, #tpu.memory_space<semaphore_mem>>
      %dma_start3A_197 = arith.constant 0 : i32
      %dma_start3A_198 = tpu.memref_slice %arg8[%add3A_144, %dma_start3A_197] : memref<10240x128xf32, #tpu.memory_space<vmem_shared>> -> memref<80x128xf32, #tpu.memory_space<vmem_shared>>
      %dma_start3A_199 = arith.constant 0 : i32
      %dma_start3A_200 = tpu.memref_slice %arg8[%add3A_144, %dma_start3A_199] : memref<10240x128xf32, #tpu.memory_space<vmem_shared>> -> memref<80x128xf32, #tpu.memory_space<vmem_shared>>
      tpu.enqueue_dma source(%dma_start3A_200 : memref<80x128xf32, #tpu.memory_space<vmem_shared>>) target(%arg13 : memref<80x128xf32, #tpu.memory_space<vmem>>) target_semaphore(%run_scoped3A : memref<!tpu.dma_semaphore, #tpu.memory_space<semaphore_mem>>)
      %dma_wait3A_201 = arith.constant 0 : i32
      %dma_wait3A_202 = tpu.memref_slice %arg8[%add3A_144, %dma_wait3A_201] : memref<10240x128xf32, #tpu.memory_space<vmem_shared>> -> memref<80x128xf32, #tpu.memory_space<vmem_shared>>
      %dma_wait3A_203 = arith.constant 0 : i32
      %dma_wait3A_204 = tpu.memref_slice %arg8[%add3A_144, %dma_wait3A_203] : memref<10240x128xf32, #tpu.memory_space<vmem_shared>> -> memref<80x128xf32, #tpu.memory_space<vmem_shared>>
      tpu.wait_dma2 semaphore(%run_scoped3A : memref<!tpu.dma_semaphore, #tpu.memory_space<semaphore_mem>>) src(%dma_wait3A_204 : memref<80x128xf32, #tpu.memory_space<vmem_shared>>) dst(%arg13 : memref<80x128xf32, #tpu.memory_space<vmem>>)
      tpu.yield
    }) : () -> ()
    %mul3A_145 = arith.constant 640 : i32
    %mul3A_146 = arith.muli %arg1, %mul3A_145 : i32
    %add3A_147 = arith.constant 80 : i32
    %add3A_148 = arith.addi %mul3A_146, %add3A_147 : i32
    "tpu.region"() ({
      %run_scoped3A = tpu.sem_alloc : memref<!tpu.dma_semaphore, #tpu.memory_space<semaphore_mem>>
      %dma_start3A_197 = arith.constant 0 : i32
      %dma_start3A_198 = tpu.memref_slice %arg6[%arg0, %add3A_148, %dma_start3A_197] : memref<2x10240x128xf32, #tpu.memory_space<hbm>> -> memref<1x80x128xf32, #tpu.memory_space<hbm>>
      %dma_start3A_199 = tpu.memref_squeeze %dma_start3A_198 : memref<1x80x128xf32, #tpu.memory_space<hbm>> -> memref<80x128xf32, #tpu.memory_space<hbm>>
      %dma_start3A_200 = arith.constant 0 : i32
      %dma_start3A_201 = tpu.memref_slice %arg6[%arg0, %add3A_148, %dma_start3A_200] : memref<2x10240x128xf32, #tpu.memory_space<hbm>> -> memref<1x80x128xf32, #tpu.memory_space<hbm>>
      %dma_start3A_202 = tpu.memref_squeeze %dma_start3A_201 : memref<1x80x128xf32, #tpu.memory_space<hbm>> -> memref<80x128xf32, #tpu.memory_space<hbm>>
      tpu.enqueue_dma source(%arg13 : memref<80x128xf32, #tpu.memory_space<vmem>>) target(%dma_start3A_202 : memref<80x128xf32, #tpu.memory_space<hbm>>) target_semaphore(%run_scoped3A : memref<!tpu.dma_semaphore, #tpu.memory_space<semaphore_mem>>)
      %dma_wait3A_203 = arith.constant 0 : i32
      %dma_wait3A_204 = tpu.memref_slice %arg6[%arg0, %add3A_148, %dma_wait3A_203] : memref<2x10240x128xf32, #tpu.memory_space<hbm>> -> memref<1x80x128xf32, #tpu.memory_space<hbm>>
      %dma_wait3A_205 = tpu.memref_squeeze %dma_wait3A_204 : memref<1x80x128xf32, #tpu.memory_space<hbm>> -> memref<80x128xf32, #tpu.memory_space<hbm>>
      %dma_wait3A_206 = arith.constant 0 : i32
      %dma_wait3A_207 = tpu.memref_slice %arg6[%arg0, %add3A_148, %dma_wait3A_206] : memref<2x10240x128xf32, #tpu.memory_space<hbm>> -> memref<1x80x128xf32, #tpu.memory_space<hbm>>
      %dma_wait3A_208 = tpu.memref_squeeze %dma_wait3A_207 : memref<1x80x128xf32, #tpu.memory_space<hbm>> -> memref<80x128xf32, #tpu.memory_space<hbm>>
      tpu.wait_dma2 semaphore(%run_scoped3A : memref<!tpu.dma_semaphore, #tpu.memory_space<semaphore_mem>>) src(%arg13 : memref<80x128xf32, #tpu.memory_space<vmem>>) dst(%dma_wait3A_208 : memref<80x128xf32, #tpu.memory_space<hbm>>)
      tpu.yield
    }) : () -> ()
    %mul3A_149 = arith.constant 640 : i32
    %mul3A_150 = arith.muli %arg1, %mul3A_149 : i32
    %add3A_151 = arith.constant 160 : i32
    %add3A_152 = arith.addi %mul3A_150, %add3A_151 : i32
    "tpu.region"() ({
      %run_scoped3A = tpu.sem_alloc : memref<!tpu.dma_semaphore, #tpu.memory_space<semaphore_mem>>
      %dma_start3A_197 = arith.constant 0 : i32
      %dma_start3A_198 = tpu.memref_slice %arg8[%add3A_152, %dma_start3A_197] : memref<10240x128xf32, #tpu.memory_space<vmem_shared>> -> memref<80x128xf32, #tpu.memory_space<vmem_shared>>
      %dma_start3A_199 = arith.constant 0 : i32
      %dma_start3A_200 = tpu.memref_slice %arg8[%add3A_152, %dma_start3A_199] : memref<10240x128xf32, #tpu.memory_space<vmem_shared>> -> memref<80x128xf32, #tpu.memory_space<vmem_shared>>
      tpu.enqueue_dma source(%dma_start3A_200 : memref<80x128xf32, #tpu.memory_space<vmem_shared>>) target(%arg13 : memref<80x128xf32, #tpu.memory_space<vmem>>) target_semaphore(%run_scoped3A : memref<!tpu.dma_semaphore, #tpu.memory_space<semaphore_mem>>)
      %dma_wait3A_201 = arith.constant 0 : i32
      %dma_wait3A_202 = tpu.memref_slice %arg8[%add3A_152, %dma_wait3A_201] : memref<10240x128xf32, #tpu.memory_space<vmem_shared>> -> memref<80x128xf32, #tpu.memory_space<vmem_shared>>
      %dma_wait3A_203 = arith.constant 0 : i32
      %dma_wait3A_204 = tpu.memref_slice %arg8[%add3A_152, %dma_wait3A_203] : memref<10240x128xf32, #tpu.memory_space<vmem_shared>> -> memref<80x128xf32, #tpu.memory_space<vmem_shared>>
      tpu.wait_dma2 semaphore(%run_scoped3A : memref<!tpu.dma_semaphore, #tpu.memory_space<semaphore_mem>>) src(%dma_wait3A_204 : memref<80x128xf32, #tpu.memory_space<vmem_shared>>) dst(%arg13 : memref<80x128xf32, #tpu.memory_space<vmem>>)
      tpu.yield
    }) : () -> ()
    %mul3A_153 = arith.constant 640 : i32
    %mul3A_154 = arith.muli %arg1, %mul3A_153 : i32
    %add3A_155 = arith.constant 160 : i32
    %add3A_156 = arith.addi %mul3A_154, %add3A_155 : i32
    "tpu.region"() ({
      %run_scoped3A = tpu.sem_alloc : memref<!tpu.dma_semaphore, #tpu.memory_space<semaphore_mem>>
      %dma_start3A_197 = arith.constant 0 : i32
      %dma_start3A_198 = tpu.memref_slice %arg6[%arg0, %add3A_156, %dma_start3A_197] : memref<2x10240x128xf32, #tpu.memory_space<hbm>> -> memref<1x80x128xf32, #tpu.memory_space<hbm>>
      %dma_start3A_199 = tpu.memref_squeeze %dma_start3A_198 : memref<1x80x128xf32, #tpu.memory_space<hbm>> -> memref<80x128xf32, #tpu.memory_space<hbm>>
      %dma_start3A_200 = arith.constant 0 : i32
      %dma_start3A_201 = tpu.memref_slice %arg6[%arg0, %add3A_156, %dma_start3A_200] : memref<2x10240x128xf32, #tpu.memory_space<hbm>> -> memref<1x80x128xf32, #tpu.memory_space<hbm>>
      %dma_start3A_202 = tpu.memref_squeeze %dma_start3A_201 : memref<1x80x128xf32, #tpu.memory_space<hbm>> -> memref<80x128xf32, #tpu.memory_space<hbm>>
      tpu.enqueue_dma source(%arg13 : memref<80x128xf32, #tpu.memory_space<vmem>>) target(%dma_start3A_202 : memref<80x128xf32, #tpu.memory_space<hbm>>) target_semaphore(%run_scoped3A : memref<!tpu.dma_semaphore, #tpu.memory_space<semaphore_mem>>)
      %dma_wait3A_203 = arith.constant 0 : i32
      %dma_wait3A_204 = tpu.memref_slice %arg6[%arg0, %add3A_156, %dma_wait3A_203] : memref<2x10240x128xf32, #tpu.memory_space<hbm>> -> memref<1x80x128xf32, #tpu.memory_space<hbm>>
      %dma_wait3A_205 = tpu.memref_squeeze %dma_wait3A_204 : memref<1x80x128xf32, #tpu.memory_space<hbm>> -> memref<80x128xf32, #tpu.memory_space<hbm>>
      %dma_wait3A_206 = arith.constant 0 : i32
      %dma_wait3A_207 = tpu.memref_slice %arg6[%arg0, %add3A_156, %dma_wait3A_206] : memref<2x10240x128xf32, #tpu.memory_space<hbm>> -> memref<1x80x128xf32, #tpu.memory_space<hbm>>
      %dma_wait3A_208 = tpu.memref_squeeze %dma_wait3A_207 : memref<1x80x128xf32, #tpu.memory_space<hbm>> -> memref<80x128xf32, #tpu.memory_space<hbm>>
      tpu.wait_dma2 semaphore(%run_scoped3A : memref<!tpu.dma_semaphore, #tpu.memory_space<semaphore_mem>>) src(%arg13 : memref<80x128xf32, #tpu.memory_space<vmem>>) dst(%dma_wait3A_208 : memref<80x128xf32, #tpu.memory_space<hbm>>)
      tpu.yield
    }) : () -> ()
    %mul3A_157 = arith.constant 640 : i32
    %mul3A_158 = arith.muli %arg1, %mul3A_157 : i32
    %add3A_159 = arith.constant 240 : i32
    %add3A_160 = arith.addi %mul3A_158, %add3A_159 : i32
    "tpu.region"() ({
      %run_scoped3A = tpu.sem_alloc : memref<!tpu.dma_semaphore, #tpu.memory_space<semaphore_mem>>
      %dma_start3A_197 = arith.constant 0 : i32
      %dma_start3A_198 = tpu.memref_slice %arg8[%add3A_160, %dma_start3A_197] : memref<10240x128xf32, #tpu.memory_space<vmem_shared>> -> memref<80x128xf32, #tpu.memory_space<vmem_shared>>
      %dma_start3A_199 = arith.constant 0 : i32
      %dma_start3A_200 = tpu.memref_slice %arg8[%add3A_160, %dma_start3A_199] : memref<10240x128xf32, #tpu.memory_space<vmem_shared>> -> memref<80x128xf32, #tpu.memory_space<vmem_shared>>
      tpu.enqueue_dma source(%dma_start3A_200 : memref<80x128xf32, #tpu.memory_space<vmem_shared>>) target(%arg13 : memref<80x128xf32, #tpu.memory_space<vmem>>) target_semaphore(%run_scoped3A : memref<!tpu.dma_semaphore, #tpu.memory_space<semaphore_mem>>)
      %dma_wait3A_201 = arith.constant 0 : i32
      %dma_wait3A_202 = tpu.memref_slice %arg8[%add3A_160, %dma_wait3A_201] : memref<10240x128xf32, #tpu.memory_space<vmem_shared>> -> memref<80x128xf32, #tpu.memory_space<vmem_shared>>
      %dma_wait3A_203 = arith.constant 0 : i32
      %dma_wait3A_204 = tpu.memref_slice %arg8[%add3A_160, %dma_wait3A_203] : memref<10240x128xf32, #tpu.memory_space<vmem_shared>> -> memref<80x128xf32, #tpu.memory_space<vmem_shared>>
      tpu.wait_dma2 semaphore(%run_scoped3A : memref<!tpu.dma_semaphore, #tpu.memory_space<semaphore_mem>>) src(%dma_wait3A_204 : memref<80x128xf32, #tpu.memory_space<vmem_shared>>) dst(%arg13 : memref<80x128xf32, #tpu.memory_space<vmem>>)
      tpu.yield
    }) : () -> ()
    %mul3A_161 = arith.constant 640 : i32
    %mul3A_162 = arith.muli %arg1, %mul3A_161 : i32
    %add3A_163 = arith.constant 240 : i32
    %add3A_164 = arith.addi %mul3A_162, %add3A_163 : i32
    "tpu.region"() ({
      %run_scoped3A = tpu.sem_alloc : memref<!tpu.dma_semaphore, #tpu.memory_space<semaphore_mem>>
      %dma_start3A_197 = arith.constant 0 : i32
      %dma_start3A_198 = tpu.memref_slice %arg6[%arg0, %add3A_164, %dma_start3A_197] : memref<2x10240x128xf32, #tpu.memory_space<hbm>> -> memref<1x80x128xf32, #tpu.memory_space<hbm>>
      %dma_start3A_199 = tpu.memref_squeeze %dma_start3A_198 : memref<1x80x128xf32, #tpu.memory_space<hbm>> -> memref<80x128xf32, #tpu.memory_space<hbm>>
      %dma_start3A_200 = arith.constant 0 : i32
      %dma_start3A_201 = tpu.memref_slice %arg6[%arg0, %add3A_164, %dma_start3A_200] : memref<2x10240x128xf32, #tpu.memory_space<hbm>> -> memref<1x80x128xf32, #tpu.memory_space<hbm>>
      %dma_start3A_202 = tpu.memref_squeeze %dma_start3A_201 : memref<1x80x128xf32, #tpu.memory_space<hbm>> -> memref<80x128xf32, #tpu.memory_space<hbm>>
      tpu.enqueue_dma source(%arg13 : memref<80x128xf32, #tpu.memory_space<vmem>>) target(%dma_start3A_202 : memref<80x128xf32, #tpu.memory_space<hbm>>) target_semaphore(%run_scoped3A : memref<!tpu.dma_semaphore, #tpu.memory_space<semaphore_mem>>)
      %dma_wait3A_203 = arith.constant 0 : i32
      %dma_wait3A_204 = tpu.memref_slice %arg6[%arg0, %add3A_164, %dma_wait3A_203] : memref<2x10240x128xf32, #tpu.memory_space<hbm>> -> memref<1x80x128xf32, #tpu.memory_space<hbm>>
      %dma_wait3A_205 = tpu.memref_squeeze %dma_wait3A_204 : memref<1x80x128xf32, #tpu.memory_space<hbm>> -> memref<80x128xf32, #tpu.memory_space<hbm>>
      %dma_wait3A_206 = arith.constant 0 : i32
      %dma_wait3A_207 = tpu.memref_slice %arg6[%arg0, %add3A_164, %dma_wait3A_206] : memref<2x10240x128xf32, #tpu.memory_space<hbm>> -> memref<1x80x128xf32, #tpu.memory_space<hbm>>
      %dma_wait3A_208 = tpu.memref_squeeze %dma_wait3A_207 : memref<1x80x128xf32, #tpu.memory_space<hbm>> -> memref<80x128xf32, #tpu.memory_space<hbm>>
      tpu.wait_dma2 semaphore(%run_scoped3A : memref<!tpu.dma_semaphore, #tpu.memory_space<semaphore_mem>>) src(%arg13 : memref<80x128xf32, #tpu.memory_space<vmem>>) dst(%dma_wait3A_208 : memref<80x128xf32, #tpu.memory_space<hbm>>)
      tpu.yield
    }) : () -> ()
    %mul3A_165 = arith.constant 640 : i32
    %mul3A_166 = arith.muli %arg1, %mul3A_165 : i32
    %add3A_167 = arith.constant 320 : i32
    %add3A_168 = arith.addi %mul3A_166, %add3A_167 : i32
    "tpu.region"() ({
      %run_scoped3A = tpu.sem_alloc : memref<!tpu.dma_semaphore, #tpu.memory_space<semaphore_mem>>
      %dma_start3A_197 = arith.constant 0 : i32
      %dma_start3A_198 = tpu.memref_slice %arg8[%add3A_168, %dma_start3A_197] : memref<10240x128xf32, #tpu.memory_space<vmem_shared>> -> memref<80x128xf32, #tpu.memory_space<vmem_shared>>
      %dma_start3A_199 = arith.constant 0 : i32
      %dma_start3A_200 = tpu.memref_slice %arg8[%add3A_168, %dma_start3A_199] : memref<10240x128xf32, #tpu.memory_space<vmem_shared>> -> memref<80x128xf32, #tpu.memory_space<vmem_shared>>
      tpu.enqueue_dma source(%dma_start3A_200 : memref<80x128xf32, #tpu.memory_space<vmem_shared>>) target(%arg13 : memref<80x128xf32, #tpu.memory_space<vmem>>) target_semaphore(%run_scoped3A : memref<!tpu.dma_semaphore, #tpu.memory_space<semaphore_mem>>)
      %dma_wait3A_201 = arith.constant 0 : i32
      %dma_wait3A_202 = tpu.memref_slice %arg8[%add3A_168, %dma_wait3A_201] : memref<10240x128xf32, #tpu.memory_space<vmem_shared>> -> memref<80x128xf32, #tpu.memory_space<vmem_shared>>
      %dma_wait3A_203 = arith.constant 0 : i32
      %dma_wait3A_204 = tpu.memref_slice %arg8[%add3A_168, %dma_wait3A_203] : memref<10240x128xf32, #tpu.memory_space<vmem_shared>> -> memref<80x128xf32, #tpu.memory_space<vmem_shared>>
      tpu.wait_dma2 semaphore(%run_scoped3A : memref<!tpu.dma_semaphore, #tpu.memory_space<semaphore_mem>>) src(%dma_wait3A_204 : memref<80x128xf32, #tpu.memory_space<vmem_shared>>) dst(%arg13 : memref<80x128xf32, #tpu.memory_space<vmem>>)
      tpu.yield
    }) : () -> ()
    %mul3A_169 = arith.constant 640 : i32
    %mul3A_170 = arith.muli %arg1, %mul3A_169 : i32
    %add3A_171 = arith.constant 320 : i32
    %add3A_172 = arith.addi %mul3A_170, %add3A_171 : i32
    "tpu.region"() ({
      %run_scoped3A = tpu.sem_alloc : memref<!tpu.dma_semaphore, #tpu.memory_space<semaphore_mem>>
      %dma_start3A_197 = arith.constant 0 : i32
      %dma_start3A_198 = tpu.memref_slice %arg6[%arg0, %add3A_172, %dma_start3A_197] : memref<2x10240x128xf32, #tpu.memory_space<hbm>> -> memref<1x80x128xf32, #tpu.memory_space<hbm>>
      %dma_start3A_199 = tpu.memref_squeeze %dma_start3A_198 : memref<1x80x128xf32, #tpu.memory_space<hbm>> -> memref<80x128xf32, #tpu.memory_space<hbm>>
      %dma_start3A_200 = arith.constant 0 : i32
      %dma_start3A_201 = tpu.memref_slice %arg6[%arg0, %add3A_172, %dma_start3A_200] : memref<2x10240x128xf32, #tpu.memory_space<hbm>> -> memref<1x80x128xf32, #tpu.memory_space<hbm>>
      %dma_start3A_202 = tpu.memref_squeeze %dma_start3A_201 : memref<1x80x128xf32, #tpu.memory_space<hbm>> -> memref<80x128xf32, #tpu.memory_space<hbm>>
      tpu.enqueue_dma source(%arg13 : memref<80x128xf32, #tpu.memory_space<vmem>>) target(%dma_start3A_202 : memref<80x128xf32, #tpu.memory_space<hbm>>) target_semaphore(%run_scoped3A : memref<!tpu.dma_semaphore, #tpu.memory_space<semaphore_mem>>)
      %dma_wait3A_203 = arith.constant 0 : i32
      %dma_wait3A_204 = tpu.memref_slice %arg6[%arg0, %add3A_172, %dma_wait3A_203] : memref<2x10240x128xf32, #tpu.memory_space<hbm>> -> memref<1x80x128xf32, #tpu.memory_space<hbm>>
      %dma_wait3A_205 = tpu.memref_squeeze %dma_wait3A_204 : memref<1x80x128xf32, #tpu.memory_space<hbm>> -> memref<80x128xf32, #tpu.memory_space<hbm>>
      %dma_wait3A_206 = arith.constant 0 : i32
      %dma_wait3A_207 = tpu.memref_slice %arg6[%arg0, %add3A_172, %dma_wait3A_206] : memref<2x10240x128xf32, #tpu.memory_space<hbm>> -> memref<1x80x128xf32, #tpu.memory_space<hbm>>
      %dma_wait3A_208 = tpu.memref_squeeze %dma_wait3A_207 : memref<1x80x128xf32, #tpu.memory_space<hbm>> -> memref<80x128xf32, #tpu.memory_space<hbm>>
      tpu.wait_dma2 semaphore(%run_scoped3A : memref<!tpu.dma_semaphore, #tpu.memory_space<semaphore_mem>>) src(%arg13 : memref<80x128xf32, #tpu.memory_space<vmem>>) dst(%dma_wait3A_208 : memref<80x128xf32, #tpu.memory_space<hbm>>)
      tpu.yield
    }) : () -> ()
    %mul3A_173 = arith.constant 640 : i32
    %mul3A_174 = arith.muli %arg1, %mul3A_173 : i32
    %add3A_175 = arith.constant 400 : i32
    %add3A_176 = arith.addi %mul3A_174, %add3A_175 : i32
    "tpu.region"() ({
      %run_scoped3A = tpu.sem_alloc : memref<!tpu.dma_semaphore, #tpu.memory_space<semaphore_mem>>
      %dma_start3A_197 = arith.constant 0 : i32
      %dma_start3A_198 = tpu.memref_slice %arg8[%add3A_176, %dma_start3A_197] : memref<10240x128xf32, #tpu.memory_space<vmem_shared>> -> memref<80x128xf32, #tpu.memory_space<vmem_shared>>
      %dma_start3A_199 = arith.constant 0 : i32
      %dma_start3A_200 = tpu.memref_slice %arg8[%add3A_176, %dma_start3A_199] : memref<10240x128xf32, #tpu.memory_space<vmem_shared>> -> memref<80x128xf32, #tpu.memory_space<vmem_shared>>
      tpu.enqueue_dma source(%dma_start3A_200 : memref<80x128xf32, #tpu.memory_space<vmem_shared>>) target(%arg13 : memref<80x128xf32, #tpu.memory_space<vmem>>) target_semaphore(%run_scoped3A : memref<!tpu.dma_semaphore, #tpu.memory_space<semaphore_mem>>)
      %dma_wait3A_201 = arith.constant 0 : i32
      %dma_wait3A_202 = tpu.memref_slice %arg8[%add3A_176, %dma_wait3A_201] : memref<10240x128xf32, #tpu.memory_space<vmem_shared>> -> memref<80x128xf32, #tpu.memory_space<vmem_shared>>
      %dma_wait3A_203 = arith.constant 0 : i32
      %dma_wait3A_204 = tpu.memref_slice %arg8[%add3A_176, %dma_wait3A_203] : memref<10240x128xf32, #tpu.memory_space<vmem_shared>> -> memref<80x128xf32, #tpu.memory_space<vmem_shared>>
      tpu.wait_dma2 semaphore(%run_scoped3A : memref<!tpu.dma_semaphore, #tpu.memory_space<semaphore_mem>>) src(%dma_wait3A_204 : memref<80x128xf32, #tpu.memory_space<vmem_shared>>) dst(%arg13 : memref<80x128xf32, #tpu.memory_space<vmem>>)
      tpu.yield
    }) : () -> ()
    %mul3A_177 = arith.constant 640 : i32
    %mul3A_178 = arith.muli %arg1, %mul3A_177 : i32
    %add3A_179 = arith.constant 400 : i32
    %add3A_180 = arith.addi %mul3A_178, %add3A_179 : i32
    "tpu.region"() ({
      %run_scoped3A = tpu.sem_alloc : memref<!tpu.dma_semaphore, #tpu.memory_space<semaphore_mem>>
      %dma_start3A_197 = arith.constant 0 : i32
      %dma_start3A_198 = tpu.memref_slice %arg6[%arg0, %add3A_180, %dma_start3A_197] : memref<2x10240x128xf32, #tpu.memory_space<hbm>> -> memref<1x80x128xf32, #tpu.memory_space<hbm>>
      %dma_start3A_199 = tpu.memref_squeeze %dma_start3A_198 : memref<1x80x128xf32, #tpu.memory_space<hbm>> -> memref<80x128xf32, #tpu.memory_space<hbm>>
      %dma_start3A_200 = arith.constant 0 : i32
      %dma_start3A_201 = tpu.memref_slice %arg6[%arg0, %add3A_180, %dma_start3A_200] : memref<2x10240x128xf32, #tpu.memory_space<hbm>> -> memref<1x80x128xf32, #tpu.memory_space<hbm>>
      %dma_start3A_202 = tpu.memref_squeeze %dma_start3A_201 : memref<1x80x128xf32, #tpu.memory_space<hbm>> -> memref<80x128xf32, #tpu.memory_space<hbm>>
      tpu.enqueue_dma source(%arg13 : memref<80x128xf32, #tpu.memory_space<vmem>>) target(%dma_start3A_202 : memref<80x128xf32, #tpu.memory_space<hbm>>) target_semaphore(%run_scoped3A : memref<!tpu.dma_semaphore, #tpu.memory_space<semaphore_mem>>)
      %dma_wait3A_203 = arith.constant 0 : i32
      %dma_wait3A_204 = tpu.memref_slice %arg6[%arg0, %add3A_180, %dma_wait3A_203] : memref<2x10240x128xf32, #tpu.memory_space<hbm>> -> memref<1x80x128xf32, #tpu.memory_space<hbm>>
      %dma_wait3A_205 = tpu.memref_squeeze %dma_wait3A_204 : memref<1x80x128xf32, #tpu.memory_space<hbm>> -> memref<80x128xf32, #tpu.memory_space<hbm>>
      %dma_wait3A_206 = arith.constant 0 : i32
      %dma_wait3A_207 = tpu.memref_slice %arg6[%arg0, %add3A_180, %dma_wait3A_206] : memref<2x10240x128xf32, #tpu.memory_space<hbm>> -> memref<1x80x128xf32, #tpu.memory_space<hbm>>
      %dma_wait3A_208 = tpu.memref_squeeze %dma_wait3A_207 : memref<1x80x128xf32, #tpu.memory_space<hbm>> -> memref<80x128xf32, #tpu.memory_space<hbm>>
      tpu.wait_dma2 semaphore(%run_scoped3A : memref<!tpu.dma_semaphore, #tpu.memory_space<semaphore_mem>>) src(%arg13 : memref<80x128xf32, #tpu.memory_space<vmem>>) dst(%dma_wait3A_208 : memref<80x128xf32, #tpu.memory_space<hbm>>)
      tpu.yield
    }) : () -> ()
    %mul3A_181 = arith.constant 640 : i32
    %mul3A_182 = arith.muli %arg1, %mul3A_181 : i32
    %add3A_183 = arith.constant 480 : i32
    %add3A_184 = arith.addi %mul3A_182, %add3A_183 : i32
    "tpu.region"() ({
      %run_scoped3A = tpu.sem_alloc : memref<!tpu.dma_semaphore, #tpu.memory_space<semaphore_mem>>
      %dma_start3A_197 = arith.constant 0 : i32
      %dma_start3A_198 = tpu.memref_slice %arg8[%add3A_184, %dma_start3A_197] : memref<10240x128xf32, #tpu.memory_space<vmem_shared>> -> memref<80x128xf32, #tpu.memory_space<vmem_shared>>
      %dma_start3A_199 = arith.constant 0 : i32
      %dma_start3A_200 = tpu.memref_slice %arg8[%add3A_184, %dma_start3A_199] : memref<10240x128xf32, #tpu.memory_space<vmem_shared>> -> memref<80x128xf32, #tpu.memory_space<vmem_shared>>
      tpu.enqueue_dma source(%dma_start3A_200 : memref<80x128xf32, #tpu.memory_space<vmem_shared>>) target(%arg13 : memref<80x128xf32, #tpu.memory_space<vmem>>) target_semaphore(%run_scoped3A : memref<!tpu.dma_semaphore, #tpu.memory_space<semaphore_mem>>)
      %dma_wait3A_201 = arith.constant 0 : i32
      %dma_wait3A_202 = tpu.memref_slice %arg8[%add3A_184, %dma_wait3A_201] : memref<10240x128xf32, #tpu.memory_space<vmem_shared>> -> memref<80x128xf32, #tpu.memory_space<vmem_shared>>
      %dma_wait3A_203 = arith.constant 0 : i32
      %dma_wait3A_204 = tpu.memref_slice %arg8[%add3A_184, %dma_wait3A_203] : memref<10240x128xf32, #tpu.memory_space<vmem_shared>> -> memref<80x128xf32, #tpu.memory_space<vmem_shared>>
      tpu.wait_dma2 semaphore(%run_scoped3A : memref<!tpu.dma_semaphore, #tpu.memory_space<semaphore_mem>>) src(%dma_wait3A_204 : memref<80x128xf32, #tpu.memory_space<vmem_shared>>) dst(%arg13 : memref<80x128xf32, #tpu.memory_space<vmem>>)
      tpu.yield
    }) : () -> ()
    %mul3A_185 = arith.constant 640 : i32
    %mul3A_186 = arith.muli %arg1, %mul3A_185 : i32
    %add3A_187 = arith.constant 480 : i32
    %add3A_188 = arith.addi %mul3A_186, %add3A_187 : i32
    "tpu.region"() ({
      %run_scoped3A = tpu.sem_alloc : memref<!tpu.dma_semaphore, #tpu.memory_space<semaphore_mem>>
      %dma_start3A_197 = arith.constant 0 : i32
      %dma_start3A_198 = tpu.memref_slice %arg6[%arg0, %add3A_188, %dma_start3A_197] : memref<2x10240x128xf32, #tpu.memory_space<hbm>> -> memref<1x80x128xf32, #tpu.memory_space<hbm>>
      %dma_start3A_199 = tpu.memref_squeeze %dma_start3A_198 : memref<1x80x128xf32, #tpu.memory_space<hbm>> -> memref<80x128xf32, #tpu.memory_space<hbm>>
      %dma_start3A_200 = arith.constant 0 : i32
      %dma_start3A_201 = tpu.memref_slice %arg6[%arg0, %add3A_188, %dma_start3A_200] : memref<2x10240x128xf32, #tpu.memory_space<hbm>> -> memref<1x80x128xf32, #tpu.memory_space<hbm>>
      %dma_start3A_202 = tpu.memref_squeeze %dma_start3A_201 : memref<1x80x128xf32, #tpu.memory_space<hbm>> -> memref<80x128xf32, #tpu.memory_space<hbm>>
      tpu.enqueue_dma source(%arg13 : memref<80x128xf32, #tpu.memory_space<vmem>>) target(%dma_start3A_202 : memref<80x128xf32, #tpu.memory_space<hbm>>) target_semaphore(%run_scoped3A : memref<!tpu.dma_semaphore, #tpu.memory_space<semaphore_mem>>)
      %dma_wait3A_203 = arith.constant 0 : i32
      %dma_wait3A_204 = tpu.memref_slice %arg6[%arg0, %add3A_188, %dma_wait3A_203] : memref<2x10240x128xf32, #tpu.memory_space<hbm>> -> memref<1x80x128xf32, #tpu.memory_space<hbm>>
      %dma_wait3A_205 = tpu.memref_squeeze %dma_wait3A_204 : memref<1x80x128xf32, #tpu.memory_space<hbm>> -> memref<80x128xf32, #tpu.memory_space<hbm>>
      %dma_wait3A_206 = arith.constant 0 : i32
      %dma_wait3A_207 = tpu.memref_slice %arg6[%arg0, %add3A_188, %dma_wait3A_206] : memref<2x10240x128xf32, #tpu.memory_space<hbm>> -> memref<1x80x128xf32, #tpu.memory_space<hbm>>
      %dma_wait3A_208 = tpu.memref_squeeze %dma_wait3A_207 : memref<1x80x128xf32, #tpu.memory_space<hbm>> -> memref<80x128xf32, #tpu.memory_space<hbm>>
      tpu.wait_dma2 semaphore(%run_scoped3A : memref<!tpu.dma_semaphore, #tpu.memory_space<semaphore_mem>>) src(%arg13 : memref<80x128xf32, #tpu.memory_space<vmem>>) dst(%dma_wait3A_208 : memref<80x128xf32, #tpu.memory_space<hbm>>)
      tpu.yield
    }) : () -> ()
    %mul3A_189 = arith.constant 640 : i32
    %mul3A_190 = arith.muli %arg1, %mul3A_189 : i32
    %add3A_191 = arith.constant 560 : i32
    %add3A_192 = arith.addi %mul3A_190, %add3A_191 : i32
    "tpu.region"() ({
      %run_scoped3A = tpu.sem_alloc : memref<!tpu.dma_semaphore, #tpu.memory_space<semaphore_mem>>
      %dma_start3A_197 = arith.constant 0 : i32
      %dma_start3A_198 = tpu.memref_slice %arg8[%add3A_192, %dma_start3A_197] : memref<10240x128xf32, #tpu.memory_space<vmem_shared>> -> memref<80x128xf32, #tpu.memory_space<vmem_shared>>
      %dma_start3A_199 = arith.constant 0 : i32
      %dma_start3A_200 = tpu.memref_slice %arg8[%add3A_192, %dma_start3A_199] : memref<10240x128xf32, #tpu.memory_space<vmem_shared>> -> memref<80x128xf32, #tpu.memory_space<vmem_shared>>
      tpu.enqueue_dma source(%dma_start3A_200 : memref<80x128xf32, #tpu.memory_space<vmem_shared>>) target(%arg13 : memref<80x128xf32, #tpu.memory_space<vmem>>) target_semaphore(%run_scoped3A : memref<!tpu.dma_semaphore, #tpu.memory_space<semaphore_mem>>)
      %dma_wait3A_201 = arith.constant 0 : i32
      %dma_wait3A_202 = tpu.memref_slice %arg8[%add3A_192, %dma_wait3A_201] : memref<10240x128xf32, #tpu.memory_space<vmem_shared>> -> memref<80x128xf32, #tpu.memory_space<vmem_shared>>
      %dma_wait3A_203 = arith.constant 0 : i32
      %dma_wait3A_204 = tpu.memref_slice %arg8[%add3A_192, %dma_wait3A_203] : memref<10240x128xf32, #tpu.memory_space<vmem_shared>> -> memref<80x128xf32, #tpu.memory_space<vmem_shared>>
      tpu.wait_dma2 semaphore(%run_scoped3A : memref<!tpu.dma_semaphore, #tpu.memory_space<semaphore_mem>>) src(%dma_wait3A_204 : memref<80x128xf32, #tpu.memory_space<vmem_shared>>) dst(%arg13 : memref<80x128xf32, #tpu.memory_space<vmem>>)
      tpu.yield
    }) : () -> ()
    %mul3A_193 = arith.constant 640 : i32
    %mul3A_194 = arith.muli %arg1, %mul3A_193 : i32
    %add3A_195 = arith.constant 560 : i32
    %add3A_196 = arith.addi %mul3A_194, %add3A_195 : i32
    "tpu.region"() ({
      %run_scoped3A = tpu.sem_alloc : memref<!tpu.dma_semaphore, #tpu.memory_space<semaphore_mem>>
      %dma_start3A_197 = arith.constant 0 : i32
      %dma_start3A_198 = tpu.memref_slice %arg6[%arg0, %add3A_196, %dma_start3A_197] : memref<2x10240x128xf32, #tpu.memory_space<hbm>> -> memref<1x80x128xf32, #tpu.memory_space<hbm>>
      %dma_start3A_199 = tpu.memref_squeeze %dma_start3A_198 : memref<1x80x128xf32, #tpu.memory_space<hbm>> -> memref<80x128xf32, #tpu.memory_space<hbm>>
      %dma_start3A_200 = arith.constant 0 : i32
      %dma_start3A_201 = tpu.memref_slice %arg6[%arg0, %add3A_196, %dma_start3A_200] : memref<2x10240x128xf32, #tpu.memory_space<hbm>> -> memref<1x80x128xf32, #tpu.memory_space<hbm>>
      %dma_start3A_202 = tpu.memref_squeeze %dma_start3A_201 : memref<1x80x128xf32, #tpu.memory_space<hbm>> -> memref<80x128xf32, #tpu.memory_space<hbm>>
      tpu.enqueue_dma source(%arg13 : memref<80x128xf32, #tpu.memory_space<vmem>>) target(%dma_start3A_202 : memref<80x128xf32, #tpu.memory_space<hbm>>) target_semaphore(%run_scoped3A : memref<!tpu.dma_semaphore, #tpu.memory_space<semaphore_mem>>)
      %dma_wait3A_203 = arith.constant 0 : i32
      %dma_wait3A_204 = tpu.memref_slice %arg6[%arg0, %add3A_196, %dma_wait3A_203] : memref<2x10240x128xf32, #tpu.memory_space<hbm>> -> memref<1x80x128xf32, #tpu.memory_space<hbm>>
      %dma_wait3A_205 = tpu.memref_squeeze %dma_wait3A_204 : memref<1x80x128xf32, #tpu.memory_space<hbm>> -> memref<80x128xf32, #tpu.memory_space<hbm>>
      %dma_wait3A_206 = arith.constant 0 : i32
      %dma_wait3A_207 = tpu.memref_slice %arg6[%arg0, %add3A_196, %dma_wait3A_206] : memref<2x10240x128xf32, #tpu.memory_space<hbm>> -> memref<1x80x128xf32, #tpu.memory_space<hbm>>
      %dma_wait3A_208 = tpu.memref_squeeze %dma_wait3A_207 : memref<1x80x128xf32, #tpu.memory_space<hbm>> -> memref<80x128xf32, #tpu.memory_space<hbm>>
      tpu.wait_dma2 semaphore(%run_scoped3A : memref<!tpu.dma_semaphore, #tpu.memory_space<semaphore_mem>>) src(%arg13 : memref<80x128xf32, #tpu.memory_space<vmem>>) dst(%dma_wait3A_208 : memref<80x128xf32, #tpu.memory_space<hbm>>)
      tpu.yield
    }) : () -> ()
    "tpu.region"() ({
      %run_scoped3A = tpu.sem_alloc : memref<!tpu.dma_semaphore, #tpu.memory_space<semaphore_mem>>
      %dma_start3A_197 = arith.constant 0 : i32
      %dma_start3A_198 = arith.constant 0 : i32
      %dma_start3A_199 = tpu.memref_slice %arg7[%add3A, %dma_start3A_197, %dma_start3A_198] : memref<32x80x128xf32, #tpu.memory_space<hbm>> -> memref<1x80x128xf32, #tpu.memory_space<hbm>>
      %dma_start3A_200 = tpu.memref_squeeze %dma_start3A_199 : memref<1x80x128xf32, #tpu.memory_space<hbm>> -> memref<80x128xf32, #tpu.memory_space<hbm>>
      %dma_start3A_201 = arith.constant 0 : i32
      %dma_start3A_202 = arith.constant 0 : i32
      %dma_start3A_203 = tpu.memref_slice %arg7[%add3A, %dma_start3A_201, %dma_start3A_202] : memref<32x80x128xf32, #tpu.memory_space<hbm>> -> memref<1x80x128xf32, #tpu.memory_space<hbm>>
      %dma_start3A_204 = tpu.memref_squeeze %dma_start3A_203 : memref<1x80x128xf32, #tpu.memory_space<hbm>> -> memref<80x128xf32, #tpu.memory_space<hbm>>
      tpu.enqueue_dma source(%arg15 : memref<80x128xf32, #tpu.memory_space<vmem>>) target(%dma_start3A_204 : memref<80x128xf32, #tpu.memory_space<hbm>>) target_semaphore(%run_scoped3A : memref<!tpu.dma_semaphore, #tpu.memory_space<semaphore_mem>>)
      %dma_wait3A_205 = arith.constant 0 : i32
      %dma_wait3A_206 = arith.constant 0 : i32
      %dma_wait3A_207 = tpu.memref_slice %arg7[%add3A, %dma_wait3A_205, %dma_wait3A_206] : memref<32x80x128xf32, #tpu.memory_space<hbm>> -> memref<1x80x128xf32, #tpu.memory_space<hbm>>
      %dma_wait3A_208 = tpu.memref_squeeze %dma_wait3A_207 : memref<1x80x128xf32, #tpu.memory_space<hbm>> -> memref<80x128xf32, #tpu.memory_space<hbm>>
      %dma_wait3A_209 = arith.constant 0 : i32
      %dma_wait3A_210 = arith.constant 0 : i32
      %dma_wait3A_211 = tpu.memref_slice %arg7[%add3A, %dma_wait3A_209, %dma_wait3A_210] : memref<32x80x128xf32, #tpu.memory_space<hbm>> -> memref<1x80x128xf32, #tpu.memory_space<hbm>>
      %dma_wait3A_212 = tpu.memref_squeeze %dma_wait3A_211 : memref<1x80x128xf32, #tpu.memory_space<hbm>> -> memref<80x128xf32, #tpu.memory_space<hbm>>
      tpu.wait_dma2 semaphore(%run_scoped3A : memref<!tpu.dma_semaphore, #tpu.memory_space<semaphore_mem>>) src(%arg15 : memref<80x128xf32, #tpu.memory_space<vmem>>) dst(%dma_wait3A_212 : memref<80x128xf32, #tpu.memory_space<hbm>>)
      tpu.yield
    }) : () -> ()
    return
  }
}

#map = affine_map<(d0, d1) -> (0, 0)>
#map1 = affine_map<(d0, d1) -> (0)>
#map2 = affine_map<(d0, d1) -> (0, 0, 0)>
module attributes {stable_mosaic.version = 14 : i64} {
  func.func @sc_edge_agg(%arg0: i32, %arg1: i32, %arg2: memref<10000x128xf32, #tpu.memory_space<hbm>>, %arg3: memref<327680xi32, #tpu.memory_space<hbm>>, %arg4: memref<327680xi32, #tpu.memory_space<hbm>>, %arg5: memref<128x128xf32, #tpu.memory_space<hbm>>, %arg6: memref<2x10240x128xf32, #tpu.memory_space<hbm>>, %arg7: memref<10240x128xf32, #tpu.memory_space<vmem_shared>>, %arg8: memref<10240xi32, #tpu.memory_space<vmem>>, %arg9: memref<10240xi32, #tpu.memory_space<vmem>>, %arg10: memref<80x128xf32, #tpu.memory_space<vmem>>, %arg11: memref<80x128xf32, #tpu.memory_space<vmem>>, %arg12: memref<!tpu.dma_semaphore, #tpu.memory_space<semaphore_mem>>, %arg13: memref<!tpu.dma_semaphore, #tpu.memory_space<semaphore_mem>>) attributes {dimension_semantics = [#tpu.dimension_semantics<core_parallel>, #tpu.dimension_semantics<subcore_parallel>], iteration_bounds = array<i64: 2, 16>, scalar_prefetch = 0 : i64, scratch_operands = 7 : i64, tpu.core_type = #tpu.core_type<sc_vector_subcore>, window_params = [{transform_indices = #map}, {transform_indices = #map1}, {transform_indices = #map1}, {transform_indices = #map}, {transform_indices = #map2}]} {
    %mul3A = arith.constant 16 : i32
    %mul3A_0 = arith.muli %arg0, %mul3A : i32
    %add3A = arith.addi %mul3A_0, %arg1 : i32
    %mul3A_1 = arith.constant 10240 : i32
    %mul3A_2 = arith.muli %add3A, %mul3A_1 : i32
    "tpu.region"() ({
      %run_scoped3A = tpu.sem_alloc : memref<!tpu.dma_semaphore, #tpu.memory_space<semaphore_mem>>
      %dma_start3A_124 = tpu.memref_slice %arg3[%mul3A_2] : memref<327680xi32, #tpu.memory_space<hbm>> -> memref<10240xi32, #tpu.memory_space<hbm>>
      %dma_start3A_125 = tpu.memref_slice %arg3[%mul3A_2] : memref<327680xi32, #tpu.memory_space<hbm>> -> memref<10240xi32, #tpu.memory_space<hbm>>
      tpu.enqueue_dma source(%dma_start3A_125 : memref<10240xi32, #tpu.memory_space<hbm>>) target(%arg8 : memref<10240xi32, #tpu.memory_space<vmem>>) target_semaphore(%run_scoped3A : memref<!tpu.dma_semaphore, #tpu.memory_space<semaphore_mem>>)
      %dma_wait3A_126 = tpu.memref_slice %arg3[%mul3A_2] : memref<327680xi32, #tpu.memory_space<hbm>> -> memref<10240xi32, #tpu.memory_space<hbm>>
      %dma_wait3A_127 = tpu.memref_slice %arg3[%mul3A_2] : memref<327680xi32, #tpu.memory_space<hbm>> -> memref<10240xi32, #tpu.memory_space<hbm>>
      tpu.wait_dma2 semaphore(%run_scoped3A : memref<!tpu.dma_semaphore, #tpu.memory_space<semaphore_mem>>) src(%dma_wait3A_127 : memref<10240xi32, #tpu.memory_space<hbm>>) dst(%arg8 : memref<10240xi32, #tpu.memory_space<vmem>>)
      tpu.yield
    }) : () -> ()
    "tpu.region"() ({
      %run_scoped3A = tpu.sem_alloc : memref<!tpu.dma_semaphore, #tpu.memory_space<semaphore_mem>>
      %dma_start3A_124 = tpu.memref_slice %arg4[%mul3A_2] : memref<327680xi32, #tpu.memory_space<hbm>> -> memref<10240xi32, #tpu.memory_space<hbm>>
      %dma_start3A_125 = tpu.memref_slice %arg4[%mul3A_2] : memref<327680xi32, #tpu.memory_space<hbm>> -> memref<10240xi32, #tpu.memory_space<hbm>>
      tpu.enqueue_dma source(%dma_start3A_125 : memref<10240xi32, #tpu.memory_space<hbm>>) target(%arg9 : memref<10240xi32, #tpu.memory_space<vmem>>) target_semaphore(%run_scoped3A : memref<!tpu.dma_semaphore, #tpu.memory_space<semaphore_mem>>)
      %dma_wait3A_126 = tpu.memref_slice %arg4[%mul3A_2] : memref<327680xi32, #tpu.memory_space<hbm>> -> memref<10240xi32, #tpu.memory_space<hbm>>
      %dma_wait3A_127 = tpu.memref_slice %arg4[%mul3A_2] : memref<327680xi32, #tpu.memory_space<hbm>> -> memref<10240xi32, #tpu.memory_space<hbm>>
      tpu.wait_dma2 semaphore(%run_scoped3A : memref<!tpu.dma_semaphore, #tpu.memory_space<semaphore_mem>>) src(%dma_wait3A_127 : memref<10240xi32, #tpu.memory_space<hbm>>) dst(%arg9 : memref<10240xi32, #tpu.memory_space<vmem>>)
      tpu.yield
    }) : () -> ()
    "tpu.region"() ({
      %run_scoped3A = tpu.sem_alloc : memref<!tpu.dma_semaphore, #tpu.memory_space<semaphore_mem>>
      %dma_start3A_124 = arith.constant 0 : i32
      %dma_start3A_125 = arith.constant 0 : i32
      %dma_start3A_126 = tpu.memref_slice %arg5[%dma_start3A_124, %dma_start3A_125] : memref<128x128xf32, #tpu.memory_space<hbm>> -> memref<80x128xf32, #tpu.memory_space<hbm>>
      %dma_start3A_127 = arith.constant 0 : i32
      %dma_start3A_128 = arith.constant 0 : i32
      %dma_start3A_129 = tpu.memref_slice %arg5[%dma_start3A_127, %dma_start3A_128] : memref<128x128xf32, #tpu.memory_space<hbm>> -> memref<80x128xf32, #tpu.memory_space<hbm>>
      tpu.enqueue_dma source(%dma_start3A_129 : memref<80x128xf32, #tpu.memory_space<hbm>>) target(%arg10 : memref<80x128xf32, #tpu.memory_space<vmem>>) target_semaphore(%run_scoped3A : memref<!tpu.dma_semaphore, #tpu.memory_space<semaphore_mem>>)
      %dma_wait3A_130 = arith.constant 0 : i32
      %dma_wait3A_131 = arith.constant 0 : i32
      %dma_wait3A_132 = tpu.memref_slice %arg5[%dma_wait3A_130, %dma_wait3A_131] : memref<128x128xf32, #tpu.memory_space<hbm>> -> memref<80x128xf32, #tpu.memory_space<hbm>>
      %dma_wait3A_133 = arith.constant 0 : i32
      %dma_wait3A_134 = arith.constant 0 : i32
      %dma_wait3A_135 = tpu.memref_slice %arg5[%dma_wait3A_133, %dma_wait3A_134] : memref<128x128xf32, #tpu.memory_space<hbm>> -> memref<80x128xf32, #tpu.memory_space<hbm>>
      tpu.wait_dma2 semaphore(%run_scoped3A : memref<!tpu.dma_semaphore, #tpu.memory_space<semaphore_mem>>) src(%dma_wait3A_135 : memref<80x128xf32, #tpu.memory_space<hbm>>) dst(%arg10 : memref<80x128xf32, #tpu.memory_space<vmem>>)
      tpu.yield
    }) : () -> ()
    %mul3A_3 = arith.constant 640 : i32
    %mul3A_4 = arith.muli %arg1, %mul3A_3 : i32
    %add3A_5 = arith.constant 0 : i32
    %add3A_6 = arith.addi %mul3A_4, %add3A_5 : i32
    "tpu.region"() ({
      %run_scoped3A = tpu.sem_alloc : memref<!tpu.dma_semaphore, #tpu.memory_space<semaphore_mem>>
      %dma_start3A_124 = arith.constant 0 : i32
      %dma_start3A_125 = tpu.memref_slice %arg7[%add3A_6, %dma_start3A_124] : memref<10240x128xf32, #tpu.memory_space<vmem_shared>> -> memref<80x128xf32, #tpu.memory_space<vmem_shared>>
      %dma_start3A_126 = arith.constant 0 : i32
      %dma_start3A_127 = tpu.memref_slice %arg7[%add3A_6, %dma_start3A_126] : memref<10240x128xf32, #tpu.memory_space<vmem_shared>> -> memref<80x128xf32, #tpu.memory_space<vmem_shared>>
      tpu.enqueue_dma source(%arg10 : memref<80x128xf32, #tpu.memory_space<vmem>>) target(%dma_start3A_127 : memref<80x128xf32, #tpu.memory_space<vmem_shared>>) target_semaphore(%run_scoped3A : memref<!tpu.dma_semaphore, #tpu.memory_space<semaphore_mem>>)
      %dma_wait3A_128 = arith.constant 0 : i32
      %dma_wait3A_129 = tpu.memref_slice %arg7[%add3A_6, %dma_wait3A_128] : memref<10240x128xf32, #tpu.memory_space<vmem_shared>> -> memref<80x128xf32, #tpu.memory_space<vmem_shared>>
      %dma_wait3A_130 = arith.constant 0 : i32
      %dma_wait3A_131 = tpu.memref_slice %arg7[%add3A_6, %dma_wait3A_130] : memref<10240x128xf32, #tpu.memory_space<vmem_shared>> -> memref<80x128xf32, #tpu.memory_space<vmem_shared>>
      tpu.wait_dma2 semaphore(%run_scoped3A : memref<!tpu.dma_semaphore, #tpu.memory_space<semaphore_mem>>) src(%arg10 : memref<80x128xf32, #tpu.memory_space<vmem>>) dst(%dma_wait3A_131 : memref<80x128xf32, #tpu.memory_space<vmem_shared>>)
      tpu.yield
    }) : () -> ()
    %mul3A_7 = arith.constant 640 : i32
    %mul3A_8 = arith.muli %arg1, %mul3A_7 : i32
    %add3A_9 = arith.constant 80 : i32
    %add3A_10 = arith.addi %mul3A_8, %add3A_9 : i32
    "tpu.region"() ({
      %run_scoped3A = tpu.sem_alloc : memref<!tpu.dma_semaphore, #tpu.memory_space<semaphore_mem>>
      %dma_start3A_124 = arith.constant 0 : i32
      %dma_start3A_125 = tpu.memref_slice %arg7[%add3A_10, %dma_start3A_124] : memref<10240x128xf32, #tpu.memory_space<vmem_shared>> -> memref<80x128xf32, #tpu.memory_space<vmem_shared>>
      %dma_start3A_126 = arith.constant 0 : i32
      %dma_start3A_127 = tpu.memref_slice %arg7[%add3A_10, %dma_start3A_126] : memref<10240x128xf32, #tpu.memory_space<vmem_shared>> -> memref<80x128xf32, #tpu.memory_space<vmem_shared>>
      tpu.enqueue_dma source(%arg10 : memref<80x128xf32, #tpu.memory_space<vmem>>) target(%dma_start3A_127 : memref<80x128xf32, #tpu.memory_space<vmem_shared>>) target_semaphore(%run_scoped3A : memref<!tpu.dma_semaphore, #tpu.memory_space<semaphore_mem>>)
      %dma_wait3A_128 = arith.constant 0 : i32
      %dma_wait3A_129 = tpu.memref_slice %arg7[%add3A_10, %dma_wait3A_128] : memref<10240x128xf32, #tpu.memory_space<vmem_shared>> -> memref<80x128xf32, #tpu.memory_space<vmem_shared>>
      %dma_wait3A_130 = arith.constant 0 : i32
      %dma_wait3A_131 = tpu.memref_slice %arg7[%add3A_10, %dma_wait3A_130] : memref<10240x128xf32, #tpu.memory_space<vmem_shared>> -> memref<80x128xf32, #tpu.memory_space<vmem_shared>>
      tpu.wait_dma2 semaphore(%run_scoped3A : memref<!tpu.dma_semaphore, #tpu.memory_space<semaphore_mem>>) src(%arg10 : memref<80x128xf32, #tpu.memory_space<vmem>>) dst(%dma_wait3A_131 : memref<80x128xf32, #tpu.memory_space<vmem_shared>>)
      tpu.yield
    }) : () -> ()
    %mul3A_11 = arith.constant 640 : i32
    %mul3A_12 = arith.muli %arg1, %mul3A_11 : i32
    %add3A_13 = arith.constant 160 : i32
    %add3A_14 = arith.addi %mul3A_12, %add3A_13 : i32
    "tpu.region"() ({
      %run_scoped3A = tpu.sem_alloc : memref<!tpu.dma_semaphore, #tpu.memory_space<semaphore_mem>>
      %dma_start3A_124 = arith.constant 0 : i32
      %dma_start3A_125 = tpu.memref_slice %arg7[%add3A_14, %dma_start3A_124] : memref<10240x128xf32, #tpu.memory_space<vmem_shared>> -> memref<80x128xf32, #tpu.memory_space<vmem_shared>>
      %dma_start3A_126 = arith.constant 0 : i32
      %dma_start3A_127 = tpu.memref_slice %arg7[%add3A_14, %dma_start3A_126] : memref<10240x128xf32, #tpu.memory_space<vmem_shared>> -> memref<80x128xf32, #tpu.memory_space<vmem_shared>>
      tpu.enqueue_dma source(%arg10 : memref<80x128xf32, #tpu.memory_space<vmem>>) target(%dma_start3A_127 : memref<80x128xf32, #tpu.memory_space<vmem_shared>>) target_semaphore(%run_scoped3A : memref<!tpu.dma_semaphore, #tpu.memory_space<semaphore_mem>>)
      %dma_wait3A_128 = arith.constant 0 : i32
      %dma_wait3A_129 = tpu.memref_slice %arg7[%add3A_14, %dma_wait3A_128] : memref<10240x128xf32, #tpu.memory_space<vmem_shared>> -> memref<80x128xf32, #tpu.memory_space<vmem_shared>>
      %dma_wait3A_130 = arith.constant 0 : i32
      %dma_wait3A_131 = tpu.memref_slice %arg7[%add3A_14, %dma_wait3A_130] : memref<10240x128xf32, #tpu.memory_space<vmem_shared>> -> memref<80x128xf32, #tpu.memory_space<vmem_shared>>
      tpu.wait_dma2 semaphore(%run_scoped3A : memref<!tpu.dma_semaphore, #tpu.memory_space<semaphore_mem>>) src(%arg10 : memref<80x128xf32, #tpu.memory_space<vmem>>) dst(%dma_wait3A_131 : memref<80x128xf32, #tpu.memory_space<vmem_shared>>)
      tpu.yield
    }) : () -> ()
    %mul3A_15 = arith.constant 640 : i32
    %mul3A_16 = arith.muli %arg1, %mul3A_15 : i32
    %add3A_17 = arith.constant 240 : i32
    %add3A_18 = arith.addi %mul3A_16, %add3A_17 : i32
    "tpu.region"() ({
      %run_scoped3A = tpu.sem_alloc : memref<!tpu.dma_semaphore, #tpu.memory_space<semaphore_mem>>
      %dma_start3A_124 = arith.constant 0 : i32
      %dma_start3A_125 = tpu.memref_slice %arg7[%add3A_18, %dma_start3A_124] : memref<10240x128xf32, #tpu.memory_space<vmem_shared>> -> memref<80x128xf32, #tpu.memory_space<vmem_shared>>
      %dma_start3A_126 = arith.constant 0 : i32
      %dma_start3A_127 = tpu.memref_slice %arg7[%add3A_18, %dma_start3A_126] : memref<10240x128xf32, #tpu.memory_space<vmem_shared>> -> memref<80x128xf32, #tpu.memory_space<vmem_shared>>
      tpu.enqueue_dma source(%arg10 : memref<80x128xf32, #tpu.memory_space<vmem>>) target(%dma_start3A_127 : memref<80x128xf32, #tpu.memory_space<vmem_shared>>) target_semaphore(%run_scoped3A : memref<!tpu.dma_semaphore, #tpu.memory_space<semaphore_mem>>)
      %dma_wait3A_128 = arith.constant 0 : i32
      %dma_wait3A_129 = tpu.memref_slice %arg7[%add3A_18, %dma_wait3A_128] : memref<10240x128xf32, #tpu.memory_space<vmem_shared>> -> memref<80x128xf32, #tpu.memory_space<vmem_shared>>
      %dma_wait3A_130 = arith.constant 0 : i32
      %dma_wait3A_131 = tpu.memref_slice %arg7[%add3A_18, %dma_wait3A_130] : memref<10240x128xf32, #tpu.memory_space<vmem_shared>> -> memref<80x128xf32, #tpu.memory_space<vmem_shared>>
      tpu.wait_dma2 semaphore(%run_scoped3A : memref<!tpu.dma_semaphore, #tpu.memory_space<semaphore_mem>>) src(%arg10 : memref<80x128xf32, #tpu.memory_space<vmem>>) dst(%dma_wait3A_131 : memref<80x128xf32, #tpu.memory_space<vmem_shared>>)
      tpu.yield
    }) : () -> ()
    %mul3A_19 = arith.constant 640 : i32
    %mul3A_20 = arith.muli %arg1, %mul3A_19 : i32
    %add3A_21 = arith.constant 320 : i32
    %add3A_22 = arith.addi %mul3A_20, %add3A_21 : i32
    "tpu.region"() ({
      %run_scoped3A = tpu.sem_alloc : memref<!tpu.dma_semaphore, #tpu.memory_space<semaphore_mem>>
      %dma_start3A_124 = arith.constant 0 : i32
      %dma_start3A_125 = tpu.memref_slice %arg7[%add3A_22, %dma_start3A_124] : memref<10240x128xf32, #tpu.memory_space<vmem_shared>> -> memref<80x128xf32, #tpu.memory_space<vmem_shared>>
      %dma_start3A_126 = arith.constant 0 : i32
      %dma_start3A_127 = tpu.memref_slice %arg7[%add3A_22, %dma_start3A_126] : memref<10240x128xf32, #tpu.memory_space<vmem_shared>> -> memref<80x128xf32, #tpu.memory_space<vmem_shared>>
      tpu.enqueue_dma source(%arg10 : memref<80x128xf32, #tpu.memory_space<vmem>>) target(%dma_start3A_127 : memref<80x128xf32, #tpu.memory_space<vmem_shared>>) target_semaphore(%run_scoped3A : memref<!tpu.dma_semaphore, #tpu.memory_space<semaphore_mem>>)
      %dma_wait3A_128 = arith.constant 0 : i32
      %dma_wait3A_129 = tpu.memref_slice %arg7[%add3A_22, %dma_wait3A_128] : memref<10240x128xf32, #tpu.memory_space<vmem_shared>> -> memref<80x128xf32, #tpu.memory_space<vmem_shared>>
      %dma_wait3A_130 = arith.constant 0 : i32
      %dma_wait3A_131 = tpu.memref_slice %arg7[%add3A_22, %dma_wait3A_130] : memref<10240x128xf32, #tpu.memory_space<vmem_shared>> -> memref<80x128xf32, #tpu.memory_space<vmem_shared>>
      tpu.wait_dma2 semaphore(%run_scoped3A : memref<!tpu.dma_semaphore, #tpu.memory_space<semaphore_mem>>) src(%arg10 : memref<80x128xf32, #tpu.memory_space<vmem>>) dst(%dma_wait3A_131 : memref<80x128xf32, #tpu.memory_space<vmem_shared>>)
      tpu.yield
    }) : () -> ()
    %mul3A_23 = arith.constant 640 : i32
    %mul3A_24 = arith.muli %arg1, %mul3A_23 : i32
    %add3A_25 = arith.constant 400 : i32
    %add3A_26 = arith.addi %mul3A_24, %add3A_25 : i32
    "tpu.region"() ({
      %run_scoped3A = tpu.sem_alloc : memref<!tpu.dma_semaphore, #tpu.memory_space<semaphore_mem>>
      %dma_start3A_124 = arith.constant 0 : i32
      %dma_start3A_125 = tpu.memref_slice %arg7[%add3A_26, %dma_start3A_124] : memref<10240x128xf32, #tpu.memory_space<vmem_shared>> -> memref<80x128xf32, #tpu.memory_space<vmem_shared>>
      %dma_start3A_126 = arith.constant 0 : i32
      %dma_start3A_127 = tpu.memref_slice %arg7[%add3A_26, %dma_start3A_126] : memref<10240x128xf32, #tpu.memory_space<vmem_shared>> -> memref<80x128xf32, #tpu.memory_space<vmem_shared>>
      tpu.enqueue_dma source(%arg10 : memref<80x128xf32, #tpu.memory_space<vmem>>) target(%dma_start3A_127 : memref<80x128xf32, #tpu.memory_space<vmem_shared>>) target_semaphore(%run_scoped3A : memref<!tpu.dma_semaphore, #tpu.memory_space<semaphore_mem>>)
      %dma_wait3A_128 = arith.constant 0 : i32
      %dma_wait3A_129 = tpu.memref_slice %arg7[%add3A_26, %dma_wait3A_128] : memref<10240x128xf32, #tpu.memory_space<vmem_shared>> -> memref<80x128xf32, #tpu.memory_space<vmem_shared>>
      %dma_wait3A_130 = arith.constant 0 : i32
      %dma_wait3A_131 = tpu.memref_slice %arg7[%add3A_26, %dma_wait3A_130] : memref<10240x128xf32, #tpu.memory_space<vmem_shared>> -> memref<80x128xf32, #tpu.memory_space<vmem_shared>>
      tpu.wait_dma2 semaphore(%run_scoped3A : memref<!tpu.dma_semaphore, #tpu.memory_space<semaphore_mem>>) src(%arg10 : memref<80x128xf32, #tpu.memory_space<vmem>>) dst(%dma_wait3A_131 : memref<80x128xf32, #tpu.memory_space<vmem_shared>>)
      tpu.yield
    }) : () -> ()
    %mul3A_27 = arith.constant 640 : i32
    %mul3A_28 = arith.muli %arg1, %mul3A_27 : i32
    %add3A_29 = arith.constant 480 : i32
    %add3A_30 = arith.addi %mul3A_28, %add3A_29 : i32
    "tpu.region"() ({
      %run_scoped3A = tpu.sem_alloc : memref<!tpu.dma_semaphore, #tpu.memory_space<semaphore_mem>>
      %dma_start3A_124 = arith.constant 0 : i32
      %dma_start3A_125 = tpu.memref_slice %arg7[%add3A_30, %dma_start3A_124] : memref<10240x128xf32, #tpu.memory_space<vmem_shared>> -> memref<80x128xf32, #tpu.memory_space<vmem_shared>>
      %dma_start3A_126 = arith.constant 0 : i32
      %dma_start3A_127 = tpu.memref_slice %arg7[%add3A_30, %dma_start3A_126] : memref<10240x128xf32, #tpu.memory_space<vmem_shared>> -> memref<80x128xf32, #tpu.memory_space<vmem_shared>>
      tpu.enqueue_dma source(%arg10 : memref<80x128xf32, #tpu.memory_space<vmem>>) target(%dma_start3A_127 : memref<80x128xf32, #tpu.memory_space<vmem_shared>>) target_semaphore(%run_scoped3A : memref<!tpu.dma_semaphore, #tpu.memory_space<semaphore_mem>>)
      %dma_wait3A_128 = arith.constant 0 : i32
      %dma_wait3A_129 = tpu.memref_slice %arg7[%add3A_30, %dma_wait3A_128] : memref<10240x128xf32, #tpu.memory_space<vmem_shared>> -> memref<80x128xf32, #tpu.memory_space<vmem_shared>>
      %dma_wait3A_130 = arith.constant 0 : i32
      %dma_wait3A_131 = tpu.memref_slice %arg7[%add3A_30, %dma_wait3A_130] : memref<10240x128xf32, #tpu.memory_space<vmem_shared>> -> memref<80x128xf32, #tpu.memory_space<vmem_shared>>
      tpu.wait_dma2 semaphore(%run_scoped3A : memref<!tpu.dma_semaphore, #tpu.memory_space<semaphore_mem>>) src(%arg10 : memref<80x128xf32, #tpu.memory_space<vmem>>) dst(%dma_wait3A_131 : memref<80x128xf32, #tpu.memory_space<vmem_shared>>)
      tpu.yield
    }) : () -> ()
    %mul3A_31 = arith.constant 640 : i32
    %mul3A_32 = arith.muli %arg1, %mul3A_31 : i32
    %add3A_33 = arith.constant 560 : i32
    %add3A_34 = arith.addi %mul3A_32, %add3A_33 : i32
    "tpu.region"() ({
      %run_scoped3A = tpu.sem_alloc : memref<!tpu.dma_semaphore, #tpu.memory_space<semaphore_mem>>
      %dma_start3A_124 = arith.constant 0 : i32
      %dma_start3A_125 = tpu.memref_slice %arg7[%add3A_34, %dma_start3A_124] : memref<10240x128xf32, #tpu.memory_space<vmem_shared>> -> memref<80x128xf32, #tpu.memory_space<vmem_shared>>
      %dma_start3A_126 = arith.constant 0 : i32
      %dma_start3A_127 = tpu.memref_slice %arg7[%add3A_34, %dma_start3A_126] : memref<10240x128xf32, #tpu.memory_space<vmem_shared>> -> memref<80x128xf32, #tpu.memory_space<vmem_shared>>
      tpu.enqueue_dma source(%arg10 : memref<80x128xf32, #tpu.memory_space<vmem>>) target(%dma_start3A_127 : memref<80x128xf32, #tpu.memory_space<vmem_shared>>) target_semaphore(%run_scoped3A : memref<!tpu.dma_semaphore, #tpu.memory_space<semaphore_mem>>)
      %dma_wait3A_128 = arith.constant 0 : i32
      %dma_wait3A_129 = tpu.memref_slice %arg7[%add3A_34, %dma_wait3A_128] : memref<10240x128xf32, #tpu.memory_space<vmem_shared>> -> memref<80x128xf32, #tpu.memory_space<vmem_shared>>
      %dma_wait3A_130 = arith.constant 0 : i32
      %dma_wait3A_131 = tpu.memref_slice %arg7[%add3A_34, %dma_wait3A_130] : memref<10240x128xf32, #tpu.memory_space<vmem_shared>> -> memref<80x128xf32, #tpu.memory_space<vmem_shared>>
      tpu.wait_dma2 semaphore(%run_scoped3A : memref<!tpu.dma_semaphore, #tpu.memory_space<semaphore_mem>>) src(%arg10 : memref<80x128xf32, #tpu.memory_space<vmem>>) dst(%dma_wait3A_131 : memref<80x128xf32, #tpu.memory_space<vmem_shared>>)
      tpu.yield
    }) : () -> ()
    %barrier3A = arith.constant 0 : index
    tpu.barrier barrier_id(%barrier3A)
    %broadcast_in_dim3A = arith.constant 1.000000e+00 : f32
    %broadcast_in_dim3A_35 = vector.broadcast %broadcast_in_dim3A : f32 to vector<16xf32>
    %dma_start3A = arith.constant 0 : i32
    %dma_start3A_36 = tpu.memref_slice %arg8[%dma_start3A] : memref<10240xi32, #tpu.memory_space<vmem>> -> memref<80xi32, #tpu.memory_space<vmem>>
    %dma_start3A_37 = arith.constant 0 : i32
    %dma_start3A_38 = arith.constant 0 : i32
    %dma_start3A_39 = tpu.memref_slice %arg2[%dma_start3A_37, %dma_start3A_38] : memref<10000x128xf32, #tpu.memory_space<hbm>> -> memref<10000x128xf32, #tpu.memory_space<hbm>>
    tpu.enqueue_indirect_dma source(%dma_start3A_39 : memref<10000x128xf32, #tpu.memory_space<hbm>>) target(%arg10 : memref<80x128xf32, #tpu.memory_space<vmem>>) offsets(%dma_start3A_36 : memref<80xi32, #tpu.memory_space<vmem>>) semaphore(%arg12 : memref<!tpu.dma_semaphore, #tpu.memory_space<semaphore_mem>>)
    %scan3A = arith.constant 0 : i32
    %scan3A_40 = arith.constant 0 : i32
    %scan3A_41 = arith.constant 63 : i32
    %scan3A_42 = arith.addi %scan3A_40, %scan3A_41 : i32
    %scan3A_43 = arith.constant 1 : i32
    scf.for %scan3A_124 = %scan3A_40 to %scan3A_42 step %scan3A_43  : i32 {
      %mul3A_125 = arith.constant 2 : i32
      %mul3A_126 = arith.muli %mul3A_125, %scan3A_124 : i32
      %add3A_127 = arith.constant 0 : i32
      %add3A_128 = arith.addi %mul3A_126, %add3A_127 : i32
      %add3A_129 = arith.constant 1 : i32
      %add3A_130 = arith.addi %add3A_128, %add3A_129 : i32
      %mul3A_131 = arith.constant 80 : i32
      %mul3A_132 = arith.muli %add3A_128, %mul3A_131 : i32
      %dma_wait3A_133 = tpu.memref_slice %arg8[%mul3A_132] : memref<10240xi32, #tpu.memory_space<vmem>> -> memref<80xi32, #tpu.memory_space<vmem>>
      %dma_wait3A_134 = arith.constant 0 : i32
      %dma_wait3A_135 = arith.constant 0 : i32
      %dma_wait3A_136 = tpu.memref_slice %arg2[%dma_wait3A_134, %dma_wait3A_135] : memref<10000x128xf32, #tpu.memory_space<hbm>> -> memref<10000x128xf32, #tpu.memory_space<hbm>>
      tpu.wait_indirect_dma semaphore(%arg12 : memref<!tpu.dma_semaphore, #tpu.memory_space<semaphore_mem>>) src(%dma_wait3A_136 : memref<10000x128xf32, #tpu.memory_space<hbm>>) dst(%arg10 : memref<80x128xf32, #tpu.memory_space<vmem>>)
      %add3A_137 = arith.constant 1 : i32
      %add3A_138 = arith.addi %add3A_128, %add3A_137 : i32
      %mul3A_139 = arith.constant 80 : i32
      %mul3A_140 = arith.muli %add3A_138, %mul3A_139 : i32
      %dma_start3A_141 = tpu.memref_slice %arg8[%mul3A_140] : memref<10240xi32, #tpu.memory_space<vmem>> -> memref<80xi32, #tpu.memory_space<vmem>>
      %dma_start3A_142 = arith.constant 0 : i32
      %dma_start3A_143 = arith.constant 0 : i32
      %dma_start3A_144 = tpu.memref_slice %arg2[%dma_start3A_142, %dma_start3A_143] : memref<10000x128xf32, #tpu.memory_space<hbm>> -> memref<10000x128xf32, #tpu.memory_space<hbm>>
      tpu.enqueue_indirect_dma source(%dma_start3A_144 : memref<10000x128xf32, #tpu.memory_space<hbm>>) target(%arg11 : memref<80x128xf32, #tpu.memory_space<vmem>>) offsets(%dma_start3A_141 : memref<80xi32, #tpu.memory_space<vmem>>) semaphore(%arg13 : memref<!tpu.dma_semaphore, #tpu.memory_space<semaphore_mem>>)
      %mul3A_145 = arith.constant 80 : i32
      %mul3A_146 = arith.muli %add3A_128, %mul3A_145 : i32
      "tpu.region"() ({
        %run_scoped3A = tpu.sem_alloc : memref<!tpu.dma_semaphore, #tpu.memory_space<semaphore_mem>>
        %dma_start3A_169 = tpu.memref_slice %arg9[%mul3A_146] : memref<10240xi32, #tpu.memory_space<vmem>> -> memref<80xi32, #tpu.memory_space<vmem>>
        %dma_start3A_170 = arith.constant 0 : i32
        %dma_start3A_171 = arith.constant 0 : i32
        %dma_start3A_172 = tpu.memref_slice %arg7[%dma_start3A_170, %dma_start3A_171] : memref<10240x128xf32, #tpu.memory_space<vmem_shared>> -> memref<10240x128xf32, #tpu.memory_space<vmem_shared>>
        tpu.enqueue_indirect_dma source(%arg10 : memref<80x128xf32, #tpu.memory_space<vmem>>) target(%dma_start3A_172 : memref<10240x128xf32, #tpu.memory_space<vmem_shared>>) offsets(%dma_start3A_169 : memref<80xi32, #tpu.memory_space<vmem>>) semaphore(%run_scoped3A : memref<!tpu.dma_semaphore, #tpu.memory_space<semaphore_mem>>) {add = true}
        %dma_wait3A_173 = tpu.memref_slice %arg9[%mul3A_146] : memref<10240xi32, #tpu.memory_space<vmem>> -> memref<80xi32, #tpu.memory_space<vmem>>
        %dma_wait3A_174 = arith.constant 0 : i32
        %dma_wait3A_175 = arith.constant 0 : i32
        %dma_wait3A_176 = tpu.memref_slice %arg7[%dma_wait3A_174, %dma_wait3A_175] : memref<10240x128xf32, #tpu.memory_space<vmem_shared>> -> memref<10240x128xf32, #tpu.memory_space<vmem_shared>>
        tpu.wait_indirect_dma semaphore(%run_scoped3A : memref<!tpu.dma_semaphore, #tpu.memory_space<semaphore_mem>>) src(%arg10 : memref<80x128xf32, #tpu.memory_space<vmem>>) dst(%dma_wait3A_176 : memref<10240x128xf32, #tpu.memory_space<vmem_shared>>)
        tpu.yield
      }) : () -> ()
      %mul3A_147 = arith.constant 2 : i32
      %mul3A_148 = arith.muli %mul3A_147, %scan3A_124 : i32
      %add3A_149 = arith.constant 1 : i32
      %add3A_150 = arith.addi %mul3A_148, %add3A_149 : i32
      %add3A_151 = arith.constant 1 : i32
      %add3A_152 = arith.addi %add3A_150, %add3A_151 : i32
      %mul3A_153 = arith.constant 80 : i32
      %mul3A_154 = arith.muli %add3A_150, %mul3A_153 : i32
      %dma_wait3A_155 = tpu.memref_slice %arg8[%mul3A_154] : memref<10240xi32, #tpu.memory_space<vmem>> -> memref<80xi32, #tpu.memory_space<vmem>>
      %dma_wait3A_156 = arith.constant 0 : i32
      %dma_wait3A_157 = arith.constant 0 : i32
      %dma_wait3A_158 = tpu.memref_slice %arg2[%dma_wait3A_156, %dma_wait3A_157] : memref<10000x128xf32, #tpu.memory_space<hbm>> -> memref<10000x128xf32, #tpu.memory_space<hbm>>
      tpu.wait_indirect_dma semaphore(%arg13 : memref<!tpu.dma_semaphore, #tpu.memory_space<semaphore_mem>>) src(%dma_wait3A_158 : memref<10000x128xf32, #tpu.memory_space<hbm>>) dst(%arg11 : memref<80x128xf32, #tpu.memory_space<vmem>>)
      %add3A_159 = arith.constant 1 : i32
      %add3A_160 = arith.addi %add3A_150, %add3A_159 : i32
      %mul3A_161 = arith.constant 80 : i32
      %mul3A_162 = arith.muli %add3A_160, %mul3A_161 : i32
      %dma_start3A_163 = tpu.memref_slice %arg8[%mul3A_162] : memref<10240xi32, #tpu.memory_space<vmem>> -> memref<80xi32, #tpu.memory_space<vmem>>
      %dma_start3A_164 = arith.constant 0 : i32
      %dma_start3A_165 = arith.constant 0 : i32
      %dma_start3A_166 = tpu.memref_slice %arg2[%dma_start3A_164, %dma_start3A_165] : memref<10000x128xf32, #tpu.memory_space<hbm>> -> memref<10000x128xf32, #tpu.memory_space<hbm>>
      tpu.enqueue_indirect_dma source(%dma_start3A_166 : memref<10000x128xf32, #tpu.memory_space<hbm>>) target(%arg10 : memref<80x128xf32, #tpu.memory_space<vmem>>) offsets(%dma_start3A_163 : memref<80xi32, #tpu.memory_space<vmem>>) semaphore(%arg12 : memref<!tpu.dma_semaphore, #tpu.memory_space<semaphore_mem>>)
      %mul3A_167 = arith.constant 80 : i32
      %mul3A_168 = arith.muli %add3A_150, %mul3A_167 : i32
      "tpu.region"() ({
        %run_scoped3A = tpu.sem_alloc : memref<!tpu.dma_semaphore, #tpu.memory_space<semaphore_mem>>
        %dma_start3A_169 = tpu.memref_slice %arg9[%mul3A_168] : memref<10240xi32, #tpu.memory_space<vmem>> -> memref<80xi32, #tpu.memory_space<vmem>>
        %dma_start3A_170 = arith.constant 0 : i32
        %dma_start3A_171 = arith.constant 0 : i32
        %dma_start3A_172 = tpu.memref_slice %arg7[%dma_start3A_170, %dma_start3A_171] : memref<10240x128xf32, #tpu.memory_space<vmem_shared>> -> memref<10240x128xf32, #tpu.memory_space<vmem_shared>>
        tpu.enqueue_indirect_dma source(%arg11 : memref<80x128xf32, #tpu.memory_space<vmem>>) target(%dma_start3A_172 : memref<10240x128xf32, #tpu.memory_space<vmem_shared>>) offsets(%dma_start3A_169 : memref<80xi32, #tpu.memory_space<vmem>>) semaphore(%run_scoped3A : memref<!tpu.dma_semaphore, #tpu.memory_space<semaphore_mem>>) {add = true}
        %dma_wait3A_173 = tpu.memref_slice %arg9[%mul3A_168] : memref<10240xi32, #tpu.memory_space<vmem>> -> memref<80xi32, #tpu.memory_space<vmem>>
        %dma_wait3A_174 = arith.constant 0 : i32
        %dma_wait3A_175 = arith.constant 0 : i32
        %dma_wait3A_176 = tpu.memref_slice %arg7[%dma_wait3A_174, %dma_wait3A_175] : memref<10240x128xf32, #tpu.memory_space<vmem_shared>> -> memref<10240x128xf32, #tpu.memory_space<vmem_shared>>
        tpu.wait_indirect_dma semaphore(%run_scoped3A : memref<!tpu.dma_semaphore, #tpu.memory_space<semaphore_mem>>) src(%arg11 : memref<80x128xf32, #tpu.memory_space<vmem>>) dst(%dma_wait3A_176 : memref<10240x128xf32, #tpu.memory_space<vmem_shared>>)
        tpu.yield
      }) : () -> ()
    }
    %scan3A_44 = arith.constant 63 : i32
    %dma_wait3A = arith.constant 10080 : i32
    %dma_wait3A_45 = tpu.memref_slice %arg8[%dma_wait3A] : memref<10240xi32, #tpu.memory_space<vmem>> -> memref<80xi32, #tpu.memory_space<vmem>>
    %dma_wait3A_46 = arith.constant 0 : i32
    %dma_wait3A_47 = arith.constant 0 : i32
    %dma_wait3A_48 = tpu.memref_slice %arg2[%dma_wait3A_46, %dma_wait3A_47] : memref<10000x128xf32, #tpu.memory_space<hbm>> -> memref<10000x128xf32, #tpu.memory_space<hbm>>
    tpu.wait_indirect_dma semaphore(%arg12 : memref<!tpu.dma_semaphore, #tpu.memory_space<semaphore_mem>>) src(%dma_wait3A_48 : memref<10000x128xf32, #tpu.memory_space<hbm>>) dst(%arg10 : memref<80x128xf32, #tpu.memory_space<vmem>>)
    %dma_start3A_49 = arith.constant 10160 : i32
    %dma_start3A_50 = tpu.memref_slice %arg8[%dma_start3A_49] : memref<10240xi32, #tpu.memory_space<vmem>> -> memref<80xi32, #tpu.memory_space<vmem>>
    %dma_start3A_51 = arith.constant 0 : i32
    %dma_start3A_52 = arith.constant 0 : i32
    %dma_start3A_53 = tpu.memref_slice %arg2[%dma_start3A_51, %dma_start3A_52] : memref<10000x128xf32, #tpu.memory_space<hbm>> -> memref<10000x128xf32, #tpu.memory_space<hbm>>
    tpu.enqueue_indirect_dma source(%dma_start3A_53 : memref<10000x128xf32, #tpu.memory_space<hbm>>) target(%arg11 : memref<80x128xf32, #tpu.memory_space<vmem>>) offsets(%dma_start3A_50 : memref<80xi32, #tpu.memory_space<vmem>>) semaphore(%arg13 : memref<!tpu.dma_semaphore, #tpu.memory_space<semaphore_mem>>)
    "tpu.region"() ({
      %run_scoped3A = tpu.sem_alloc : memref<!tpu.dma_semaphore, #tpu.memory_space<semaphore_mem>>
      %dma_start3A_124 = arith.constant 10080 : i32
      %dma_start3A_125 = tpu.memref_slice %arg9[%dma_start3A_124] : memref<10240xi32, #tpu.memory_space<vmem>> -> memref<80xi32, #tpu.memory_space<vmem>>
      %dma_start3A_126 = arith.constant 0 : i32
      %dma_start3A_127 = arith.constant 0 : i32
      %dma_start3A_128 = tpu.memref_slice %arg7[%dma_start3A_126, %dma_start3A_127] : memref<10240x128xf32, #tpu.memory_space<vmem_shared>> -> memref<10240x128xf32, #tpu.memory_space<vmem_shared>>
      tpu.enqueue_indirect_dma source(%arg10 : memref<80x128xf32, #tpu.memory_space<vmem>>) target(%dma_start3A_128 : memref<10240x128xf32, #tpu.memory_space<vmem_shared>>) offsets(%dma_start3A_125 : memref<80xi32, #tpu.memory_space<vmem>>) semaphore(%run_scoped3A : memref<!tpu.dma_semaphore, #tpu.memory_space<semaphore_mem>>) {add = true}
      %dma_wait3A_129 = arith.constant 10080 : i32
      %dma_wait3A_130 = tpu.memref_slice %arg9[%dma_wait3A_129] : memref<10240xi32, #tpu.memory_space<vmem>> -> memref<80xi32, #tpu.memory_space<vmem>>
      %dma_wait3A_131 = arith.constant 0 : i32
      %dma_wait3A_132 = arith.constant 0 : i32
      %dma_wait3A_133 = tpu.memref_slice %arg7[%dma_wait3A_131, %dma_wait3A_132] : memref<10240x128xf32, #tpu.memory_space<vmem_shared>> -> memref<10240x128xf32, #tpu.memory_space<vmem_shared>>
      tpu.wait_indirect_dma semaphore(%run_scoped3A : memref<!tpu.dma_semaphore, #tpu.memory_space<semaphore_mem>>) src(%arg10 : memref<80x128xf32, #tpu.memory_space<vmem>>) dst(%dma_wait3A_133 : memref<10240x128xf32, #tpu.memory_space<vmem_shared>>)
      tpu.yield
    }) : () -> ()
    %dma_wait3A_54 = arith.constant 10160 : i32
    %dma_wait3A_55 = tpu.memref_slice %arg8[%dma_wait3A_54] : memref<10240xi32, #tpu.memory_space<vmem>> -> memref<80xi32, #tpu.memory_space<vmem>>
    %dma_wait3A_56 = arith.constant 0 : i32
    %dma_wait3A_57 = arith.constant 0 : i32
    %dma_wait3A_58 = tpu.memref_slice %arg2[%dma_wait3A_56, %dma_wait3A_57] : memref<10000x128xf32, #tpu.memory_space<hbm>> -> memref<10000x128xf32, #tpu.memory_space<hbm>>
    tpu.wait_indirect_dma semaphore(%arg13 : memref<!tpu.dma_semaphore, #tpu.memory_space<semaphore_mem>>) src(%dma_wait3A_58 : memref<10000x128xf32, #tpu.memory_space<hbm>>) dst(%arg11 : memref<80x128xf32, #tpu.memory_space<vmem>>)
    "tpu.region"() ({
      %run_scoped3A = tpu.sem_alloc : memref<!tpu.dma_semaphore, #tpu.memory_space<semaphore_mem>>
      %dma_start3A_124 = arith.constant 10160 : i32
      %dma_start3A_125 = tpu.memref_slice %arg9[%dma_start3A_124] : memref<10240xi32, #tpu.memory_space<vmem>> -> memref<80xi32, #tpu.memory_space<vmem>>
      %dma_start3A_126 = arith.constant 0 : i32
      %dma_start3A_127 = arith.constant 0 : i32
      %dma_start3A_128 = tpu.memref_slice %arg7[%dma_start3A_126, %dma_start3A_127] : memref<10240x128xf32, #tpu.memory_space<vmem_shared>> -> memref<10240x128xf32, #tpu.memory_space<vmem_shared>>
      tpu.enqueue_indirect_dma source(%arg11 : memref<80x128xf32, #tpu.memory_space<vmem>>) target(%dma_start3A_128 : memref<10240x128xf32, #tpu.memory_space<vmem_shared>>) offsets(%dma_start3A_125 : memref<80xi32, #tpu.memory_space<vmem>>) semaphore(%run_scoped3A : memref<!tpu.dma_semaphore, #tpu.memory_space<semaphore_mem>>) {add = true}
      %dma_wait3A_129 = arith.constant 10160 : i32
      %dma_wait3A_130 = tpu.memref_slice %arg9[%dma_wait3A_129] : memref<10240xi32, #tpu.memory_space<vmem>> -> memref<80xi32, #tpu.memory_space<vmem>>
      %dma_wait3A_131 = arith.constant 0 : i32
      %dma_wait3A_132 = arith.constant 0 : i32
      %dma_wait3A_133 = tpu.memref_slice %arg7[%dma_wait3A_131, %dma_wait3A_132] : memref<10240x128xf32, #tpu.memory_space<vmem_shared>> -> memref<10240x128xf32, #tpu.memory_space<vmem_shared>>
      tpu.wait_indirect_dma semaphore(%run_scoped3A : memref<!tpu.dma_semaphore, #tpu.memory_space<semaphore_mem>>) src(%arg11 : memref<80x128xf32, #tpu.memory_space<vmem>>) dst(%dma_wait3A_133 : memref<10240x128xf32, #tpu.memory_space<vmem_shared>>)
      tpu.yield
    }) : () -> ()
    %barrier3A_59 = arith.constant 0 : index
    tpu.barrier barrier_id(%barrier3A_59)
    %mul3A_60 = arith.constant 640 : i32
    %mul3A_61 = arith.muli %arg1, %mul3A_60 : i32
    %add3A_62 = arith.constant 0 : i32
    %add3A_63 = arith.addi %mul3A_61, %add3A_62 : i32
    "tpu.region"() ({
      %run_scoped3A = tpu.sem_alloc : memref<!tpu.dma_semaphore, #tpu.memory_space<semaphore_mem>>
      %dma_start3A_124 = arith.constant 0 : i32
      %dma_start3A_125 = tpu.memref_slice %arg7[%add3A_63, %dma_start3A_124] : memref<10240x128xf32, #tpu.memory_space<vmem_shared>> -> memref<80x128xf32, #tpu.memory_space<vmem_shared>>
      %dma_start3A_126 = arith.constant 0 : i32
      %dma_start3A_127 = tpu.memref_slice %arg7[%add3A_63, %dma_start3A_126] : memref<10240x128xf32, #tpu.memory_space<vmem_shared>> -> memref<80x128xf32, #tpu.memory_space<vmem_shared>>
      tpu.enqueue_dma source(%dma_start3A_127 : memref<80x128xf32, #tpu.memory_space<vmem_shared>>) target(%arg10 : memref<80x128xf32, #tpu.memory_space<vmem>>) target_semaphore(%run_scoped3A : memref<!tpu.dma_semaphore, #tpu.memory_space<semaphore_mem>>)
      %dma_wait3A_128 = arith.constant 0 : i32
      %dma_wait3A_129 = tpu.memref_slice %arg7[%add3A_63, %dma_wait3A_128] : memref<10240x128xf32, #tpu.memory_space<vmem_shared>> -> memref<80x128xf32, #tpu.memory_space<vmem_shared>>
      %dma_wait3A_130 = arith.constant 0 : i32
      %dma_wait3A_131 = tpu.memref_slice %arg7[%add3A_63, %dma_wait3A_130] : memref<10240x128xf32, #tpu.memory_space<vmem_shared>> -> memref<80x128xf32, #tpu.memory_space<vmem_shared>>
      tpu.wait_dma2 semaphore(%run_scoped3A : memref<!tpu.dma_semaphore, #tpu.memory_space<semaphore_mem>>) src(%dma_wait3A_131 : memref<80x128xf32, #tpu.memory_space<vmem_shared>>) dst(%arg10 : memref<80x128xf32, #tpu.memory_space<vmem>>)
      tpu.yield
    }) : () -> ()
    %mul3A_64 = arith.constant 640 : i32
    %mul3A_65 = arith.muli %arg1, %mul3A_64 : i32
    %add3A_66 = arith.constant 0 : i32
    %add3A_67 = arith.addi %mul3A_65, %add3A_66 : i32
    "tpu.region"() ({
      %run_scoped3A = tpu.sem_alloc : memref<!tpu.dma_semaphore, #tpu.memory_space<semaphore_mem>>
      %dma_start3A_124 = arith.constant 0 : i32
      %dma_start3A_125 = tpu.memref_slice %arg6[%arg0, %add3A_67, %dma_start3A_124] : memref<2x10240x128xf32, #tpu.memory_space<hbm>> -> memref<1x80x128xf32, #tpu.memory_space<hbm>>
      %dma_start3A_126 = tpu.memref_squeeze %dma_start3A_125 : memref<1x80x128xf32, #tpu.memory_space<hbm>> -> memref<80x128xf32, #tpu.memory_space<hbm>>
      %dma_start3A_127 = arith.constant 0 : i32
      %dma_start3A_128 = tpu.memref_slice %arg6[%arg0, %add3A_67, %dma_start3A_127] : memref<2x10240x128xf32, #tpu.memory_space<hbm>> -> memref<1x80x128xf32, #tpu.memory_space<hbm>>
      %dma_start3A_129 = tpu.memref_squeeze %dma_start3A_128 : memref<1x80x128xf32, #tpu.memory_space<hbm>> -> memref<80x128xf32, #tpu.memory_space<hbm>>
      tpu.enqueue_dma source(%arg10 : memref<80x128xf32, #tpu.memory_space<vmem>>) target(%dma_start3A_129 : memref<80x128xf32, #tpu.memory_space<hbm>>) target_semaphore(%run_scoped3A : memref<!tpu.dma_semaphore, #tpu.memory_space<semaphore_mem>>)
      %dma_wait3A_130 = arith.constant 0 : i32
      %dma_wait3A_131 = tpu.memref_slice %arg6[%arg0, %add3A_67, %dma_wait3A_130] : memref<2x10240x128xf32, #tpu.memory_space<hbm>> -> memref<1x80x128xf32, #tpu.memory_space<hbm>>
      %dma_wait3A_132 = tpu.memref_squeeze %dma_wait3A_131 : memref<1x80x128xf32, #tpu.memory_space<hbm>> -> memref<80x128xf32, #tpu.memory_space<hbm>>
      %dma_wait3A_133 = arith.constant 0 : i32
      %dma_wait3A_134 = tpu.memref_slice %arg6[%arg0, %add3A_67, %dma_wait3A_133] : memref<2x10240x128xf32, #tpu.memory_space<hbm>> -> memref<1x80x128xf32, #tpu.memory_space<hbm>>
      %dma_wait3A_135 = tpu.memref_squeeze %dma_wait3A_134 : memref<1x80x128xf32, #tpu.memory_space<hbm>> -> memref<80x128xf32, #tpu.memory_space<hbm>>
      tpu.wait_dma2 semaphore(%run_scoped3A : memref<!tpu.dma_semaphore, #tpu.memory_space<semaphore_mem>>) src(%arg10 : memref<80x128xf32, #tpu.memory_space<vmem>>) dst(%dma_wait3A_135 : memref<80x128xf32, #tpu.memory_space<hbm>>)
      tpu.yield
    }) : () -> ()
    %mul3A_68 = arith.constant 640 : i32
    %mul3A_69 = arith.muli %arg1, %mul3A_68 : i32
    %add3A_70 = arith.constant 80 : i32
    %add3A_71 = arith.addi %mul3A_69, %add3A_70 : i32
    "tpu.region"() ({
      %run_scoped3A = tpu.sem_alloc : memref<!tpu.dma_semaphore, #tpu.memory_space<semaphore_mem>>
      %dma_start3A_124 = arith.constant 0 : i32
      %dma_start3A_125 = tpu.memref_slice %arg7[%add3A_71, %dma_start3A_124] : memref<10240x128xf32, #tpu.memory_space<vmem_shared>> -> memref<80x128xf32, #tpu.memory_space<vmem_shared>>
      %dma_start3A_126 = arith.constant 0 : i32
      %dma_start3A_127 = tpu.memref_slice %arg7[%add3A_71, %dma_start3A_126] : memref<10240x128xf32, #tpu.memory_space<vmem_shared>> -> memref<80x128xf32, #tpu.memory_space<vmem_shared>>
      tpu.enqueue_dma source(%dma_start3A_127 : memref<80x128xf32, #tpu.memory_space<vmem_shared>>) target(%arg10 : memref<80x128xf32, #tpu.memory_space<vmem>>) target_semaphore(%run_scoped3A : memref<!tpu.dma_semaphore, #tpu.memory_space<semaphore_mem>>)
      %dma_wait3A_128 = arith.constant 0 : i32
      %dma_wait3A_129 = tpu.memref_slice %arg7[%add3A_71, %dma_wait3A_128] : memref<10240x128xf32, #tpu.memory_space<vmem_shared>> -> memref<80x128xf32, #tpu.memory_space<vmem_shared>>
      %dma_wait3A_130 = arith.constant 0 : i32
      %dma_wait3A_131 = tpu.memref_slice %arg7[%add3A_71, %dma_wait3A_130] : memref<10240x128xf32, #tpu.memory_space<vmem_shared>> -> memref<80x128xf32, #tpu.memory_space<vmem_shared>>
      tpu.wait_dma2 semaphore(%run_scoped3A : memref<!tpu.dma_semaphore, #tpu.memory_space<semaphore_mem>>) src(%dma_wait3A_131 : memref<80x128xf32, #tpu.memory_space<vmem_shared>>) dst(%arg10 : memref<80x128xf32, #tpu.memory_space<vmem>>)
      tpu.yield
    }) : () -> ()
    %mul3A_72 = arith.constant 640 : i32
    %mul3A_73 = arith.muli %arg1, %mul3A_72 : i32
    %add3A_74 = arith.constant 80 : i32
    %add3A_75 = arith.addi %mul3A_73, %add3A_74 : i32
    "tpu.region"() ({
      %run_scoped3A = tpu.sem_alloc : memref<!tpu.dma_semaphore, #tpu.memory_space<semaphore_mem>>
      %dma_start3A_124 = arith.constant 0 : i32
      %dma_start3A_125 = tpu.memref_slice %arg6[%arg0, %add3A_75, %dma_start3A_124] : memref<2x10240x128xf32, #tpu.memory_space<hbm>> -> memref<1x80x128xf32, #tpu.memory_space<hbm>>
      %dma_start3A_126 = tpu.memref_squeeze %dma_start3A_125 : memref<1x80x128xf32, #tpu.memory_space<hbm>> -> memref<80x128xf32, #tpu.memory_space<hbm>>
      %dma_start3A_127 = arith.constant 0 : i32
      %dma_start3A_128 = tpu.memref_slice %arg6[%arg0, %add3A_75, %dma_start3A_127] : memref<2x10240x128xf32, #tpu.memory_space<hbm>> -> memref<1x80x128xf32, #tpu.memory_space<hbm>>
      %dma_start3A_129 = tpu.memref_squeeze %dma_start3A_128 : memref<1x80x128xf32, #tpu.memory_space<hbm>> -> memref<80x128xf32, #tpu.memory_space<hbm>>
      tpu.enqueue_dma source(%arg10 : memref<80x128xf32, #tpu.memory_space<vmem>>) target(%dma_start3A_129 : memref<80x128xf32, #tpu.memory_space<hbm>>) target_semaphore(%run_scoped3A : memref<!tpu.dma_semaphore, #tpu.memory_space<semaphore_mem>>)
      %dma_wait3A_130 = arith.constant 0 : i32
      %dma_wait3A_131 = tpu.memref_slice %arg6[%arg0, %add3A_75, %dma_wait3A_130] : memref<2x10240x128xf32, #tpu.memory_space<hbm>> -> memref<1x80x128xf32, #tpu.memory_space<hbm>>
      %dma_wait3A_132 = tpu.memref_squeeze %dma_wait3A_131 : memref<1x80x128xf32, #tpu.memory_space<hbm>> -> memref<80x128xf32, #tpu.memory_space<hbm>>
      %dma_wait3A_133 = arith.constant 0 : i32
      %dma_wait3A_134 = tpu.memref_slice %arg6[%arg0, %add3A_75, %dma_wait3A_133] : memref<2x10240x128xf32, #tpu.memory_space<hbm>> -> memref<1x80x128xf32, #tpu.memory_space<hbm>>
      %dma_wait3A_135 = tpu.memref_squeeze %dma_wait3A_134 : memref<1x80x128xf32, #tpu.memory_space<hbm>> -> memref<80x128xf32, #tpu.memory_space<hbm>>
      tpu.wait_dma2 semaphore(%run_scoped3A : memref<!tpu.dma_semaphore, #tpu.memory_space<semaphore_mem>>) src(%arg10 : memref<80x128xf32, #tpu.memory_space<vmem>>) dst(%dma_wait3A_135 : memref<80x128xf32, #tpu.memory_space<hbm>>)
      tpu.yield
    }) : () -> ()
    %mul3A_76 = arith.constant 640 : i32
    %mul3A_77 = arith.muli %arg1, %mul3A_76 : i32
    %add3A_78 = arith.constant 160 : i32
    %add3A_79 = arith.addi %mul3A_77, %add3A_78 : i32
    "tpu.region"() ({
      %run_scoped3A = tpu.sem_alloc : memref<!tpu.dma_semaphore, #tpu.memory_space<semaphore_mem>>
      %dma_start3A_124 = arith.constant 0 : i32
      %dma_start3A_125 = tpu.memref_slice %arg7[%add3A_79, %dma_start3A_124] : memref<10240x128xf32, #tpu.memory_space<vmem_shared>> -> memref<80x128xf32, #tpu.memory_space<vmem_shared>>
      %dma_start3A_126 = arith.constant 0 : i32
      %dma_start3A_127 = tpu.memref_slice %arg7[%add3A_79, %dma_start3A_126] : memref<10240x128xf32, #tpu.memory_space<vmem_shared>> -> memref<80x128xf32, #tpu.memory_space<vmem_shared>>
      tpu.enqueue_dma source(%dma_start3A_127 : memref<80x128xf32, #tpu.memory_space<vmem_shared>>) target(%arg10 : memref<80x128xf32, #tpu.memory_space<vmem>>) target_semaphore(%run_scoped3A : memref<!tpu.dma_semaphore, #tpu.memory_space<semaphore_mem>>)
      %dma_wait3A_128 = arith.constant 0 : i32
      %dma_wait3A_129 = tpu.memref_slice %arg7[%add3A_79, %dma_wait3A_128] : memref<10240x128xf32, #tpu.memory_space<vmem_shared>> -> memref<80x128xf32, #tpu.memory_space<vmem_shared>>
      %dma_wait3A_130 = arith.constant 0 : i32
      %dma_wait3A_131 = tpu.memref_slice %arg7[%add3A_79, %dma_wait3A_130] : memref<10240x128xf32, #tpu.memory_space<vmem_shared>> -> memref<80x128xf32, #tpu.memory_space<vmem_shared>>
      tpu.wait_dma2 semaphore(%run_scoped3A : memref<!tpu.dma_semaphore, #tpu.memory_space<semaphore_mem>>) src(%dma_wait3A_131 : memref<80x128xf32, #tpu.memory_space<vmem_shared>>) dst(%arg10 : memref<80x128xf32, #tpu.memory_space<vmem>>)
      tpu.yield
    }) : () -> ()
    %mul3A_80 = arith.constant 640 : i32
    %mul3A_81 = arith.muli %arg1, %mul3A_80 : i32
    %add3A_82 = arith.constant 160 : i32
    %add3A_83 = arith.addi %mul3A_81, %add3A_82 : i32
    "tpu.region"() ({
      %run_scoped3A = tpu.sem_alloc : memref<!tpu.dma_semaphore, #tpu.memory_space<semaphore_mem>>
      %dma_start3A_124 = arith.constant 0 : i32
      %dma_start3A_125 = tpu.memref_slice %arg6[%arg0, %add3A_83, %dma_start3A_124] : memref<2x10240x128xf32, #tpu.memory_space<hbm>> -> memref<1x80x128xf32, #tpu.memory_space<hbm>>
      %dma_start3A_126 = tpu.memref_squeeze %dma_start3A_125 : memref<1x80x128xf32, #tpu.memory_space<hbm>> -> memref<80x128xf32, #tpu.memory_space<hbm>>
      %dma_start3A_127 = arith.constant 0 : i32
      %dma_start3A_128 = tpu.memref_slice %arg6[%arg0, %add3A_83, %dma_start3A_127] : memref<2x10240x128xf32, #tpu.memory_space<hbm>> -> memref<1x80x128xf32, #tpu.memory_space<hbm>>
      %dma_start3A_129 = tpu.memref_squeeze %dma_start3A_128 : memref<1x80x128xf32, #tpu.memory_space<hbm>> -> memref<80x128xf32, #tpu.memory_space<hbm>>
      tpu.enqueue_dma source(%arg10 : memref<80x128xf32, #tpu.memory_space<vmem>>) target(%dma_start3A_129 : memref<80x128xf32, #tpu.memory_space<hbm>>) target_semaphore(%run_scoped3A : memref<!tpu.dma_semaphore, #tpu.memory_space<semaphore_mem>>)
      %dma_wait3A_130 = arith.constant 0 : i32
      %dma_wait3A_131 = tpu.memref_slice %arg6[%arg0, %add3A_83, %dma_wait3A_130] : memref<2x10240x128xf32, #tpu.memory_space<hbm>> -> memref<1x80x128xf32, #tpu.memory_space<hbm>>
      %dma_wait3A_132 = tpu.memref_squeeze %dma_wait3A_131 : memref<1x80x128xf32, #tpu.memory_space<hbm>> -> memref<80x128xf32, #tpu.memory_space<hbm>>
      %dma_wait3A_133 = arith.constant 0 : i32
      %dma_wait3A_134 = tpu.memref_slice %arg6[%arg0, %add3A_83, %dma_wait3A_133] : memref<2x10240x128xf32, #tpu.memory_space<hbm>> -> memref<1x80x128xf32, #tpu.memory_space<hbm>>
      %dma_wait3A_135 = tpu.memref_squeeze %dma_wait3A_134 : memref<1x80x128xf32, #tpu.memory_space<hbm>> -> memref<80x128xf32, #tpu.memory_space<hbm>>
      tpu.wait_dma2 semaphore(%run_scoped3A : memref<!tpu.dma_semaphore, #tpu.memory_space<semaphore_mem>>) src(%arg10 : memref<80x128xf32, #tpu.memory_space<vmem>>) dst(%dma_wait3A_135 : memref<80x128xf32, #tpu.memory_space<hbm>>)
      tpu.yield
    }) : () -> ()
    %mul3A_84 = arith.constant 640 : i32
    %mul3A_85 = arith.muli %arg1, %mul3A_84 : i32
    %add3A_86 = arith.constant 240 : i32
    %add3A_87 = arith.addi %mul3A_85, %add3A_86 : i32
    "tpu.region"() ({
      %run_scoped3A = tpu.sem_alloc : memref<!tpu.dma_semaphore, #tpu.memory_space<semaphore_mem>>
      %dma_start3A_124 = arith.constant 0 : i32
      %dma_start3A_125 = tpu.memref_slice %arg7[%add3A_87, %dma_start3A_124] : memref<10240x128xf32, #tpu.memory_space<vmem_shared>> -> memref<80x128xf32, #tpu.memory_space<vmem_shared>>
      %dma_start3A_126 = arith.constant 0 : i32
      %dma_start3A_127 = tpu.memref_slice %arg7[%add3A_87, %dma_start3A_126] : memref<10240x128xf32, #tpu.memory_space<vmem_shared>> -> memref<80x128xf32, #tpu.memory_space<vmem_shared>>
      tpu.enqueue_dma source(%dma_start3A_127 : memref<80x128xf32, #tpu.memory_space<vmem_shared>>) target(%arg10 : memref<80x128xf32, #tpu.memory_space<vmem>>) target_semaphore(%run_scoped3A : memref<!tpu.dma_semaphore, #tpu.memory_space<semaphore_mem>>)
      %dma_wait3A_128 = arith.constant 0 : i32
      %dma_wait3A_129 = tpu.memref_slice %arg7[%add3A_87, %dma_wait3A_128] : memref<10240x128xf32, #tpu.memory_space<vmem_shared>> -> memref<80x128xf32, #tpu.memory_space<vmem_shared>>
      %dma_wait3A_130 = arith.constant 0 : i32
      %dma_wait3A_131 = tpu.memref_slice %arg7[%add3A_87, %dma_wait3A_130] : memref<10240x128xf32, #tpu.memory_space<vmem_shared>> -> memref<80x128xf32, #tpu.memory_space<vmem_shared>>
      tpu.wait_dma2 semaphore(%run_scoped3A : memref<!tpu.dma_semaphore, #tpu.memory_space<semaphore_mem>>) src(%dma_wait3A_131 : memref<80x128xf32, #tpu.memory_space<vmem_shared>>) dst(%arg10 : memref<80x128xf32, #tpu.memory_space<vmem>>)
      tpu.yield
    }) : () -> ()
    %mul3A_88 = arith.constant 640 : i32
    %mul3A_89 = arith.muli %arg1, %mul3A_88 : i32
    %add3A_90 = arith.constant 240 : i32
    %add3A_91 = arith.addi %mul3A_89, %add3A_90 : i32
    "tpu.region"() ({
      %run_scoped3A = tpu.sem_alloc : memref<!tpu.dma_semaphore, #tpu.memory_space<semaphore_mem>>
      %dma_start3A_124 = arith.constant 0 : i32
      %dma_start3A_125 = tpu.memref_slice %arg6[%arg0, %add3A_91, %dma_start3A_124] : memref<2x10240x128xf32, #tpu.memory_space<hbm>> -> memref<1x80x128xf32, #tpu.memory_space<hbm>>
      %dma_start3A_126 = tpu.memref_squeeze %dma_start3A_125 : memref<1x80x128xf32, #tpu.memory_space<hbm>> -> memref<80x128xf32, #tpu.memory_space<hbm>>
      %dma_start3A_127 = arith.constant 0 : i32
      %dma_start3A_128 = tpu.memref_slice %arg6[%arg0, %add3A_91, %dma_start3A_127] : memref<2x10240x128xf32, #tpu.memory_space<hbm>> -> memref<1x80x128xf32, #tpu.memory_space<hbm>>
      %dma_start3A_129 = tpu.memref_squeeze %dma_start3A_128 : memref<1x80x128xf32, #tpu.memory_space<hbm>> -> memref<80x128xf32, #tpu.memory_space<hbm>>
      tpu.enqueue_dma source(%arg10 : memref<80x128xf32, #tpu.memory_space<vmem>>) target(%dma_start3A_129 : memref<80x128xf32, #tpu.memory_space<hbm>>) target_semaphore(%run_scoped3A : memref<!tpu.dma_semaphore, #tpu.memory_space<semaphore_mem>>)
      %dma_wait3A_130 = arith.constant 0 : i32
      %dma_wait3A_131 = tpu.memref_slice %arg6[%arg0, %add3A_91, %dma_wait3A_130] : memref<2x10240x128xf32, #tpu.memory_space<hbm>> -> memref<1x80x128xf32, #tpu.memory_space<hbm>>
      %dma_wait3A_132 = tpu.memref_squeeze %dma_wait3A_131 : memref<1x80x128xf32, #tpu.memory_space<hbm>> -> memref<80x128xf32, #tpu.memory_space<hbm>>
      %dma_wait3A_133 = arith.constant 0 : i32
      %dma_wait3A_134 = tpu.memref_slice %arg6[%arg0, %add3A_91, %dma_wait3A_133] : memref<2x10240x128xf32, #tpu.memory_space<hbm>> -> memref<1x80x128xf32, #tpu.memory_space<hbm>>
      %dma_wait3A_135 = tpu.memref_squeeze %dma_wait3A_134 : memref<1x80x128xf32, #tpu.memory_space<hbm>> -> memref<80x128xf32, #tpu.memory_space<hbm>>
      tpu.wait_dma2 semaphore(%run_scoped3A : memref<!tpu.dma_semaphore, #tpu.memory_space<semaphore_mem>>) src(%arg10 : memref<80x128xf32, #tpu.memory_space<vmem>>) dst(%dma_wait3A_135 : memref<80x128xf32, #tpu.memory_space<hbm>>)
      tpu.yield
    }) : () -> ()
    %mul3A_92 = arith.constant 640 : i32
    %mul3A_93 = arith.muli %arg1, %mul3A_92 : i32
    %add3A_94 = arith.constant 320 : i32
    %add3A_95 = arith.addi %mul3A_93, %add3A_94 : i32
    "tpu.region"() ({
      %run_scoped3A = tpu.sem_alloc : memref<!tpu.dma_semaphore, #tpu.memory_space<semaphore_mem>>
      %dma_start3A_124 = arith.constant 0 : i32
      %dma_start3A_125 = tpu.memref_slice %arg7[%add3A_95, %dma_start3A_124] : memref<10240x128xf32, #tpu.memory_space<vmem_shared>> -> memref<80x128xf32, #tpu.memory_space<vmem_shared>>
      %dma_start3A_126 = arith.constant 0 : i32
      %dma_start3A_127 = tpu.memref_slice %arg7[%add3A_95, %dma_start3A_126] : memref<10240x128xf32, #tpu.memory_space<vmem_shared>> -> memref<80x128xf32, #tpu.memory_space<vmem_shared>>
      tpu.enqueue_dma source(%dma_start3A_127 : memref<80x128xf32, #tpu.memory_space<vmem_shared>>) target(%arg10 : memref<80x128xf32, #tpu.memory_space<vmem>>) target_semaphore(%run_scoped3A : memref<!tpu.dma_semaphore, #tpu.memory_space<semaphore_mem>>)
      %dma_wait3A_128 = arith.constant 0 : i32
      %dma_wait3A_129 = tpu.memref_slice %arg7[%add3A_95, %dma_wait3A_128] : memref<10240x128xf32, #tpu.memory_space<vmem_shared>> -> memref<80x128xf32, #tpu.memory_space<vmem_shared>>
      %dma_wait3A_130 = arith.constant 0 : i32
      %dma_wait3A_131 = tpu.memref_slice %arg7[%add3A_95, %dma_wait3A_130] : memref<10240x128xf32, #tpu.memory_space<vmem_shared>> -> memref<80x128xf32, #tpu.memory_space<vmem_shared>>
      tpu.wait_dma2 semaphore(%run_scoped3A : memref<!tpu.dma_semaphore, #tpu.memory_space<semaphore_mem>>) src(%dma_wait3A_131 : memref<80x128xf32, #tpu.memory_space<vmem_shared>>) dst(%arg10 : memref<80x128xf32, #tpu.memory_space<vmem>>)
      tpu.yield
    }) : () -> ()
    %mul3A_96 = arith.constant 640 : i32
    %mul3A_97 = arith.muli %arg1, %mul3A_96 : i32
    %add3A_98 = arith.constant 320 : i32
    %add3A_99 = arith.addi %mul3A_97, %add3A_98 : i32
    "tpu.region"() ({
      %run_scoped3A = tpu.sem_alloc : memref<!tpu.dma_semaphore, #tpu.memory_space<semaphore_mem>>
      %dma_start3A_124 = arith.constant 0 : i32
      %dma_start3A_125 = tpu.memref_slice %arg6[%arg0, %add3A_99, %dma_start3A_124] : memref<2x10240x128xf32, #tpu.memory_space<hbm>> -> memref<1x80x128xf32, #tpu.memory_space<hbm>>
      %dma_start3A_126 = tpu.memref_squeeze %dma_start3A_125 : memref<1x80x128xf32, #tpu.memory_space<hbm>> -> memref<80x128xf32, #tpu.memory_space<hbm>>
      %dma_start3A_127 = arith.constant 0 : i32
      %dma_start3A_128 = tpu.memref_slice %arg6[%arg0, %add3A_99, %dma_start3A_127] : memref<2x10240x128xf32, #tpu.memory_space<hbm>> -> memref<1x80x128xf32, #tpu.memory_space<hbm>>
      %dma_start3A_129 = tpu.memref_squeeze %dma_start3A_128 : memref<1x80x128xf32, #tpu.memory_space<hbm>> -> memref<80x128xf32, #tpu.memory_space<hbm>>
      tpu.enqueue_dma source(%arg10 : memref<80x128xf32, #tpu.memory_space<vmem>>) target(%dma_start3A_129 : memref<80x128xf32, #tpu.memory_space<hbm>>) target_semaphore(%run_scoped3A : memref<!tpu.dma_semaphore, #tpu.memory_space<semaphore_mem>>)
      %dma_wait3A_130 = arith.constant 0 : i32
      %dma_wait3A_131 = tpu.memref_slice %arg6[%arg0, %add3A_99, %dma_wait3A_130] : memref<2x10240x128xf32, #tpu.memory_space<hbm>> -> memref<1x80x128xf32, #tpu.memory_space<hbm>>
      %dma_wait3A_132 = tpu.memref_squeeze %dma_wait3A_131 : memref<1x80x128xf32, #tpu.memory_space<hbm>> -> memref<80x128xf32, #tpu.memory_space<hbm>>
      %dma_wait3A_133 = arith.constant 0 : i32
      %dma_wait3A_134 = tpu.memref_slice %arg6[%arg0, %add3A_99, %dma_wait3A_133] : memref<2x10240x128xf32, #tpu.memory_space<hbm>> -> memref<1x80x128xf32, #tpu.memory_space<hbm>>
      %dma_wait3A_135 = tpu.memref_squeeze %dma_wait3A_134 : memref<1x80x128xf32, #tpu.memory_space<hbm>> -> memref<80x128xf32, #tpu.memory_space<hbm>>
      tpu.wait_dma2 semaphore(%run_scoped3A : memref<!tpu.dma_semaphore, #tpu.memory_space<semaphore_mem>>) src(%arg10 : memref<80x128xf32, #tpu.memory_space<vmem>>) dst(%dma_wait3A_135 : memref<80x128xf32, #tpu.memory_space<hbm>>)
      tpu.yield
    }) : () -> ()
    %mul3A_100 = arith.constant 640 : i32
    %mul3A_101 = arith.muli %arg1, %mul3A_100 : i32
    %add3A_102 = arith.constant 400 : i32
    %add3A_103 = arith.addi %mul3A_101, %add3A_102 : i32
    "tpu.region"() ({
      %run_scoped3A = tpu.sem_alloc : memref<!tpu.dma_semaphore, #tpu.memory_space<semaphore_mem>>
      %dma_start3A_124 = arith.constant 0 : i32
      %dma_start3A_125 = tpu.memref_slice %arg7[%add3A_103, %dma_start3A_124] : memref<10240x128xf32, #tpu.memory_space<vmem_shared>> -> memref<80x128xf32, #tpu.memory_space<vmem_shared>>
      %dma_start3A_126 = arith.constant 0 : i32
      %dma_start3A_127 = tpu.memref_slice %arg7[%add3A_103, %dma_start3A_126] : memref<10240x128xf32, #tpu.memory_space<vmem_shared>> -> memref<80x128xf32, #tpu.memory_space<vmem_shared>>
      tpu.enqueue_dma source(%dma_start3A_127 : memref<80x128xf32, #tpu.memory_space<vmem_shared>>) target(%arg10 : memref<80x128xf32, #tpu.memory_space<vmem>>) target_semaphore(%run_scoped3A : memref<!tpu.dma_semaphore, #tpu.memory_space<semaphore_mem>>)
      %dma_wait3A_128 = arith.constant 0 : i32
      %dma_wait3A_129 = tpu.memref_slice %arg7[%add3A_103, %dma_wait3A_128] : memref<10240x128xf32, #tpu.memory_space<vmem_shared>> -> memref<80x128xf32, #tpu.memory_space<vmem_shared>>
      %dma_wait3A_130 = arith.constant 0 : i32
      %dma_wait3A_131 = tpu.memref_slice %arg7[%add3A_103, %dma_wait3A_130] : memref<10240x128xf32, #tpu.memory_space<vmem_shared>> -> memref<80x128xf32, #tpu.memory_space<vmem_shared>>
      tpu.wait_dma2 semaphore(%run_scoped3A : memref<!tpu.dma_semaphore, #tpu.memory_space<semaphore_mem>>) src(%dma_wait3A_131 : memref<80x128xf32, #tpu.memory_space<vmem_shared>>) dst(%arg10 : memref<80x128xf32, #tpu.memory_space<vmem>>)
      tpu.yield
    }) : () -> ()
    %mul3A_104 = arith.constant 640 : i32
    %mul3A_105 = arith.muli %arg1, %mul3A_104 : i32
    %add3A_106 = arith.constant 400 : i32
    %add3A_107 = arith.addi %mul3A_105, %add3A_106 : i32
    "tpu.region"() ({
      %run_scoped3A = tpu.sem_alloc : memref<!tpu.dma_semaphore, #tpu.memory_space<semaphore_mem>>
      %dma_start3A_124 = arith.constant 0 : i32
      %dma_start3A_125 = tpu.memref_slice %arg6[%arg0, %add3A_107, %dma_start3A_124] : memref<2x10240x128xf32, #tpu.memory_space<hbm>> -> memref<1x80x128xf32, #tpu.memory_space<hbm>>
      %dma_start3A_126 = tpu.memref_squeeze %dma_start3A_125 : memref<1x80x128xf32, #tpu.memory_space<hbm>> -> memref<80x128xf32, #tpu.memory_space<hbm>>
      %dma_start3A_127 = arith.constant 0 : i32
      %dma_start3A_128 = tpu.memref_slice %arg6[%arg0, %add3A_107, %dma_start3A_127] : memref<2x10240x128xf32, #tpu.memory_space<hbm>> -> memref<1x80x128xf32, #tpu.memory_space<hbm>>
      %dma_start3A_129 = tpu.memref_squeeze %dma_start3A_128 : memref<1x80x128xf32, #tpu.memory_space<hbm>> -> memref<80x128xf32, #tpu.memory_space<hbm>>
      tpu.enqueue_dma source(%arg10 : memref<80x128xf32, #tpu.memory_space<vmem>>) target(%dma_start3A_129 : memref<80x128xf32, #tpu.memory_space<hbm>>) target_semaphore(%run_scoped3A : memref<!tpu.dma_semaphore, #tpu.memory_space<semaphore_mem>>)
      %dma_wait3A_130 = arith.constant 0 : i32
      %dma_wait3A_131 = tpu.memref_slice %arg6[%arg0, %add3A_107, %dma_wait3A_130] : memref<2x10240x128xf32, #tpu.memory_space<hbm>> -> memref<1x80x128xf32, #tpu.memory_space<hbm>>
      %dma_wait3A_132 = tpu.memref_squeeze %dma_wait3A_131 : memref<1x80x128xf32, #tpu.memory_space<hbm>> -> memref<80x128xf32, #tpu.memory_space<hbm>>
      %dma_wait3A_133 = arith.constant 0 : i32
      %dma_wait3A_134 = tpu.memref_slice %arg6[%arg0, %add3A_107, %dma_wait3A_133] : memref<2x10240x128xf32, #tpu.memory_space<hbm>> -> memref<1x80x128xf32, #tpu.memory_space<hbm>>
      %dma_wait3A_135 = tpu.memref_squeeze %dma_wait3A_134 : memref<1x80x128xf32, #tpu.memory_space<hbm>> -> memref<80x128xf32, #tpu.memory_space<hbm>>
      tpu.wait_dma2 semaphore(%run_scoped3A : memref<!tpu.dma_semaphore, #tpu.memory_space<semaphore_mem>>) src(%arg10 : memref<80x128xf32, #tpu.memory_space<vmem>>) dst(%dma_wait3A_135 : memref<80x128xf32, #tpu.memory_space<hbm>>)
      tpu.yield
    }) : () -> ()
    %mul3A_108 = arith.constant 640 : i32
    %mul3A_109 = arith.muli %arg1, %mul3A_108 : i32
    %add3A_110 = arith.constant 480 : i32
    %add3A_111 = arith.addi %mul3A_109, %add3A_110 : i32
    "tpu.region"() ({
      %run_scoped3A = tpu.sem_alloc : memref<!tpu.dma_semaphore, #tpu.memory_space<semaphore_mem>>
      %dma_start3A_124 = arith.constant 0 : i32
      %dma_start3A_125 = tpu.memref_slice %arg7[%add3A_111, %dma_start3A_124] : memref<10240x128xf32, #tpu.memory_space<vmem_shared>> -> memref<80x128xf32, #tpu.memory_space<vmem_shared>>
      %dma_start3A_126 = arith.constant 0 : i32
      %dma_start3A_127 = tpu.memref_slice %arg7[%add3A_111, %dma_start3A_126] : memref<10240x128xf32, #tpu.memory_space<vmem_shared>> -> memref<80x128xf32, #tpu.memory_space<vmem_shared>>
      tpu.enqueue_dma source(%dma_start3A_127 : memref<80x128xf32, #tpu.memory_space<vmem_shared>>) target(%arg10 : memref<80x128xf32, #tpu.memory_space<vmem>>) target_semaphore(%run_scoped3A : memref<!tpu.dma_semaphore, #tpu.memory_space<semaphore_mem>>)
      %dma_wait3A_128 = arith.constant 0 : i32
      %dma_wait3A_129 = tpu.memref_slice %arg7[%add3A_111, %dma_wait3A_128] : memref<10240x128xf32, #tpu.memory_space<vmem_shared>> -> memref<80x128xf32, #tpu.memory_space<vmem_shared>>
      %dma_wait3A_130 = arith.constant 0 : i32
      %dma_wait3A_131 = tpu.memref_slice %arg7[%add3A_111, %dma_wait3A_130] : memref<10240x128xf32, #tpu.memory_space<vmem_shared>> -> memref<80x128xf32, #tpu.memory_space<vmem_shared>>
      tpu.wait_dma2 semaphore(%run_scoped3A : memref<!tpu.dma_semaphore, #tpu.memory_space<semaphore_mem>>) src(%dma_wait3A_131 : memref<80x128xf32, #tpu.memory_space<vmem_shared>>) dst(%arg10 : memref<80x128xf32, #tpu.memory_space<vmem>>)
      tpu.yield
    }) : () -> ()
    %mul3A_112 = arith.constant 640 : i32
    %mul3A_113 = arith.muli %arg1, %mul3A_112 : i32
    %add3A_114 = arith.constant 480 : i32
    %add3A_115 = arith.addi %mul3A_113, %add3A_114 : i32
    "tpu.region"() ({
      %run_scoped3A = tpu.sem_alloc : memref<!tpu.dma_semaphore, #tpu.memory_space<semaphore_mem>>
      %dma_start3A_124 = arith.constant 0 : i32
      %dma_start3A_125 = tpu.memref_slice %arg6[%arg0, %add3A_115, %dma_start3A_124] : memref<2x10240x128xf32, #tpu.memory_space<hbm>> -> memref<1x80x128xf32, #tpu.memory_space<hbm>>
      %dma_start3A_126 = tpu.memref_squeeze %dma_start3A_125 : memref<1x80x128xf32, #tpu.memory_space<hbm>> -> memref<80x128xf32, #tpu.memory_space<hbm>>
      %dma_start3A_127 = arith.constant 0 : i32
      %dma_start3A_128 = tpu.memref_slice %arg6[%arg0, %add3A_115, %dma_start3A_127] : memref<2x10240x128xf32, #tpu.memory_space<hbm>> -> memref<1x80x128xf32, #tpu.memory_space<hbm>>
      %dma_start3A_129 = tpu.memref_squeeze %dma_start3A_128 : memref<1x80x128xf32, #tpu.memory_space<hbm>> -> memref<80x128xf32, #tpu.memory_space<hbm>>
      tpu.enqueue_dma source(%arg10 : memref<80x128xf32, #tpu.memory_space<vmem>>) target(%dma_start3A_129 : memref<80x128xf32, #tpu.memory_space<hbm>>) target_semaphore(%run_scoped3A : memref<!tpu.dma_semaphore, #tpu.memory_space<semaphore_mem>>)
      %dma_wait3A_130 = arith.constant 0 : i32
      %dma_wait3A_131 = tpu.memref_slice %arg6[%arg0, %add3A_115, %dma_wait3A_130] : memref<2x10240x128xf32, #tpu.memory_space<hbm>> -> memref<1x80x128xf32, #tpu.memory_space<hbm>>
      %dma_wait3A_132 = tpu.memref_squeeze %dma_wait3A_131 : memref<1x80x128xf32, #tpu.memory_space<hbm>> -> memref<80x128xf32, #tpu.memory_space<hbm>>
      %dma_wait3A_133 = arith.constant 0 : i32
      %dma_wait3A_134 = tpu.memref_slice %arg6[%arg0, %add3A_115, %dma_wait3A_133] : memref<2x10240x128xf32, #tpu.memory_space<hbm>> -> memref<1x80x128xf32, #tpu.memory_space<hbm>>
      %dma_wait3A_135 = tpu.memref_squeeze %dma_wait3A_134 : memref<1x80x128xf32, #tpu.memory_space<hbm>> -> memref<80x128xf32, #tpu.memory_space<hbm>>
      tpu.wait_dma2 semaphore(%run_scoped3A : memref<!tpu.dma_semaphore, #tpu.memory_space<semaphore_mem>>) src(%arg10 : memref<80x128xf32, #tpu.memory_space<vmem>>) dst(%dma_wait3A_135 : memref<80x128xf32, #tpu.memory_space<hbm>>)
      tpu.yield
    }) : () -> ()
    %mul3A_116 = arith.constant 640 : i32
    %mul3A_117 = arith.muli %arg1, %mul3A_116 : i32
    %add3A_118 = arith.constant 560 : i32
    %add3A_119 = arith.addi %mul3A_117, %add3A_118 : i32
    "tpu.region"() ({
      %run_scoped3A = tpu.sem_alloc : memref<!tpu.dma_semaphore, #tpu.memory_space<semaphore_mem>>
      %dma_start3A_124 = arith.constant 0 : i32
      %dma_start3A_125 = tpu.memref_slice %arg7[%add3A_119, %dma_start3A_124] : memref<10240x128xf32, #tpu.memory_space<vmem_shared>> -> memref<80x128xf32, #tpu.memory_space<vmem_shared>>
      %dma_start3A_126 = arith.constant 0 : i32
      %dma_start3A_127 = tpu.memref_slice %arg7[%add3A_119, %dma_start3A_126] : memref<10240x128xf32, #tpu.memory_space<vmem_shared>> -> memref<80x128xf32, #tpu.memory_space<vmem_shared>>
      tpu.enqueue_dma source(%dma_start3A_127 : memref<80x128xf32, #tpu.memory_space<vmem_shared>>) target(%arg10 : memref<80x128xf32, #tpu.memory_space<vmem>>) target_semaphore(%run_scoped3A : memref<!tpu.dma_semaphore, #tpu.memory_space<semaphore_mem>>)
      %dma_wait3A_128 = arith.constant 0 : i32
      %dma_wait3A_129 = tpu.memref_slice %arg7[%add3A_119, %dma_wait3A_128] : memref<10240x128xf32, #tpu.memory_space<vmem_shared>> -> memref<80x128xf32, #tpu.memory_space<vmem_shared>>
      %dma_wait3A_130 = arith.constant 0 : i32
      %dma_wait3A_131 = tpu.memref_slice %arg7[%add3A_119, %dma_wait3A_130] : memref<10240x128xf32, #tpu.memory_space<vmem_shared>> -> memref<80x128xf32, #tpu.memory_space<vmem_shared>>
      tpu.wait_dma2 semaphore(%run_scoped3A : memref<!tpu.dma_semaphore, #tpu.memory_space<semaphore_mem>>) src(%dma_wait3A_131 : memref<80x128xf32, #tpu.memory_space<vmem_shared>>) dst(%arg10 : memref<80x128xf32, #tpu.memory_space<vmem>>)
      tpu.yield
    }) : () -> ()
    %mul3A_120 = arith.constant 640 : i32
    %mul3A_121 = arith.muli %arg1, %mul3A_120 : i32
    %add3A_122 = arith.constant 560 : i32
    %add3A_123 = arith.addi %mul3A_121, %add3A_122 : i32
    "tpu.region"() ({
      %run_scoped3A = tpu.sem_alloc : memref<!tpu.dma_semaphore, #tpu.memory_space<semaphore_mem>>
      %dma_start3A_124 = arith.constant 0 : i32
      %dma_start3A_125 = tpu.memref_slice %arg6[%arg0, %add3A_123, %dma_start3A_124] : memref<2x10240x128xf32, #tpu.memory_space<hbm>> -> memref<1x80x128xf32, #tpu.memory_space<hbm>>
      %dma_start3A_126 = tpu.memref_squeeze %dma_start3A_125 : memref<1x80x128xf32, #tpu.memory_space<hbm>> -> memref<80x128xf32, #tpu.memory_space<hbm>>
      %dma_start3A_127 = arith.constant 0 : i32
      %dma_start3A_128 = tpu.memref_slice %arg6[%arg0, %add3A_123, %dma_start3A_127] : memref<2x10240x128xf32, #tpu.memory_space<hbm>> -> memref<1x80x128xf32, #tpu.memory_space<hbm>>
      %dma_start3A_129 = tpu.memref_squeeze %dma_start3A_128 : memref<1x80x128xf32, #tpu.memory_space<hbm>> -> memref<80x128xf32, #tpu.memory_space<hbm>>
      tpu.enqueue_dma source(%arg10 : memref<80x128xf32, #tpu.memory_space<vmem>>) target(%dma_start3A_129 : memref<80x128xf32, #tpu.memory_space<hbm>>) target_semaphore(%run_scoped3A : memref<!tpu.dma_semaphore, #tpu.memory_space<semaphore_mem>>)
      %dma_wait3A_130 = arith.constant 0 : i32
      %dma_wait3A_131 = tpu.memref_slice %arg6[%arg0, %add3A_123, %dma_wait3A_130] : memref<2x10240x128xf32, #tpu.memory_space<hbm>> -> memref<1x80x128xf32, #tpu.memory_space<hbm>>
      %dma_wait3A_132 = tpu.memref_squeeze %dma_wait3A_131 : memref<1x80x128xf32, #tpu.memory_space<hbm>> -> memref<80x128xf32, #tpu.memory_space<hbm>>
      %dma_wait3A_133 = arith.constant 0 : i32
      %dma_wait3A_134 = tpu.memref_slice %arg6[%arg0, %add3A_123, %dma_wait3A_133] : memref<2x10240x128xf32, #tpu.memory_space<hbm>> -> memref<1x80x128xf32, #tpu.memory_space<hbm>>
      %dma_wait3A_135 = tpu.memref_squeeze %dma_wait3A_134 : memref<1x80x128xf32, #tpu.memory_space<hbm>> -> memref<80x128xf32, #tpu.memory_space<hbm>>
      tpu.wait_dma2 semaphore(%run_scoped3A : memref<!tpu.dma_semaphore, #tpu.memory_space<semaphore_mem>>) src(%arg10 : memref<80x128xf32, #tpu.memory_space<vmem>>) dst(%dma_wait3A_135 : memref<80x128xf32, #tpu.memory_space<hbm>>)
      tpu.yield
    }) : () -> ()
    return
  }
}

#map = affine_map<(d0, d1) -> (0, 0)>
#map1 = affine_map<(d0, d1) -> (0)>
#map2 = affine_map<(d0, d1) -> (0, 0, 0)>
module attributes {stable_mosaic.version = 14 : i64} {
  func.func @sc_edge_agg(%arg0: i32, %arg1: i32, %arg2: memref<10000x128xf32, #tpu.memory_space<hbm>>, %arg3: memref<327680xi32, #tpu.memory_space<hbm>>, %arg4: memref<327680xi32, #tpu.memory_space<hbm>>, %arg5: memref<128x128xf32, #tpu.memory_space<hbm>>, %arg6: memref<2x10240x128xf32, #tpu.memory_space<hbm>>, %arg7: memref<10240x128xf32, #tpu.memory_space<vmem_shared>>, %arg8: memref<10240xi32, #tpu.memory_space<vmem>>, %arg9: memref<10240xi32, #tpu.memory_space<vmem>>, %arg10: memref<80x128xf32, #tpu.memory_space<vmem>>, %arg11: memref<80x128xf32, #tpu.memory_space<vmem>>, %arg12: memref<!tpu.dma_semaphore, #tpu.memory_space<semaphore_mem>>, %arg13: memref<!tpu.dma_semaphore, #tpu.memory_space<semaphore_mem>>) attributes {dimension_semantics = [#tpu.dimension_semantics<core_parallel>, #tpu.dimension_semantics<subcore_parallel>], iteration_bounds = array<i64: 2, 16>, scalar_prefetch = 0 : i64, scratch_operands = 7 : i64, tpu.core_type = #tpu.core_type<sc_vector_subcore>, window_params = [{transform_indices = #map}, {transform_indices = #map1}, {transform_indices = #map1}, {transform_indices = #map}, {transform_indices = #map2}]} {
    %mul3A = arith.constant 16 : i32
    %mul3A_0 = arith.muli %arg0, %mul3A : i32
    %add3A = arith.addi %mul3A_0, %arg1 : i32
    %mul3A_1 = arith.constant 10240 : i32
    %mul3A_2 = arith.muli %add3A, %mul3A_1 : i32
    "tpu.region"() ({
      %run_scoped3A = tpu.sem_alloc : memref<!tpu.dma_semaphore, #tpu.memory_space<semaphore_mem>>
      %dma_start3A_124 = tpu.memref_slice %arg3[%mul3A_2] : memref<327680xi32, #tpu.memory_space<hbm>> -> memref<10240xi32, #tpu.memory_space<hbm>>
      %dma_start3A_125 = tpu.memref_slice %arg3[%mul3A_2] : memref<327680xi32, #tpu.memory_space<hbm>> -> memref<10240xi32, #tpu.memory_space<hbm>>
      tpu.enqueue_dma source(%dma_start3A_125 : memref<10240xi32, #tpu.memory_space<hbm>>) target(%arg8 : memref<10240xi32, #tpu.memory_space<vmem>>) target_semaphore(%run_scoped3A : memref<!tpu.dma_semaphore, #tpu.memory_space<semaphore_mem>>)
      %dma_wait3A_126 = tpu.memref_slice %arg3[%mul3A_2] : memref<327680xi32, #tpu.memory_space<hbm>> -> memref<10240xi32, #tpu.memory_space<hbm>>
      %dma_wait3A_127 = tpu.memref_slice %arg3[%mul3A_2] : memref<327680xi32, #tpu.memory_space<hbm>> -> memref<10240xi32, #tpu.memory_space<hbm>>
      tpu.wait_dma2 semaphore(%run_scoped3A : memref<!tpu.dma_semaphore, #tpu.memory_space<semaphore_mem>>) src(%dma_wait3A_127 : memref<10240xi32, #tpu.memory_space<hbm>>) dst(%arg8 : memref<10240xi32, #tpu.memory_space<vmem>>)
      tpu.yield
    }) : () -> ()
    "tpu.region"() ({
      %run_scoped3A = tpu.sem_alloc : memref<!tpu.dma_semaphore, #tpu.memory_space<semaphore_mem>>
      %dma_start3A_124 = tpu.memref_slice %arg4[%mul3A_2] : memref<327680xi32, #tpu.memory_space<hbm>> -> memref<10240xi32, #tpu.memory_space<hbm>>
      %dma_start3A_125 = tpu.memref_slice %arg4[%mul3A_2] : memref<327680xi32, #tpu.memory_space<hbm>> -> memref<10240xi32, #tpu.memory_space<hbm>>
      tpu.enqueue_dma source(%dma_start3A_125 : memref<10240xi32, #tpu.memory_space<hbm>>) target(%arg9 : memref<10240xi32, #tpu.memory_space<vmem>>) target_semaphore(%run_scoped3A : memref<!tpu.dma_semaphore, #tpu.memory_space<semaphore_mem>>)
      %dma_wait3A_126 = tpu.memref_slice %arg4[%mul3A_2] : memref<327680xi32, #tpu.memory_space<hbm>> -> memref<10240xi32, #tpu.memory_space<hbm>>
      %dma_wait3A_127 = tpu.memref_slice %arg4[%mul3A_2] : memref<327680xi32, #tpu.memory_space<hbm>> -> memref<10240xi32, #tpu.memory_space<hbm>>
      tpu.wait_dma2 semaphore(%run_scoped3A : memref<!tpu.dma_semaphore, #tpu.memory_space<semaphore_mem>>) src(%dma_wait3A_127 : memref<10240xi32, #tpu.memory_space<hbm>>) dst(%arg9 : memref<10240xi32, #tpu.memory_space<vmem>>)
      tpu.yield
    }) : () -> ()
    "tpu.region"() ({
      %run_scoped3A = tpu.sem_alloc : memref<!tpu.dma_semaphore, #tpu.memory_space<semaphore_mem>>
      %dma_start3A_124 = arith.constant 0 : i32
      %dma_start3A_125 = arith.constant 0 : i32
      %dma_start3A_126 = tpu.memref_slice %arg5[%dma_start3A_124, %dma_start3A_125] : memref<128x128xf32, #tpu.memory_space<hbm>> -> memref<80x128xf32, #tpu.memory_space<hbm>>
      %dma_start3A_127 = arith.constant 0 : i32
      %dma_start3A_128 = arith.constant 0 : i32
      %dma_start3A_129 = tpu.memref_slice %arg5[%dma_start3A_127, %dma_start3A_128] : memref<128x128xf32, #tpu.memory_space<hbm>> -> memref<80x128xf32, #tpu.memory_space<hbm>>
      tpu.enqueue_dma source(%dma_start3A_129 : memref<80x128xf32, #tpu.memory_space<hbm>>) target(%arg10 : memref<80x128xf32, #tpu.memory_space<vmem>>) target_semaphore(%run_scoped3A : memref<!tpu.dma_semaphore, #tpu.memory_space<semaphore_mem>>)
      %dma_wait3A_130 = arith.constant 0 : i32
      %dma_wait3A_131 = arith.constant 0 : i32
      %dma_wait3A_132 = tpu.memref_slice %arg5[%dma_wait3A_130, %dma_wait3A_131] : memref<128x128xf32, #tpu.memory_space<hbm>> -> memref<80x128xf32, #tpu.memory_space<hbm>>
      %dma_wait3A_133 = arith.constant 0 : i32
      %dma_wait3A_134 = arith.constant 0 : i32
      %dma_wait3A_135 = tpu.memref_slice %arg5[%dma_wait3A_133, %dma_wait3A_134] : memref<128x128xf32, #tpu.memory_space<hbm>> -> memref<80x128xf32, #tpu.memory_space<hbm>>
      tpu.wait_dma2 semaphore(%run_scoped3A : memref<!tpu.dma_semaphore, #tpu.memory_space<semaphore_mem>>) src(%dma_wait3A_135 : memref<80x128xf32, #tpu.memory_space<hbm>>) dst(%arg10 : memref<80x128xf32, #tpu.memory_space<vmem>>)
      tpu.yield
    }) : () -> ()
    %mul3A_3 = arith.constant 640 : i32
    %mul3A_4 = arith.muli %arg1, %mul3A_3 : i32
    %add3A_5 = arith.constant 0 : i32
    %add3A_6 = arith.addi %mul3A_4, %add3A_5 : i32
    "tpu.region"() ({
      %run_scoped3A = tpu.sem_alloc : memref<!tpu.dma_semaphore, #tpu.memory_space<semaphore_mem>>
      %dma_start3A_124 = arith.constant 0 : i32
      %dma_start3A_125 = tpu.memref_slice %arg7[%add3A_6, %dma_start3A_124] : memref<10240x128xf32, #tpu.memory_space<vmem_shared>> -> memref<80x128xf32, #tpu.memory_space<vmem_shared>>
      %dma_start3A_126 = arith.constant 0 : i32
      %dma_start3A_127 = tpu.memref_slice %arg7[%add3A_6, %dma_start3A_126] : memref<10240x128xf32, #tpu.memory_space<vmem_shared>> -> memref<80x128xf32, #tpu.memory_space<vmem_shared>>
      tpu.enqueue_dma source(%arg10 : memref<80x128xf32, #tpu.memory_space<vmem>>) target(%dma_start3A_127 : memref<80x128xf32, #tpu.memory_space<vmem_shared>>) target_semaphore(%run_scoped3A : memref<!tpu.dma_semaphore, #tpu.memory_space<semaphore_mem>>)
      %dma_wait3A_128 = arith.constant 0 : i32
      %dma_wait3A_129 = tpu.memref_slice %arg7[%add3A_6, %dma_wait3A_128] : memref<10240x128xf32, #tpu.memory_space<vmem_shared>> -> memref<80x128xf32, #tpu.memory_space<vmem_shared>>
      %dma_wait3A_130 = arith.constant 0 : i32
      %dma_wait3A_131 = tpu.memref_slice %arg7[%add3A_6, %dma_wait3A_130] : memref<10240x128xf32, #tpu.memory_space<vmem_shared>> -> memref<80x128xf32, #tpu.memory_space<vmem_shared>>
      tpu.wait_dma2 semaphore(%run_scoped3A : memref<!tpu.dma_semaphore, #tpu.memory_space<semaphore_mem>>) src(%arg10 : memref<80x128xf32, #tpu.memory_space<vmem>>) dst(%dma_wait3A_131 : memref<80x128xf32, #tpu.memory_space<vmem_shared>>)
      tpu.yield
    }) : () -> ()
    %mul3A_7 = arith.constant 640 : i32
    %mul3A_8 = arith.muli %arg1, %mul3A_7 : i32
    %add3A_9 = arith.constant 80 : i32
    %add3A_10 = arith.addi %mul3A_8, %add3A_9 : i32
    "tpu.region"() ({
      %run_scoped3A = tpu.sem_alloc : memref<!tpu.dma_semaphore, #tpu.memory_space<semaphore_mem>>
      %dma_start3A_124 = arith.constant 0 : i32
      %dma_start3A_125 = tpu.memref_slice %arg7[%add3A_10, %dma_start3A_124] : memref<10240x128xf32, #tpu.memory_space<vmem_shared>> -> memref<80x128xf32, #tpu.memory_space<vmem_shared>>
      %dma_start3A_126 = arith.constant 0 : i32
      %dma_start3A_127 = tpu.memref_slice %arg7[%add3A_10, %dma_start3A_126] : memref<10240x128xf32, #tpu.memory_space<vmem_shared>> -> memref<80x128xf32, #tpu.memory_space<vmem_shared>>
      tpu.enqueue_dma source(%arg10 : memref<80x128xf32, #tpu.memory_space<vmem>>) target(%dma_start3A_127 : memref<80x128xf32, #tpu.memory_space<vmem_shared>>) target_semaphore(%run_scoped3A : memref<!tpu.dma_semaphore, #tpu.memory_space<semaphore_mem>>)
      %dma_wait3A_128 = arith.constant 0 : i32
      %dma_wait3A_129 = tpu.memref_slice %arg7[%add3A_10, %dma_wait3A_128] : memref<10240x128xf32, #tpu.memory_space<vmem_shared>> -> memref<80x128xf32, #tpu.memory_space<vmem_shared>>
      %dma_wait3A_130 = arith.constant 0 : i32
      %dma_wait3A_131 = tpu.memref_slice %arg7[%add3A_10, %dma_wait3A_130] : memref<10240x128xf32, #tpu.memory_space<vmem_shared>> -> memref<80x128xf32, #tpu.memory_space<vmem_shared>>
      tpu.wait_dma2 semaphore(%run_scoped3A : memref<!tpu.dma_semaphore, #tpu.memory_space<semaphore_mem>>) src(%arg10 : memref<80x128xf32, #tpu.memory_space<vmem>>) dst(%dma_wait3A_131 : memref<80x128xf32, #tpu.memory_space<vmem_shared>>)
      tpu.yield
    }) : () -> ()
    %mul3A_11 = arith.constant 640 : i32
    %mul3A_12 = arith.muli %arg1, %mul3A_11 : i32
    %add3A_13 = arith.constant 160 : i32
    %add3A_14 = arith.addi %mul3A_12, %add3A_13 : i32
    "tpu.region"() ({
      %run_scoped3A = tpu.sem_alloc : memref<!tpu.dma_semaphore, #tpu.memory_space<semaphore_mem>>
      %dma_start3A_124 = arith.constant 0 : i32
      %dma_start3A_125 = tpu.memref_slice %arg7[%add3A_14, %dma_start3A_124] : memref<10240x128xf32, #tpu.memory_space<vmem_shared>> -> memref<80x128xf32, #tpu.memory_space<vmem_shared>>
      %dma_start3A_126 = arith.constant 0 : i32
      %dma_start3A_127 = tpu.memref_slice %arg7[%add3A_14, %dma_start3A_126] : memref<10240x128xf32, #tpu.memory_space<vmem_shared>> -> memref<80x128xf32, #tpu.memory_space<vmem_shared>>
      tpu.enqueue_dma source(%arg10 : memref<80x128xf32, #tpu.memory_space<vmem>>) target(%dma_start3A_127 : memref<80x128xf32, #tpu.memory_space<vmem_shared>>) target_semaphore(%run_scoped3A : memref<!tpu.dma_semaphore, #tpu.memory_space<semaphore_mem>>)
      %dma_wait3A_128 = arith.constant 0 : i32
      %dma_wait3A_129 = tpu.memref_slice %arg7[%add3A_14, %dma_wait3A_128] : memref<10240x128xf32, #tpu.memory_space<vmem_shared>> -> memref<80x128xf32, #tpu.memory_space<vmem_shared>>
      %dma_wait3A_130 = arith.constant 0 : i32
      %dma_wait3A_131 = tpu.memref_slice %arg7[%add3A_14, %dma_wait3A_130] : memref<10240x128xf32, #tpu.memory_space<vmem_shared>> -> memref<80x128xf32, #tpu.memory_space<vmem_shared>>
      tpu.wait_dma2 semaphore(%run_scoped3A : memref<!tpu.dma_semaphore, #tpu.memory_space<semaphore_mem>>) src(%arg10 : memref<80x128xf32, #tpu.memory_space<vmem>>) dst(%dma_wait3A_131 : memref<80x128xf32, #tpu.memory_space<vmem_shared>>)
      tpu.yield
    }) : () -> ()
    %mul3A_15 = arith.constant 640 : i32
    %mul3A_16 = arith.muli %arg1, %mul3A_15 : i32
    %add3A_17 = arith.constant 240 : i32
    %add3A_18 = arith.addi %mul3A_16, %add3A_17 : i32
    "tpu.region"() ({
      %run_scoped3A = tpu.sem_alloc : memref<!tpu.dma_semaphore, #tpu.memory_space<semaphore_mem>>
      %dma_start3A_124 = arith.constant 0 : i32
      %dma_start3A_125 = tpu.memref_slice %arg7[%add3A_18, %dma_start3A_124] : memref<10240x128xf32, #tpu.memory_space<vmem_shared>> -> memref<80x128xf32, #tpu.memory_space<vmem_shared>>
      %dma_start3A_126 = arith.constant 0 : i32
      %dma_start3A_127 = tpu.memref_slice %arg7[%add3A_18, %dma_start3A_126] : memref<10240x128xf32, #tpu.memory_space<vmem_shared>> -> memref<80x128xf32, #tpu.memory_space<vmem_shared>>
      tpu.enqueue_dma source(%arg10 : memref<80x128xf32, #tpu.memory_space<vmem>>) target(%dma_start3A_127 : memref<80x128xf32, #tpu.memory_space<vmem_shared>>) target_semaphore(%run_scoped3A : memref<!tpu.dma_semaphore, #tpu.memory_space<semaphore_mem>>)
      %dma_wait3A_128 = arith.constant 0 : i32
      %dma_wait3A_129 = tpu.memref_slice %arg7[%add3A_18, %dma_wait3A_128] : memref<10240x128xf32, #tpu.memory_space<vmem_shared>> -> memref<80x128xf32, #tpu.memory_space<vmem_shared>>
      %dma_wait3A_130 = arith.constant 0 : i32
      %dma_wait3A_131 = tpu.memref_slice %arg7[%add3A_18, %dma_wait3A_130] : memref<10240x128xf32, #tpu.memory_space<vmem_shared>> -> memref<80x128xf32, #tpu.memory_space<vmem_shared>>
      tpu.wait_dma2 semaphore(%run_scoped3A : memref<!tpu.dma_semaphore, #tpu.memory_space<semaphore_mem>>) src(%arg10 : memref<80x128xf32, #tpu.memory_space<vmem>>) dst(%dma_wait3A_131 : memref<80x128xf32, #tpu.memory_space<vmem_shared>>)
      tpu.yield
    }) : () -> ()
    %mul3A_19 = arith.constant 640 : i32
    %mul3A_20 = arith.muli %arg1, %mul3A_19 : i32
    %add3A_21 = arith.constant 320 : i32
    %add3A_22 = arith.addi %mul3A_20, %add3A_21 : i32
    "tpu.region"() ({
      %run_scoped3A = tpu.sem_alloc : memref<!tpu.dma_semaphore, #tpu.memory_space<semaphore_mem>>
      %dma_start3A_124 = arith.constant 0 : i32
      %dma_start3A_125 = tpu.memref_slice %arg7[%add3A_22, %dma_start3A_124] : memref<10240x128xf32, #tpu.memory_space<vmem_shared>> -> memref<80x128xf32, #tpu.memory_space<vmem_shared>>
      %dma_start3A_126 = arith.constant 0 : i32
      %dma_start3A_127 = tpu.memref_slice %arg7[%add3A_22, %dma_start3A_126] : memref<10240x128xf32, #tpu.memory_space<vmem_shared>> -> memref<80x128xf32, #tpu.memory_space<vmem_shared>>
      tpu.enqueue_dma source(%arg10 : memref<80x128xf32, #tpu.memory_space<vmem>>) target(%dma_start3A_127 : memref<80x128xf32, #tpu.memory_space<vmem_shared>>) target_semaphore(%run_scoped3A : memref<!tpu.dma_semaphore, #tpu.memory_space<semaphore_mem>>)
      %dma_wait3A_128 = arith.constant 0 : i32
      %dma_wait3A_129 = tpu.memref_slice %arg7[%add3A_22, %dma_wait3A_128] : memref<10240x128xf32, #tpu.memory_space<vmem_shared>> -> memref<80x128xf32, #tpu.memory_space<vmem_shared>>
      %dma_wait3A_130 = arith.constant 0 : i32
      %dma_wait3A_131 = tpu.memref_slice %arg7[%add3A_22, %dma_wait3A_130] : memref<10240x128xf32, #tpu.memory_space<vmem_shared>> -> memref<80x128xf32, #tpu.memory_space<vmem_shared>>
      tpu.wait_dma2 semaphore(%run_scoped3A : memref<!tpu.dma_semaphore, #tpu.memory_space<semaphore_mem>>) src(%arg10 : memref<80x128xf32, #tpu.memory_space<vmem>>) dst(%dma_wait3A_131 : memref<80x128xf32, #tpu.memory_space<vmem_shared>>)
      tpu.yield
    }) : () -> ()
    %mul3A_23 = arith.constant 640 : i32
    %mul3A_24 = arith.muli %arg1, %mul3A_23 : i32
    %add3A_25 = arith.constant 400 : i32
    %add3A_26 = arith.addi %mul3A_24, %add3A_25 : i32
    "tpu.region"() ({
      %run_scoped3A = tpu.sem_alloc : memref<!tpu.dma_semaphore, #tpu.memory_space<semaphore_mem>>
      %dma_start3A_124 = arith.constant 0 : i32
      %dma_start3A_125 = tpu.memref_slice %arg7[%add3A_26, %dma_start3A_124] : memref<10240x128xf32, #tpu.memory_space<vmem_shared>> -> memref<80x128xf32, #tpu.memory_space<vmem_shared>>
      %dma_start3A_126 = arith.constant 0 : i32
      %dma_start3A_127 = tpu.memref_slice %arg7[%add3A_26, %dma_start3A_126] : memref<10240x128xf32, #tpu.memory_space<vmem_shared>> -> memref<80x128xf32, #tpu.memory_space<vmem_shared>>
      tpu.enqueue_dma source(%arg10 : memref<80x128xf32, #tpu.memory_space<vmem>>) target(%dma_start3A_127 : memref<80x128xf32, #tpu.memory_space<vmem_shared>>) target_semaphore(%run_scoped3A : memref<!tpu.dma_semaphore, #tpu.memory_space<semaphore_mem>>)
      %dma_wait3A_128 = arith.constant 0 : i32
      %dma_wait3A_129 = tpu.memref_slice %arg7[%add3A_26, %dma_wait3A_128] : memref<10240x128xf32, #tpu.memory_space<vmem_shared>> -> memref<80x128xf32, #tpu.memory_space<vmem_shared>>
      %dma_wait3A_130 = arith.constant 0 : i32
      %dma_wait3A_131 = tpu.memref_slice %arg7[%add3A_26, %dma_wait3A_130] : memref<10240x128xf32, #tpu.memory_space<vmem_shared>> -> memref<80x128xf32, #tpu.memory_space<vmem_shared>>
      tpu.wait_dma2 semaphore(%run_scoped3A : memref<!tpu.dma_semaphore, #tpu.memory_space<semaphore_mem>>) src(%arg10 : memref<80x128xf32, #tpu.memory_space<vmem>>) dst(%dma_wait3A_131 : memref<80x128xf32, #tpu.memory_space<vmem_shared>>)
      tpu.yield
    }) : () -> ()
    %mul3A_27 = arith.constant 640 : i32
    %mul3A_28 = arith.muli %arg1, %mul3A_27 : i32
    %add3A_29 = arith.constant 480 : i32
    %add3A_30 = arith.addi %mul3A_28, %add3A_29 : i32
    "tpu.region"() ({
      %run_scoped3A = tpu.sem_alloc : memref<!tpu.dma_semaphore, #tpu.memory_space<semaphore_mem>>
      %dma_start3A_124 = arith.constant 0 : i32
      %dma_start3A_125 = tpu.memref_slice %arg7[%add3A_30, %dma_start3A_124] : memref<10240x128xf32, #tpu.memory_space<vmem_shared>> -> memref<80x128xf32, #tpu.memory_space<vmem_shared>>
      %dma_start3A_126 = arith.constant 0 : i32
      %dma_start3A_127 = tpu.memref_slice %arg7[%add3A_30, %dma_start3A_126] : memref<10240x128xf32, #tpu.memory_space<vmem_shared>> -> memref<80x128xf32, #tpu.memory_space<vmem_shared>>
      tpu.enqueue_dma source(%arg10 : memref<80x128xf32, #tpu.memory_space<vmem>>) target(%dma_start3A_127 : memref<80x128xf32, #tpu.memory_space<vmem_shared>>) target_semaphore(%run_scoped3A : memref<!tpu.dma_semaphore, #tpu.memory_space<semaphore_mem>>)
      %dma_wait3A_128 = arith.constant 0 : i32
      %dma_wait3A_129 = tpu.memref_slice %arg7[%add3A_30, %dma_wait3A_128] : memref<10240x128xf32, #tpu.memory_space<vmem_shared>> -> memref<80x128xf32, #tpu.memory_space<vmem_shared>>
      %dma_wait3A_130 = arith.constant 0 : i32
      %dma_wait3A_131 = tpu.memref_slice %arg7[%add3A_30, %dma_wait3A_130] : memref<10240x128xf32, #tpu.memory_space<vmem_shared>> -> memref<80x128xf32, #tpu.memory_space<vmem_shared>>
      tpu.wait_dma2 semaphore(%run_scoped3A : memref<!tpu.dma_semaphore, #tpu.memory_space<semaphore_mem>>) src(%arg10 : memref<80x128xf32, #tpu.memory_space<vmem>>) dst(%dma_wait3A_131 : memref<80x128xf32, #tpu.memory_space<vmem_shared>>)
      tpu.yield
    }) : () -> ()
    %mul3A_31 = arith.constant 640 : i32
    %mul3A_32 = arith.muli %arg1, %mul3A_31 : i32
    %add3A_33 = arith.constant 560 : i32
    %add3A_34 = arith.addi %mul3A_32, %add3A_33 : i32
    "tpu.region"() ({
      %run_scoped3A = tpu.sem_alloc : memref<!tpu.dma_semaphore, #tpu.memory_space<semaphore_mem>>
      %dma_start3A_124 = arith.constant 0 : i32
      %dma_start3A_125 = tpu.memref_slice %arg7[%add3A_34, %dma_start3A_124] : memref<10240x128xf32, #tpu.memory_space<vmem_shared>> -> memref<80x128xf32, #tpu.memory_space<vmem_shared>>
      %dma_start3A_126 = arith.constant 0 : i32
      %dma_start3A_127 = tpu.memref_slice %arg7[%add3A_34, %dma_start3A_126] : memref<10240x128xf32, #tpu.memory_space<vmem_shared>> -> memref<80x128xf32, #tpu.memory_space<vmem_shared>>
      tpu.enqueue_dma source(%arg10 : memref<80x128xf32, #tpu.memory_space<vmem>>) target(%dma_start3A_127 : memref<80x128xf32, #tpu.memory_space<vmem_shared>>) target_semaphore(%run_scoped3A : memref<!tpu.dma_semaphore, #tpu.memory_space<semaphore_mem>>)
      %dma_wait3A_128 = arith.constant 0 : i32
      %dma_wait3A_129 = tpu.memref_slice %arg7[%add3A_34, %dma_wait3A_128] : memref<10240x128xf32, #tpu.memory_space<vmem_shared>> -> memref<80x128xf32, #tpu.memory_space<vmem_shared>>
      %dma_wait3A_130 = arith.constant 0 : i32
      %dma_wait3A_131 = tpu.memref_slice %arg7[%add3A_34, %dma_wait3A_130] : memref<10240x128xf32, #tpu.memory_space<vmem_shared>> -> memref<80x128xf32, #tpu.memory_space<vmem_shared>>
      tpu.wait_dma2 semaphore(%run_scoped3A : memref<!tpu.dma_semaphore, #tpu.memory_space<semaphore_mem>>) src(%arg10 : memref<80x128xf32, #tpu.memory_space<vmem>>) dst(%dma_wait3A_131 : memref<80x128xf32, #tpu.memory_space<vmem_shared>>)
      tpu.yield
    }) : () -> ()
    %barrier3A = arith.constant 0 : index
    tpu.barrier barrier_id(%barrier3A)
    %broadcast_in_dim3A = arith.constant 1.000000e+00 : f32
    %broadcast_in_dim3A_35 = vector.broadcast %broadcast_in_dim3A : f32 to vector<16xf32>
    %dma_start3A = arith.constant 0 : i32
    %dma_start3A_36 = tpu.memref_slice %arg8[%dma_start3A] : memref<10240xi32, #tpu.memory_space<vmem>> -> memref<80xi32, #tpu.memory_space<vmem>>
    %dma_start3A_37 = arith.constant 0 : i32
    %dma_start3A_38 = arith.constant 0 : i32
    %dma_start3A_39 = tpu.memref_slice %arg2[%dma_start3A_37, %dma_start3A_38] : memref<10000x128xf32, #tpu.memory_space<hbm>> -> memref<10000x128xf32, #tpu.memory_space<hbm>>
    tpu.enqueue_indirect_dma source(%dma_start3A_39 : memref<10000x128xf32, #tpu.memory_space<hbm>>) target(%arg10 : memref<80x128xf32, #tpu.memory_space<vmem>>) offsets(%dma_start3A_36 : memref<80xi32, #tpu.memory_space<vmem>>) semaphore(%arg12 : memref<!tpu.dma_semaphore, #tpu.memory_space<semaphore_mem>>)
    %scan3A = arith.constant 0 : i32
    %scan3A_40 = arith.constant 0 : i32
    %scan3A_41 = arith.constant 63 : i32
    %scan3A_42 = arith.addi %scan3A_40, %scan3A_41 : i32
    %scan3A_43 = arith.constant 1 : i32
    scf.for %scan3A_124 = %scan3A_40 to %scan3A_42 step %scan3A_43  : i32 {
      %mul3A_125 = arith.constant 2 : i32
      %mul3A_126 = arith.muli %mul3A_125, %scan3A_124 : i32
      %add3A_127 = arith.constant 0 : i32
      %add3A_128 = arith.addi %mul3A_126, %add3A_127 : i32
      %add3A_129 = arith.constant 1 : i32
      %add3A_130 = arith.addi %add3A_128, %add3A_129 : i32
      %mul3A_131 = arith.constant 80 : i32
      %mul3A_132 = arith.muli %add3A_128, %mul3A_131 : i32
      %dma_wait3A_133 = tpu.memref_slice %arg8[%mul3A_132] : memref<10240xi32, #tpu.memory_space<vmem>> -> memref<80xi32, #tpu.memory_space<vmem>>
      %dma_wait3A_134 = arith.constant 0 : i32
      %dma_wait3A_135 = arith.constant 0 : i32
      %dma_wait3A_136 = tpu.memref_slice %arg2[%dma_wait3A_134, %dma_wait3A_135] : memref<10000x128xf32, #tpu.memory_space<hbm>> -> memref<10000x128xf32, #tpu.memory_space<hbm>>
      tpu.wait_indirect_dma semaphore(%arg12 : memref<!tpu.dma_semaphore, #tpu.memory_space<semaphore_mem>>) src(%dma_wait3A_136 : memref<10000x128xf32, #tpu.memory_space<hbm>>) dst(%arg10 : memref<80x128xf32, #tpu.memory_space<vmem>>)
      %add3A_137 = arith.constant 1 : i32
      %add3A_138 = arith.addi %add3A_128, %add3A_137 : i32
      %mul3A_139 = arith.constant 80 : i32
      %mul3A_140 = arith.muli %add3A_138, %mul3A_139 : i32
      %dma_start3A_141 = tpu.memref_slice %arg8[%mul3A_140] : memref<10240xi32, #tpu.memory_space<vmem>> -> memref<80xi32, #tpu.memory_space<vmem>>
      %dma_start3A_142 = arith.constant 0 : i32
      %dma_start3A_143 = arith.constant 0 : i32
      %dma_start3A_144 = tpu.memref_slice %arg2[%dma_start3A_142, %dma_start3A_143] : memref<10000x128xf32, #tpu.memory_space<hbm>> -> memref<10000x128xf32, #tpu.memory_space<hbm>>
      tpu.enqueue_indirect_dma source(%dma_start3A_144 : memref<10000x128xf32, #tpu.memory_space<hbm>>) target(%arg11 : memref<80x128xf32, #tpu.memory_space<vmem>>) offsets(%dma_start3A_141 : memref<80xi32, #tpu.memory_space<vmem>>) semaphore(%arg13 : memref<!tpu.dma_semaphore, #tpu.memory_space<semaphore_mem>>)
      %mul3A_145 = arith.constant 80 : i32
      %mul3A_146 = arith.muli %add3A_128, %mul3A_145 : i32
      "tpu.region"() ({
        %run_scoped3A = tpu.sem_alloc : memref<!tpu.dma_semaphore, #tpu.memory_space<semaphore_mem>>
        %dma_start3A_169 = tpu.memref_slice %arg9[%mul3A_146] : memref<10240xi32, #tpu.memory_space<vmem>> -> memref<80xi32, #tpu.memory_space<vmem>>
        %dma_start3A_170 = arith.constant 0 : i32
        %dma_start3A_171 = arith.constant 0 : i32
        %dma_start3A_172 = tpu.memref_slice %arg7[%dma_start3A_170, %dma_start3A_171] : memref<10240x128xf32, #tpu.memory_space<vmem_shared>> -> memref<10240x128xf32, #tpu.memory_space<vmem_shared>>
        tpu.enqueue_indirect_dma source(%arg10 : memref<80x128xf32, #tpu.memory_space<vmem>>) target(%dma_start3A_172 : memref<10240x128xf32, #tpu.memory_space<vmem_shared>>) offsets(%dma_start3A_169 : memref<80xi32, #tpu.memory_space<vmem>>) semaphore(%run_scoped3A : memref<!tpu.dma_semaphore, #tpu.memory_space<semaphore_mem>>) {add = true}
        %dma_wait3A_173 = tpu.memref_slice %arg9[%mul3A_146] : memref<10240xi32, #tpu.memory_space<vmem>> -> memref<80xi32, #tpu.memory_space<vmem>>
        %dma_wait3A_174 = arith.constant 0 : i32
        %dma_wait3A_175 = arith.constant 0 : i32
        %dma_wait3A_176 = tpu.memref_slice %arg7[%dma_wait3A_174, %dma_wait3A_175] : memref<10240x128xf32, #tpu.memory_space<vmem_shared>> -> memref<10240x128xf32, #tpu.memory_space<vmem_shared>>
        tpu.wait_indirect_dma semaphore(%run_scoped3A : memref<!tpu.dma_semaphore, #tpu.memory_space<semaphore_mem>>) src(%arg10 : memref<80x128xf32, #tpu.memory_space<vmem>>) dst(%dma_wait3A_176 : memref<10240x128xf32, #tpu.memory_space<vmem_shared>>)
        tpu.yield
      }) : () -> ()
      %mul3A_147 = arith.constant 2 : i32
      %mul3A_148 = arith.muli %mul3A_147, %scan3A_124 : i32
      %add3A_149 = arith.constant 1 : i32
      %add3A_150 = arith.addi %mul3A_148, %add3A_149 : i32
      %add3A_151 = arith.constant 1 : i32
      %add3A_152 = arith.addi %add3A_150, %add3A_151 : i32
      %mul3A_153 = arith.constant 80 : i32
      %mul3A_154 = arith.muli %add3A_150, %mul3A_153 : i32
      %dma_wait3A_155 = tpu.memref_slice %arg8[%mul3A_154] : memref<10240xi32, #tpu.memory_space<vmem>> -> memref<80xi32, #tpu.memory_space<vmem>>
      %dma_wait3A_156 = arith.constant 0 : i32
      %dma_wait3A_157 = arith.constant 0 : i32
      %dma_wait3A_158 = tpu.memref_slice %arg2[%dma_wait3A_156, %dma_wait3A_157] : memref<10000x128xf32, #tpu.memory_space<hbm>> -> memref<10000x128xf32, #tpu.memory_space<hbm>>
      tpu.wait_indirect_dma semaphore(%arg13 : memref<!tpu.dma_semaphore, #tpu.memory_space<semaphore_mem>>) src(%dma_wait3A_158 : memref<10000x128xf32, #tpu.memory_space<hbm>>) dst(%arg11 : memref<80x128xf32, #tpu.memory_space<vmem>>)
      %add3A_159 = arith.constant 1 : i32
      %add3A_160 = arith.addi %add3A_150, %add3A_159 : i32
      %mul3A_161 = arith.constant 80 : i32
      %mul3A_162 = arith.muli %add3A_160, %mul3A_161 : i32
      %dma_start3A_163 = tpu.memref_slice %arg8[%mul3A_162] : memref<10240xi32, #tpu.memory_space<vmem>> -> memref<80xi32, #tpu.memory_space<vmem>>
      %dma_start3A_164 = arith.constant 0 : i32
      %dma_start3A_165 = arith.constant 0 : i32
      %dma_start3A_166 = tpu.memref_slice %arg2[%dma_start3A_164, %dma_start3A_165] : memref<10000x128xf32, #tpu.memory_space<hbm>> -> memref<10000x128xf32, #tpu.memory_space<hbm>>
      tpu.enqueue_indirect_dma source(%dma_start3A_166 : memref<10000x128xf32, #tpu.memory_space<hbm>>) target(%arg10 : memref<80x128xf32, #tpu.memory_space<vmem>>) offsets(%dma_start3A_163 : memref<80xi32, #tpu.memory_space<vmem>>) semaphore(%arg12 : memref<!tpu.dma_semaphore, #tpu.memory_space<semaphore_mem>>)
      %mul3A_167 = arith.constant 80 : i32
      %mul3A_168 = arith.muli %add3A_150, %mul3A_167 : i32
      "tpu.region"() ({
        %run_scoped3A = tpu.sem_alloc : memref<!tpu.dma_semaphore, #tpu.memory_space<semaphore_mem>>
        %dma_start3A_169 = tpu.memref_slice %arg9[%mul3A_168] : memref<10240xi32, #tpu.memory_space<vmem>> -> memref<80xi32, #tpu.memory_space<vmem>>
        %dma_start3A_170 = arith.constant 0 : i32
        %dma_start3A_171 = arith.constant 0 : i32
        %dma_start3A_172 = tpu.memref_slice %arg7[%dma_start3A_170, %dma_start3A_171] : memref<10240x128xf32, #tpu.memory_space<vmem_shared>> -> memref<10240x128xf32, #tpu.memory_space<vmem_shared>>
        tpu.enqueue_indirect_dma source(%arg11 : memref<80x128xf32, #tpu.memory_space<vmem>>) target(%dma_start3A_172 : memref<10240x128xf32, #tpu.memory_space<vmem_shared>>) offsets(%dma_start3A_169 : memref<80xi32, #tpu.memory_space<vmem>>) semaphore(%run_scoped3A : memref<!tpu.dma_semaphore, #tpu.memory_space<semaphore_mem>>) {add = true}
        %dma_wait3A_173 = tpu.memref_slice %arg9[%mul3A_168] : memref<10240xi32, #tpu.memory_space<vmem>> -> memref<80xi32, #tpu.memory_space<vmem>>
        %dma_wait3A_174 = arith.constant 0 : i32
        %dma_wait3A_175 = arith.constant 0 : i32
        %dma_wait3A_176 = tpu.memref_slice %arg7[%dma_wait3A_174, %dma_wait3A_175] : memref<10240x128xf32, #tpu.memory_space<vmem_shared>> -> memref<10240x128xf32, #tpu.memory_space<vmem_shared>>
        tpu.wait_indirect_dma semaphore(%run_scoped3A : memref<!tpu.dma_semaphore, #tpu.memory_space<semaphore_mem>>) src(%arg11 : memref<80x128xf32, #tpu.memory_space<vmem>>) dst(%dma_wait3A_176 : memref<10240x128xf32, #tpu.memory_space<vmem_shared>>)
        tpu.yield
      }) : () -> ()
    }
    %scan3A_44 = arith.constant 63 : i32
    %dma_wait3A = arith.constant 10080 : i32
    %dma_wait3A_45 = tpu.memref_slice %arg8[%dma_wait3A] : memref<10240xi32, #tpu.memory_space<vmem>> -> memref<80xi32, #tpu.memory_space<vmem>>
    %dma_wait3A_46 = arith.constant 0 : i32
    %dma_wait3A_47 = arith.constant 0 : i32
    %dma_wait3A_48 = tpu.memref_slice %arg2[%dma_wait3A_46, %dma_wait3A_47] : memref<10000x128xf32, #tpu.memory_space<hbm>> -> memref<10000x128xf32, #tpu.memory_space<hbm>>
    tpu.wait_indirect_dma semaphore(%arg12 : memref<!tpu.dma_semaphore, #tpu.memory_space<semaphore_mem>>) src(%dma_wait3A_48 : memref<10000x128xf32, #tpu.memory_space<hbm>>) dst(%arg10 : memref<80x128xf32, #tpu.memory_space<vmem>>)
    %dma_start3A_49 = arith.constant 10160 : i32
    %dma_start3A_50 = tpu.memref_slice %arg8[%dma_start3A_49] : memref<10240xi32, #tpu.memory_space<vmem>> -> memref<80xi32, #tpu.memory_space<vmem>>
    %dma_start3A_51 = arith.constant 0 : i32
    %dma_start3A_52 = arith.constant 0 : i32
    %dma_start3A_53 = tpu.memref_slice %arg2[%dma_start3A_51, %dma_start3A_52] : memref<10000x128xf32, #tpu.memory_space<hbm>> -> memref<10000x128xf32, #tpu.memory_space<hbm>>
    tpu.enqueue_indirect_dma source(%dma_start3A_53 : memref<10000x128xf32, #tpu.memory_space<hbm>>) target(%arg11 : memref<80x128xf32, #tpu.memory_space<vmem>>) offsets(%dma_start3A_50 : memref<80xi32, #tpu.memory_space<vmem>>) semaphore(%arg13 : memref<!tpu.dma_semaphore, #tpu.memory_space<semaphore_mem>>)
    "tpu.region"() ({
      %run_scoped3A = tpu.sem_alloc : memref<!tpu.dma_semaphore, #tpu.memory_space<semaphore_mem>>
      %dma_start3A_124 = arith.constant 10080 : i32
      %dma_start3A_125 = tpu.memref_slice %arg9[%dma_start3A_124] : memref<10240xi32, #tpu.memory_space<vmem>> -> memref<80xi32, #tpu.memory_space<vmem>>
      %dma_start3A_126 = arith.constant 0 : i32
      %dma_start3A_127 = arith.constant 0 : i32
      %dma_start3A_128 = tpu.memref_slice %arg7[%dma_start3A_126, %dma_start3A_127] : memref<10240x128xf32, #tpu.memory_space<vmem_shared>> -> memref<10240x128xf32, #tpu.memory_space<vmem_shared>>
      tpu.enqueue_indirect_dma source(%arg10 : memref<80x128xf32, #tpu.memory_space<vmem>>) target(%dma_start3A_128 : memref<10240x128xf32, #tpu.memory_space<vmem_shared>>) offsets(%dma_start3A_125 : memref<80xi32, #tpu.memory_space<vmem>>) semaphore(%run_scoped3A : memref<!tpu.dma_semaphore, #tpu.memory_space<semaphore_mem>>) {add = true}
      %dma_wait3A_129 = arith.constant 10080 : i32
      %dma_wait3A_130 = tpu.memref_slice %arg9[%dma_wait3A_129] : memref<10240xi32, #tpu.memory_space<vmem>> -> memref<80xi32, #tpu.memory_space<vmem>>
      %dma_wait3A_131 = arith.constant 0 : i32
      %dma_wait3A_132 = arith.constant 0 : i32
      %dma_wait3A_133 = tpu.memref_slice %arg7[%dma_wait3A_131, %dma_wait3A_132] : memref<10240x128xf32, #tpu.memory_space<vmem_shared>> -> memref<10240x128xf32, #tpu.memory_space<vmem_shared>>
      tpu.wait_indirect_dma semaphore(%run_scoped3A : memref<!tpu.dma_semaphore, #tpu.memory_space<semaphore_mem>>) src(%arg10 : memref<80x128xf32, #tpu.memory_space<vmem>>) dst(%dma_wait3A_133 : memref<10240x128xf32, #tpu.memory_space<vmem_shared>>)
      tpu.yield
    }) : () -> ()
    %dma_wait3A_54 = arith.constant 10160 : i32
    %dma_wait3A_55 = tpu.memref_slice %arg8[%dma_wait3A_54] : memref<10240xi32, #tpu.memory_space<vmem>> -> memref<80xi32, #tpu.memory_space<vmem>>
    %dma_wait3A_56 = arith.constant 0 : i32
    %dma_wait3A_57 = arith.constant 0 : i32
    %dma_wait3A_58 = tpu.memref_slice %arg2[%dma_wait3A_56, %dma_wait3A_57] : memref<10000x128xf32, #tpu.memory_space<hbm>> -> memref<10000x128xf32, #tpu.memory_space<hbm>>
    tpu.wait_indirect_dma semaphore(%arg13 : memref<!tpu.dma_semaphore, #tpu.memory_space<semaphore_mem>>) src(%dma_wait3A_58 : memref<10000x128xf32, #tpu.memory_space<hbm>>) dst(%arg11 : memref<80x128xf32, #tpu.memory_space<vmem>>)
    "tpu.region"() ({
      %run_scoped3A = tpu.sem_alloc : memref<!tpu.dma_semaphore, #tpu.memory_space<semaphore_mem>>
      %dma_start3A_124 = arith.constant 10160 : i32
      %dma_start3A_125 = tpu.memref_slice %arg9[%dma_start3A_124] : memref<10240xi32, #tpu.memory_space<vmem>> -> memref<80xi32, #tpu.memory_space<vmem>>
      %dma_start3A_126 = arith.constant 0 : i32
      %dma_start3A_127 = arith.constant 0 : i32
      %dma_start3A_128 = tpu.memref_slice %arg7[%dma_start3A_126, %dma_start3A_127] : memref<10240x128xf32, #tpu.memory_space<vmem_shared>> -> memref<10240x128xf32, #tpu.memory_space<vmem_shared>>
      tpu.enqueue_indirect_dma source(%arg11 : memref<80x128xf32, #tpu.memory_space<vmem>>) target(%dma_start3A_128 : memref<10240x128xf32, #tpu.memory_space<vmem_shared>>) offsets(%dma_start3A_125 : memref<80xi32, #tpu.memory_space<vmem>>) semaphore(%run_scoped3A : memref<!tpu.dma_semaphore, #tpu.memory_space<semaphore_mem>>) {add = true}
      %dma_wait3A_129 = arith.constant 10160 : i32
      %dma_wait3A_130 = tpu.memref_slice %arg9[%dma_wait3A_129] : memref<10240xi32, #tpu.memory_space<vmem>> -> memref<80xi32, #tpu.memory_space<vmem>>
      %dma_wait3A_131 = arith.constant 0 : i32
      %dma_wait3A_132 = arith.constant 0 : i32
      %dma_wait3A_133 = tpu.memref_slice %arg7[%dma_wait3A_131, %dma_wait3A_132] : memref<10240x128xf32, #tpu.memory_space<vmem_shared>> -> memref<10240x128xf32, #tpu.memory_space<vmem_shared>>
      tpu.wait_indirect_dma semaphore(%run_scoped3A : memref<!tpu.dma_semaphore, #tpu.memory_space<semaphore_mem>>) src(%arg11 : memref<80x128xf32, #tpu.memory_space<vmem>>) dst(%dma_wait3A_133 : memref<10240x128xf32, #tpu.memory_space<vmem_shared>>)
      tpu.yield
    }) : () -> ()
    %barrier3A_59 = arith.constant 0 : index
    tpu.barrier barrier_id(%barrier3A_59)
    %mul3A_60 = arith.constant 640 : i32
    %mul3A_61 = arith.muli %arg1, %mul3A_60 : i32
    %add3A_62 = arith.constant 0 : i32
    %add3A_63 = arith.addi %mul3A_61, %add3A_62 : i32
    "tpu.region"() ({
      %run_scoped3A = tpu.sem_alloc : memref<!tpu.dma_semaphore, #tpu.memory_space<semaphore_mem>>
      %dma_start3A_124 = arith.constant 0 : i32
      %dma_start3A_125 = tpu.memref_slice %arg7[%add3A_63, %dma_start3A_124] : memref<10240x128xf32, #tpu.memory_space<vmem_shared>> -> memref<80x128xf32, #tpu.memory_space<vmem_shared>>
      %dma_start3A_126 = arith.constant 0 : i32
      %dma_start3A_127 = tpu.memref_slice %arg7[%add3A_63, %dma_start3A_126] : memref<10240x128xf32, #tpu.memory_space<vmem_shared>> -> memref<80x128xf32, #tpu.memory_space<vmem_shared>>
      tpu.enqueue_dma source(%dma_start3A_127 : memref<80x128xf32, #tpu.memory_space<vmem_shared>>) target(%arg10 : memref<80x128xf32, #tpu.memory_space<vmem>>) target_semaphore(%run_scoped3A : memref<!tpu.dma_semaphore, #tpu.memory_space<semaphore_mem>>)
      %dma_wait3A_128 = arith.constant 0 : i32
      %dma_wait3A_129 = tpu.memref_slice %arg7[%add3A_63, %dma_wait3A_128] : memref<10240x128xf32, #tpu.memory_space<vmem_shared>> -> memref<80x128xf32, #tpu.memory_space<vmem_shared>>
      %dma_wait3A_130 = arith.constant 0 : i32
      %dma_wait3A_131 = tpu.memref_slice %arg7[%add3A_63, %dma_wait3A_130] : memref<10240x128xf32, #tpu.memory_space<vmem_shared>> -> memref<80x128xf32, #tpu.memory_space<vmem_shared>>
      tpu.wait_dma2 semaphore(%run_scoped3A : memref<!tpu.dma_semaphore, #tpu.memory_space<semaphore_mem>>) src(%dma_wait3A_131 : memref<80x128xf32, #tpu.memory_space<vmem_shared>>) dst(%arg10 : memref<80x128xf32, #tpu.memory_space<vmem>>)
      tpu.yield
    }) : () -> ()
    %mul3A_64 = arith.constant 640 : i32
    %mul3A_65 = arith.muli %arg1, %mul3A_64 : i32
    %add3A_66 = arith.constant 0 : i32
    %add3A_67 = arith.addi %mul3A_65, %add3A_66 : i32
    "tpu.region"() ({
      %run_scoped3A = tpu.sem_alloc : memref<!tpu.dma_semaphore, #tpu.memory_space<semaphore_mem>>
      %dma_start3A_124 = arith.constant 0 : i32
      %dma_start3A_125 = tpu.memref_slice %arg6[%arg0, %add3A_67, %dma_start3A_124] : memref<2x10240x128xf32, #tpu.memory_space<hbm>> -> memref<1x80x128xf32, #tpu.memory_space<hbm>>
      %dma_start3A_126 = tpu.memref_squeeze %dma_start3A_125 : memref<1x80x128xf32, #tpu.memory_space<hbm>> -> memref<80x128xf32, #tpu.memory_space<hbm>>
      %dma_start3A_127 = arith.constant 0 : i32
      %dma_start3A_128 = tpu.memref_slice %arg6[%arg0, %add3A_67, %dma_start3A_127] : memref<2x10240x128xf32, #tpu.memory_space<hbm>> -> memref<1x80x128xf32, #tpu.memory_space<hbm>>
      %dma_start3A_129 = tpu.memref_squeeze %dma_start3A_128 : memref<1x80x128xf32, #tpu.memory_space<hbm>> -> memref<80x128xf32, #tpu.memory_space<hbm>>
      tpu.enqueue_dma source(%arg10 : memref<80x128xf32, #tpu.memory_space<vmem>>) target(%dma_start3A_129 : memref<80x128xf32, #tpu.memory_space<hbm>>) target_semaphore(%run_scoped3A : memref<!tpu.dma_semaphore, #tpu.memory_space<semaphore_mem>>)
      %dma_wait3A_130 = arith.constant 0 : i32
      %dma_wait3A_131 = tpu.memref_slice %arg6[%arg0, %add3A_67, %dma_wait3A_130] : memref<2x10240x128xf32, #tpu.memory_space<hbm>> -> memref<1x80x128xf32, #tpu.memory_space<hbm>>
      %dma_wait3A_132 = tpu.memref_squeeze %dma_wait3A_131 : memref<1x80x128xf32, #tpu.memory_space<hbm>> -> memref<80x128xf32, #tpu.memory_space<hbm>>
      %dma_wait3A_133 = arith.constant 0 : i32
      %dma_wait3A_134 = tpu.memref_slice %arg6[%arg0, %add3A_67, %dma_wait3A_133] : memref<2x10240x128xf32, #tpu.memory_space<hbm>> -> memref<1x80x128xf32, #tpu.memory_space<hbm>>
      %dma_wait3A_135 = tpu.memref_squeeze %dma_wait3A_134 : memref<1x80x128xf32, #tpu.memory_space<hbm>> -> memref<80x128xf32, #tpu.memory_space<hbm>>
      tpu.wait_dma2 semaphore(%run_scoped3A : memref<!tpu.dma_semaphore, #tpu.memory_space<semaphore_mem>>) src(%arg10 : memref<80x128xf32, #tpu.memory_space<vmem>>) dst(%dma_wait3A_135 : memref<80x128xf32, #tpu.memory_space<hbm>>)
      tpu.yield
    }) : () -> ()
    %mul3A_68 = arith.constant 640 : i32
    %mul3A_69 = arith.muli %arg1, %mul3A_68 : i32
    %add3A_70 = arith.constant 80 : i32
    %add3A_71 = arith.addi %mul3A_69, %add3A_70 : i32
    "tpu.region"() ({
      %run_scoped3A = tpu.sem_alloc : memref<!tpu.dma_semaphore, #tpu.memory_space<semaphore_mem>>
      %dma_start3A_124 = arith.constant 0 : i32
      %dma_start3A_125 = tpu.memref_slice %arg7[%add3A_71, %dma_start3A_124] : memref<10240x128xf32, #tpu.memory_space<vmem_shared>> -> memref<80x128xf32, #tpu.memory_space<vmem_shared>>
      %dma_start3A_126 = arith.constant 0 : i32
      %dma_start3A_127 = tpu.memref_slice %arg7[%add3A_71, %dma_start3A_126] : memref<10240x128xf32, #tpu.memory_space<vmem_shared>> -> memref<80x128xf32, #tpu.memory_space<vmem_shared>>
      tpu.enqueue_dma source(%dma_start3A_127 : memref<80x128xf32, #tpu.memory_space<vmem_shared>>) target(%arg10 : memref<80x128xf32, #tpu.memory_space<vmem>>) target_semaphore(%run_scoped3A : memref<!tpu.dma_semaphore, #tpu.memory_space<semaphore_mem>>)
      %dma_wait3A_128 = arith.constant 0 : i32
      %dma_wait3A_129 = tpu.memref_slice %arg7[%add3A_71, %dma_wait3A_128] : memref<10240x128xf32, #tpu.memory_space<vmem_shared>> -> memref<80x128xf32, #tpu.memory_space<vmem_shared>>
      %dma_wait3A_130 = arith.constant 0 : i32
      %dma_wait3A_131 = tpu.memref_slice %arg7[%add3A_71, %dma_wait3A_130] : memref<10240x128xf32, #tpu.memory_space<vmem_shared>> -> memref<80x128xf32, #tpu.memory_space<vmem_shared>>
      tpu.wait_dma2 semaphore(%run_scoped3A : memref<!tpu.dma_semaphore, #tpu.memory_space<semaphore_mem>>) src(%dma_wait3A_131 : memref<80x128xf32, #tpu.memory_space<vmem_shared>>) dst(%arg10 : memref<80x128xf32, #tpu.memory_space<vmem>>)
      tpu.yield
    }) : () -> ()
    %mul3A_72 = arith.constant 640 : i32
    %mul3A_73 = arith.muli %arg1, %mul3A_72 : i32
    %add3A_74 = arith.constant 80 : i32
    %add3A_75 = arith.addi %mul3A_73, %add3A_74 : i32
    "tpu.region"() ({
      %run_scoped3A = tpu.sem_alloc : memref<!tpu.dma_semaphore, #tpu.memory_space<semaphore_mem>>
      %dma_start3A_124 = arith.constant 0 : i32
      %dma_start3A_125 = tpu.memref_slice %arg6[%arg0, %add3A_75, %dma_start3A_124] : memref<2x10240x128xf32, #tpu.memory_space<hbm>> -> memref<1x80x128xf32, #tpu.memory_space<hbm>>
      %dma_start3A_126 = tpu.memref_squeeze %dma_start3A_125 : memref<1x80x128xf32, #tpu.memory_space<hbm>> -> memref<80x128xf32, #tpu.memory_space<hbm>>
      %dma_start3A_127 = arith.constant 0 : i32
      %dma_start3A_128 = tpu.memref_slice %arg6[%arg0, %add3A_75, %dma_start3A_127] : memref<2x10240x128xf32, #tpu.memory_space<hbm>> -> memref<1x80x128xf32, #tpu.memory_space<hbm>>
      %dma_start3A_129 = tpu.memref_squeeze %dma_start3A_128 : memref<1x80x128xf32, #tpu.memory_space<hbm>> -> memref<80x128xf32, #tpu.memory_space<hbm>>
      tpu.enqueue_dma source(%arg10 : memref<80x128xf32, #tpu.memory_space<vmem>>) target(%dma_start3A_129 : memref<80x128xf32, #tpu.memory_space<hbm>>) target_semaphore(%run_scoped3A : memref<!tpu.dma_semaphore, #tpu.memory_space<semaphore_mem>>)
      %dma_wait3A_130 = arith.constant 0 : i32
      %dma_wait3A_131 = tpu.memref_slice %arg6[%arg0, %add3A_75, %dma_wait3A_130] : memref<2x10240x128xf32, #tpu.memory_space<hbm>> -> memref<1x80x128xf32, #tpu.memory_space<hbm>>
      %dma_wait3A_132 = tpu.memref_squeeze %dma_wait3A_131 : memref<1x80x128xf32, #tpu.memory_space<hbm>> -> memref<80x128xf32, #tpu.memory_space<hbm>>
      %dma_wait3A_133 = arith.constant 0 : i32
      %dma_wait3A_134 = tpu.memref_slice %arg6[%arg0, %add3A_75, %dma_wait3A_133] : memref<2x10240x128xf32, #tpu.memory_space<hbm>> -> memref<1x80x128xf32, #tpu.memory_space<hbm>>
      %dma_wait3A_135 = tpu.memref_squeeze %dma_wait3A_134 : memref<1x80x128xf32, #tpu.memory_space<hbm>> -> memref<80x128xf32, #tpu.memory_space<hbm>>
      tpu.wait_dma2 semaphore(%run_scoped3A : memref<!tpu.dma_semaphore, #tpu.memory_space<semaphore_mem>>) src(%arg10 : memref<80x128xf32, #tpu.memory_space<vmem>>) dst(%dma_wait3A_135 : memref<80x128xf32, #tpu.memory_space<hbm>>)
      tpu.yield
    }) : () -> ()
    %mul3A_76 = arith.constant 640 : i32
    %mul3A_77 = arith.muli %arg1, %mul3A_76 : i32
    %add3A_78 = arith.constant 160 : i32
    %add3A_79 = arith.addi %mul3A_77, %add3A_78 : i32
    "tpu.region"() ({
      %run_scoped3A = tpu.sem_alloc : memref<!tpu.dma_semaphore, #tpu.memory_space<semaphore_mem>>
      %dma_start3A_124 = arith.constant 0 : i32
      %dma_start3A_125 = tpu.memref_slice %arg7[%add3A_79, %dma_start3A_124] : memref<10240x128xf32, #tpu.memory_space<vmem_shared>> -> memref<80x128xf32, #tpu.memory_space<vmem_shared>>
      %dma_start3A_126 = arith.constant 0 : i32
      %dma_start3A_127 = tpu.memref_slice %arg7[%add3A_79, %dma_start3A_126] : memref<10240x128xf32, #tpu.memory_space<vmem_shared>> -> memref<80x128xf32, #tpu.memory_space<vmem_shared>>
      tpu.enqueue_dma source(%dma_start3A_127 : memref<80x128xf32, #tpu.memory_space<vmem_shared>>) target(%arg10 : memref<80x128xf32, #tpu.memory_space<vmem>>) target_semaphore(%run_scoped3A : memref<!tpu.dma_semaphore, #tpu.memory_space<semaphore_mem>>)
      %dma_wait3A_128 = arith.constant 0 : i32
      %dma_wait3A_129 = tpu.memref_slice %arg7[%add3A_79, %dma_wait3A_128] : memref<10240x128xf32, #tpu.memory_space<vmem_shared>> -> memref<80x128xf32, #tpu.memory_space<vmem_shared>>
      %dma_wait3A_130 = arith.constant 0 : i32
      %dma_wait3A_131 = tpu.memref_slice %arg7[%add3A_79, %dma_wait3A_130] : memref<10240x128xf32, #tpu.memory_space<vmem_shared>> -> memref<80x128xf32, #tpu.memory_space<vmem_shared>>
      tpu.wait_dma2 semaphore(%run_scoped3A : memref<!tpu.dma_semaphore, #tpu.memory_space<semaphore_mem>>) src(%dma_wait3A_131 : memref<80x128xf32, #tpu.memory_space<vmem_shared>>) dst(%arg10 : memref<80x128xf32, #tpu.memory_space<vmem>>)
      tpu.yield
    }) : () -> ()
    %mul3A_80 = arith.constant 640 : i32
    %mul3A_81 = arith.muli %arg1, %mul3A_80 : i32
    %add3A_82 = arith.constant 160 : i32
    %add3A_83 = arith.addi %mul3A_81, %add3A_82 : i32
    "tpu.region"() ({
      %run_scoped3A = tpu.sem_alloc : memref<!tpu.dma_semaphore, #tpu.memory_space<semaphore_mem>>
      %dma_start3A_124 = arith.constant 0 : i32
      %dma_start3A_125 = tpu.memref_slice %arg6[%arg0, %add3A_83, %dma_start3A_124] : memref<2x10240x128xf32, #tpu.memory_space<hbm>> -> memref<1x80x128xf32, #tpu.memory_space<hbm>>
      %dma_start3A_126 = tpu.memref_squeeze %dma_start3A_125 : memref<1x80x128xf32, #tpu.memory_space<hbm>> -> memref<80x128xf32, #tpu.memory_space<hbm>>
      %dma_start3A_127 = arith.constant 0 : i32
      %dma_start3A_128 = tpu.memref_slice %arg6[%arg0, %add3A_83, %dma_start3A_127] : memref<2x10240x128xf32, #tpu.memory_space<hbm>> -> memref<1x80x128xf32, #tpu.memory_space<hbm>>
      %dma_start3A_129 = tpu.memref_squeeze %dma_start3A_128 : memref<1x80x128xf32, #tpu.memory_space<hbm>> -> memref<80x128xf32, #tpu.memory_space<hbm>>
      tpu.enqueue_dma source(%arg10 : memref<80x128xf32, #tpu.memory_space<vmem>>) target(%dma_start3A_129 : memref<80x128xf32, #tpu.memory_space<hbm>>) target_semaphore(%run_scoped3A : memref<!tpu.dma_semaphore, #tpu.memory_space<semaphore_mem>>)
      %dma_wait3A_130 = arith.constant 0 : i32
      %dma_wait3A_131 = tpu.memref_slice %arg6[%arg0, %add3A_83, %dma_wait3A_130] : memref<2x10240x128xf32, #tpu.memory_space<hbm>> -> memref<1x80x128xf32, #tpu.memory_space<hbm>>
      %dma_wait3A_132 = tpu.memref_squeeze %dma_wait3A_131 : memref<1x80x128xf32, #tpu.memory_space<hbm>> -> memref<80x128xf32, #tpu.memory_space<hbm>>
      %dma_wait3A_133 = arith.constant 0 : i32
      %dma_wait3A_134 = tpu.memref_slice %arg6[%arg0, %add3A_83, %dma_wait3A_133] : memref<2x10240x128xf32, #tpu.memory_space<hbm>> -> memref<1x80x128xf32, #tpu.memory_space<hbm>>
      %dma_wait3A_135 = tpu.memref_squeeze %dma_wait3A_134 : memref<1x80x128xf32, #tpu.memory_space<hbm>> -> memref<80x128xf32, #tpu.memory_space<hbm>>
      tpu.wait_dma2 semaphore(%run_scoped3A : memref<!tpu.dma_semaphore, #tpu.memory_space<semaphore_mem>>) src(%arg10 : memref<80x128xf32, #tpu.memory_space<vmem>>) dst(%dma_wait3A_135 : memref<80x128xf32, #tpu.memory_space<hbm>>)
      tpu.yield
    }) : () -> ()
    %mul3A_84 = arith.constant 640 : i32
    %mul3A_85 = arith.muli %arg1, %mul3A_84 : i32
    %add3A_86 = arith.constant 240 : i32
    %add3A_87 = arith.addi %mul3A_85, %add3A_86 : i32
    "tpu.region"() ({
      %run_scoped3A = tpu.sem_alloc : memref<!tpu.dma_semaphore, #tpu.memory_space<semaphore_mem>>
      %dma_start3A_124 = arith.constant 0 : i32
      %dma_start3A_125 = tpu.memref_slice %arg7[%add3A_87, %dma_start3A_124] : memref<10240x128xf32, #tpu.memory_space<vmem_shared>> -> memref<80x128xf32, #tpu.memory_space<vmem_shared>>
      %dma_start3A_126 = arith.constant 0 : i32
      %dma_start3A_127 = tpu.memref_slice %arg7[%add3A_87, %dma_start3A_126] : memref<10240x128xf32, #tpu.memory_space<vmem_shared>> -> memref<80x128xf32, #tpu.memory_space<vmem_shared>>
      tpu.enqueue_dma source(%dma_start3A_127 : memref<80x128xf32, #tpu.memory_space<vmem_shared>>) target(%arg10 : memref<80x128xf32, #tpu.memory_space<vmem>>) target_semaphore(%run_scoped3A : memref<!tpu.dma_semaphore, #tpu.memory_space<semaphore_mem>>)
      %dma_wait3A_128 = arith.constant 0 : i32
      %dma_wait3A_129 = tpu.memref_slice %arg7[%add3A_87, %dma_wait3A_128] : memref<10240x128xf32, #tpu.memory_space<vmem_shared>> -> memref<80x128xf32, #tpu.memory_space<vmem_shared>>
      %dma_wait3A_130 = arith.constant 0 : i32
      %dma_wait3A_131 = tpu.memref_slice %arg7[%add3A_87, %dma_wait3A_130] : memref<10240x128xf32, #tpu.memory_space<vmem_shared>> -> memref<80x128xf32, #tpu.memory_space<vmem_shared>>
      tpu.wait_dma2 semaphore(%run_scoped3A : memref<!tpu.dma_semaphore, #tpu.memory_space<semaphore_mem>>) src(%dma_wait3A_131 : memref<80x128xf32, #tpu.memory_space<vmem_shared>>) dst(%arg10 : memref<80x128xf32, #tpu.memory_space<vmem>>)
      tpu.yield
    }) : () -> ()
    %mul3A_88 = arith.constant 640 : i32
    %mul3A_89 = arith.muli %arg1, %mul3A_88 : i32
    %add3A_90 = arith.constant 240 : i32
    %add3A_91 = arith.addi %mul3A_89, %add3A_90 : i32
    "tpu.region"() ({
      %run_scoped3A = tpu.sem_alloc : memref<!tpu.dma_semaphore, #tpu.memory_space<semaphore_mem>>
      %dma_start3A_124 = arith.constant 0 : i32
      %dma_start3A_125 = tpu.memref_slice %arg6[%arg0, %add3A_91, %dma_start3A_124] : memref<2x10240x128xf32, #tpu.memory_space<hbm>> -> memref<1x80x128xf32, #tpu.memory_space<hbm>>
      %dma_start3A_126 = tpu.memref_squeeze %dma_start3A_125 : memref<1x80x128xf32, #tpu.memory_space<hbm>> -> memref<80x128xf32, #tpu.memory_space<hbm>>
      %dma_start3A_127 = arith.constant 0 : i32
      %dma_start3A_128 = tpu.memref_slice %arg6[%arg0, %add3A_91, %dma_start3A_127] : memref<2x10240x128xf32, #tpu.memory_space<hbm>> -> memref<1x80x128xf32, #tpu.memory_space<hbm>>
      %dma_start3A_129 = tpu.memref_squeeze %dma_start3A_128 : memref<1x80x128xf32, #tpu.memory_space<hbm>> -> memref<80x128xf32, #tpu.memory_space<hbm>>
      tpu.enqueue_dma source(%arg10 : memref<80x128xf32, #tpu.memory_space<vmem>>) target(%dma_start3A_129 : memref<80x128xf32, #tpu.memory_space<hbm>>) target_semaphore(%run_scoped3A : memref<!tpu.dma_semaphore, #tpu.memory_space<semaphore_mem>>)
      %dma_wait3A_130 = arith.constant 0 : i32
      %dma_wait3A_131 = tpu.memref_slice %arg6[%arg0, %add3A_91, %dma_wait3A_130] : memref<2x10240x128xf32, #tpu.memory_space<hbm>> -> memref<1x80x128xf32, #tpu.memory_space<hbm>>
      %dma_wait3A_132 = tpu.memref_squeeze %dma_wait3A_131 : memref<1x80x128xf32, #tpu.memory_space<hbm>> -> memref<80x128xf32, #tpu.memory_space<hbm>>
      %dma_wait3A_133 = arith.constant 0 : i32
      %dma_wait3A_134 = tpu.memref_slice %arg6[%arg0, %add3A_91, %dma_wait3A_133] : memref<2x10240x128xf32, #tpu.memory_space<hbm>> -> memref<1x80x128xf32, #tpu.memory_space<hbm>>
      %dma_wait3A_135 = tpu.memref_squeeze %dma_wait3A_134 : memref<1x80x128xf32, #tpu.memory_space<hbm>> -> memref<80x128xf32, #tpu.memory_space<hbm>>
      tpu.wait_dma2 semaphore(%run_scoped3A : memref<!tpu.dma_semaphore, #tpu.memory_space<semaphore_mem>>) src(%arg10 : memref<80x128xf32, #tpu.memory_space<vmem>>) dst(%dma_wait3A_135 : memref<80x128xf32, #tpu.memory_space<hbm>>)
      tpu.yield
    }) : () -> ()
    %mul3A_92 = arith.constant 640 : i32
    %mul3A_93 = arith.muli %arg1, %mul3A_92 : i32
    %add3A_94 = arith.constant 320 : i32
    %add3A_95 = arith.addi %mul3A_93, %add3A_94 : i32
    "tpu.region"() ({
      %run_scoped3A = tpu.sem_alloc : memref<!tpu.dma_semaphore, #tpu.memory_space<semaphore_mem>>
      %dma_start3A_124 = arith.constant 0 : i32
      %dma_start3A_125 = tpu.memref_slice %arg7[%add3A_95, %dma_start3A_124] : memref<10240x128xf32, #tpu.memory_space<vmem_shared>> -> memref<80x128xf32, #tpu.memory_space<vmem_shared>>
      %dma_start3A_126 = arith.constant 0 : i32
      %dma_start3A_127 = tpu.memref_slice %arg7[%add3A_95, %dma_start3A_126] : memref<10240x128xf32, #tpu.memory_space<vmem_shared>> -> memref<80x128xf32, #tpu.memory_space<vmem_shared>>
      tpu.enqueue_dma source(%dma_start3A_127 : memref<80x128xf32, #tpu.memory_space<vmem_shared>>) target(%arg10 : memref<80x128xf32, #tpu.memory_space<vmem>>) target_semaphore(%run_scoped3A : memref<!tpu.dma_semaphore, #tpu.memory_space<semaphore_mem>>)
      %dma_wait3A_128 = arith.constant 0 : i32
      %dma_wait3A_129 = tpu.memref_slice %arg7[%add3A_95, %dma_wait3A_128] : memref<10240x128xf32, #tpu.memory_space<vmem_shared>> -> memref<80x128xf32, #tpu.memory_space<vmem_shared>>
      %dma_wait3A_130 = arith.constant 0 : i32
      %dma_wait3A_131 = tpu.memref_slice %arg7[%add3A_95, %dma_wait3A_130] : memref<10240x128xf32, #tpu.memory_space<vmem_shared>> -> memref<80x128xf32, #tpu.memory_space<vmem_shared>>
      tpu.wait_dma2 semaphore(%run_scoped3A : memref<!tpu.dma_semaphore, #tpu.memory_space<semaphore_mem>>) src(%dma_wait3A_131 : memref<80x128xf32, #tpu.memory_space<vmem_shared>>) dst(%arg10 : memref<80x128xf32, #tpu.memory_space<vmem>>)
      tpu.yield
    }) : () -> ()
    %mul3A_96 = arith.constant 640 : i32
    %mul3A_97 = arith.muli %arg1, %mul3A_96 : i32
    %add3A_98 = arith.constant 320 : i32
    %add3A_99 = arith.addi %mul3A_97, %add3A_98 : i32
    "tpu.region"() ({
      %run_scoped3A = tpu.sem_alloc : memref<!tpu.dma_semaphore, #tpu.memory_space<semaphore_mem>>
      %dma_start3A_124 = arith.constant 0 : i32
      %dma_start3A_125 = tpu.memref_slice %arg6[%arg0, %add3A_99, %dma_start3A_124] : memref<2x10240x128xf32, #tpu.memory_space<hbm>> -> memref<1x80x128xf32, #tpu.memory_space<hbm>>
      %dma_start3A_126 = tpu.memref_squeeze %dma_start3A_125 : memref<1x80x128xf32, #tpu.memory_space<hbm>> -> memref<80x128xf32, #tpu.memory_space<hbm>>
      %dma_start3A_127 = arith.constant 0 : i32
      %dma_start3A_128 = tpu.memref_slice %arg6[%arg0, %add3A_99, %dma_start3A_127] : memref<2x10240x128xf32, #tpu.memory_space<hbm>> -> memref<1x80x128xf32, #tpu.memory_space<hbm>>
      %dma_start3A_129 = tpu.memref_squeeze %dma_start3A_128 : memref<1x80x128xf32, #tpu.memory_space<hbm>> -> memref<80x128xf32, #tpu.memory_space<hbm>>
      tpu.enqueue_dma source(%arg10 : memref<80x128xf32, #tpu.memory_space<vmem>>) target(%dma_start3A_129 : memref<80x128xf32, #tpu.memory_space<hbm>>) target_semaphore(%run_scoped3A : memref<!tpu.dma_semaphore, #tpu.memory_space<semaphore_mem>>)
      %dma_wait3A_130 = arith.constant 0 : i32
      %dma_wait3A_131 = tpu.memref_slice %arg6[%arg0, %add3A_99, %dma_wait3A_130] : memref<2x10240x128xf32, #tpu.memory_space<hbm>> -> memref<1x80x128xf32, #tpu.memory_space<hbm>>
      %dma_wait3A_132 = tpu.memref_squeeze %dma_wait3A_131 : memref<1x80x128xf32, #tpu.memory_space<hbm>> -> memref<80x128xf32, #tpu.memory_space<hbm>>
      %dma_wait3A_133 = arith.constant 0 : i32
      %dma_wait3A_134 = tpu.memref_slice %arg6[%arg0, %add3A_99, %dma_wait3A_133] : memref<2x10240x128xf32, #tpu.memory_space<hbm>> -> memref<1x80x128xf32, #tpu.memory_space<hbm>>
      %dma_wait3A_135 = tpu.memref_squeeze %dma_wait3A_134 : memref<1x80x128xf32, #tpu.memory_space<hbm>> -> memref<80x128xf32, #tpu.memory_space<hbm>>
      tpu.wait_dma2 semaphore(%run_scoped3A : memref<!tpu.dma_semaphore, #tpu.memory_space<semaphore_mem>>) src(%arg10 : memref<80x128xf32, #tpu.memory_space<vmem>>) dst(%dma_wait3A_135 : memref<80x128xf32, #tpu.memory_space<hbm>>)
      tpu.yield
    }) : () -> ()
    %mul3A_100 = arith.constant 640 : i32
    %mul3A_101 = arith.muli %arg1, %mul3A_100 : i32
    %add3A_102 = arith.constant 400 : i32
    %add3A_103 = arith.addi %mul3A_101, %add3A_102 : i32
    "tpu.region"() ({
      %run_scoped3A = tpu.sem_alloc : memref<!tpu.dma_semaphore, #tpu.memory_space<semaphore_mem>>
      %dma_start3A_124 = arith.constant 0 : i32
      %dma_start3A_125 = tpu.memref_slice %arg7[%add3A_103, %dma_start3A_124] : memref<10240x128xf32, #tpu.memory_space<vmem_shared>> -> memref<80x128xf32, #tpu.memory_space<vmem_shared>>
      %dma_start3A_126 = arith.constant 0 : i32
      %dma_start3A_127 = tpu.memref_slice %arg7[%add3A_103, %dma_start3A_126] : memref<10240x128xf32, #tpu.memory_space<vmem_shared>> -> memref<80x128xf32, #tpu.memory_space<vmem_shared>>
      tpu.enqueue_dma source(%dma_start3A_127 : memref<80x128xf32, #tpu.memory_space<vmem_shared>>) target(%arg10 : memref<80x128xf32, #tpu.memory_space<vmem>>) target_semaphore(%run_scoped3A : memref<!tpu.dma_semaphore, #tpu.memory_space<semaphore_mem>>)
      %dma_wait3A_128 = arith.constant 0 : i32
      %dma_wait3A_129 = tpu.memref_slice %arg7[%add3A_103, %dma_wait3A_128] : memref<10240x128xf32, #tpu.memory_space<vmem_shared>> -> memref<80x128xf32, #tpu.memory_space<vmem_shared>>
      %dma_wait3A_130 = arith.constant 0 : i32
      %dma_wait3A_131 = tpu.memref_slice %arg7[%add3A_103, %dma_wait3A_130] : memref<10240x128xf32, #tpu.memory_space<vmem_shared>> -> memref<80x128xf32, #tpu.memory_space<vmem_shared>>
      tpu.wait_dma2 semaphore(%run_scoped3A : memref<!tpu.dma_semaphore, #tpu.memory_space<semaphore_mem>>) src(%dma_wait3A_131 : memref<80x128xf32, #tpu.memory_space<vmem_shared>>) dst(%arg10 : memref<80x128xf32, #tpu.memory_space<vmem>>)
      tpu.yield
    }) : () -> ()
    %mul3A_104 = arith.constant 640 : i32
    %mul3A_105 = arith.muli %arg1, %mul3A_104 : i32
    %add3A_106 = arith.constant 400 : i32
    %add3A_107 = arith.addi %mul3A_105, %add3A_106 : i32
    "tpu.region"() ({
      %run_scoped3A = tpu.sem_alloc : memref<!tpu.dma_semaphore, #tpu.memory_space<semaphore_mem>>
      %dma_start3A_124 = arith.constant 0 : i32
      %dma_start3A_125 = tpu.memref_slice %arg6[%arg0, %add3A_107, %dma_start3A_124] : memref<2x10240x128xf32, #tpu.memory_space<hbm>> -> memref<1x80x128xf32, #tpu.memory_space<hbm>>
      %dma_start3A_126 = tpu.memref_squeeze %dma_start3A_125 : memref<1x80x128xf32, #tpu.memory_space<hbm>> -> memref<80x128xf32, #tpu.memory_space<hbm>>
      %dma_start3A_127 = arith.constant 0 : i32
      %dma_start3A_128 = tpu.memref_slice %arg6[%arg0, %add3A_107, %dma_start3A_127] : memref<2x10240x128xf32, #tpu.memory_space<hbm>> -> memref<1x80x128xf32, #tpu.memory_space<hbm>>
      %dma_start3A_129 = tpu.memref_squeeze %dma_start3A_128 : memref<1x80x128xf32, #tpu.memory_space<hbm>> -> memref<80x128xf32, #tpu.memory_space<hbm>>
      tpu.enqueue_dma source(%arg10 : memref<80x128xf32, #tpu.memory_space<vmem>>) target(%dma_start3A_129 : memref<80x128xf32, #tpu.memory_space<hbm>>) target_semaphore(%run_scoped3A : memref<!tpu.dma_semaphore, #tpu.memory_space<semaphore_mem>>)
      %dma_wait3A_130 = arith.constant 0 : i32
      %dma_wait3A_131 = tpu.memref_slice %arg6[%arg0, %add3A_107, %dma_wait3A_130] : memref<2x10240x128xf32, #tpu.memory_space<hbm>> -> memref<1x80x128xf32, #tpu.memory_space<hbm>>
      %dma_wait3A_132 = tpu.memref_squeeze %dma_wait3A_131 : memref<1x80x128xf32, #tpu.memory_space<hbm>> -> memref<80x128xf32, #tpu.memory_space<hbm>>
      %dma_wait3A_133 = arith.constant 0 : i32
      %dma_wait3A_134 = tpu.memref_slice %arg6[%arg0, %add3A_107, %dma_wait3A_133] : memref<2x10240x128xf32, #tpu.memory_space<hbm>> -> memref<1x80x128xf32, #tpu.memory_space<hbm>>
      %dma_wait3A_135 = tpu.memref_squeeze %dma_wait3A_134 : memref<1x80x128xf32, #tpu.memory_space<hbm>> -> memref<80x128xf32, #tpu.memory_space<hbm>>
      tpu.wait_dma2 semaphore(%run_scoped3A : memref<!tpu.dma_semaphore, #tpu.memory_space<semaphore_mem>>) src(%arg10 : memref<80x128xf32, #tpu.memory_space<vmem>>) dst(%dma_wait3A_135 : memref<80x128xf32, #tpu.memory_space<hbm>>)
      tpu.yield
    }) : () -> ()
    %mul3A_108 = arith.constant 640 : i32
    %mul3A_109 = arith.muli %arg1, %mul3A_108 : i32
    %add3A_110 = arith.constant 480 : i32
    %add3A_111 = arith.addi %mul3A_109, %add3A_110 : i32
    "tpu.region"() ({
      %run_scoped3A = tpu.sem_alloc : memref<!tpu.dma_semaphore, #tpu.memory_space<semaphore_mem>>
      %dma_start3A_124 = arith.constant 0 : i32
      %dma_start3A_125 = tpu.memref_slice %arg7[%add3A_111, %dma_start3A_124] : memref<10240x128xf32, #tpu.memory_space<vmem_shared>> -> memref<80x128xf32, #tpu.memory_space<vmem_shared>>
      %dma_start3A_126 = arith.constant 0 : i32
      %dma_start3A_127 = tpu.memref_slice %arg7[%add3A_111, %dma_start3A_126] : memref<10240x128xf32, #tpu.memory_space<vmem_shared>> -> memref<80x128xf32, #tpu.memory_space<vmem_shared>>
      tpu.enqueue_dma source(%dma_start3A_127 : memref<80x128xf32, #tpu.memory_space<vmem_shared>>) target(%arg10 : memref<80x128xf32, #tpu.memory_space<vmem>>) target_semaphore(%run_scoped3A : memref<!tpu.dma_semaphore, #tpu.memory_space<semaphore_mem>>)
      %dma_wait3A_128 = arith.constant 0 : i32
      %dma_wait3A_129 = tpu.memref_slice %arg7[%add3A_111, %dma_wait3A_128] : memref<10240x128xf32, #tpu.memory_space<vmem_shared>> -> memref<80x128xf32, #tpu.memory_space<vmem_shared>>
      %dma_wait3A_130 = arith.constant 0 : i32
      %dma_wait3A_131 = tpu.memref_slice %arg7[%add3A_111, %dma_wait3A_130] : memref<10240x128xf32, #tpu.memory_space<vmem_shared>> -> memref<80x128xf32, #tpu.memory_space<vmem_shared>>
      tpu.wait_dma2 semaphore(%run_scoped3A : memref<!tpu.dma_semaphore, #tpu.memory_space<semaphore_mem>>) src(%dma_wait3A_131 : memref<80x128xf32, #tpu.memory_space<vmem_shared>>) dst(%arg10 : memref<80x128xf32, #tpu.memory_space<vmem>>)
      tpu.yield
    }) : () -> ()
    %mul3A_112 = arith.constant 640 : i32
    %mul3A_113 = arith.muli %arg1, %mul3A_112 : i32
    %add3A_114 = arith.constant 480 : i32
    %add3A_115 = arith.addi %mul3A_113, %add3A_114 : i32
    "tpu.region"() ({
      %run_scoped3A = tpu.sem_alloc : memref<!tpu.dma_semaphore, #tpu.memory_space<semaphore_mem>>
      %dma_start3A_124 = arith.constant 0 : i32
      %dma_start3A_125 = tpu.memref_slice %arg6[%arg0, %add3A_115, %dma_start3A_124] : memref<2x10240x128xf32, #tpu.memory_space<hbm>> -> memref<1x80x128xf32, #tpu.memory_space<hbm>>
      %dma_start3A_126 = tpu.memref_squeeze %dma_start3A_125 : memref<1x80x128xf32, #tpu.memory_space<hbm>> -> memref<80x128xf32, #tpu.memory_space<hbm>>
      %dma_start3A_127 = arith.constant 0 : i32
      %dma_start3A_128 = tpu.memref_slice %arg6[%arg0, %add3A_115, %dma_start3A_127] : memref<2x10240x128xf32, #tpu.memory_space<hbm>> -> memref<1x80x128xf32, #tpu.memory_space<hbm>>
      %dma_start3A_129 = tpu.memref_squeeze %dma_start3A_128 : memref<1x80x128xf32, #tpu.memory_space<hbm>> -> memref<80x128xf32, #tpu.memory_space<hbm>>
      tpu.enqueue_dma source(%arg10 : memref<80x128xf32, #tpu.memory_space<vmem>>) target(%dma_start3A_129 : memref<80x128xf32, #tpu.memory_space<hbm>>) target_semaphore(%run_scoped3A : memref<!tpu.dma_semaphore, #tpu.memory_space<semaphore_mem>>)
      %dma_wait3A_130 = arith.constant 0 : i32
      %dma_wait3A_131 = tpu.memref_slice %arg6[%arg0, %add3A_115, %dma_wait3A_130] : memref<2x10240x128xf32, #tpu.memory_space<hbm>> -> memref<1x80x128xf32, #tpu.memory_space<hbm>>
      %dma_wait3A_132 = tpu.memref_squeeze %dma_wait3A_131 : memref<1x80x128xf32, #tpu.memory_space<hbm>> -> memref<80x128xf32, #tpu.memory_space<hbm>>
      %dma_wait3A_133 = arith.constant 0 : i32
      %dma_wait3A_134 = tpu.memref_slice %arg6[%arg0, %add3A_115, %dma_wait3A_133] : memref<2x10240x128xf32, #tpu.memory_space<hbm>> -> memref<1x80x128xf32, #tpu.memory_space<hbm>>
      %dma_wait3A_135 = tpu.memref_squeeze %dma_wait3A_134 : memref<1x80x128xf32, #tpu.memory_space<hbm>> -> memref<80x128xf32, #tpu.memory_space<hbm>>
      tpu.wait_dma2 semaphore(%run_scoped3A : memref<!tpu.dma_semaphore, #tpu.memory_space<semaphore_mem>>) src(%arg10 : memref<80x128xf32, #tpu.memory_space<vmem>>) dst(%dma_wait3A_135 : memref<80x128xf32, #tpu.memory_space<hbm>>)
      tpu.yield
    }) : () -> ()
    %mul3A_116 = arith.constant 640 : i32
    %mul3A_117 = arith.muli %arg1, %mul3A_116 : i32
    %add3A_118 = arith.constant 560 : i32
    %add3A_119 = arith.addi %mul3A_117, %add3A_118 : i32
    "tpu.region"() ({
      %run_scoped3A = tpu.sem_alloc : memref<!tpu.dma_semaphore, #tpu.memory_space<semaphore_mem>>
      %dma_start3A_124 = arith.constant 0 : i32
      %dma_start3A_125 = tpu.memref_slice %arg7[%add3A_119, %dma_start3A_124] : memref<10240x128xf32, #tpu.memory_space<vmem_shared>> -> memref<80x128xf32, #tpu.memory_space<vmem_shared>>
      %dma_start3A_126 = arith.constant 0 : i32
      %dma_start3A_127 = tpu.memref_slice %arg7[%add3A_119, %dma_start3A_126] : memref<10240x128xf32, #tpu.memory_space<vmem_shared>> -> memref<80x128xf32, #tpu.memory_space<vmem_shared>>
      tpu.enqueue_dma source(%dma_start3A_127 : memref<80x128xf32, #tpu.memory_space<vmem_shared>>) target(%arg10 : memref<80x128xf32, #tpu.memory_space<vmem>>) target_semaphore(%run_scoped3A : memref<!tpu.dma_semaphore, #tpu.memory_space<semaphore_mem>>)
      %dma_wait3A_128 = arith.constant 0 : i32
      %dma_wait3A_129 = tpu.memref_slice %arg7[%add3A_119, %dma_wait3A_128] : memref<10240x128xf32, #tpu.memory_space<vmem_shared>> -> memref<80x128xf32, #tpu.memory_space<vmem_shared>>
      %dma_wait3A_130 = arith.constant 0 : i32
      %dma_wait3A_131 = tpu.memref_slice %arg7[%add3A_119, %dma_wait3A_130] : memref<10240x128xf32, #tpu.memory_space<vmem_shared>> -> memref<80x128xf32, #tpu.memory_space<vmem_shared>>
      tpu.wait_dma2 semaphore(%run_scoped3A : memref<!tpu.dma_semaphore, #tpu.memory_space<semaphore_mem>>) src(%dma_wait3A_131 : memref<80x128xf32, #tpu.memory_space<vmem_shared>>) dst(%arg10 : memref<80x128xf32, #tpu.memory_space<vmem>>)
      tpu.yield
    }) : () -> ()
    %mul3A_120 = arith.constant 640 : i32
    %mul3A_121 = arith.muli %arg1, %mul3A_120 : i32
    %add3A_122 = arith.constant 560 : i32
    %add3A_123 = arith.addi %mul3A_121, %add3A_122 : i32
    "tpu.region"() ({
      %run_scoped3A = tpu.sem_alloc : memref<!tpu.dma_semaphore, #tpu.memory_space<semaphore_mem>>
      %dma_start3A_124 = arith.constant 0 : i32
      %dma_start3A_125 = tpu.memref_slice %arg6[%arg0, %add3A_123, %dma_start3A_124] : memref<2x10240x128xf32, #tpu.memory_space<hbm>> -> memref<1x80x128xf32, #tpu.memory_space<hbm>>
      %dma_start3A_126 = tpu.memref_squeeze %dma_start3A_125 : memref<1x80x128xf32, #tpu.memory_space<hbm>> -> memref<80x128xf32, #tpu.memory_space<hbm>>
      %dma_start3A_127 = arith.constant 0 : i32
      %dma_start3A_128 = tpu.memref_slice %arg6[%arg0, %add3A_123, %dma_start3A_127] : memref<2x10240x128xf32, #tpu.memory_space<hbm>> -> memref<1x80x128xf32, #tpu.memory_space<hbm>>
      %dma_start3A_129 = tpu.memref_squeeze %dma_start3A_128 : memref<1x80x128xf32, #tpu.memory_space<hbm>> -> memref<80x128xf32, #tpu.memory_space<hbm>>
      tpu.enqueue_dma source(%arg10 : memref<80x128xf32, #tpu.memory_space<vmem>>) target(%dma_start3A_129 : memref<80x128xf32, #tpu.memory_space<hbm>>) target_semaphore(%run_scoped3A : memref<!tpu.dma_semaphore, #tpu.memory_space<semaphore_mem>>)
      %dma_wait3A_130 = arith.constant 0 : i32
      %dma_wait3A_131 = tpu.memref_slice %arg6[%arg0, %add3A_123, %dma_wait3A_130] : memref<2x10240x128xf32, #tpu.memory_space<hbm>> -> memref<1x80x128xf32, #tpu.memory_space<hbm>>
      %dma_wait3A_132 = tpu.memref_squeeze %dma_wait3A_131 : memref<1x80x128xf32, #tpu.memory_space<hbm>> -> memref<80x128xf32, #tpu.memory_space<hbm>>
      %dma_wait3A_133 = arith.constant 0 : i32
      %dma_wait3A_134 = tpu.memref_slice %arg6[%arg0, %add3A_123, %dma_wait3A_133] : memref<2x10240x128xf32, #tpu.memory_space<hbm>> -> memref<1x80x128xf32, #tpu.memory_space<hbm>>
      %dma_wait3A_135 = tpu.memref_squeeze %dma_wait3A_134 : memref<1x80x128xf32, #tpu.memory_space<hbm>> -> memref<80x128xf32, #tpu.memory_space<hbm>>
      tpu.wait_dma2 semaphore(%run_scoped3A : memref<!tpu.dma_semaphore, #tpu.memory_space<semaphore_mem>>) src(%arg10 : memref<80x128xf32, #tpu.memory_space<vmem>>) dst(%dma_wait3A_135 : memref<80x128xf32, #tpu.memory_space<hbm>>)
      tpu.yield
    }) : () -> ()
    return
  }
}

module attributes {stable_mosaic.version = 14 : i64} {
  func.func @_tc_z0_body(%arg0: memref<10000x128xf32, #tpu.memory_space<vmem>>, %arg1: memref<128x128xf32, #tpu.memory_space<vmem>>, %arg2: memref<10000x128xf32, #tpu.memory_space<vmem>>) attributes {dimension_semantics = [], scalar_prefetch = 0 : i64, scratch_operands = 0 : i64, tpu.core_type = #tpu.core_type<tc>} {
    %get3A = arith.constant 0 : index
    %get3A_0 = arith.constant 0 : index
    %get3A_1 = vector.load %arg0[%get3A, %get3A_0] : memref<10000x128xf32, #tpu.memory_space<vmem>>, vector<10000x128xf32>
    %get3A_2 = arith.constant 0 : index
    %get3A_3 = arith.constant 0 : index
    %get3A_4 = vector.load %arg1[%get3A_2, %get3A_3] : memref<128x128xf32, #tpu.memory_space<vmem>>, vector<128x128xf32>
    %dot_general3A = arith.constant dense<0.000000e+00> : vector<10000x128xf32>
    %dot_general3A_5 = tpu.matmul %get3A_1, %get3A_4, %dot_general3A {dimension_numbers = #tpu.dot_dimension_numbers<[1], [0], [0], [1], [0, 0, 1, 1], [], []>, transpose_lhs_hint = false} : vector<10000x128xf32>, vector<128x128xf32>, vector<10000x128xf32> -> vector<10000x128xf32>
    %swap3A = arith.constant 0 : index
    %swap3A_6 = arith.constant 0 : index
    %swap3A_7 = vector.load %arg2[%swap3A, %swap3A_6] : memref<10000x128xf32, #tpu.memory_space<vmem>>, vector<10000x128xf32>
    tpu.vector_store %arg2[%swap3A, %swap3A_6], %dot_general3A_5 {strides = array<i32>} : memref<10000x128xf32, #tpu.memory_space<vmem>>, vector<10000x128xf32>,
    return
  }
}

module attributes {stable_mosaic.version = 14 : i64} {
  func.func @_tc_csum_body(%arg0: memref<32x80x128xf32, #tpu.memory_space<vmem>>, %arg1: memref<80x128xf32, #tpu.memory_space<vmem>>) attributes {dimension_semantics = [], scalar_prefetch = 0 : i64, scratch_operands = 0 : i64, tpu.core_type = #tpu.core_type<tc>} {
    %get3A = arith.constant 0 : index
    %get3A_0 = arith.constant 0 : index
    %get3A_1 = arith.constant 0 : index
    %get3A_2 = vector.load %arg0[%get3A, %get3A_0, %get3A_1] : memref<32x80x128xf32, #tpu.memory_space<vmem>>, vector<32x80x128xf32>
    %reduce_sum3A = arith.constant dense<0.000000e+00> : vector<80x128xf32>
    %reduce_sum3A_3 = vector.multi_reduction <add>, %get3A_2, %reduce_sum3A [0] : vector<32x80x128xf32> to vector<80x128xf32>
    %swap3A = arith.constant 0 : index
    %swap3A_4 = arith.constant 0 : index
    %swap3A_5 = vector.load %arg1[%swap3A, %swap3A_4] : memref<80x128xf32, #tpu.memory_space<vmem>>, vector<80x128xf32>
    tpu.vector_store %arg1[%swap3A, %swap3A_4], %reduce_sum3A_3 {strides = array<i32>} : memref<80x128xf32, #tpu.memory_space<vmem>>, vector<80x128xf32>,
    return
  }
}

module attributes {stable_mosaic.version = 14 : i64} {
  func.func @_tc_combine_body(%arg0: memref<2x10240x128xf32, #tpu.memory_space<vmem>>, %arg1: memref<10240x1xf32, #tpu.memory_space<vmem>>, %arg2: memref<10000x128xf32, #tpu.memory_space<vmem>>, %arg3: memref<128x128xf32, #tpu.memory_space<vmem>>, %arg4: memref<1x128xf32, #tpu.memory_space<vmem>>, %arg5: memref<1x128xf32, #tpu.memory_space<vmem>>, %arg6: memref<1x128xf32, #tpu.memory_space<vmem>>, %arg7: memref<128x128xf32, #tpu.memory_space<vmem>>, %arg8: memref<10000x128xf32, #tpu.memory_space<vmem>>, %arg9: memref<10000x128xf32, #tpu.memory_space<vmem>>) attributes {dimension_semantics = [], scalar_prefetch = 0 : i64, scratch_operands = 0 : i64, tpu.core_type = #tpu.core_type<tc>} {
    %get3A = arith.constant 0 : index
    %get3A_0 = arith.constant 0 : index
    %get3A_1 = vector.load %arg1[%get3A, %get3A_0] : memref<10240x1xf32, #tpu.memory_space<vmem>>, vector<10000x1xf32>
    %max3A = arith.constant 1.000000e+00 : f32
    %max3A_2 = vector.broadcast %max3A : f32 to vector<10000x1xf32>
    %max3A_3 = arith.maximumf %get3A_1, %max3A_2 : vector<10000x1xf32>
    %div3A = arith.constant 1.000000e+00 : f32
    %div3A_4 = vector.broadcast %div3A : f32 to vector<10000x1xf32>
    %div3A_5 = arith.divf %div3A_4, %max3A_3 : vector<10000x1xf32>
    %get3A_6 = arith.constant 0 : index
    %get3A_7 = arith.constant 0 : index
    %get3A_8 = arith.constant 0 : index
    %get3A_9 = vector.load %arg0[%get3A_6, %get3A_7, %get3A_8] : memref<2x10240x128xf32, #tpu.memory_space<vmem>>, vector<1x10000x128xf32>
    %get3A_10 = vector.shape_cast %get3A_9 : vector<1x10000x128xf32> to vector<10000x128xf32>
    %get3A_11 = arith.constant 1 : index
    %get3A_12 = arith.constant 0 : index
    %get3A_13 = arith.constant 0 : index
    %get3A_14 = vector.load %arg0[%get3A_11, %get3A_12, %get3A_13] : memref<2x10240x128xf32, #tpu.memory_space<vmem>>, vector<1x10000x128xf32>
    %get3A_15 = vector.shape_cast %get3A_14 : vector<1x10000x128xf32> to vector<10000x128xf32>
    %add3A = arith.addf %get3A_10, %get3A_15 : vector<10000x128xf32>
    %mul3A = vector.broadcast %div3A_5 : vector<10000x1xf32> to vector<10000x128xf32>
    %mul3A_16 = arith.mulf %add3A, %mul3A : vector<10000x128xf32>
    %get3A_17 = arith.constant 0 : index
    %get3A_18 = arith.constant 0 : index
    %get3A_19 = vector.load %arg4[%get3A_17, %get3A_18] : memref<1x128xf32, #tpu.memory_space<vmem>>, vector<1x128xf32>
    %add3A_20 = vector.broadcast %get3A_19 : vector<1x128xf32> to vector<10000x128xf32>
    %add3A_21 = arith.addf %mul3A_16, %add3A_20 : vector<10000x128xf32>
    %get3A_22 = arith.constant 0 : index
    %get3A_23 = arith.constant 0 : index
    %get3A_24 = vector.load %arg2[%get3A_22, %get3A_23] : memref<10000x128xf32, #tpu.memory_space<vmem>>, vector<10000x128xf32>
    %get3A_25 = arith.constant 0 : index
    %get3A_26 = arith.constant 0 : index
    %get3A_27 = vector.load %arg3[%get3A_25, %get3A_26] : memref<128x128xf32, #tpu.memory_space<vmem>>, vector<128x128xf32>
    %dot_general3A = arith.constant dense<0.000000e+00> : vector<10000x128xf32>
    %dot_general3A_28 = tpu.matmul %get3A_24, %get3A_27, %dot_general3A {dimension_numbers = #tpu.dot_dimension_numbers<[1], [0], [0], [1], [0, 0, 1, 1], [], []>, transpose_lhs_hint = false} : vector<10000x128xf32>, vector<128x128xf32>, vector<10000x128xf32> -> vector<10000x128xf32>
    %add3A_29 = arith.addf %add3A_21, %dot_general3A_28 : vector<10000x128xf32>
    %reduce_sum3A = arith.constant dense<0.000000e+00> : vector<128xf32>
    %reduce_sum3A_30 = vector.multi_reduction <add>, %add3A_29, %reduce_sum3A [0] : vector<10000x128xf32> to vector<128xf32>
    %broadcast_in_dim3A = vector.shape_cast %reduce_sum3A_30 : vector<128xf32> to vector<1x128xf32>
    %div3A_31 = arith.constant 1.000000e+04 : f32
    %div3A_32 = vector.broadcast %div3A_31 : f32 to vector<1x128xf32>
    %div3A_33 = arith.divf %broadcast_in_dim3A, %div3A_32 : vector<1x128xf32>
    %sub3A = vector.broadcast %div3A_33 : vector<1x128xf32> to vector<10000x128xf32>
    %sub3A_34 = arith.subf %add3A_29, %sub3A : vector<10000x128xf32>
    %integer_pow3A = arith.mulf %sub3A_34, %sub3A_34 : vector<10000x128xf32>
    %reduce_sum3A_35 = arith.constant dense<0.000000e+00> : vector<128xf32>
    %reduce_sum3A_36 = vector.multi_reduction <add>, %integer_pow3A, %reduce_sum3A_35 [0] : vector<10000x128xf32> to vector<128xf32>
    %broadcast_in_dim3A_37 = vector.shape_cast %reduce_sum3A_36 : vector<128xf32> to vector<1x128xf32>
    %div3A_38 = arith.constant 1.000000e+04 : f32
    %div3A_39 = vector.broadcast %div3A_38 : f32 to vector<1x128xf32>
    %div3A_40 = arith.divf %broadcast_in_dim3A_37, %div3A_39 : vector<1x128xf32>
    %get3A_41 = arith.constant 0 : index
    %get3A_42 = arith.constant 0 : index
    %get3A_43 = vector.load %arg5[%get3A_41, %get3A_42] : memref<1x128xf32, #tpu.memory_space<vmem>>, vector<1x128xf32>
    %sub3A_44 = vector.broadcast %div3A_33 : vector<1x128xf32> to vector<10000x128xf32>
    %sub3A_45 = arith.subf %add3A_29, %sub3A_44 : vector<10000x128xf32>
    %mul3A_46 = vector.broadcast %get3A_43 : vector<1x128xf32> to vector<10000x128xf32>
    %mul3A_47 = arith.mulf %mul3A_46, %sub3A_45 : vector<10000x128xf32>
    %add3A_48 = arith.constant 9.99999974E-6 : f32
    %add3A_49 = vector.broadcast %add3A_48 : f32 to vector<1x128xf32>
    %add3A_50 = arith.addf %div3A_40, %add3A_49 : vector<1x128xf32>
    %rsqrt3A = math.rsqrt %add3A_50 : vector<1x128xf32>
    %mul3A_51 = vector.broadcast %rsqrt3A : vector<1x128xf32> to vector<10000x128xf32>
    %mul3A_52 = arith.mulf %mul3A_47, %mul3A_51 : vector<10000x128xf32>
    %get3A_53 = arith.constant 0 : index
    %get3A_54 = arith.constant 0 : index
    %get3A_55 = vector.load %arg6[%get3A_53, %get3A_54] : memref<1x128xf32, #tpu.memory_space<vmem>>, vector<1x128xf32>
    %add3A_56 = vector.broadcast %get3A_55 : vector<1x128xf32> to vector<10000x128xf32>
    %add3A_57 = arith.addf %mul3A_52, %add3A_56 : vector<10000x128xf32>
    %max3A_58 = arith.constant 0.000000e+00 : f32
    %max3A_59 = vector.broadcast %max3A_58 : f32 to vector<10000x128xf32>
    %max3A_60 = arith.maximumf %add3A_57, %max3A_59 : vector<10000x128xf32>
    %swap3A = arith.constant 0 : index
    %swap3A_61 = arith.constant 0 : index
    %swap3A_62 = vector.load %arg8[%swap3A, %swap3A_61] : memref<10000x128xf32, #tpu.memory_space<vmem>>, vector<10000x128xf32>
    tpu.vector_store %arg8[%swap3A, %swap3A_61], %max3A_60 {strides = array<i32>} : memref<10000x128xf32, #tpu.memory_space<vmem>>, vector<10000x128xf32>,
    %get3A_63 = arith.constant 0 : index
    %get3A_64 = arith.constant 0 : index
    %get3A_65 = vector.load %arg7[%get3A_63, %get3A_64] : memref<128x128xf32, #tpu.memory_space<vmem>>, vector<128x128xf32>
    %dot_general3A_66 = arith.constant dense<0.000000e+00> : vector<10000x128xf32>
    %dot_general3A_67 = tpu.matmul %max3A_60, %get3A_65, %dot_general3A_66 {dimension_numbers = #tpu.dot_dimension_numbers<[1], [0], [0], [1], [0, 0, 1, 1], [], []>, transpose_lhs_hint = false} : vector<10000x128xf32>, vector<128x128xf32>, vector<10000x128xf32> -> vector<10000x128xf32>
    %swap3A_68 = arith.constant 0 : index
    %swap3A_69 = arith.constant 0 : index
    %swap3A_70 = vector.load %arg9[%swap3A_68, %swap3A_69] : memref<10000x128xf32, #tpu.memory_space<vmem>>, vector<10000x128xf32>
    tpu.vector_store %arg9[%swap3A_68, %swap3A_69], %dot_general3A_67 {strides = array<i32>} : memref<10000x128xf32, #tpu.memory_space<vmem>>, vector<10000x128xf32>,
    return
  }
}

module attributes {stable_mosaic.version = 14 : i64} {
  func.func @_tc_final_body(%arg0: memref<2x10240x128xf32, #tpu.memory_space<vmem>>, %arg1: memref<10240x1xf32, #tpu.memory_space<vmem>>, %arg2: memref<10000x128xf32, #tpu.memory_space<vmem>>, %arg3: memref<128x128xf32, #tpu.memory_space<vmem>>, %arg4: memref<1x128xf32, #tpu.memory_space<vmem>>, %arg5: memref<1x128xf32, #tpu.memory_space<vmem>>, %arg6: memref<1x128xf32, #tpu.memory_space<vmem>>, %arg7: memref<128x64xf32, #tpu.memory_space<vmem>>, %arg8: memref<1x64xf32, #tpu.memory_space<vmem>>, %arg9: memref<64x2xf32, #tpu.memory_space<vmem>>, %arg10: memref<1x2xf32, #tpu.memory_space<vmem>>, %arg11: memref<10000x2xf32, #tpu.memory_space<vmem>>) attributes {dimension_semantics = [], scalar_prefetch = 0 : i64, scratch_operands = 0 : i64, tpu.core_type = #tpu.core_type<tc>} {
    %get3A = arith.constant 0 : index
    %get3A_0 = arith.constant 0 : index
    %get3A_1 = vector.load %arg1[%get3A, %get3A_0] : memref<10240x1xf32, #tpu.memory_space<vmem>>, vector<10000x1xf32>
    %max3A = arith.constant 1.000000e+00 : f32
    %max3A_2 = vector.broadcast %max3A : f32 to vector<10000x1xf32>
    %max3A_3 = arith.maximumf %get3A_1, %max3A_2 : vector<10000x1xf32>
    %div3A = arith.constant 1.000000e+00 : f32
    %div3A_4 = vector.broadcast %div3A : f32 to vector<10000x1xf32>
    %div3A_5 = arith.divf %div3A_4, %max3A_3 : vector<10000x1xf32>
    %get3A_6 = arith.constant 0 : index
    %get3A_7 = arith.constant 0 : index
    %get3A_8 = arith.constant 0 : index
    %get3A_9 = vector.load %arg0[%get3A_6, %get3A_7, %get3A_8] : memref<2x10240x128xf32, #tpu.memory_space<vmem>>, vector<1x10000x128xf32>
    %get3A_10 = vector.shape_cast %get3A_9 : vector<1x10000x128xf32> to vector<10000x128xf32>
    %get3A_11 = arith.constant 1 : index
    %get3A_12 = arith.constant 0 : index
    %get3A_13 = arith.constant 0 : index
    %get3A_14 = vector.load %arg0[%get3A_11, %get3A_12, %get3A_13] : memref<2x10240x128xf32, #tpu.memory_space<vmem>>, vector<1x10000x128xf32>
    %get3A_15 = vector.shape_cast %get3A_14 : vector<1x10000x128xf32> to vector<10000x128xf32>
    %add3A = arith.addf %get3A_10, %get3A_15 : vector<10000x128xf32>
    %mul3A = vector.broadcast %div3A_5 : vector<10000x1xf32> to vector<10000x128xf32>
    %mul3A_16 = arith.mulf %add3A, %mul3A : vector<10000x128xf32>
    %get3A_17 = arith.constant 0 : index
    %get3A_18 = arith.constant 0 : index
    %get3A_19 = vector.load %arg4[%get3A_17, %get3A_18] : memref<1x128xf32, #tpu.memory_space<vmem>>, vector<1x128xf32>
    %add3A_20 = vector.broadcast %get3A_19 : vector<1x128xf32> to vector<10000x128xf32>
    %add3A_21 = arith.addf %mul3A_16, %add3A_20 : vector<10000x128xf32>
    %get3A_22 = arith.constant 0 : index
    %get3A_23 = arith.constant 0 : index
    %get3A_24 = vector.load %arg2[%get3A_22, %get3A_23] : memref<10000x128xf32, #tpu.memory_space<vmem>>, vector<10000x128xf32>
    %get3A_25 = arith.constant 0 : index
    %get3A_26 = arith.constant 0 : index
    %get3A_27 = vector.load %arg3[%get3A_25, %get3A_26] : memref<128x128xf32, #tpu.memory_space<vmem>>, vector<128x128xf32>
    %dot_general3A = arith.constant dense<0.000000e+00> : vector<10000x128xf32>
    %dot_general3A_28 = tpu.matmul %get3A_24, %get3A_27, %dot_general3A {dimension_numbers = #tpu.dot_dimension_numbers<[1], [0], [0], [1], [0, 0, 1, 1], [], []>, transpose_lhs_hint = false} : vector<10000x128xf32>, vector<128x128xf32>, vector<10000x128xf32> -> vector<10000x128xf32>
    %add3A_29 = arith.addf %add3A_21, %dot_general3A_28 : vector<10000x128xf32>
    %reduce_sum3A = arith.constant dense<0.000000e+00> : vector<128xf32>
    %reduce_sum3A_30 = vector.multi_reduction <add>, %add3A_29, %reduce_sum3A [0] : vector<10000x128xf32> to vector<128xf32>
    %broadcast_in_dim3A = vector.shape_cast %reduce_sum3A_30 : vector<128xf32> to vector<1x128xf32>
    %div3A_31 = arith.constant 1.000000e+04 : f32
    %div3A_32 = vector.broadcast %div3A_31 : f32 to vector<1x128xf32>
    %div3A_33 = arith.divf %broadcast_in_dim3A, %div3A_32 : vector<1x128xf32>
    %sub3A = vector.broadcast %div3A_33 : vector<1x128xf32> to vector<10000x128xf32>
    %sub3A_34 = arith.subf %add3A_29, %sub3A : vector<10000x128xf32>
    %integer_pow3A = arith.mulf %sub3A_34, %sub3A_34 : vector<10000x128xf32>
    %reduce_sum3A_35 = arith.constant dense<0.000000e+00> : vector<128xf32>
    %reduce_sum3A_36 = vector.multi_reduction <add>, %integer_pow3A, %reduce_sum3A_35 [0] : vector<10000x128xf32> to vector<128xf32>
    %broadcast_in_dim3A_37 = vector.shape_cast %reduce_sum3A_36 : vector<128xf32> to vector<1x128xf32>
    %div3A_38 = arith.constant 1.000000e+04 : f32
    %div3A_39 = vector.broadcast %div3A_38 : f32 to vector<1x128xf32>
    %div3A_40 = arith.divf %broadcast_in_dim3A_37, %div3A_39 : vector<1x128xf32>
    %get3A_41 = arith.constant 0 : index
    %get3A_42 = arith.constant 0 : index
    %get3A_43 = vector.load %arg5[%get3A_41, %get3A_42] : memref<1x128xf32, #tpu.memory_space<vmem>>, vector<1x128xf32>
    %sub3A_44 = vector.broadcast %div3A_33 : vector<1x128xf32> to vector<10000x128xf32>
    %sub3A_45 = arith.subf %add3A_29, %sub3A_44 : vector<10000x128xf32>
    %mul3A_46 = vector.broadcast %get3A_43 : vector<1x128xf32> to vector<10000x128xf32>
    %mul3A_47 = arith.mulf %mul3A_46, %sub3A_45 : vector<10000x128xf32>
    %add3A_48 = arith.constant 9.99999974E-6 : f32
    %add3A_49 = vector.broadcast %add3A_48 : f32 to vector<1x128xf32>
    %add3A_50 = arith.addf %div3A_40, %add3A_49 : vector<1x128xf32>
    %rsqrt3A = math.rsqrt %add3A_50 : vector<1x128xf32>
    %mul3A_51 = vector.broadcast %rsqrt3A : vector<1x128xf32> to vector<10000x128xf32>
    %mul3A_52 = arith.mulf %mul3A_47, %mul3A_51 : vector<10000x128xf32>
    %get3A_53 = arith.constant 0 : index
    %get3A_54 = arith.constant 0 : index
    %get3A_55 = vector.load %arg6[%get3A_53, %get3A_54] : memref<1x128xf32, #tpu.memory_space<vmem>>, vector<1x128xf32>
    %add3A_56 = vector.broadcast %get3A_55 : vector<1x128xf32> to vector<10000x128xf32>
    %add3A_57 = arith.addf %mul3A_52, %add3A_56 : vector<10000x128xf32>
    %max3A_58 = arith.constant 0.000000e+00 : f32
    %max3A_59 = vector.broadcast %max3A_58 : f32 to vector<10000x128xf32>
    %max3A_60 = arith.maximumf %add3A_57, %max3A_59 : vector<10000x128xf32>
    %get3A_61 = arith.constant 0 : index
    %get3A_62 = arith.constant 0 : index
    %get3A_63 = vector.load %arg7[%get3A_61, %get3A_62] : memref<128x64xf32, #tpu.memory_space<vmem>>, vector<128x64xf32>
    %dot_general3A_64 = arith.constant dense<0.000000e+00> : vector<10000x64xf32>
    %dot_general3A_65 = tpu.matmul %max3A_60, %get3A_63, %dot_general3A_64 {dimension_numbers = #tpu.dot_dimension_numbers<[1], [0], [0], [1], [0, 0, 1, 1], [], []>, transpose_lhs_hint = false} : vector<10000x128xf32>, vector<128x64xf32>, vector<10000x64xf32> -> vector<10000x64xf32>
    %get3A_66 = arith.constant 0 : index
    %get3A_67 = arith.constant 0 : index
    %get3A_68 = vector.load %arg8[%get3A_66, %get3A_67] : memref<1x64xf32, #tpu.memory_space<vmem>>, vector<1x64xf32>
    %add3A_69 = vector.broadcast %get3A_68 : vector<1x64xf32> to vector<10000x64xf32>
    %add3A_70 = arith.addf %dot_general3A_65, %add3A_69 : vector<10000x64xf32>
    %max3A_71 = arith.constant 0.000000e+00 : f32
    %max3A_72 = vector.broadcast %max3A_71 : f32 to vector<10000x64xf32>
    %max3A_73 = arith.maximumf %add3A_70, %max3A_72 : vector<10000x64xf32>
    %get3A_74 = arith.constant 0 : index
    %get3A_75 = arith.constant 0 : index
    %get3A_76 = vector.load %arg9[%get3A_74, %get3A_75] : memref<64x2xf32, #tpu.memory_space<vmem>>, vector<64x2xf32>
    %dot_general3A_77 = arith.constant dense<0.000000e+00> : vector<10000x2xf32>
    %dot_general3A_78 = tpu.matmul %max3A_73, %get3A_76, %dot_general3A_77 {dimension_numbers = #tpu.dot_dimension_numbers<[1], [0], [0], [1], [0, 0, 1, 1], [], []>, transpose_lhs_hint = false} : vector<10000x64xf32>, vector<64x2xf32>, vector<10000x2xf32> -> vector<10000x2xf32>
    %get3A_79 = arith.constant 0 : index
    %get3A_80 = arith.constant 0 : index
    %get3A_81 = vector.load %arg10[%get3A_79, %get3A_80] : memref<1x2xf32, #tpu.memory_space<vmem>>, vector<1x2xf32>
    %add3A_82 = vector.broadcast %get3A_81 : vector<1x2xf32> to vector<10000x2xf32>
    %add3A_83 = arith.addf %dot_general3A_78, %add3A_82 : vector<10000x2xf32>
    %swap3A = arith.constant 0 : index
    %swap3A_84 = arith.constant 0 : index
    %swap3A_85 = vector.load %arg11[%swap3A, %swap3A_84] : memref<10000x2xf32, #tpu.memory_space<vmem>>, vector<10000x2xf32>
    tpu.vector_store %arg11[%swap3A, %swap3A_84], %add3A_83 {strides = array<i32>} : memref<10000x2xf32, #tpu.memory_space<vmem>>, vector<10000x2xf32>,
    return
  }
}

</mosaic_0001>

<sc_bundles>
// kernel: sc_edge_agg.4.cloned.1.call-start
scs
__scs_entry_jumppad:
0x0: {  	(pc) =	sbr.rel $0x88, $3  }
0x1: {  	(tag) =	ssettag $0x0;
	lr =	simm.s32 $0x1  }
0x2: {  	[smem:$0x3F8C] =	sst lr;
	_ =	strace $0xD0000000  }
0x3: {  	_ = 	snop  }
0x4: {  	_ = 	snop  }
0x5: {  	_ = 	snop  }
0x6: {  	_ = 	snop  }
0x7: {  	_ = 	snop  }
__scs_overlays_trampoline_lowered:
0x8: {  	[smem:$0x3F9B] =	sst s0  }
0x9: {  	[smem:$0x3F9C] =	sst s1  }
0xa: {  	[smem:$0x3F9D] =	sst s2  }
0xb: {  	[smem:$0x3F9E] =	sst s3  }
0xc: {  	[smem:$0x3F9F] =	sst s4  }
0xd: {  	[smem:$0x3FA0] =	sst s5  }
0xe: {  	[smem:$0x3FA1] =	sst s6  }
0xf: {  	[smem:$0x3FA2] =	sst s7  }
0x10: {  	[smem:$0x3FA3] =	sst s8  }
0x11: {  	[smem:$0x3FA4] =	sst s9;
	s0 =	simm.s32 @!p0 $0x0  }
0x12: {  	s1 =	sld [smem:$0x3F8A];
	s0 =	simm.s32 @p0 $0x1  }
0x13: {  	[smem:$0x3FA5] =	sst s0;
	s0 =	simm.s32 @!p1 $0x0  }
0x14: {  	s2 =	sld [smem:$0x3F89];
	s0 =	simm.s32 @p1 $0x1  }
0x15: {  	[smem:$0x3FA6] =	sst s0;
	s0 =	simm.s32 @!p2 $0x0  }
0x16: {  	s3 =	sld [smem:$0x3FDB];
	s0 =	simm.s32 @p2 $0x1  }
0x17: {  	s4 =	simm.s32 $0x1BF5;
	[smem:$0x3FA8] =	sst s0  }
0x18: {  	s0 =	sld [smem:$0x3F8B];
	_ =	swait.ge [sflag:s4], $0x0  }
0x19: {  	s7 =	sld [smem:$0x3F8C]  }
0x1a: {  	s8 =	sadd.s32 $0xFFFFE003, lr  }
0x1b: {  	s9 =	sadd.s32 $0xFFFFFEF7, lr;
	s5 =	simm.s32 $0xFFFFFFFF;
	p2 =	slt.u32 s8, $0xFFFFF086  }
0x1c: {  	p1 =	slt.u32 s9, $0xF7A;
	s5 =	simm.s32 @!p2 $0x0  }
0x1d: {  	s5 =	simm.s32 @p1 $0x1;
	p0 =	seq.s32 s7, s2  }
0x1e: {  	s7 =	smul.u32 @!p0 $0xF7A, s2;
	p2 =	seq.s32 @!p0 s5, $0x0  }
0x1f: {  	s9 =	smul.u32 $0xF7A, s1;
	s8 =	simm.s32 @!p0 $0x1BF5;
	p2 =	por !p2, p0  }
0x20: {  	[sflag:s8] =	ssyncset.s32 @!p0 $0xFFFFF086;
	s6 =	sadd.s32 @!p0 s3, s7;
	s7 =	simm.s32 @!p0 $0x108  }
0x21: {  	s3 =	sadd.s32 s3, s9;
	s6 =	sadd.s32 @!p0 $0x88, s6;
	s7 =	simm.s32 @p2 $0x1082  }
0x22: {  	[simem:s7], [sflag:s8] =	dma.local @!p0 [hbm:s6], $0xF7A  }
0x23: {  	s9 =	sor.u32 $0xD0000000, s2;
	s6 =	simm.s32 $0x108;
	_ =	swait.ge @!p0 [sflag:s8], $0x0  }
0x24: {  	s3 =	sadd.s32 $0x88, s3;
	s6 =	simm.s32 @!p1 $0x1082;
	[sflag:s4] =	ssyncset.s32 $0xFFFFF086  }
0x25: {  	[simem:s6], [sflag:s4] =	dma.local [hbm:s3], $0xF7A  }
0x26: {  	[smem:$0x3F8C] =	sst s1;
	(tag) =	ssettag s2;
	_ =	strace s9  }
0x27: {  	s1 =	sld [smem:$0x3F9C]  }
0x28: {  	s2 =	sld [smem:$0x3F9D]  }
0x29: {  	s4 =	sld [smem:$0x3F9F]  }
0x2a: {  	p0 =	seq.s32 s5, $0x0;
	s5 =	sld [smem:$0x3FA0]  }
0x2b: {  	s6 =	sld [smem:$0x3FA1]  }
0x2c: {  	s7 =	sld [smem:$0x3FA2]  }
0x2d: {  	s3 =	simm.s32 $0x108;
	s8 =	sld [smem:$0x3FA3]  }
0x2e: {  	s3 =	simm.s32 @!p0 $0x1082;
	s9 =	sld [smem:$0x3FA4]  }
0x2f: {  	lr =	sadd.s32 s0, s3;
	s0 =	sld [smem:$0x3F9B]  }
0x30: {  	s3 =	sld [smem:$0x3F9E]  }
0x31: {  	[smem:$0x3FA7] =	sst s10  }
0x32: {  	s10 =	sld [smem:$0x3FA5];
	_ =	sdelay $0x3  }
0x33: {  	p0 =	seq.s32 s10, $0x1;
	s10 =	sld [smem:$0x3FA7];
	_ =	sdelay $0x3  }
0x34: {  	[smem:$0x3FA7] =	sst s10  }
0x35: {  	s10 =	sld [smem:$0x3FA6];
	_ =	sdelay $0x3  }
0x36: {  	p1 =	seq.s32 s10, $0x1;
	s10 =	sld [smem:$0x3FA7];
	_ =	sdelay $0x3  }
0x37: {  	[smem:$0x3FA7] =	sst s10  }
0x38: {  	s10 =	sld [smem:$0x3FA8]  }
0x39: {  	_ = 	snop;
	(pc) =	sbr.ind lr, $3  }
0x3a: {  	_ = 	snop  }
0x3b: {  	_ = 	snop  }
0x3c: {  	p2 =	seq.s32 s10, $0x1;
	s10 =	sld [smem:$0x3FA7]  }
0x3d: {  	_ =	shalt  }
0x3e: {  	_ =	shalt  }
0x3f: {  	_ =	shalt  }
0x40: {  	_ =	shalt  }
0x41: {  	_ =	shalt  }
0x42: {  	_ =	shalt  }
0x43: {  	_ =	shalt  }
0x44: {  	_ =	shalt  }
0x45: {  	_ =	shalt  }
0x46: {  	_ =	shalt  }
0x47: {  	_ =	shalt  }
0x48: {  	_ =	shalt  }
0x49: {  	_ =	shalt  }
0x4a: {  	_ =	shalt  }
0x4b: {  	_ =	shalt  }
0x4c: {  	_ =	shalt  }
0x4d: {  	_ =	shalt  }
0x4e: {  	_ =	shalt  }
0x4f: {  	_ =	shalt  }
0x50: {  	_ =	shalt  }
0x51: {  	_ =	shalt  }
0x52: {  	_ =	shalt  }
0x53: {  	_ =	shalt  }
0x54: {  	_ =	shalt  }
0x55: {  	_ =	shalt  }
0x56: {  	_ =	shalt  }
0x57: {  	_ =	shalt  }
0x58: {  	_ =	shalt  }
0x59: {  	_ =	shalt  }
0x5a: {  	_ =	shalt  }
0x5b: {  	_ =	shalt  }
0x5c: {  	_ =	shalt  }
0x5d: {  	_ =	shalt  }
0x5e: {  	_ =	shalt  }
0x5f: {  	_ =	shalt  }
0x60: {  	_ =	shalt  }
0x61: {  	_ =	shalt  }
0x62: {  	_ =	shalt  }
0x63: {  	_ =	shalt  }
0x64: {  	_ =	shalt  }
0x65: {  	_ =	shalt  }
0x66: {  	_ =	shalt  }
0x67: {  	_ =	shalt  }
0x68: {  	_ =	shalt  }
0x69: {  	_ =	shalt  }
0x6a: {  	_ =	shalt  }
0x6b: {  	_ =	shalt  }
0x6c: {  	_ =	shalt  }
0x6d: {  	_ =	shalt  }
0x6e: {  	_ =	shalt  }
0x6f: {  	_ =	shalt  }
0x70: {  	_ =	shalt  }
0x71: {  	_ =	shalt  }
0x72: {  	_ =	shalt  }
0x73: {  	_ =	shalt  }
0x74: {  	_ =	shalt  }
0x75: {  	_ =	shalt  }
0x76: {  	_ =	shalt  }
0x77: {  	_ =	shalt  }
0x78: {  	_ =	shalt  }
0x79: {  	_ =	shalt  }
0x7a: {  	_ =	shalt  }
0x7b: {  	_ =	shalt  }
0x7c: {  	_ =	shalt  }
0x7d: {  	_ =	shalt  }
0x7e: {  	_ =	shalt  }
0x7f: {  	_ =	shalt  }
0x80: {  	_ =	shalt  }
0x81: {  	_ =	shalt  }
0x82: {  	_ =	shalt  }
0x83: {  	_ =	shalt  }
0x84: {  	_ =	shalt  }
0x85: {  	_ =	shalt  }
0x86: {  	_ =	shalt  }
0x87: {  	_ =	shalt  }
.Lfunc_end0:
.L_simem_size_0:
called_computation.1_lowered:
.L_overlay_start_0:
0x88: {  	s2 =	sld [smem:$0x3FD9]  }
0x89: {  	s3 =	sld [smem:$0x3FFE];
	_ =	sdelay $0x1  }
0x8a: {  	s1 =	srdreg.scid  }
0x8b: {  	s0 =	sand.u32 $0x1, s1  }
0x8c: {  	s17 =	sshll.u32 s0, $0xA;
	s2 =	sadd.s32 s3, s2  }
0x8d: {  	s2 =	sadd.s32 s2, s17  }
0x8e: {  	[smem:$0x3FB3] =	sst s2  }
0x8f: {  	_ = 	snop  }
0x90: {  	s2 =	sld [smem:$0x3FD0];
	(tm) =	ssettm $0x1  }
0x91: {  	s18 =	sld [smem:$0x3FFB];
	_ =	sdelay $0x3  }
0x92: {  	_ =	strace s18  }
0x93: {  	s3 =	sld [smem:$0x3FFC];
	_ =	sdelay $0x3  }
0x94: {  	_ =	strace s3  }
0x95: {  	s3 =	sld [smem:$0x3FFD];
	_ =	sdelay $0x3  }
0x96: {  	_ =	strace s3  }
0x97: {  	_ =	strace $0x8FFFFFFF  }
0x98: {  	s19 =	sld [smem:$0x3FDB];
	_ =	sdelay $0x1  }
0x99: {  	s4 =	simm.s32 $_scs_section_size  }
0x9a: {  	s5 =	simm.s32 $_size__tile_overlayer_lowered;
	s6 =	simm.s32 $_tile_overlayer_lowered  }
0x9b: {  	s22 =	simm.s32 $0x1BFF;
	s21 =	sshll.u32 s6, $0x1;
	s3 =	sadd.s32 s4, s19  }
0x9c: {  	s7 =	simm.s32 $0x0;
	s20 =	sshll.u32 s5, $0x1;
	s5 =	sadd.s32 s21, s3  }
0x9d: {  	[timem:s7], [sflag:s22] =	dma.local [hbm:s5], s20  }
0x9e: {  	_ =	swait.ge [sflag:s22], s20  }
0x9f: {  	s4 =	ssub.s32 $0x0, s20;
	[sflag:s22] =	ssyncset.done $0x0  }
0xa0: {  	[sflag:s22] =	ssyncadd.s32 s4;
	_ =	sdelay $0x1  }
0xa1: {  	s23 =	simm.s32 $0x1B8B  }
0xa2: {  	_ =	swait.ge [sflag:s23], $0x1  }
0xa3: {  	[sflag:s23] =	ssyncset.done $0x0  }
0xa4: {  	s25 =	simm.s32 $0x1B8E;
	s24 =	sld [smem:$0x3FFE];
	[sflag:s23] =	ssyncadd.s32 $0xFFFFFFFF  }
0xa5: {  	s26 =	simm.s32 $execute0_lowered;
	[smem:$0x3FD2] =	sst s25  }
0xa6: {  	s5 =	sshll.u32 s26, $0x1;
	_ =	strace $0x80000049;
	[dreg:$0x1] =	wrdreg $0xFFFFFFFF  }
0xa7: {  	s28 =	simm.s32 $_size_execute0_lowered;
	s3 =	sadd.s32 s3, s5;
	[dreg:$0x0] =	wrdreg $0x0  }
0xa8: {  	s5 =	sshll.u32 s28, $0x1;
	[dreg:$0x2] =	wrdreg s3  }
0xa9: {  	[dreg:$0x3] =	wrdreg s5  }
0xaa: {  	[dreg:$0x4] =	wrdreg $0xC0  }
0xab: {  	_ =	task [dreg:s7], $0x5FFFF  }
0xac: {  	[dreg:$0x1] =	wrdreg $0xFFFFFFFF  }
0xad: {  	[dreg:$0x0] =	wrdreg $0x60  }
0xae: {  	[dreg:$0x2] =	wrdreg s24  }
0xaf: {  	[dreg:$0x3] =	wrdreg s2  }
0xb0: {  	[dreg:$0x4] =	wrdreg $0x0  }
0xb1: {  	[dreg:$0x5] =	wrdreg $0x9  }
0xb2: {  	_ =	task.clear_ibuf [dreg:s7], $0x6FFFF;
	_ =	strace $0x90000049  }
0xb3: {  	s29 =	simm.s32 $0x9;
	_ =	strace $0x8000004B  }
0xb4: {  	_ =	swait.ge [sflag:s29], $0x1  }
0xb5: {  	[sflag:s29] =	ssyncadd.s32 $0xFFFFFFFF  }
0xb6: {  	_ =	strace $0x9000004B  }
0xb7: {  	_ =	sfence  }
0xb8: {  	s30 =	sld [smem:$0x0];
	_ =	sdelay $0x2  }
0xb9: {  	s31 =	sshll.u32 s1, $0xD;
	s1 =	sshrl.u32 s1, $0x2  }
0xba: {  	s3 =	sand.u32 $0x4000, s31;
	s1 =	sadd.s32 s1, s30  }
0xbb: {  	s0 =	sor.u32 s3, s0;
	s1 =	sshll.u32 s1, $0x11  }
0xbc: {  	s0 =	sor.u32 s1, s0  }
0xbd: {  	s0 =	sadd.s32 $0x8F2B, s0  }
0xbe: {  	[sflag:s0] =	ssyncadd.remote.s32 $0x1  }
0xbf: {  	_ =	sfence.sel $0xFFFF  }
0xc0: {  	[dreg:$0x0] =	wrdreg $0xFFFFFFFF;
	(pc) =	sbr.abs _section_cstart, $3  }
0xc1: {  	[dreg:$0x1] =	wrdreg $0xFFFFFFFF  }
0xc2: {  	_ =	task.clear_ibuf [dreg:s7], $0x2FFFF;
	_ =	strace $0x9FFFFFFF  }
0xc3: {  	(tm) =	ssettm $0x7FFFFFFF  }
tec
execute0_lowered:
.L_overlay_start_1:
0x0: {  	(tag) =	ssettag $0x1  }
0x1: {  	s0 =	rddreg [dreg:$0x0];
	s1 =	srdreg.scid  }
0x2: {  	s3 =	rddreg [dreg:$0x2];
	s9 =	stileid.u32  }
0x3: {  	s4 =	simm.s32 $0x0;
	s30 =	simm.s32 $0x50;
	s31 =	simm.s32 $0x1  }
0x4: {  	s1 =	sand.u32 $0x1, s1;
	[smem:$0x7FF] =	sst s4;
	s7 =	smul.u32 $0x50000, s9  }
0x5: {  	s5 =	sadd.s32 $0x17C00, s0;
	s15 =	smul.u32 $0x14000, s9;
	s2 =	sshll.u32 s1, $0x4  }
0x6: {  	_ =	strace $0x8000004A;
	s6 =	ssub.s32 $0x2, s1;
	s1 =	smul.u32 $0x140000, s1  }
0x7: {  	s2 =	sor.u32 s9, s2;
	s8 =	sshrl.u32 s6, $0x1;
	s16 =	sadd.s32 $0x5000, s15  }
0x8: {  	s17 =	sadd.s32 $0x7800, s15;
	s18 =	sadd.s32 $0xA000, s15;
	s19 =	sadd.s32 $0xC800, s15  }
0x9: {  	s20 =	sadd.s32 $0xF000, s15;
	s21 =	sadd.s32 $0x11800, s15;
	s2 =	smul.u32 $0x500, s2  }
0xa: {  	s24 =	ssub.s32 s6, s8;
	s6 =	sshrl.u32 s7, $0x2;
	s7 =	sor.u32 $0x2800, s15  }
0xb: {  	s10 =	sadd.s32 s16, s3;
	s11 =	sadd.s32 s17, s3;
	s12 =	sadd.s32 s18, s3  }
0xc: {  	s13 =	sadd.s32 s19, s3;
	s14 =	sadd.s32 s20, s3;
	s22 =	sadd.s32 s15, s1  }
0xd: {  	s23 =	sadd.s32 s1, s16;
	s25 =	sadd.s32 s1, s17;
	s28 =	sadd.s32 s1, s19  }
0xe: {  	s29 =	sadd.s32 s1, s20;
	s15 =	sadd.s32 s21, s3;
	s8 =	sadd.s32 s6, s3  }
0xf: {  	s9 =	sadd.s32 s7, s3;
	s20 =	sshrl.u32 s22, $0x3;
	s22 =	sshrl.u32 s25, $0x3  }
0x10: {  	s25 =	sshrl.u32 s28, $0x3;
	s24 =	smax.u32 s24, $0x1;
	s2 =	sadd.s32 s2, s0  }
0x11: {  	s28 =	simm.s32 $0x0;
	s0 =	sadd.s32 $0x3EE00, s0;
	s26 =	sadd.s32 $0x3C00, s2  }
0x12: {  	s2 =	sadd.s32 $0xDC00, s2;
	s16 =	sadd.s32 s0, s20;
	[dreg:$0x4] =	wrdreg s26  }
0x13: {  	s19 =	sadd.s32 s0, s22;
	[dreg:$0x5] =	wrdreg s2;
	s2 =	sadd.s32 s1, s7  }
0x14: {  	s26 =	sadd.s32 s1, s18;
	s1 =	sadd.s32 s1, s21;
	s21 =	sshrl.u32 s23, $0x3  }
0x15: {  	s2 =	sshrl.u32 s2, $0x3;
	s18 =	sadd.s32 s0, s21;
	s23 =	sshrl.u32 s26, $0x3  }
0x16: {  	s21 =	sadd.s32 s0, s25;
	s26 =	sshrl.u32 s29, $0x3;
	s1 =	sshrl.u32 s1, $0x3  }
0x17: {  	s25 =	simm.s32 $0x14000;
	s29 =	simm.s32 $0x19000;
	s17 =	sadd.s32 s0, s2  }
0x18: {  	s20 =	sadd.s32 s0, s23;
	s22 =	sadd.s32 s0, s26;
	s23 =	sadd.s32 s0, s1  }
0x19: {  	s26 =	simm.s32 $0x3;
	s0 =	simm.s32 $0x1B800;
	s1 =	simm.s32 $0x2  }
.LBB2_1:
0x1a: {  	s2 =	rddreg [dreg:$0x4]  }
0x1b: {  	[tilespmem:s25], [sflag:$0x3] =	stream.linear.gather [hbm4b:s2+s4], $0x2800, $0x38;
	[tilespmem:$0x1E000] =	vst v63  }
0x1c: {  	_ =	swait.ge [sflag:s26], $0x2800  }
0x1d: {  	[sflag:s26] =	ssyncset.done $0x0  }
0x1e: {  	s6 =	simm.s32 $0x16800;
	s7 =	rddreg [dreg:$0x5];
	[sflag:s26] =	ssyncadd.s32 $0xFFFFD800  }
0x1f: {  	[tilespmem:s6], [sflag:$0x3] =	stream.linear.gather [hbm4b:s7+s4], $0x2800, $0x38;
	[tilespmem:$0x1E000] =	vst v63  }
0x20: {  	_ =	swait.ge [sflag:s26], $0x2800  }
0x21: {  	[sflag:s26] =	ssyncset.done $0x0  }
0x22: {  	[sflag:s26] =	ssyncadd.s32 $0xFFFFD800  }
0x23: {  	s7 =	rddreg [dreg:$0x1]  }
0x24: {  	[tilespmem:s29], [sflag:$0x3] =	stream.linear.gather [hbm4b:s7+s4], $0x2800, $0x38;
	[tilespmem:$0x1E000] =	vst v63  }
0x25: {  	_ =	swait.ge [sflag:s26], $0x2800  }
0x26: {  	[sflag:s26] =	ssyncset.done $0x0  }
0x27: {  	[sflag:s26] =	ssyncadd.s32 $0xFFFFD800  }
0x28: {  	[spmem:s8] =	stream.linear.scatter [tilespmem:s29], [sflag:$0x3], $0x2800, $0x38;
	[tilespmem:$0x1E000] =	vst v63  }
0x29: {  	_ =	swait.ge [sflag:s26], $0x2800  }
0x2a: {  	[sflag:s26] =	ssyncset.done $0x0  }
0x2b: {  	[sflag:s26] =	ssyncadd.s32 $0xFFFFD800  }
0x2c: {  	[spmem:s9] =	stream.linear.scatter [tilespmem:s29], [sflag:$0x3], $0x2800, $0x38;
	[tilespmem:$0x1E000] =	vst v63  }
0x2d: {  	_ =	swait.ge [sflag:s26], $0x2800  }
0x2e: {  	[sflag:s26] =	ssyncset.done $0x0  }
0x2f: {  	[sflag:s26] =	ssyncadd.s32 $0xFFFFD800  }
0x30: {  	[spmem:s10] =	stream.linear.scatter [tilespmem:s29], [sflag:$0x3], $0x2800, $0x38;
	[tilespmem:$0x1E000] =	vst v63  }
0x31: {  	_ =	swait.ge [sflag:s26], $0x2800  }
0x32: {  	[sflag:s26] =	ssyncset.done $0x0  }
0x33: {  	[sflag:s26] =	ssyncadd.s32 $0xFFFFD800  }
0x34: {  	[spmem:s11] =	stream.linear.scatter [tilespmem:s29], [sflag:$0x3], $0x2800, $0x38;
	[tilespmem:$0x1E000] =	vst v63  }
0x35: {  	_ =	swait.ge [sflag:s26], $0x2800  }
0x36: {  	[sflag:s26] =	ssyncset.done $0x0  }
0x37: {  	[sflag:s26] =	ssyncadd.s32 $0xFFFFD800  }
0x38: {  	[spmem:s12] =	stream.linear.scatter [tilespmem:s29], [sflag:$0x3], $0x2800, $0x38;
	[tilespmem:$0x1E000] =	vst v63  }
0x39: {  	_ =	swait.ge [sflag:s26], $0x2800  }
0x3a: {  	[sflag:s26] =	ssyncset.done $0x0  }
0x3b: {  	[sflag:s26] =	ssyncadd.s32 $0xFFFFD800  }
0x3c: {  	[spmem:s13] =	stream.linear.scatter [tilespmem:s29], [sflag:$0x3], $0x2800, $0x38;
	[tilespmem:$0x1E000] =	vst v63  }
0x3d: {  	_ =	swait.ge [sflag:s26], $0x2800  }
0x3e: {  	[sflag:s26] =	ssyncset.done $0x0  }
0x3f: {  	[sflag:s26] =	ssyncadd.s32 $0xFFFFD800  }
0x40: {  	[spmem:s14] =	stream.linear.scatter [tilespmem:s29], [sflag:$0x3], $0x2800, $0x38;
	[tilespmem:$0x1E000] =	vst v63  }
0x41: {  	_ =	swait.ge [sflag:s26], $0x2800  }
0x42: {  	[sflag:s26] =	ssyncset.done $0x0  }
0x43: {  	[sflag:s26] =	ssyncadd.s32 $0xFFFFD800  }
0x44: {  	[spmem:s15] =	stream.linear.scatter [tilespmem:s29], [sflag:$0x3], $0x2800, $0x38;
	[tilespmem:$0x1E000] =	vst v63  }
0x45: {  	_ =	swait.ge [sflag:s26], $0x2800  }
0x46: {  	[sflag:s26] =	ssyncset.done $0x0  }
0x47: {  	[sflag:s26] =	ssyncadd.s32 $0xFFFFD800  }
0x48: {  	[bflag:$0x0] =	sbarrier.arrive $0xFFFF  }
0x49: {  	[tilespmem:s29], [sflag:$0x1] =	stream.indirect.gather [hbm4b:s5+s30], $0x80, s25, s30, $0xb8;
	[tilespmem:$0x1E000] =	vst v63  }
0x4a: {  	_ =	swait.ge [sflag:s31], $0x2800  }
0x4b: {  	[sflag:s31] =	ssyncset.done $0x0  }
0x4c: {  	s6 =	simm.s32 $0x14050;
	[sflag:s31] =	ssyncadd.s32 $0xFFFFD800  }
0x4d: {  	[tilespmem:s0], [sflag:$0x2] =	stream.indirect.gather [hbm4b:s5+s30], $0x80, s6, s30, $0xb8;
	[tilespmem:$0x1E000] =	vst v63  }
0x4e: {  	s7 =	simm.s32 $0x16800  }
0x4f: {  	[spmem:s3] =	stream.indirect.scatter.add.f32 [tilespmem:s29], [sflag:$0x3], $0x80, s7, s30, $0xb8;
	[tilespmem:$0x1E000] =	vst v63  }
0x50: {  	_ =	swait.ge [sflag:s26], $0x2800  }
0x51: {  	[sflag:s26] =	ssyncset.done $0x0  }
0x52: {  	[sflag:s26] =	ssyncadd.s32 $0xFFFFD800  }
0x53: {  	_ =	swait.ge [sflag:s1], $0x2800  }
0x54: {  	[sflag:s1] =	ssyncset.done $0x0  }
0x55: {  	s6 =	simm.s32 $0x140A0;
	[sflag:s1] =	ssyncadd.s32 $0xFFFFD800  }
0x56: {  	[tilespmem:s29], [sflag:$0x1] =	stream.indirect.gather [hbm4b:s5+s30], $0x80, s6, s30, $0xb8;
	[tilespmem:$0x1E000] =	vst v63  }
0x57: {  	s7 =	simm.s32 $0x16850  }
0x58: {  	[spmem:s3] =	stream.indirect.scatter.add.f32 [tilespmem:s0], [sflag:$0x3], $0x80, s7, s30, $0xb8;
	[tilespmem:$0x1E000] =	vst v63  }
0x59: {  	_ =	swait.ge [sflag:s26], $0x2800  }
0x5a: {  	s2 =	simm.s32 $0x280;
	[sflag:s26] =	ssyncset.done $0x0  }
.LBB2_2:
0x5b: {  	p0 =	sne.s32 s2, $0x9B00  }
0x5c: {  	[sflag:s26] =	ssyncadd.s32 $0xFFFFD800;
	s6 =	smov.u32 s2;
	s2 =	sadd.s32 $0x280, s2  }
0x5d: {  	_ = 	snop  }
0x5e: {  	_ =	swait.ge [sflag:s31], $0x2800  }
0x5f: {  	s6 =	sshra.s32 s6, $0x2;
	[sflag:s31] =	ssyncset.done $0x0  }
0x60: {  	s7 =	sadd.s32 $0x14050, s6;
	[sflag:s31] =	ssyncadd.s32 $0xFFFFD800  }
0x61: {  	[tilespmem:s0], [sflag:$0x2] =	stream.indirect.gather [hbm4b:s5+s30], $0x80, s7, s30, $0xb8;
	[tilespmem:$0x1E000] =	vst v63  }
0x62: {  	s7 =	sadd.s32 $0x16800, s6  }
0x63: {  	[spmem:s3] =	stream.indirect.scatter.add.f32 [tilespmem:s29], [sflag:$0x3], $0x80, s7, s30, $0xb8;
	[tilespmem:$0x1E000] =	vst v63  }
0x64: {  	_ =	swait.ge [sflag:s26], $0x2800  }
0x65: {  	[sflag:s26] =	ssyncset.done $0x0  }
0x66: {  	[sflag:s26] =	ssyncadd.s32 $0xFFFFD800  }
0x67: {  	_ =	swait.ge [sflag:s1], $0x2800  }
0x68: {  	[sflag:s1] =	ssyncset.done $0x0  }
0x69: {  	s7 =	sadd.s32 $0x140A0, s6;
	[sflag:s1] =	ssyncadd.s32 $0xFFFFD800  }
0x6a: {  	[tilespmem:s29], [sflag:$0x1] =	stream.indirect.gather [hbm4b:s5+s30], $0x80, s7, s30, $0xb8;
	[tilespmem:$0x1E000] =	vst v63  }
.Ltmp0:
0x6b: {  	_ = 	snop;
	(pc) =	sbr.rel @p0 .LBB2_2-.Ltmp0, $4  }
0x6c: {  	s6 =	sadd.s32 $0x16850, s6  }
0x6d: {  	[spmem:s3] =	stream.indirect.scatter.add.f32 [tilespmem:s0], [sflag:$0x3], $0x80, s6, s30, $0xb8;
	[tilespmem:$0x1E000] =	vst v63  }
0x6e: {  	_ =	swait.ge [sflag:s26], $0x2800  }
0x6f: {  	[sflag:s26] =	ssyncset.done $0x0  }
0x70: {  	[sflag:s26] =	ssyncadd.s32 $0xFFFFD800  }
0x71: {  	_ =	swait.ge [sflag:s31], $0x2800  }
0x72: {  	[sflag:s31] =	ssyncset.done $0x0  }
0x73: {  	s2 =	simm.s32 $0x167B0;
	[sflag:s31] =	ssyncadd.s32 $0xFFFFD800  }
0x74: {  	[tilespmem:s0], [sflag:$0x2] =	stream.indirect.gather [hbm4b:s5+s30], $0x80, s2, s30, $0xb8;
	[tilespmem:$0x1E000] =	vst v63  }
0x75: {  	s6 =	simm.s32 $0x18F60  }
0x76: {  	[spmem:s3] =	stream.indirect.scatter.add.f32 [tilespmem:s29], [sflag:$0x3], $0x80, s6, s30, $0xb8;
	[tilespmem:$0x1E000] =	vst v63  }
0x77: {  	_ =	swait.ge [sflag:s26], $0x2800  }
0x78: {  	[sflag:s26] =	ssyncset.done $0x0  }
0x79: {  	[sflag:s26] =	ssyncadd.s32 $0xFFFFD800  }
0x7a: {  	_ =	swait.ge [sflag:s1], $0x2800  }
0x7b: {  	[sflag:s1] =	ssyncset.done $0x0  }
0x7c: {  	s7 =	simm.s32 $0x18FB0;
	[sflag:s1] =	ssyncadd.s32 $0xFFFFD800  }
0x7d: {  	[spmem:s3] =	stream.indirect.scatter.add.f32 [tilespmem:s0], [sflag:$0x3], $0x80, s7, s30, $0xb8;
	[tilespmem:$0x1E000] =	vst v63  }
0x7e: {  	_ =	swait.ge [sflag:s26], $0x2800  }
0x7f: {  	[sflag:s26] =	ssyncset.done $0x0  }
0x80: {  	[sflag:s26] =	ssyncadd.s32 $0xFFFFD800  }
0x81: {  	[bflag:$0x0] =	sbarrier.arrive $0xFFFF  }
0x82: {  	[tilespmem:s29], [sflag:$0x3] =	stream.linear.gather [spmem:s8], $0x2800, $0x38;
	[tilespmem:$0x1E000] =	vst v63  }
0x83: {  	_ =	swait.ge [sflag:s26], $0x2800  }
0x84: {  	[sflag:s26] =	ssyncset.done $0x0  }
0x85: {  	[sflag:s26] =	ssyncadd.s32 $0xFFFFD800  }
0x86: {  	[hbm4b:s16+s4] =	stream.linear.scatter [tilespmem:s29], [sflag:$0x3], $0x2800, $0x38;
	[tilespmem:$0x1E000] =	vst v63  }
0x87: {  	_ =	swait.ge [sflag:s26], $0x2800  }
0x88: {  	[sflag:s26] =	ssyncset.done $0x0  }
0x89: {  	[sflag:s26] =	ssyncadd.s32 $0xFFFFD800  }
0x8a: {  	[tilespmem:s29], [sflag:$0x3] =	stream.linear.gather [spmem:s9], $0x2800, $0x38;
	[tilespmem:$0x1E000] =	vst v63  }
0x8b: {  	_ =	swait.ge [sflag:s26], $0x2800  }
0x8c: {  	[sflag:s26] =	ssyncset.done $0x0  }
0x8d: {  	[sflag:s26] =	ssyncadd.s32 $0xFFFFD800  }
0x8e: {  	[hbm4b:s17+s4] =	stream.linear.scatter [tilespmem:s29], [sflag:$0x3], $0x2800, $0x38;
	[tilespmem:$0x1E000] =	vst v63  }
0x8f: {  	_ =	swait.ge [sflag:s26], $0x2800  }
0x90: {  	[sflag:s26] =	ssyncset.done $0x0  }
0x91: {  	[sflag:s26] =	ssyncadd.s32 $0xFFFFD800  }
0x92: {  	[tilespmem:s29], [sflag:$0x3] =	stream.linear.gather [spmem:s10], $0x2800, $0x38;
	[tilespmem:$0x1E000] =	vst v63  }
0x93: {  	_ =	swait.ge [sflag:s26], $0x2800  }
0x94: {  	[sflag:s26] =	ssyncset.done $0x0  }
0x95: {  	[sflag:s26] =	ssyncadd.s32 $0xFFFFD800  }
0x96: {  	[hbm4b:s18+s4] =	stream.linear.scatter [tilespmem:s29], [sflag:$0x3], $0x2800, $0x38;
	[tilespmem:$0x1E000] =	vst v63  }
0x97: {  	_ =	swait.ge [sflag:s26], $0x2800  }
0x98: {  	[sflag:s26] =	ssyncset.done $0x0  }
0x99: {  	[sflag:s26] =	ssyncadd.s32 $0xFFFFD800  }
0x9a: {  	[tilespmem:s29], [sflag:$0x3] =	stream.linear.gather [spmem:s11], $0x2800, $0x38;
	[tilespmem:$0x1E000] =	vst v63  }
0x9b: {  	_ =	swait.ge [sflag:s26], $0x2800  }
0x9c: {  	[sflag:s26] =	ssyncset.done $0x0  }
0x9d: {  	[sflag:s26] =	ssyncadd.s32 $0xFFFFD800  }
0x9e: {  	[hbm4b:s19+s4] =	stream.linear.scatter [tilespmem:s29], [sflag:$0x3], $0x2800, $0x38;
	[tilespmem:$0x1E000] =	vst v63  }
0x9f: {  	_ =	swait.ge [sflag:s26], $0x2800  }
0xa0: {  	[sflag:s26] =	ssyncset.done $0x0  }
0xa1: {  	[sflag:s26] =	ssyncadd.s32 $0xFFFFD800  }
0xa2: {  	[tilespmem:s29], [sflag:$0x3] =	stream.linear.gather [spmem:s12], $0x2800, $0x38;
	[tilespmem:$0x1E000] =	vst v63  }
0xa3: {  	_ =	swait.ge [sflag:s26], $0x2800  }
0xa4: {  	[sflag:s26] =	ssyncset.done $0x0  }
0xa5: {  	[sflag:s26] =	ssyncadd.s32 $0xFFFFD800  }
0xa6: {  	[hbm4b:s20+s4] =	stream.linear.scatter [tilespmem:s29], [sflag:$0x3], $0x2800, $0x38;
	[tilespmem:$0x1E000] =	vst v63  }
0xa7: {  	_ =	swait.ge [sflag:s26], $0x2800  }
0xa8: {  	[sflag:s26] =	ssyncset.done $0x0  }
0xa9: {  	[sflag:s26] =	ssyncadd.s32 $0xFFFFD800  }
0xaa: {  	[tilespmem:s29], [sflag:$0x3] =	stream.linear.gather [spmem:s13], $0x2800, $0x38;
	[tilespmem:$0x1E000] =	vst v63  }
0xab: {  	_ =	swait.ge [sflag:s26], $0x2800  }
0xac: {  	[sflag:s26] =	ssyncset.done $0x0  }
0xad: {  	[sflag:s26] =	ssyncadd.s32 $0xFFFFD800  }
0xae: {  	[hbm4b:s21+s4] =	stream.linear.scatter [tilespmem:s29], [sflag:$0x3], $0x2800, $0x38;
	[tilespmem:$0x1E000] =	vst v63  }
0xaf: {  	_ =	swait.ge [sflag:s26], $0x2800  }
0xb0: {  	[sflag:s26] =	ssyncset.done $0x0  }
0xb1: {  	[sflag:s26] =	ssyncadd.s32 $0xFFFFD800  }
0xb2: {  	[tilespmem:s29], [sflag:$0x3] =	stream.linear.gather [spmem:s14], $0x2800, $0x38;
	[tilespmem:$0x1E000] =	vst v63  }
0xb3: {  	_ =	swait.ge [sflag:s26], $0x2800  }
0xb4: {  	[sflag:s26] =	ssyncset.done $0x0  }
0xb5: {  	[sflag:s26] =	ssyncadd.s32 $0xFFFFD800  }
0xb6: {  	[hbm4b:s22+s4] =	stream.linear.scatter [tilespmem:s29], [sflag:$0x3], $0x2800, $0x38;
	[tilespmem:$0x1E000] =	vst v63  }
0xb7: {  	_ =	swait.ge [sflag:s26], $0x2800  }
0xb8: {  	[sflag:s26] =	ssyncset.done $0x0  }
0xb9: {  	[sflag:s26] =	ssyncadd.s32 $0xFFFFD800  }
0xba: {  	[tilespmem:s29], [sflag:$0x3] =	stream.linear.gather [spmem:s15], $0x2800, $0x38;
	[tilespmem:$0x1E000] =	vst v63  }
0xbb: {  	s28 =	sadd.s32 $0x1, s28;
	_ =	swait.ge [sflag:s26], $0x2800  }
0xbc: {  	p0 =	sne.s32 s28, s24;
	[sflag:s26] =	ssyncset.done $0x0  }
.Ltmp1:
0xbd: {  	[sflag:s26] =	ssyncadd.s32 $0xFFFFD800;
	(pc) =	sbr.rel @p0 .LBB2_1-.Ltmp1, $4  }
0xbe: {  	[hbm4b:s23+s4] =	stream.linear.scatter [tilespmem:s29], [sflag:$0x3], $0x2800, $0x38;
	[tilespmem:$0x1E000] =	vst v63  }
0xbf: {  	_ =	swait.ge [sflag:s26], $0x2800  }
0xc0: {  	[sflag:s26] =	ssyncset.done $0x0  }
0xc1: {  	[sflag:s26] =	ssyncadd.s32 $0xFFFFD800  }
0xc2: {  	_ =	sfence.sel $0x180000  }
0xc3: {  	[bflag:$0x0] =	sbarrier.arrive $0xFFFF  }
0xc4: {  	_ =	strace $0x9000004A  }
0xc5: {  	s0 =	stileid.u32;
	[bflag:$0x2] =	sbarrier.arrive $0xFFFF  }
0xc6: {  	p0 =	sne.s32 s0, $0x0;
	s0 =	rddreg [dreg:$0x3]  }
0xc7: {  	s0 =	sadd.s32 @!p0 $0x100000, s0  }
0xc8: {  	[sflag:s0] =	ssyncadd.tile.s32 @!p0 $0x1;
	_ =	shalt  }
.Lfunc_end2:
_tile_overlayer_lowered:
.L_overlay_start_2:
0xc9: {  	(tag) =	ssettag $0x2  }
0xca: {  	s0 =	rddreg [dreg:$0x0];
	s2 =	stileid.u32  }
0xcb: {  	s1 =	rddreg [dreg:$0x1];
	p0 =	sne.s32 s2, $0x0  }
0xcc: {  	s3 =	rddreg [dreg:$0x2];
	[bflag:$0x3] =	sbarrier.arrive $0xFFFF;
	s2 =	simm.s32 @!p0 $0x1C03  }
0xcd: {  	[timem:s3], [sflag:s2] =	dma.local @!p0 [hbm:s0], s1  }
0xce: {  	s0 =	simm.s32 @!p0 $0x3  }
0xcf: {  	_ =	swait.ge @!p0 [sflag:s0], s1  }
0xd0: {  	s1 =	ssub.s32 @!p0 $0x0, s1;
	[sflag:s0] =	ssyncset.done @!p0 $0x0  }
0xd1: {  	[sflag:s0] =	ssyncadd.s32 @!p0 s1  }
0xd2: {  	[bflag:$0x3] =	sbarrier.arrive $0xFFFF  }
0xd3: {  	_ =	shalt  }

// kernel: sc_edge_agg.7.cloned.1.call-start
scs
__scs_entry_jumppad:
0x0: {  	(pc) =	sbr.rel $0x88, $3  }
0x1: {  	(tag) =	ssettag $0x0;
	lr =	simm.s32 $0x1  }
0x2: {  	[smem:$0x3F8C] =	sst lr;
	_ =	strace $0xD0000000  }
0x3: {  	_ = 	snop  }
0x4: {  	_ = 	snop  }
0x5: {  	_ = 	snop  }
0x6: {  	_ = 	snop  }
0x7: {  	_ = 	snop  }
__scs_overlays_trampoline_lowered:
0x8: {  	[smem:$0x3F9B] =	sst s0  }
0x9: {  	[smem:$0x3F9C] =	sst s1  }
0xa: {  	[smem:$0x3F9D] =	sst s2  }
0xb: {  	[smem:$0x3F9E] =	sst s3  }
0xc: {  	[smem:$0x3F9F] =	sst s4  }
0xd: {  	[smem:$0x3FA0] =	sst s5  }
0xe: {  	[smem:$0x3FA1] =	sst s6  }
0xf: {  	[smem:$0x3FA2] =	sst s7  }
0x10: {  	[smem:$0x3FA3] =	sst s8  }
0x11: {  	[smem:$0x3FA4] =	sst s9;
	s0 =	simm.s32 @!p0 $0x0  }
0x12: {  	s1 =	sld [smem:$0x3F8A];
	s0 =	simm.s32 @p0 $0x1  }
0x13: {  	[smem:$0x3FA5] =	sst s0;
	s0 =	simm.s32 @!p1 $0x0  }
0x14: {  	s2 =	sld [smem:$0x3F89];
	s0 =	simm.s32 @p1 $0x1  }
0x15: {  	[smem:$0x3FA6] =	sst s0;
	s0 =	simm.s32 @!p2 $0x0  }
0x16: {  	s3 =	sld [smem:$0x3FDB];
	s0 =	simm.s32 @p2 $0x1  }
0x17: {  	s4 =	simm.s32 $0x1BF5;
	[smem:$0x3FA8] =	sst s0  }
0x18: {  	s0 =	sld [smem:$0x3F8B];
	_ =	swait.ge [sflag:s4], $0x0  }
0x19: {  	s7 =	sld [smem:$0x3F8C]  }
0x1a: {  	s8 =	sadd.s32 $0xFFFFE003, lr  }
0x1b: {  	s9 =	sadd.s32 $0xFFFFFEF7, lr;
	s5 =	simm.s32 $0xFFFFFFFF;
	p2 =	slt.u32 s8, $0xFFFFF086  }
0x1c: {  	p1 =	slt.u32 s9, $0xF7A;
	s5 =	simm.s32 @!p2 $0x0  }
0x1d: {  	s5 =	simm.s32 @p1 $0x1;
	p0 =	seq.s32 s7, s2  }
0x1e: {  	s7 =	smul.u32 @!p0 $0xF7A, s2;
	p2 =	seq.s32 @!p0 s5, $0x0  }
0x1f: {  	s9 =	smul.u32 $0xF7A, s1;
	s8 =	simm.s32 @!p0 $0x1BF5;
	p2 =	por !p2, p0  }
0x20: {  	[sflag:s8] =	ssyncset.s32 @!p0 $0xFFFFF086;
	s6 =	sadd.s32 @!p0 s3, s7;
	s7 =	simm.s32 @!p0 $0x108  }
0x21: {  	s3 =	sadd.s32 s3, s9;
	s6 =	sadd.s32 @!p0 $0x88, s6;
	s7 =	simm.s32 @p2 $0x1082  }
0x22: {  	[simem:s7], [sflag:s8] =	dma.local @!p0 [hbm:s6], $0xF7A  }
0x23: {  	s9 =	sor.u32 $0xD0000000, s2;
	s6 =	simm.s32 $0x108;
	_ =	swait.ge @!p0 [sflag:s8], $0x0  }
0x24: {  	s3 =	sadd.s32 $0x88, s3;
	s6 =	simm.s32 @!p1 $0x1082;
	[sflag:s4] =	ssyncset.s32 $0xFFFFF086  }
0x25: {  	[simem:s6], [sflag:s4] =	dma.local [hbm:s3], $0xF7A  }
0x26: {  	[smem:$0x3F8C] =	sst s1;
	(tag) =	ssettag s2;
	_ =	strace s9  }
0x27: {  	s1 =	sld [smem:$0x3F9C]  }
0x28: {  	s2 =	sld [smem:$0x3F9D]  }
0x29: {  	s4 =	sld [smem:$0x3F9F]  }
0x2a: {  	p0 =	seq.s32 s5, $0x0;
	s5 =	sld [smem:$0x3FA0]  }
0x2b: {  	s6 =	sld [smem:$0x3FA1]  }
0x2c: {  	s7 =	sld [smem:$0x3FA2]  }
0x2d: {  	s3 =	simm.s32 $0x108;
	s8 =	sld [smem:$0x3FA3]  }
0x2e: {  	s3 =	simm.s32 @!p0 $0x1082;
	s9 =	sld [smem:$0x3FA4]  }
0x2f: {  	lr =	sadd.s32 s0, s3;
	s0 =	sld [smem:$0x3F9B]  }
0x30: {  	s3 =	sld [smem:$0x3F9E]  }
0x31: {  	[smem:$0x3FA7] =	sst s10  }
0x32: {  	s10 =	sld [smem:$0x3FA5];
	_ =	sdelay $0x3  }
0x33: {  	p0 =	seq.s32 s10, $0x1;
	s10 =	sld [smem:$0x3FA7];
	_ =	sdelay $0x3  }
0x34: {  	[smem:$0x3FA7] =	sst s10  }
0x35: {  	s10 =	sld [smem:$0x3FA6];
	_ =	sdelay $0x3  }
0x36: {  	p1 =	seq.s32 s10, $0x1;
	s10 =	sld [smem:$0x3FA7];
	_ =	sdelay $0x3  }
0x37: {  	[smem:$0x3FA7] =	sst s10  }
0x38: {  	s10 =	sld [smem:$0x3FA8]  }
0x39: {  	_ = 	snop;
	(pc) =	sbr.ind lr, $3  }
0x3a: {  	_ = 	snop  }
0x3b: {  	_ = 	snop  }
0x3c: {  	p2 =	seq.s32 s10, $0x1;
	s10 =	sld [smem:$0x3FA7]  }
0x3d: {  	_ =	shalt  }
0x3e: {  	_ =	shalt  }
0x3f: {  	_ =	shalt  }
0x40: {  	_ =	shalt  }
0x41: {  	_ =	shalt  }
0x42: {  	_ =	shalt  }
0x43: {  	_ =	shalt  }
0x44: {  	_ =	shalt  }
0x45: {  	_ =	shalt  }
0x46: {  	_ =	shalt  }
0x47: {  	_ =	shalt  }
0x48: {  	_ =	shalt  }
0x49: {  	_ =	shalt  }
0x4a: {  	_ =	shalt  }
0x4b: {  	_ =	shalt  }
0x4c: {  	_ =	shalt  }
0x4d: {  	_ =	shalt  }
0x4e: {  	_ =	shalt  }
0x4f: {  	_ =	shalt  }
0x50: {  	_ =	shalt  }
0x51: {  	_ =	shalt  }
0x52: {  	_ =	shalt  }
0x53: {  	_ =	shalt  }
0x54: {  	_ =	shalt  }
0x55: {  	_ =	shalt  }
0x56: {  	_ =	shalt  }
0x57: {  	_ =	shalt  }
0x58: {  	_ =	shalt  }
0x59: {  	_ =	shalt  }
0x5a: {  	_ =	shalt  }
0x5b: {  	_ =	shalt  }
0x5c: {  	_ =	shalt  }
0x5d: {  	_ =	shalt  }
0x5e: {  	_ =	shalt  }
0x5f: {  	_ =	shalt  }
0x60: {  	_ =	shalt  }
0x61: {  	_ =	shalt  }
0x62: {  	_ =	shalt  }
0x63: {  	_ =	shalt  }
0x64: {  	_ =	shalt  }
0x65: {  	_ =	shalt  }
0x66: {  	_ =	shalt  }
0x67: {  	_ =	shalt  }
0x68: {  	_ =	shalt  }
0x69: {  	_ =	shalt  }
0x6a: {  	_ =	shalt  }
0x6b: {  	_ =	shalt  }
0x6c: {  	_ =	shalt  }
0x6d: {  	_ =	shalt  }
0x6e: {  	_ =	shalt  }
0x6f: {  	_ =	shalt  }
0x70: {  	_ =	shalt  }
0x71: {  	_ =	shalt  }
0x72: {  	_ =	shalt  }
0x73: {  	_ =	shalt  }
0x74: {  	_ =	shalt  }
0x75: {  	_ =	shalt  }
0x76: {  	_ =	shalt  }
0x77: {  	_ =	shalt  }
0x78: {  	_ =	shalt  }
0x79: {  	_ =	shalt  }
0x7a: {  	_ =	shalt  }
0x7b: {  	_ =	shalt  }
0x7c: {  	_ =	shalt  }
0x7d: {  	_ =	shalt  }
0x7e: {  	_ =	shalt  }
0x7f: {  	_ =	shalt  }
0x80: {  	_ =	shalt  }
0x81: {  	_ =	shalt  }
0x82: {  	_ =	shalt  }
0x83: {  	_ =	shalt  }
0x84: {  	_ =	shalt  }
0x85: {  	_ =	shalt  }
0x86: {  	_ =	shalt  }
0x87: {  	_ =	shalt  }
.Lfunc_end0:
.L_simem_size_0:
called_computation.2_lowered:
.L_overlay_start_0:
0x88: {  	s2 =	sld [smem:$0x3FD9]  }
0x89: {  	s3 =	sld [smem:$0x3FFE];
	_ =	sdelay $0x1  }
0x8a: {  	s1 =	srdreg.scid  }
0x8b: {  	s0 =	sand.u32 $0x1, s1  }
0x8c: {  	s17 =	sshll.u32 s0, $0xA;
	s2 =	sadd.s32 s3, s2  }
0x8d: {  	s2 =	sadd.s32 s2, s17  }
0x8e: {  	[smem:$0x3FB3] =	sst s2  }
0x8f: {  	_ = 	snop  }
0x90: {  	s2 =	sld [smem:$0x3FD0];
	(tm) =	ssettm $0x1  }
0x91: {  	s18 =	sld [smem:$0x3FFB];
	_ =	sdelay $0x3  }
0x92: {  	_ =	strace s18  }
0x93: {  	s3 =	sld [smem:$0x3FFC];
	_ =	sdelay $0x3  }
0x94: {  	_ =	strace s3  }
0x95: {  	s3 =	sld [smem:$0x3FFD];
	_ =	sdelay $0x3  }
0x96: {  	_ =	strace s3  }
0x97: {  	_ =	strace $0x8FFFFFFF  }
0x98: {  	s19 =	sld [smem:$0x3FDB];
	_ =	sdelay $0x1  }
0x99: {  	s4 =	simm.s32 $_scs_section_size  }
0x9a: {  	s5 =	simm.s32 $_size__tile_overlayer_lowered;
	s6 =	simm.s32 $_tile_overlayer_lowered  }
0x9b: {  	s22 =	simm.s32 $0x1BFF;
	s21 =	sshll.u32 s6, $0x1;
	s3 =	sadd.s32 s4, s19  }
0x9c: {  	s7 =	simm.s32 $0x0;
	s20 =	sshll.u32 s5, $0x1;
	s5 =	sadd.s32 s21, s3  }
0x9d: {  	[timem:s7], [sflag:s22] =	dma.local [hbm:s5], s20  }
0x9e: {  	_ =	swait.ge [sflag:s22], s20  }
0x9f: {  	s4 =	ssub.s32 $0x0, s20;
	[sflag:s22] =	ssyncset.done $0x0  }
0xa0: {  	[sflag:s22] =	ssyncadd.s32 s4;
	_ =	sdelay $0x1  }
0xa1: {  	s23 =	simm.s32 $0x1B8B  }
0xa2: {  	_ =	swait.ge [sflag:s23], $0x1  }
0xa3: {  	[sflag:s23] =	ssyncset.done $0x0  }
0xa4: {  	s25 =	simm.s32 $0x1B8E;
	s24 =	sld [smem:$0x3FFE];
	[sflag:s23] =	ssyncadd.s32 $0xFFFFFFFF  }
0xa5: {  	s26 =	simm.s32 $execute0_lowered;
	[smem:$0x3FD2] =	sst s25  }
0xa6: {  	s5 =	sshll.u32 s26, $0x1;
	_ =	strace $0x8000004C;
	[dreg:$0x1] =	wrdreg $0xFFFFFFFF  }
0xa7: {  	s28 =	simm.s32 $_size_execute0_lowered;
	s3 =	sadd.s32 s3, s5;
	[dreg:$0x0] =	wrdreg $0x0  }
0xa8: {  	s5 =	sshll.u32 s28, $0x1;
	[dreg:$0x2] =	wrdreg s3  }
0xa9: {  	[dreg:$0x3] =	wrdreg s5  }
0xaa: {  	[dreg:$0x4] =	wrdreg $0xC0  }
0xab: {  	_ =	task [dreg:s7], $0x5FFFF  }
0xac: {  	[dreg:$0x1] =	wrdreg $0xFFFFFFFF  }
0xad: {  	[dreg:$0x0] =	wrdreg $0x60  }
0xae: {  	[dreg:$0x2] =	wrdreg s24  }
0xaf: {  	[dreg:$0x3] =	wrdreg s2  }
0xb0: {  	[dreg:$0x4] =	wrdreg $0x0  }
0xb1: {  	[dreg:$0x5] =	wrdreg $0x9  }
0xb2: {  	_ =	task.clear_ibuf [dreg:s7], $0x6FFFF;
	_ =	strace $0x9000004C  }
0xb3: {  	s29 =	simm.s32 $0x9;
	_ =	strace $0x8000004E  }
0xb4: {  	_ =	swait.ge [sflag:s29], $0x1  }
0xb5: {  	[sflag:s29] =	ssyncadd.s32 $0xFFFFFFFF  }
0xb6: {  	_ =	strace $0x9000004E  }
0xb7: {  	_ =	sfence  }
0xb8: {  	s30 =	sld [smem:$0x0];
	_ =	sdelay $0x2  }
0xb9: {  	s31 =	sshll.u32 s1, $0xD;
	s1 =	sshrl.u32 s1, $0x2  }
0xba: {  	s3 =	sand.u32 $0x4000, s31;
	s1 =	sadd.s32 s1, s30  }
0xbb: {  	s0 =	sor.u32 s3, s0;
	s1 =	sshll.u32 s1, $0x11  }
0xbc: {  	s0 =	sor.u32 s1, s0  }
0xbd: {  	s0 =	sadd.s32 $0x8F2B, s0  }
0xbe: {  	[sflag:s0] =	ssyncadd.remote.s32 $0x1  }
0xbf: {  	_ =	sfence.sel $0xFFFF  }
0xc0: {  	[dreg:$0x0] =	wrdreg $0xFFFFFFFF;
	(pc) =	sbr.abs _section_cstart, $3  }
0xc1: {  	[dreg:$0x1] =	wrdreg $0xFFFFFFFF  }
0xc2: {  	_ =	task.clear_ibuf [dreg:s7], $0x2FFFF;
	_ =	strace $0x9FFFFFFF  }
0xc3: {  	(tm) =	ssettm $0x7FFFFFFF  }
tec
execute0_lowered:
.L_overlay_start_1:
0x0: {  	(tag) =	ssettag $0x1  }
0x1: {  	s0 =	rddreg [dreg:$0x0];
	s1 =	srdreg.scid  }
0x2: {  	s3 =	rddreg [dreg:$0x2];
	s9 =	stileid.u32  }
0x3: {  	s4 =	simm.s32 $0x0;
	s30 =	simm.s32 $0x50;
	s31 =	simm.s32 $0x1  }
0x4: {  	s1 =	sand.u32 $0x1, s1;
	[smem:$0x7FF] =	sst s4;
	s7 =	smul.u32 $0x50000, s9  }
0x5: {  	s5 =	sadd.s32 $0x17C00, s0;
	s15 =	smul.u32 $0x14000, s9;
	s2 =	sshll.u32 s1, $0x4  }
0x6: {  	_ =	strace $0x8000004D;
	s6 =	ssub.s32 $0x2, s1;
	s1 =	smul.u32 $0x140000, s1  }
0x7: {  	s2 =	sor.u32 s9, s2;
	s8 =	sshrl.u32 s6, $0x1;
	s16 =	sadd.s32 $0x5000, s15  }
0x8: {  	s17 =	sadd.s32 $0x7800, s15;
	s18 =	sadd.s32 $0xA000, s15;
	s19 =	sadd.s32 $0xC800, s15  }
0x9: {  	s20 =	sadd.s32 $0xF000, s15;
	s21 =	sadd.s32 $0x11800, s15;
	s2 =	smul.u32 $0x500, s2  }
0xa: {  	s24 =	ssub.s32 s6, s8;
	s6 =	sshrl.u32 s7, $0x2;
	s7 =	sor.u32 $0x2800, s15  }
0xb: {  	s10 =	sadd.s32 s16, s3;
	s11 =	sadd.s32 s17, s3;
	s12 =	sadd.s32 s18, s3  }
0xc: {  	s13 =	sadd.s32 s19, s3;
	s14 =	sadd.s32 s20, s3;
	s22 =	sadd.s32 s15, s1  }
0xd: {  	s23 =	sadd.s32 s1, s16;
	s25 =	sadd.s32 s1, s17;
	s28 =	sadd.s32 s1, s19  }
0xe: {  	s29 =	sadd.s32 s1, s20;
	s15 =	sadd.s32 s21, s3;
	s8 =	sadd.s32 s6, s3  }
0xf: {  	s9 =	sadd.s32 s7, s3;
	s20 =	sshrl.u32 s22, $0x3;
	s22 =	sshrl.u32 s25, $0x3  }
0x10: {  	s25 =	sshrl.u32 s28, $0x3;
	s24 =	smax.u32 s24, $0x1;
	s2 =	sadd.s32 s2, s0  }
0x11: {  	s28 =	simm.s32 $0x0;
	s0 =	sadd.s32 $0x3EE00, s0;
	s26 =	sadd.s32 $0x3C00, s2  }
0x12: {  	s2 =	sadd.s32 $0xDC00, s2;
	s16 =	sadd.s32 s0, s20;
	[dreg:$0x4] =	wrdreg s26  }
0x13: {  	s19 =	sadd.s32 s0, s22;
	[dreg:$0x5] =	wrdreg s2;
	s2 =	sadd.s32 s1, s7  }
0x14: {  	s26 =	sadd.s32 s1, s18;
	s1 =	sadd.s32 s1, s21;
	s21 =	sshrl.u32 s23, $0x3  }
0x15: {  	s2 =	sshrl.u32 s2, $0x3;
	s18 =	sadd.s32 s0, s21;
	s23 =	sshrl.u32 s26, $0x3  }
0x16: {  	s21 =	sadd.s32 s0, s25;
	s26 =	sshrl.u32 s29, $0x3;
	s1 =	sshrl.u32 s1, $0x3  }
0x17: {  	s25 =	simm.s32 $0x14000;
	s29 =	simm.s32 $0x19000;
	s17 =	sadd.s32 s0, s2  }
0x18: {  	s20 =	sadd.s32 s0, s23;
	s22 =	sadd.s32 s0, s26;
	s23 =	sadd.s32 s0, s1  }
0x19: {  	s26 =	simm.s32 $0x3;
	s0 =	simm.s32 $0x1B800;
	s1 =	simm.s32 $0x2  }
.LBB2_1:
0x1a: {  	s2 =	rddreg [dreg:$0x4]  }
0x1b: {  	[tilespmem:s25], [sflag:$0x3] =	stream.linear.gather [hbm4b:s2+s4], $0x2800, $0x38;
	[tilespmem:$0x1E000] =	vst v63  }
0x1c: {  	_ =	swait.ge [sflag:s26], $0x2800  }
0x1d: {  	[sflag:s26] =	ssyncset.done $0x0  }
0x1e: {  	s6 =	simm.s32 $0x16800;
	s7 =	rddreg [dreg:$0x5];
	[sflag:s26] =	ssyncadd.s32 $0xFFFFD800  }
0x1f: {  	[tilespmem:s6], [sflag:$0x3] =	stream.linear.gather [hbm4b:s7+s4], $0x2800, $0x38;
	[tilespmem:$0x1E000] =	vst v63  }
0x20: {  	_ =	swait.ge [sflag:s26], $0x2800  }
0x21: {  	[sflag:s26] =	ssyncset.done $0x0  }
0x22: {  	[sflag:s26] =	ssyncadd.s32 $0xFFFFD800  }
0x23: {  	s7 =	rddreg [dreg:$0x1]  }
0x24: {  	[tilespmem:s29], [sflag:$0x3] =	stream.linear.gather [hbm4b:s7+s4], $0x2800, $0x38;
	[tilespmem:$0x1E000] =	vst v63  }
0x25: {  	_ =	swait.ge [sflag:s26], $0x2800  }
0x26: {  	[sflag:s26] =	ssyncset.done $0x0  }
0x27: {  	[sflag:s26] =	ssyncadd.s32 $0xFFFFD800  }
0x28: {  	[spmem:s8] =	stream.linear.scatter [tilespmem:s29], [sflag:$0x3], $0x2800, $0x38;
	[tilespmem:$0x1E000] =	vst v63  }
0x29: {  	_ =	swait.ge [sflag:s26], $0x2800  }
0x2a: {  	[sflag:s26] =	ssyncset.done $0x0  }
0x2b: {  	[sflag:s26] =	ssyncadd.s32 $0xFFFFD800  }
0x2c: {  	[spmem:s9] =	stream.linear.scatter [tilespmem:s29], [sflag:$0x3], $0x2800, $0x38;
	[tilespmem:$0x1E000] =	vst v63  }
0x2d: {  	_ =	swait.ge [sflag:s26], $0x2800  }
0x2e: {  	[sflag:s26] =	ssyncset.done $0x0  }
0x2f: {  	[sflag:s26] =	ssyncadd.s32 $0xFFFFD800  }
0x30: {  	[spmem:s10] =	stream.linear.scatter [tilespmem:s29], [sflag:$0x3], $0x2800, $0x38;
	[tilespmem:$0x1E000] =	vst v63  }
0x31: {  	_ =	swait.ge [sflag:s26], $0x2800  }
0x32: {  	[sflag:s26] =	ssyncset.done $0x0  }
0x33: {  	[sflag:s26] =	ssyncadd.s32 $0xFFFFD800  }
0x34: {  	[spmem:s11] =	stream.linear.scatter [tilespmem:s29], [sflag:$0x3], $0x2800, $0x38;
	[tilespmem:$0x1E000] =	vst v63  }
0x35: {  	_ =	swait.ge [sflag:s26], $0x2800  }
0x36: {  	[sflag:s26] =	ssyncset.done $0x0  }
0x37: {  	[sflag:s26] =	ssyncadd.s32 $0xFFFFD800  }
0x38: {  	[spmem:s12] =	stream.linear.scatter [tilespmem:s29], [sflag:$0x3], $0x2800, $0x38;
	[tilespmem:$0x1E000] =	vst v63  }
0x39: {  	_ =	swait.ge [sflag:s26], $0x2800  }
0x3a: {  	[sflag:s26] =	ssyncset.done $0x0  }
0x3b: {  	[sflag:s26] =	ssyncadd.s32 $0xFFFFD800  }
0x3c: {  	[spmem:s13] =	stream.linear.scatter [tilespmem:s29], [sflag:$0x3], $0x2800, $0x38;
	[tilespmem:$0x1E000] =	vst v63  }
0x3d: {  	_ =	swait.ge [sflag:s26], $0x2800  }
0x3e: {  	[sflag:s26] =	ssyncset.done $0x0  }
0x3f: {  	[sflag:s26] =	ssyncadd.s32 $0xFFFFD800  }
0x40: {  	[spmem:s14] =	stream.linear.scatter [tilespmem:s29], [sflag:$0x3], $0x2800, $0x38;
	[tilespmem:$0x1E000] =	vst v63  }
0x41: {  	_ =	swait.ge [sflag:s26], $0x2800  }
0x42: {  	[sflag:s26] =	ssyncset.done $0x0  }
0x43: {  	[sflag:s26] =	ssyncadd.s32 $0xFFFFD800  }
0x44: {  	[spmem:s15] =	stream.linear.scatter [tilespmem:s29], [sflag:$0x3], $0x2800, $0x38;
	[tilespmem:$0x1E000] =	vst v63  }
0x45: {  	_ =	swait.ge [sflag:s26], $0x2800  }
0x46: {  	[sflag:s26] =	ssyncset.done $0x0  }
0x47: {  	[sflag:s26] =	ssyncadd.s32 $0xFFFFD800  }
0x48: {  	[bflag:$0x0] =	sbarrier.arrive $0xFFFF  }
0x49: {  	[tilespmem:s29], [sflag:$0x1] =	stream.indirect.gather [hbm4b:s5+s30], $0x80, s25, s30, $0xb8;
	[tilespmem:$0x1E000] =	vst v63  }
0x4a: {  	_ =	swait.ge [sflag:s31], $0x2800  }
0x4b: {  	[sflag:s31] =	ssyncset.done $0x0  }
0x4c: {  	s6 =	simm.s32 $0x14050;
	[sflag:s31] =	ssyncadd.s32 $0xFFFFD800  }
0x4d: {  	[tilespmem:s0], [sflag:$0x2] =	stream.indirect.gather [hbm4b:s5+s30], $0x80, s6, s30, $0xb8;
	[tilespmem:$0x1E000] =	vst v63  }
0x4e: {  	s7 =	simm.s32 $0x16800  }
0x4f: {  	[spmem:s3] =	stream.indirect.scatter.add.f32 [tilespmem:s29], [sflag:$0x3], $0x80, s7, s30, $0xb8;
	[tilespmem:$0x1E000] =	vst v63  }
0x50: {  	_ =	swait.ge [sflag:s26], $0x2800  }
0x51: {  	[sflag:s26] =	ssyncset.done $0x0  }
0x52: {  	[sflag:s26] =	ssyncadd.s32 $0xFFFFD800  }
0x53: {  	_ =	swait.ge [sflag:s1], $0x2800  }
0x54: {  	[sflag:s1] =	ssyncset.done $0x0  }
0x55: {  	s6 =	simm.s32 $0x140A0;
	[sflag:s1] =	ssyncadd.s32 $0xFFFFD800  }
0x56: {  	[tilespmem:s29], [sflag:$0x1] =	stream.indirect.gather [hbm4b:s5+s30], $0x80, s6, s30, $0xb8;
	[tilespmem:$0x1E000] =	vst v63  }
0x57: {  	s7 =	simm.s32 $0x16850  }
0x58: {  	[spmem:s3] =	stream.indirect.scatter.add.f32 [tilespmem:s0], [sflag:$0x3], $0x80, s7, s30, $0xb8;
	[tilespmem:$0x1E000] =	vst v63  }
0x59: {  	_ =	swait.ge [sflag:s26], $0x2800  }
0x5a: {  	s2 =	simm.s32 $0x280;
	[sflag:s26] =	ssyncset.done $0x0  }
.LBB2_2:
0x5b: {  	p0 =	sne.s32 s2, $0x9B00  }
0x5c: {  	[sflag:s26] =	ssyncadd.s32 $0xFFFFD800;
	s6 =	smov.u32 s2;
	s2 =	sadd.s32 $0x280, s2  }
0x5d: {  	_ = 	snop  }
0x5e: {  	_ =	swait.ge [sflag:s31], $0x2800  }
0x5f: {  	s6 =	sshra.s32 s6, $0x2;
	[sflag:s31] =	ssyncset.done $0x0  }
0x60: {  	s7 =	sadd.s32 $0x14050, s6;
	[sflag:s31] =	ssyncadd.s32 $0xFFFFD800  }
0x61: {  	[tilespmem:s0], [sflag:$0x2] =	stream.indirect.gather [hbm4b:s5+s30], $0x80, s7, s30, $0xb8;
	[tilespmem:$0x1E000] =	vst v63  }
0x62: {  	s7 =	sadd.s32 $0x16800, s6  }
0x63: {  	[spmem:s3] =	stream.indirect.scatter.add.f32 [tilespmem:s29], [sflag:$0x3], $0x80, s7, s30, $0xb8;
	[tilespmem:$0x1E000] =	vst v63  }
0x64: {  	_ =	swait.ge [sflag:s26], $0x2800  }
0x65: {  	[sflag:s26] =	ssyncset.done $0x0  }
0x66: {  	[sflag:s26] =	ssyncadd.s32 $0xFFFFD800  }
0x67: {  	_ =	swait.ge [sflag:s1], $0x2800  }
0x68: {  	[sflag:s1] =	ssyncset.done $0x0  }
0x69: {  	s7 =	sadd.s32 $0x140A0, s6;
	[sflag:s1] =	ssyncadd.s32 $0xFFFFD800  }
0x6a: {  	[tilespmem:s29], [sflag:$0x1] =	stream.indirect.gather [hbm4b:s5+s30], $0x80, s7, s30, $0xb8;
	[tilespmem:$0x1E000] =	vst v63  }
.Ltmp0:
0x6b: {  	_ = 	snop;
	(pc) =	sbr.rel @p0 .LBB2_2-.Ltmp0, $4  }
0x6c: {  	s6 =	sadd.s32 $0x16850, s6  }
0x6d: {  	[spmem:s3] =	stream.indirect.scatter.add.f32 [tilespmem:s0], [sflag:$0x3], $0x80, s6, s30, $0xb8;
	[tilespmem:$0x1E000] =	vst v63  }
0x6e: {  	_ =	swait.ge [sflag:s26], $0x2800  }
0x6f: {  	[sflag:s26] =	ssyncset.done $0x0  }
0x70: {  	[sflag:s26] =	ssyncadd.s32 $0xFFFFD800  }
0x71: {  	_ =	swait.ge [sflag:s31], $0x2800  }
0x72: {  	[sflag:s31] =	ssyncset.done $0x0  }
0x73: {  	s2 =	simm.s32 $0x167B0;
	[sflag:s31] =	ssyncadd.s32 $0xFFFFD800  }
0x74: {  	[tilespmem:s0], [sflag:$0x2] =	stream.indirect.gather [hbm4b:s5+s30], $0x80, s2, s30, $0xb8;
	[tilespmem:$0x1E000] =	vst v63  }
0x75: {  	s6 =	simm.s32 $0x18F60  }
0x76: {  	[spmem:s3] =	stream.indirect.scatter.add.f32 [tilespmem:s29], [sflag:$0x3], $0x80, s6, s30, $0xb8;
	[tilespmem:$0x1E000] =	vst v63  }
0x77: {  	_ =	swait.ge [sflag:s26], $0x2800  }
0x78: {  	[sflag:s26] =	ssyncset.done $0x0  }
0x79: {  	[sflag:s26] =	ssyncadd.s32 $0xFFFFD800  }
0x7a: {  	_ =	swait.ge [sflag:s1], $0x2800  }
0x7b: {  	[sflag:s1] =	ssyncset.done $0x0  }
0x7c: {  	s7 =	simm.s32 $0x18FB0;
	[sflag:s1] =	ssyncadd.s32 $0xFFFFD800  }
0x7d: {  	[spmem:s3] =	stream.indirect.scatter.add.f32 [tilespmem:s0], [sflag:$0x3], $0x80, s7, s30, $0xb8;
	[tilespmem:$0x1E000] =	vst v63  }
0x7e: {  	_ =	swait.ge [sflag:s26], $0x2800  }
0x7f: {  	[sflag:s26] =	ssyncset.done $0x0  }
0x80: {  	[sflag:s26] =	ssyncadd.s32 $0xFFFFD800  }
0x81: {  	[bflag:$0x0] =	sbarrier.arrive $0xFFFF  }
0x82: {  	[tilespmem:s29], [sflag:$0x3] =	stream.linear.gather [spmem:s8], $0x2800, $0x38;
	[tilespmem:$0x1E000] =	vst v63  }
0x83: {  	_ =	swait.ge [sflag:s26], $0x2800  }
0x84: {  	[sflag:s26] =	ssyncset.done $0x0  }
0x85: {  	[sflag:s26] =	ssyncadd.s32 $0xFFFFD800  }
0x86: {  	[hbm4b:s16+s4] =	stream.linear.scatter [tilespmem:s29], [sflag:$0x3], $0x2800, $0x38;
	[tilespmem:$0x1E000] =	vst v63  }
0x87: {  	_ =	swait.ge [sflag:s26], $0x2800  }
0x88: {  	[sflag:s26] =	ssyncset.done $0x0  }
0x89: {  	[sflag:s26] =	ssyncadd.s32 $0xFFFFD800  }
0x8a: {  	[tilespmem:s29], [sflag:$0x3] =	stream.linear.gather [spmem:s9], $0x2800, $0x38;
	[tilespmem:$0x1E000] =	vst v63  }
0x8b: {  	_ =	swait.ge [sflag:s26], $0x2800  }
0x8c: {  	[sflag:s26] =	ssyncset.done $0x0  }
0x8d: {  	[sflag:s26] =	ssyncadd.s32 $0xFFFFD800  }
0x8e: {  	[hbm4b:s17+s4] =	stream.linear.scatter [tilespmem:s29], [sflag:$0x3], $0x2800, $0x38;
	[tilespmem:$0x1E000] =	vst v63  }
0x8f: {  	_ =	swait.ge [sflag:s26], $0x2800  }
0x90: {  	[sflag:s26] =	ssyncset.done $0x0  }
0x91: {  	[sflag:s26] =	ssyncadd.s32 $0xFFFFD800  }
0x92: {  	[tilespmem:s29], [sflag:$0x3] =	stream.linear.gather [spmem:s10], $0x2800, $0x38;
	[tilespmem:$0x1E000] =	vst v63  }
0x93: {  	_ =	swait.ge [sflag:s26], $0x2800  }
0x94: {  	[sflag:s26] =	ssyncset.done $0x0  }
0x95: {  	[sflag:s26] =	ssyncadd.s32 $0xFFFFD800  }
0x96: {  	[hbm4b:s18+s4] =	stream.linear.scatter [tilespmem:s29], [sflag:$0x3], $0x2800, $0x38;
	[tilespmem:$0x1E000] =	vst v63  }
0x97: {  	_ =	swait.ge [sflag:s26], $0x2800  }
0x98: {  	[sflag:s26] =	ssyncset.done $0x0  }
0x99: {  	[sflag:s26] =	ssyncadd.s32 $0xFFFFD800  }
0x9a: {  	[tilespmem:s29], [sflag:$0x3] =	stream.linear.gather [spmem:s11], $0x2800, $0x38;
	[tilespmem:$0x1E000] =	vst v63  }
0x9b: {  	_ =	swait.ge [sflag:s26], $0x2800  }
0x9c: {  	[sflag:s26] =	ssyncset.done $0x0  }
0x9d: {  	[sflag:s26] =	ssyncadd.s32 $0xFFFFD800  }
0x9e: {  	[hbm4b:s19+s4] =	stream.linear.scatter [tilespmem:s29], [sflag:$0x3], $0x2800, $0x38;
	[tilespmem:$0x1E000] =	vst v63  }
0x9f: {  	_ =	swait.ge [sflag:s26], $0x2800  }
0xa0: {  	[sflag:s26] =	ssyncset.done $0x0  }
0xa1: {  	[sflag:s26] =	ssyncadd.s32 $0xFFFFD800  }
0xa2: {  	[tilespmem:s29], [sflag:$0x3] =	stream.linear.gather [spmem:s12], $0x2800, $0x38;
	[tilespmem:$0x1E000] =	vst v63  }
0xa3: {  	_ =	swait.ge [sflag:s26], $0x2800  }
0xa4: {  	[sflag:s26] =	ssyncset.done $0x0  }
0xa5: {  	[sflag:s26] =	ssyncadd.s32 $0xFFFFD800  }
0xa6: {  	[hbm4b:s20+s4] =	stream.linear.scatter [tilespmem:s29], [sflag:$0x3], $0x2800, $0x38;
	[tilespmem:$0x1E000] =	vst v63  }
0xa7: {  	_ =	swait.ge [sflag:s26], $0x2800  }
0xa8: {  	[sflag:s26] =	ssyncset.done $0x0  }
0xa9: {  	[sflag:s26] =	ssyncadd.s32 $0xFFFFD800  }
0xaa: {  	[tilespmem:s29], [sflag:$0x3] =	stream.linear.gather [spmem:s13], $0x2800, $0x38;
	[tilespmem:$0x1E000] =	vst v63  }
0xab: {  	_ =	swait.ge [sflag:s26], $0x2800  }
0xac: {  	[sflag:s26] =	ssyncset.done $0x0  }
0xad: {  	[sflag:s26] =	ssyncadd.s32 $0xFFFFD800  }
0xae: {  	[hbm4b:s21+s4] =	stream.linear.scatter [tilespmem:s29], [sflag:$0x3], $0x2800, $0x38;
	[tilespmem:$0x1E000] =	vst v63  }
0xaf: {  	_ =	swait.ge [sflag:s26], $0x2800  }
0xb0: {  	[sflag:s26] =	ssyncset.done $0x0  }
0xb1: {  	[sflag:s26] =	ssyncadd.s32 $0xFFFFD800  }
0xb2: {  	[tilespmem:s29], [sflag:$0x3] =	stream.linear.gather [spmem:s14], $0x2800, $0x38;
	[tilespmem:$0x1E000] =	vst v63  }
0xb3: {  	_ =	swait.ge [sflag:s26], $0x2800  }
0xb4: {  	[sflag:s26] =	ssyncset.done $0x0  }
0xb5: {  	[sflag:s26] =	ssyncadd.s32 $0xFFFFD800  }
0xb6: {  	[hbm4b:s22+s4] =	stream.linear.scatter [tilespmem:s29], [sflag:$0x3], $0x2800, $0x38;
	[tilespmem:$0x1E000] =	vst v63  }
0xb7: {  	_ =	swait.ge [sflag:s26], $0x2800  }
0xb8: {  	[sflag:s26] =	ssyncset.done $0x0  }
0xb9: {  	[sflag:s26] =	ssyncadd.s32 $0xFFFFD800  }
0xba: {  	[tilespmem:s29], [sflag:$0x3] =	stream.linear.gather [spmem:s15], $0x2800, $0x38;
	[tilespmem:$0x1E000] =	vst v63  }
0xbb: {  	s28 =	sadd.s32 $0x1, s28;
	_ =	swait.ge [sflag:s26], $0x2800  }
0xbc: {  	p0 =	sne.s32 s28, s24;
	[sflag:s26] =	ssyncset.done $0x0  }
.Ltmp1:
0xbd: {  	[sflag:s26] =	ssyncadd.s32 $0xFFFFD800;
	(pc) =	sbr.rel @p0 .LBB2_1-.Ltmp1, $4  }
0xbe: {  	[hbm4b:s23+s4] =	stream.linear.scatter [tilespmem:s29], [sflag:$0x3], $0x2800, $0x38;
	[tilespmem:$0x1E000] =	vst v63  }
0xbf: {  	_ =	swait.ge [sflag:s26], $0x2800  }
0xc0: {  	[sflag:s26] =	ssyncset.done $0x0  }
0xc1: {  	[sflag:s26] =	ssyncadd.s32 $0xFFFFD800  }
0xc2: {  	_ =	sfence.sel $0x180000  }
0xc3: {  	[bflag:$0x0] =	sbarrier.arrive $0xFFFF  }
0xc4: {  	_ =	strace $0x9000004D  }
0xc5: {  	s0 =	stileid.u32;
	[bflag:$0x2] =	sbarrier.arrive $0xFFFF  }
0xc6: {  	p0 =	sne.s32 s0, $0x0;
	s0 =	rddreg [dreg:$0x3]  }
0xc7: {  	s0 =	sadd.s32 @!p0 $0x100000, s0  }
0xc8: {  	[sflag:s0] =	ssyncadd.tile.s32 @!p0 $0x1;
	_ =	shalt  }
.Lfunc_end2:
_tile_overlayer_lowered:
.L_overlay_start_2:
0xc9: {  	(tag) =	ssettag $0x2  }
0xca: {  	s0 =	rddreg [dreg:$0x0];
	s2 =	stileid.u32  }
0xcb: {  	s1 =	rddreg [dreg:$0x1];
	p0 =	sne.s32 s2, $0x0  }
0xcc: {  	s3 =	rddreg [dreg:$0x2];
	[bflag:$0x3] =	sbarrier.arrive $0xFFFF;
	s2 =	simm.s32 @!p0 $0x1C03  }
0xcd: {  	[timem:s3], [sflag:s2] =	dma.local @!p0 [hbm:s0], s1  }
0xce: {  	s0 =	simm.s32 @!p0 $0x3  }
0xcf: {  	_ =	swait.ge @!p0 [sflag:s0], s1  }
0xd0: {  	s1 =	ssub.s32 @!p0 $0x0, s1;
	[sflag:s0] =	ssyncset.done @!p0 $0x0  }
0xd1: {  	[sflag:s0] =	ssyncadd.s32 @!p0 s1  }
0xd2: {  	[bflag:$0x3] =	sbarrier.arrive $0xFFFF  }
0xd3: {  	_ =	shalt  }

// kernel: sc_edge_agg_cnt.3.cloned.1.call-start
scs
__scs_entry_jumppad:
0x0: {  	(pc) =	sbr.rel $0x88, $3  }
0x1: {  	(tag) =	ssettag $0x0;
	lr =	simm.s32 $0x1  }
0x2: {  	[smem:$0x3F8C] =	sst lr;
	_ =	strace $0xD0000000  }
0x3: {  	_ = 	snop  }
0x4: {  	_ = 	snop  }
0x5: {  	_ = 	snop  }
0x6: {  	_ = 	snop  }
0x7: {  	_ = 	snop  }
__scs_overlays_trampoline_lowered:
0x8: {  	[smem:$0x3F9B] =	sst s0  }
0x9: {  	[smem:$0x3F9C] =	sst s1  }
0xa: {  	[smem:$0x3F9D] =	sst s2  }
0xb: {  	[smem:$0x3F9E] =	sst s3  }
0xc: {  	[smem:$0x3F9F] =	sst s4  }
0xd: {  	[smem:$0x3FA0] =	sst s5  }
0xe: {  	[smem:$0x3FA1] =	sst s6  }
0xf: {  	[smem:$0x3FA2] =	sst s7  }
0x10: {  	[smem:$0x3FA3] =	sst s8  }
0x11: {  	[smem:$0x3FA4] =	sst s9;
	s0 =	simm.s32 @!p0 $0x0  }
0x12: {  	s1 =	sld [smem:$0x3F8A];
	s0 =	simm.s32 @p0 $0x1  }
0x13: {  	[smem:$0x3FA5] =	sst s0;
	s0 =	simm.s32 @!p1 $0x0  }
0x14: {  	s2 =	sld [smem:$0x3F89];
	s0 =	simm.s32 @p1 $0x1  }
0x15: {  	[smem:$0x3FA6] =	sst s0;
	s0 =	simm.s32 @!p2 $0x0  }
0x16: {  	s3 =	sld [smem:$0x3FDB];
	s0 =	simm.s32 @p2 $0x1  }
0x17: {  	s4 =	simm.s32 $0x1BF5;
	[smem:$0x3FA8] =	sst s0  }
0x18: {  	s0 =	sld [smem:$0x3F8B];
	_ =	swait.ge [sflag:s4], $0x0  }
0x19: {  	s7 =	sld [smem:$0x3F8C]  }
0x1a: {  	s8 =	sadd.s32 $0xFFFFE003, lr  }
0x1b: {  	s9 =	sadd.s32 $0xFFFFFEF7, lr;
	s5 =	simm.s32 $0xFFFFFFFF;
	p2 =	slt.u32 s8, $0xFFFFF086  }
0x1c: {  	p1 =	slt.u32 s9, $0xF7A;
	s5 =	simm.s32 @!p2 $0x0  }
0x1d: {  	s5 =	simm.s32 @p1 $0x1;
	p0 =	seq.s32 s7, s2  }
0x1e: {  	s7 =	smul.u32 @!p0 $0xF7A, s2;
	p2 =	seq.s32 @!p0 s5, $0x0  }
0x1f: {  	s9 =	smul.u32 $0xF7A, s1;
	s8 =	simm.s32 @!p0 $0x1BF5;
	p2 =	por !p2, p0  }
0x20: {  	[sflag:s8] =	ssyncset.s32 @!p0 $0xFFFFF086;
	s6 =	sadd.s32 @!p0 s3, s7;
	s7 =	simm.s32 @!p0 $0x108  }
0x21: {  	s3 =	sadd.s32 s3, s9;
	s6 =	sadd.s32 @!p0 $0x88, s6;
	s7 =	simm.s32 @p2 $0x1082  }
0x22: {  	[simem:s7], [sflag:s8] =	dma.local @!p0 [hbm:s6], $0xF7A  }
0x23: {  	s9 =	sor.u32 $0xD0000000, s2;
	s6 =	simm.s32 $0x108;
	_ =	swait.ge @!p0 [sflag:s8], $0x0  }
0x24: {  	s3 =	sadd.s32 $0x88, s3;
	s6 =	simm.s32 @!p1 $0x1082;
	[sflag:s4] =	ssyncset.s32 $0xFFFFF086  }
0x25: {  	[simem:s6], [sflag:s4] =	dma.local [hbm:s3], $0xF7A  }
0x26: {  	[smem:$0x3F8C] =	sst s1;
	(tag) =	ssettag s2;
	_ =	strace s9  }
0x27: {  	s1 =	sld [smem:$0x3F9C]  }
0x28: {  	s2 =	sld [smem:$0x3F9D]  }
0x29: {  	s4 =	sld [smem:$0x3F9F]  }
0x2a: {  	p0 =	seq.s32 s5, $0x0;
	s5 =	sld [smem:$0x3FA0]  }
0x2b: {  	s6 =	sld [smem:$0x3FA1]  }
0x2c: {  	s7 =	sld [smem:$0x3FA2]  }
0x2d: {  	s3 =	simm.s32 $0x108;
	s8 =	sld [smem:$0x3FA3]  }
0x2e: {  	s3 =	simm.s32 @!p0 $0x1082;
	s9 =	sld [smem:$0x3FA4]  }
0x2f: {  	lr =	sadd.s32 s0, s3;
	s0 =	sld [smem:$0x3F9B]  }
0x30: {  	s3 =	sld [smem:$0x3F9E]  }
0x31: {  	[smem:$0x3FA7] =	sst s10  }
0x32: {  	s10 =	sld [smem:$0x3FA5];
	_ =	sdelay $0x3  }
0x33: {  	p0 =	seq.s32 s10, $0x1;
	s10 =	sld [smem:$0x3FA7];
	_ =	sdelay $0x3  }
0x34: {  	[smem:$0x3FA7] =	sst s10  }
0x35: {  	s10 =	sld [smem:$0x3FA6];
	_ =	sdelay $0x3  }
0x36: {  	p1 =	seq.s32 s10, $0x1;
	s10 =	sld [smem:$0x3FA7];
	_ =	sdelay $0x3  }
0x37: {  	[smem:$0x3FA7] =	sst s10  }
0x38: {  	s10 =	sld [smem:$0x3FA8]  }
0x39: {  	_ = 	snop;
	(pc) =	sbr.ind lr, $3  }
0x3a: {  	_ = 	snop  }
0x3b: {  	_ = 	snop  }
0x3c: {  	p2 =	seq.s32 s10, $0x1;
	s10 =	sld [smem:$0x3FA7]  }
0x3d: {  	_ =	shalt  }
0x3e: {  	_ =	shalt  }
0x3f: {  	_ =	shalt  }
0x40: {  	_ =	shalt  }
0x41: {  	_ =	shalt  }
0x42: {  	_ =	shalt  }
0x43: {  	_ =	shalt  }
0x44: {  	_ =	shalt  }
0x45: {  	_ =	shalt  }
0x46: {  	_ =	shalt  }
0x47: {  	_ =	shalt  }
0x48: {  	_ =	shalt  }
0x49: {  	_ =	shalt  }
0x4a: {  	_ =	shalt  }
0x4b: {  	_ =	shalt  }
0x4c: {  	_ =	shalt  }
0x4d: {  	_ =	shalt  }
0x4e: {  	_ =	shalt  }
0x4f: {  	_ =	shalt  }
0x50: {  	_ =	shalt  }
0x51: {  	_ =	shalt  }
0x52: {  	_ =	shalt  }
0x53: {  	_ =	shalt  }
0x54: {  	_ =	shalt  }
0x55: {  	_ =	shalt  }
0x56: {  	_ =	shalt  }
0x57: {  	_ =	shalt  }
0x58: {  	_ =	shalt  }
0x59: {  	_ =	shalt  }
0x5a: {  	_ =	shalt  }
0x5b: {  	_ =	shalt  }
0x5c: {  	_ =	shalt  }
0x5d: {  	_ =	shalt  }
0x5e: {  	_ =	shalt  }
0x5f: {  	_ =	shalt  }
0x60: {  	_ =	shalt  }
0x61: {  	_ =	shalt  }
0x62: {  	_ =	shalt  }
0x63: {  	_ =	shalt  }
0x64: {  	_ =	shalt  }
0x65: {  	_ =	shalt  }
0x66: {  	_ =	shalt  }
0x67: {  	_ =	shalt  }
0x68: {  	_ =	shalt  }
0x69: {  	_ =	shalt  }
0x6a: {  	_ =	shalt  }
0x6b: {  	_ =	shalt  }
0x6c: {  	_ =	shalt  }
0x6d: {  	_ =	shalt  }
0x6e: {  	_ =	shalt  }
0x6f: {  	_ =	shalt  }
0x70: {  	_ =	shalt  }
0x71: {  	_ =	shalt  }
0x72: {  	_ =	shalt  }
0x73: {  	_ =	shalt  }
0x74: {  	_ =	shalt  }
0x75: {  	_ =	shalt  }
0x76: {  	_ =	shalt  }
0x77: {  	_ =	shalt  }
0x78: {  	_ =	shalt  }
0x79: {  	_ =	shalt  }
0x7a: {  	_ =	shalt  }
0x7b: {  	_ =	shalt  }
0x7c: {  	_ =	shalt  }
0x7d: {  	_ =	shalt  }
0x7e: {  	_ =	shalt  }
0x7f: {  	_ =	shalt  }
0x80: {  	_ =	shalt  }
0x81: {  	_ =	shalt  }
0x82: {  	_ =	shalt  }
0x83: {  	_ =	shalt  }
0x84: {  	_ =	shalt  }
0x85: {  	_ =	shalt  }
0x86: {  	_ =	shalt  }
0x87: {  	_ =	shalt  }
.Lfunc_end0:
.L_simem_size_0:
called_computation_lowered:
.L_overlay_start_0:
0x88: {  	s2 =	sld [smem:$0x3FD9]  }
0x89: {  	s3 =	sld [smem:$0x3FFE];
	_ =	sdelay $0x1  }
0x8a: {  	s1 =	srdreg.scid  }
0x8b: {  	s0 =	sand.u32 $0x1, s1  }
0x8c: {  	s17 =	sshll.u32 s0, $0xA;
	s2 =	sadd.s32 s3, s2  }
0x8d: {  	s2 =	sadd.s32 s2, s17  }
0x8e: {  	[smem:$0x3FB3] =	sst s2  }
0x8f: {  	_ = 	snop  }
0x90: {  	s2 =	sld [smem:$0x3FD0];
	(tm) =	ssettm $0x1  }
0x91: {  	s18 =	sld [smem:$0x3FFB];
	_ =	sdelay $0x3  }
0x92: {  	_ =	strace s18  }
0x93: {  	s3 =	sld [smem:$0x3FFC];
	_ =	sdelay $0x3  }
0x94: {  	_ =	strace s3  }
0x95: {  	s3 =	sld [smem:$0x3FFD];
	_ =	sdelay $0x3  }
0x96: {  	_ =	strace s3  }
0x97: {  	_ =	strace $0x8FFFFFFF  }
0x98: {  	s19 =	sld [smem:$0x3FDB];
	_ =	sdelay $0x1  }
0x99: {  	s4 =	simm.s32 $_scs_section_size  }
0x9a: {  	s5 =	simm.s32 $_size__tile_overlayer_lowered;
	s6 =	simm.s32 $_tile_overlayer_lowered  }
0x9b: {  	s22 =	simm.s32 $0x1BFF;
	s21 =	sshll.u32 s6, $0x1;
	s3 =	sadd.s32 s4, s19  }
0x9c: {  	s7 =	simm.s32 $0x0;
	s20 =	sshll.u32 s5, $0x1;
	s5 =	sadd.s32 s21, s3  }
0x9d: {  	[timem:s7], [sflag:s22] =	dma.local [hbm:s5], s20  }
0x9e: {  	_ =	swait.ge [sflag:s22], s20  }
0x9f: {  	s4 =	ssub.s32 $0x0, s20;
	[sflag:s22] =	ssyncset.done $0x0  }
0xa0: {  	[sflag:s22] =	ssyncadd.s32 s4;
	_ =	sdelay $0x1  }
0xa1: {  	s23 =	simm.s32 $0x1B8B  }
0xa2: {  	_ =	swait.ge [sflag:s23], $0x1  }
0xa3: {  	[sflag:s23] =	ssyncset.done $0x0  }
0xa4: {  	s25 =	simm.s32 $0x1B8E;
	s24 =	sld [smem:$0x3FFE];
	[sflag:s23] =	ssyncadd.s32 $0xFFFFFFFF  }
0xa5: {  	s26 =	simm.s32 $execute0_lowered;
	[smem:$0x3FD2] =	sst s25  }
0xa6: {  	s5 =	sshll.u32 s26, $0x1;
	_ =	strace $0x80000046;
	[dreg:$0x1] =	wrdreg $0xFFFFFFFF  }
0xa7: {  	s28 =	simm.s32 $_size_execute0_lowered;
	s3 =	sadd.s32 s3, s5;
	[dreg:$0x0] =	wrdreg $0x0  }
0xa8: {  	s5 =	sshll.u32 s28, $0x1;
	[dreg:$0x2] =	wrdreg s3  }
0xa9: {  	[dreg:$0x3] =	wrdreg s5  }
0xaa: {  	[dreg:$0x4] =	wrdreg $0xC0  }
0xab: {  	_ =	task [dreg:s7], $0x5FFFF  }
0xac: {  	[dreg:$0x1] =	wrdreg $0xFFFFFFFF  }
0xad: {  	[dreg:$0x0] =	wrdreg $0x60  }
0xae: {  	[dreg:$0x2] =	wrdreg s24  }
0xaf: {  	[dreg:$0x3] =	wrdreg s2  }
0xb0: {  	[dreg:$0x4] =	wrdreg $0x0  }
0xb1: {  	[dreg:$0x5] =	wrdreg $0x9  }
0xb2: {  	_ =	task.clear_ibuf [dreg:s7], $0x6FFFF;
	_ =	strace $0x90000046  }
0xb3: {  	s29 =	simm.s32 $0x9;
	_ =	strace $0x80000048  }
0xb4: {  	_ =	swait.ge [sflag:s29], $0x1  }
0xb5: {  	[sflag:s29] =	ssyncadd.s32 $0xFFFFFFFF  }
0xb6: {  	_ =	strace $0x90000048  }
0xb7: {  	_ =	sfence  }
0xb8: {  	s30 =	sld [smem:$0x0];
	_ =	sdelay $0x2  }
0xb9: {  	s31 =	sshll.u32 s1, $0xD;
	s1 =	sshrl.u32 s1, $0x2  }
0xba: {  	s3 =	sand.u32 $0x4000, s31;
	s1 =	sadd.s32 s1, s30  }
0xbb: {  	s0 =	sor.u32 s3, s0;
	s1 =	sshll.u32 s1, $0x11  }
0xbc: {  	s0 =	sor.u32 s1, s0  }
0xbd: {  	s0 =	sadd.s32 $0x8F2B, s0  }
0xbe: {  	[sflag:s0] =	ssyncadd.remote.s32 $0x1  }
0xbf: {  	_ =	sfence.sel $0xFFFF  }
0xc0: {  	[dreg:$0x0] =	wrdreg $0xFFFFFFFF;
	(pc) =	sbr.abs _section_cstart, $3  }
0xc1: {  	[dreg:$0x1] =	wrdreg $0xFFFFFFFF  }
0xc2: {  	_ =	task.clear_ibuf [dreg:s7], $0x2FFFF;
	_ =	strace $0x9FFFFFFF  }
0xc3: {  	(tm) =	ssettm $0x7FFFFFFF  }
tec
execute0_lowered:
.L_overlay_start_1:
0x0: {  	(tag) =	ssettag $0x1  }
0x1: {  	s0 =	rddreg [dreg:$0x0]  }
0x2: {  	s2 =	rddreg [dreg:$0x2];
	s18 =	stileid.u32  }
0x3: {  	s3 =	simm.s32 $0x0;
	s1 =	srdreg.scid;
	s6 =	smul.u32 $0x14000, s18  }
0x4: {  	[smem:$0x7FF] =	sst s3;
	s4 =	sand.u32 $0x1, s1;
	s19 =	smul.u32 $0x2800, s18  }
0x5: {  	s7 =	sadd.s32 $0x48E00, s0;
	_ =	strace $0x80000047;
	s12 =	smul.u32 $0x140000, s4  }
0x6: {  	s1 =	sshll.u32 s4, $0x4;
	s5 =	ssub.s32 $0x2, s4;
	s4 =	smul.u32 $0x28000, s4  }
0x7: {  	s1 =	sor.u32 s18, s1;
	s20 =	sshrl.u32 s5, $0x1;
	s9 =	sadd.s32 $0x5000, s6  }
0x8: {  	s10 =	sadd.s32 $0x7800, s6;
	s11 =	sadd.s32 $0xA000, s6;
	s13 =	sadd.s32 $0xC800, s6  }
0x9: {  	s14 =	sadd.s32 $0xF000, s6;
	s17 =	sadd.s32 $0x11800, s6;
	s8 =	smul.u32 $0x2800, s1  }
0xa: {  	s1 =	ssub.s32 s5, s20;
	s5 =	sor.u32 $0x2800, s6;
	s6 =	sadd.s32 s6, s12  }
0xb: {  	s16 =	sadd.s32 s12, s9;
	s23 =	sadd.s32 s12, s10;
	s24 =	sadd.s32 s12, s11  }
0xc: {  	s25 =	sadd.s32 s12, s13;
	s4 =	sadd.s32 s19, s4;
	s28 =	sadd.s32 s13, s2  }
0xd: {  	s29 =	sadd.s32 s14, s2;
	s30 =	sadd.s32 s17, s2;
	s13 =	simm.s32 $0x2  }
0xe: {  	s15 =	sadd.s32 s12, s5;
	s6 =	sshrl.u32 s6, $0x3;
	s16 =	sshrl.u32 s16, $0x3  }
0xf: {  	s15 =	sshrl.u32 s15, $0x3;
	s6 =	sadd.s32 s7, s6;
	s22 =	sadd.s32 s7, s16  }
0x10: {  	s16 =	sshrl.u32 s25, $0x3;
	s8 =	sshrl.u32 s8, $0x3;
	[dreg:$0x4] =	wrdreg s6  }
0x11: {  	s21 =	sadd.s32 s7, s15;
	[dreg:$0x6] =	wrdreg s22;
	s6 =	sshrl.u32 s23, $0x3  }
0x12: {  	s15 =	sshrl.u32 s24, $0x3;
	s22 =	sadd.s32 $0x3C00, s0;
	s23 =	sadd.s32 $0x4F6, s8  }
0x13: {  	[dreg:$0x5] =	wrdreg s21;
	s6 =	sadd.s32 s7, s6;
	s26 =	sadd.s32 s7, s15  }
0x14: {  	s15 =	sadd.s32 s7, s16;
	s16 =	sadd.s32 s12, s14;
	[dreg:$0x7] =	wrdreg s6  }
0x15: {  	s12 =	sadd.s32 s12, s17;
	s21 =	smul.u32 $0x50000, s18;
	[dreg:$0x8] =	wrdreg s26  }
0x16: {  	s25 =	sadd.s32 s22, s23;
	s14 =	simm.s32 $0x0;
	[dreg:$0x9] =	wrdreg s15  }
0x17: {  	s6 =	sshrl.u32 s16, $0x3;
	s12 =	sshrl.u32 s12, $0x3;
	s15 =	sor.u32 $0xA0, s4  }
0x18: {  	[dreg:$0xc] =	wrdreg s25;
	s4 =	sor.u32 $0x50, s4;
	s26 =	sadd.s32 s22, s8  }
0x19: {  	s25 =	sadd.s32 s10, s2;
	s10 =	simm.s32 $0x14180;
	s6 =	sadd.s32 s7, s6  }
0x1a: {  	s20 =	sadd.s32 s7, s12;
	s24 =	sshrl.u32 s15, $0x3;
	[dreg:$0xe] =	wrdreg s26  }
0x1b: {  	s4 =	sshrl.u32 s4, $0x3;
	s26 =	sadd.s32 s11, s2;
	[dreg:$0xa] =	wrdreg s6  }
0x1c: {  	s7 =	simm.s32 $0x14100;
	s11 =	simm.s32 $0x1;
	[dreg:$0xb] =	wrdreg s20  }
0x1d: {  	s6 =	sshrl.u32 s21, $0x2;
	s20 =	sadd.s32 $0xDC00, s0;
	s16 =	sadd.s32 s24, s22  }
0x1e: {  	s18 =	sadd.s32 s4, s22;
	s21 =	sadd.s32 $0x17C00, s0;
	s12 =	sadd.s32 s20, s23  }
0x1f: {  	s15 =	sadd.s32 s24, s20;
	s19 =	sadd.s32 s4, s20;
	s22 =	sadd.s32 s6, s2  }
0x20: {  	s23 =	sadd.s32 s5, s2;
	s24 =	sadd.s32 s9, s2;
	s4 =	simm.s32 $0x14200  }
0x21: {  	s5 =	simm.s32 $0x19200;
	s6 =	simm.s32 $0x14000;
	s9 =	simm.s32 $0x14080  }
0x22: {  	[dreg:$0xd] =	wrdreg s12;
	s12 =	sadd.s32 s20, s8;
	s20 =	sadd.s32 s8, s0  }
0x23: {  	s0 =	smax.u32 s1, $0x1;
	s1 =	simm.s32 $0x3;
	s8 =	simm.s32 $0x50  }
0x24: {  	v0 =	vimm.f32 $1.000000000e+00;
	[dreg:$0xf] =	wrdreg s12;
	s31 =	sadd.s32 $0x3EE00, s20;
	s12 =	simm.s32 $0x16A00  }
.LBB2_1:
0x25: {  	s17 =	rddreg [dreg:$0x1]  }
0x26: {  	[tilespmem:s4], [sflag:$0x3] =	stream.linear.gather [hbm4b:s17+s3], $0x2800, $0x38;
	[tilespmem:$0x1BA00] =	vst v63  }
0x27: {  	_ =	swait.ge [sflag:s1], $0x2800  }
0x28: {  	[sflag:s1] =	ssyncset.done $0x0  }
0x29: {  	[sflag:s1] =	ssyncadd.s32 $0xFFFFD800  }
0x2a: {  	[spmem:s22] =	stream.linear.scatter [tilespmem:s4], [sflag:$0x3], $0x2800, $0x38;
	[tilespmem:$0x1BA00] =	vst v63  }
0x2b: {  	_ =	swait.ge [sflag:s1], $0x2800  }
0x2c: {  	[sflag:s1] =	ssyncset.done $0x0  }
0x2d: {  	[sflag:s1] =	ssyncadd.s32 $0xFFFFD800  }
0x2e: {  	[spmem:s23] =	stream.linear.scatter [tilespmem:s4], [sflag:$0x3], $0x2800, $0x38;
	[tilespmem:$0x1BA00] =	vst v63  }
0x2f: {  	_ =	swait.ge [sflag:s1], $0x2800  }
0x30: {  	[sflag:s1] =	ssyncset.done $0x0  }
0x31: {  	[sflag:s1] =	ssyncadd.s32 $0xFFFFD800  }
0x32: {  	[spmem:s24] =	stream.linear.scatter [tilespmem:s4], [sflag:$0x3], $0x2800, $0x38;
	[tilespmem:$0x1BA00] =	vst v63  }
0x33: {  	_ =	swait.ge [sflag:s1], $0x2800  }
0x34: {  	[sflag:s1] =	ssyncset.done $0x0  }
0x35: {  	[sflag:s1] =	ssyncadd.s32 $0xFFFFD800  }
0x36: {  	[spmem:s25] =	stream.linear.scatter [tilespmem:s4], [sflag:$0x3], $0x2800, $0x38;
	[tilespmem:$0x1BA00] =	vst v63  }
0x37: {  	_ =	swait.ge [sflag:s1], $0x2800  }
0x38: {  	[sflag:s1] =	ssyncset.done $0x0  }
0x39: {  	[sflag:s1] =	ssyncadd.s32 $0xFFFFD800  }
0x3a: {  	[spmem:s26] =	stream.linear.scatter [tilespmem:s4], [sflag:$0x3], $0x2800, $0x38;
	[tilespmem:$0x1BA00] =	vst v63  }
0x3b: {  	_ =	swait.ge [sflag:s1], $0x2800  }
0x3c: {  	[sflag:s1] =	ssyncset.done $0x0  }
0x3d: {  	[sflag:s1] =	ssyncadd.s32 $0xFFFFD800  }
0x3e: {  	[spmem:s28] =	stream.linear.scatter [tilespmem:s4], [sflag:$0x3], $0x2800, $0x38;
	[tilespmem:$0x1BA00] =	vst v63  }
0x3f: {  	_ =	swait.ge [sflag:s1], $0x2800  }
0x40: {  	[sflag:s1] =	ssyncset.done $0x0  }
0x41: {  	[sflag:s1] =	ssyncadd.s32 $0xFFFFD800  }
0x42: {  	[spmem:s29] =	stream.linear.scatter [tilespmem:s4], [sflag:$0x3], $0x2800, $0x38;
	[tilespmem:$0x1BA00] =	vst v63  }
0x43: {  	_ =	swait.ge [sflag:s1], $0x2800  }
0x44: {  	[sflag:s1] =	ssyncset.done $0x0  }
0x45: {  	[sflag:s1] =	ssyncadd.s32 $0xFFFFD800  }
0x46: {  	[spmem:s30] =	stream.linear.scatter [tilespmem:s4], [sflag:$0x3], $0x2800, $0x38;
	[tilespmem:$0x1BA00] =	vst v63  }
0x47: {  	_ =	swait.ge [sflag:s1], $0x2800  }
0x48: {  	[sflag:s1] =	ssyncset.done $0x0  }
0x49: {  	[sflag:s1] =	ssyncadd.s32 $0xFFFFD800  }
0x4a: {  	[tilespmem:s5], [sflag:$0x3] =	stream.linear.gather [hbm4b:s17+s3], $0x2800, $0x38;
	[tilespmem:$0x1BA00] =	vst v63  }
0x4b: {  	_ =	swait.ge [sflag:s1], $0x2800  }
0x4c: {  	[sflag:s1] =	ssyncset.done $0x0  }
0x4d: {  	[sflag:s1] =	ssyncadd.s32 $0xFFFFD800  }
0x4e: {  	[bflag:$0x0] =	sbarrier.arrive $0xFFFF  }
0x4f: {  	s20 =	rddreg [dreg:$0xe]  }
0x50: {  	[tilespmem:s6], [sflag:$0x3] =	stream.linear.gather [hbm4b:s20+s3], $0x50, $0x38;
	[tilespmem:$0x1BA00] =	vst v63  }
0x51: {  	_ =	swait.ge [sflag:s1], $0x50  }
0x52: {  	[sflag:s1] =	ssyncset.done $0x0  }
0x53: {  	s20 =	rddreg [dreg:$0xf];
	[sflag:s1] =	ssyncadd.s32 $0xFFFFFFB0  }
0x54: {  	[tilespmem:s7], [sflag:$0x3] =	stream.linear.gather [hbm4b:s20+s3], $0x50, $0x38;
	[tilespmem:$0x1BA00] =	vst v63  }
0x55: {  	_ =	swait.ge [sflag:s1], $0x50  }
0x56: {  	[sflag:s1] =	ssyncset.done $0x0  }
0x57: {  	s17 =	simm.s32 $0x0;
	[sflag:s1] =	ssyncadd.s32 $0xFFFFFFB0  }
0x58: {  	[tilespmem:s4], [sflag:$0x1] =	stream.indirect.gather [hbm4b:s21+s8], $0x80, s6, s8, $0xb8;
	[tilespmem:$0x1BA00] =	vst v63  }
.LBB2_2:
0x59: {  	s20 =	sadd.s32 s17, s18  }
0x5a: {  	[tilespmem:s9], [sflag:$0x3] =	stream.linear.gather [hbm4b:s20+s3], $0x50, $0x38;
	[tilespmem:$0x1BA00] =	vst v63  }
0x5b: {  	_ =	swait.ge [sflag:s1], $0x50  }
0x5c: {  	[sflag:s1] =	ssyncset.done $0x0  }
0x5d: {  	s20 =	sadd.s32 s17, s19;
	[sflag:s1] =	ssyncadd.s32 $0xFFFFFFB0  }
0x5e: {  	[tilespmem:s10], [sflag:$0x3] =	stream.linear.gather [hbm4b:s20+s3], $0x50, $0x38;
	[tilespmem:$0x1BA00] =	vst v63  }
0x5f: {  	_ =	swait.ge [sflag:s1], $0x50  }
0x60: {  	[sflag:s1] =	ssyncset.done $0x0  }
0x61: {  	[sflag:s1] =	ssyncadd.s32 $0xFFFFFFB0  }
0x62: {  	_ =	swait.ge [sflag:s11], $0x2800  }
0x63: {  	[sflag:s11] =	ssyncset.done $0x0  }
0x64: {  	[sflag:s11] =	ssyncadd.s32 $0xFFFFD800  }
0x65: {  	[tilespmem:s12], [sflag:$0x2] =	stream.indirect.gather [hbm4b:s21+s8], $0x80, s9, s8, $0xb8;
	[tilespmem:$0x1BA00] =	vst v63  }
0x66: {  	_ = 	snop  }
0x67: {  	[spmem:s2] =	stream.indirect.scatter.add.f32 [tilespmem:s4], [sflag:$0x3], $0x80, s7, s8, $0xb8;
	[tilespmem:$0x1BA00] =	vst v63  }
0x68: {  	_ =	swait.ge [sflag:s1], $0x2800  }
0x69: {  	[sflag:s1] =	ssyncset.done $0x0  }
0x6a: {  	[sflag:s1] =	ssyncadd.s32 $0xFFFFD800  }
0x6b: {  	v1 =	vld [tilespmem:$0x14100];
	_ =	sdelay $0x7  }
0x6c: {  	[tilespmem:v1+s5+$0x0] =	vst.idx.add.f32.msk $0xffff, v0  }
0x6d: {  	v1 =	vld [tilespmem:$0x14110];
	_ =	sdelay $0x7  }
0x6e: {  	[tilespmem:v1+s5+$0x0] =	vst.idx.add.f32.msk $0xffff, v0  }
0x6f: {  	v1 =	vld [tilespmem:$0x14120];
	_ =	sdelay $0x7  }
0x70: {  	[tilespmem:v1+s5+$0x0] =	vst.idx.add.f32.msk $0xffff, v0  }
0x71: {  	v1 =	vld [tilespmem:$0x14130];
	_ =	sdelay $0x7  }
0x72: {  	[tilespmem:v1+s5+$0x0] =	vst.idx.add.f32.msk $0xffff, v0  }
0x73: {  	v1 =	vld [tilespmem:$0x14140];
	_ =	sdelay $0x7  }
0x74: {  	s20 =	sadd.s32 s17, s16;
	[tilespmem:v1+s5+$0x0] =	vst.idx.add.f32.msk $0xffff, v0  }
0x75: {  	[tilespmem:s6], [sflag:$0x3] =	stream.linear.gather [hbm4b:s20+s3], $0x50, $0x38;
	[tilespmem:$0x1BA00] =	vst v63  }
0x76: {  	_ =	swait.ge [sflag:s1], $0x50  }
0x77: {  	[sflag:s1] =	ssyncset.done $0x0  }
0x78: {  	s20 =	sadd.s32 s17, s15;
	[sflag:s1] =	ssyncadd.s32 $0xFFFFFFB0  }
0x79: {  	[tilespmem:s7], [sflag:$0x3] =	stream.linear.gather [hbm4b:s20+s3], $0x50, $0x38;
	[tilespmem:$0x1BA00] =	vst v63  }
0x7a: {  	_ =	swait.ge [sflag:s1], $0x50  }
0x7b: {  	[sflag:s1] =	ssyncset.done $0x0  }
0x7c: {  	[sflag:s1] =	ssyncadd.s32 $0xFFFFFFB0  }
0x7d: {  	_ =	swait.ge [sflag:s13], $0x2800  }
0x7e: {  	[sflag:s13] =	ssyncset.done $0x0  }
0x7f: {  	[sflag:s13] =	ssyncadd.s32 $0xFFFFD800  }
0x80: {  	[tilespmem:s4], [sflag:$0x1] =	stream.indirect.gather [hbm4b:s21+s8], $0x80, s6, s8, $0xb8;
	[tilespmem:$0x1BA00] =	vst v63  }
0x81: {  	_ = 	snop  }
0x82: {  	[spmem:s2] =	stream.indirect.scatter.add.f32 [tilespmem:s12], [sflag:$0x3], $0x80, s10, s8, $0xb8;
	[tilespmem:$0x1BA00] =	vst v63  }
0x83: {  	_ =	swait.ge [sflag:s1], $0x2800  }
0x84: {  	[sflag:s1] =	ssyncset.done $0x0  }
0x85: {  	[sflag:s1] =	ssyncadd.s32 $0xFFFFD800  }
0x86: {  	v1 =	vld [tilespmem:$0x14180];
	_ =	sdelay $0x7  }
0x87: {  	[tilespmem:v1+s5+$0x0] =	vst.idx.add.f32.msk $0xffff, v0  }
0x88: {  	v1 =	vld [tilespmem:$0x14190];
	_ =	sdelay $0x7  }
0x89: {  	[tilespmem:v1+s5+$0x0] =	vst.idx.add.f32.msk $0xffff, v0  }
0x8a: {  	v1 =	vld [tilespmem:$0x141A0];
	_ =	sdelay $0x7  }
0x8b: {  	[tilespmem:v1+s5+$0x0] =	vst.idx.add.f32.msk $0xffff, v0  }
0x8c: {  	v1 =	vld [tilespmem:$0x141B0];
	_ =	sdelay $0x7  }
0x8d: {  	[tilespmem:v1+s5+$0x0] =	vst.idx.add.f32.msk $0xffff, v0  }
0x8e: {  	v1 =	vld [tilespmem:$0x141C0];
	_ =	sdelay $0x2  }
0x8f: {  	p0 =	sne.s32 s17, $0x4D8  }
.Ltmp0:
0x90: {  	_ = 	snop;
	(pc) =	sbr.rel @p0 .LBB2_2-.Ltmp0, $2  }
0x91: {  	_ =	sdelay $0x2  }
0x92: {  	s17 =	sadd.s32 $0x14, s17;
	[tilespmem:v1+s5+$0x0] =	vst.idx.add.f32.msk $0xffff, v0  }
0x93: {  	s17 =	rddreg [dreg:$0xc]  }
0x94: {  	[tilespmem:s9], [sflag:$0x3] =	stream.linear.gather [hbm4b:s17+s3], $0x50, $0x38;
	[tilespmem:$0x1BA00] =	vst v63  }
0x95: {  	_ =	swait.ge [sflag:s1], $0x50  }
0x96: {  	[sflag:s1] =	ssyncset.done $0x0  }
0x97: {  	s20 =	rddreg [dreg:$0xd];
	[sflag:s1] =	ssyncadd.s32 $0xFFFFFFB0  }
0x98: {  	[tilespmem:s10], [sflag:$0x3] =	stream.linear.gather [hbm4b:s20+s3], $0x50, $0x38;
	[tilespmem:$0x1BA00] =	vst v63  }
0x99: {  	_ =	swait.ge [sflag:s1], $0x50  }
0x9a: {  	[sflag:s1] =	ssyncset.done $0x0  }
0x9b: {  	[sflag:s1] =	ssyncadd.s32 $0xFFFFFFB0  }
0x9c: {  	_ =	swait.ge [sflag:s11], $0x2800  }
0x9d: {  	[sflag:s11] =	ssyncset.done $0x0  }
0x9e: {  	[sflag:s11] =	ssyncadd.s32 $0xFFFFD800  }
0x9f: {  	[tilespmem:s12], [sflag:$0x2] =	stream.indirect.gather [hbm4b:s21+s8], $0x80, s9, s8, $0xb8;
	[tilespmem:$0x1BA00] =	vst v63  }
0xa0: {  	_ = 	snop  }
0xa1: {  	[spmem:s2] =	stream.indirect.scatter.add.f32 [tilespmem:s4], [sflag:$0x3], $0x80, s7, s8, $0xb8;
	[tilespmem:$0x1BA00] =	vst v63  }
0xa2: {  	_ =	swait.ge [sflag:s1], $0x2800  }
0xa3: {  	[sflag:s1] =	ssyncset.done $0x0  }
0xa4: {  	[sflag:s1] =	ssyncadd.s32 $0xFFFFD800  }
0xa5: {  	v1 =	vld [tilespmem:$0x14100];
	_ =	sdelay $0x7  }
0xa6: {  	[tilespmem:v1+s5+$0x0] =	vst.idx.add.f32.msk $0xffff, v0  }
0xa7: {  	v1 =	vld [tilespmem:$0x14110];
	_ =	sdelay $0x7  }
0xa8: {  	[tilespmem:v1+s5+$0x0] =	vst.idx.add.f32.msk $0xffff, v0  }
0xa9: {  	v1 =	vld [tilespmem:$0x14120];
	_ =	sdelay $0x7  }
0xaa: {  	[tilespmem:v1+s5+$0x0] =	vst.idx.add.f32.msk $0xffff, v0  }
0xab: {  	v1 =	vld [tilespmem:$0x14130];
	_ =	sdelay $0x7  }
0xac: {  	[tilespmem:v1+s5+$0x0] =	vst.idx.add.f32.msk $0xffff, v0  }
0xad: {  	v1 =	vld [tilespmem:$0x14140];
	_ =	sdelay $0x7  }
0xae: {  	[tilespmem:v1+s5+$0x0] =	vst.idx.add.f32.msk $0xffff, v0  }
0xaf: {  	_ =	swait.ge [sflag:s13], $0x2800  }
0xb0: {  	[sflag:s13] =	ssyncset.done $0x0  }
0xb1: {  	[sflag:s13] =	ssyncadd.s32 $0xFFFFD800  }
0xb2: {  	[spmem:s2] =	stream.indirect.scatter.add.f32 [tilespmem:s12], [sflag:$0x3], $0x80, s10, s8, $0xb8;
	[tilespmem:$0x1BA00] =	vst v63  }
0xb3: {  	_ =	swait.ge [sflag:s1], $0x2800  }
0xb4: {  	[sflag:s1] =	ssyncset.done $0x0  }
0xb5: {  	[sflag:s1] =	ssyncadd.s32 $0xFFFFD800  }
0xb6: {  	v1 =	vld [tilespmem:$0x14180];
	_ =	sdelay $0x7  }
0xb7: {  	[tilespmem:v1+s5+$0x0] =	vst.idx.add.f32.msk $0xffff, v0  }
0xb8: {  	v1 =	vld [tilespmem:$0x14190];
	_ =	sdelay $0x7  }
0xb9: {  	[tilespmem:v1+s5+$0x0] =	vst.idx.add.f32.msk $0xffff, v0  }
0xba: {  	v1 =	vld [tilespmem:$0x141A0];
	_ =	sdelay $0x7  }
0xbb: {  	[tilespmem:v1+s5+$0x0] =	vst.idx.add.f32.msk $0xffff, v0  }
0xbc: {  	v1 =	vld [tilespmem:$0x141B0];
	_ =	sdelay $0x7  }
0xbd: {  	[tilespmem:v1+s5+$0x0] =	vst.idx.add.f32.msk $0xffff, v0  }
0xbe: {  	v1 =	vld [tilespmem:$0x141C0];
	_ =	sdelay $0x7  }
0xbf: {  	[tilespmem:v1+s5+$0x0] =	vst.idx.add.f32.msk $0xffff, v0  }
0xc0: {  	[bflag:$0x0] =	sbarrier.arrive $0xFFFF  }
0xc1: {  	[tilespmem:s4], [sflag:$0x3] =	stream.linear.gather [spmem:s22], $0x2800, $0x38;
	[tilespmem:$0x1BA00] =	vst v63  }
0xc2: {  	_ =	swait.ge [sflag:s1], $0x2800  }
0xc3: {  	[sflag:s1] =	ssyncset.done $0x0  }
0xc4: {  	s20 =	rddreg [dreg:$0x4];
	[sflag:s1] =	ssyncadd.s32 $0xFFFFD800  }
0xc5: {  	[hbm4b:s20+s3] =	stream.linear.scatter [tilespmem:s4], [sflag:$0x3], $0x2800, $0x38;
	[tilespmem:$0x1BA00] =	vst v63  }
0xc6: {  	_ =	swait.ge [sflag:s1], $0x2800  }
0xc7: {  	[sflag:s1] =	ssyncset.done $0x0  }
0xc8: {  	[sflag:s1] =	ssyncadd.s32 $0xFFFFD800  }
0xc9: {  	[tilespmem:s4], [sflag:$0x3] =	stream.linear.gather [spmem:s23], $0x2800, $0x38;
	[tilespmem:$0x1BA00] =	vst v63  }
0xca: {  	_ =	swait.ge [sflag:s1], $0x2800  }
0xcb: {  	[sflag:s1] =	ssyncset.done $0x0  }
0xcc: {  	s20 =	rddreg [dreg:$0x5];
	[sflag:s1] =	ssyncadd.s32 $0xFFFFD800  }
0xcd: {  	[hbm4b:s20+s3] =	stream.linear.scatter [tilespmem:s4], [sflag:$0x3], $0x2800, $0x38;
	[tilespmem:$0x1BA00] =	vst v63  }
0xce: {  	_ =	swait.ge [sflag:s1], $0x2800  }
0xcf: {  	[sflag:s1] =	ssyncset.done $0x0  }
0xd0: {  	[sflag:s1] =	ssyncadd.s32 $0xFFFFD800  }
0xd1: {  	[tilespmem:s4], [sflag:$0x3] =	stream.linear.gather [spmem:s24], $0x2800, $0x38;
	[tilespmem:$0x1BA00] =	vst v63  }
0xd2: {  	_ =	swait.ge [sflag:s1], $0x2800  }
0xd3: {  	[sflag:s1] =	ssyncset.done $0x0  }
0xd4: {  	s20 =	rddreg [dreg:$0x6];
	[sflag:s1] =	ssyncadd.s32 $0xFFFFD800  }
0xd5: {  	[hbm4b:s20+s3] =	stream.linear.scatter [tilespmem:s4], [sflag:$0x3], $0x2800, $0x38;
	[tilespmem:$0x1BA00] =	vst v63  }
0xd6: {  	_ =	swait.ge [sflag:s1], $0x2800  }
0xd7: {  	[sflag:s1] =	ssyncset.done $0x0  }
0xd8: {  	[sflag:s1] =	ssyncadd.s32 $0xFFFFD800  }
0xd9: {  	[tilespmem:s4], [sflag:$0x3] =	stream.linear.gather [spmem:s25], $0x2800, $0x38;
	[tilespmem:$0x1BA00] =	vst v63  }
0xda: {  	_ =	swait.ge [sflag:s1], $0x2800  }
0xdb: {  	[sflag:s1] =	ssyncset.done $0x0  }
0xdc: {  	s20 =	rddreg [dreg:$0x7];
	[sflag:s1] =	ssyncadd.s32 $0xFFFFD800  }
0xdd: {  	[hbm4b:s20+s3] =	stream.linear.scatter [tilespmem:s4], [sflag:$0x3], $0x2800, $0x38;
	[tilespmem:$0x1BA00] =	vst v63  }
0xde: {  	_ =	swait.ge [sflag:s1], $0x2800  }
0xdf: {  	[sflag:s1] =	ssyncset.done $0x0  }
0xe0: {  	[sflag:s1] =	ssyncadd.s32 $0xFFFFD800  }
0xe1: {  	[tilespmem:s4], [sflag:$0x3] =	stream.linear.gather [spmem:s26], $0x2800, $0x38;
	[tilespmem:$0x1BA00] =	vst v63  }
0xe2: {  	_ =	swait.ge [sflag:s1], $0x2800  }
0xe3: {  	[sflag:s1] =	ssyncset.done $0x0  }
0xe4: {  	s20 =	rddreg [dreg:$0x8];
	[sflag:s1] =	ssyncadd.s32 $0xFFFFD800  }
0xe5: {  	[hbm4b:s20+s3] =	stream.linear.scatter [tilespmem:s4], [sflag:$0x3], $0x2800, $0x38;
	[tilespmem:$0x1BA00] =	vst v63  }
0xe6: {  	_ =	swait.ge [sflag:s1], $0x2800  }
0xe7: {  	[sflag:s1] =	ssyncset.done $0x0  }
0xe8: {  	[sflag:s1] =	ssyncadd.s32 $0xFFFFD800  }
0xe9: {  	[tilespmem:s4], [sflag:$0x3] =	stream.linear.gather [spmem:s28], $0x2800, $0x38;
	[tilespmem:$0x1BA00] =	vst v63  }
0xea: {  	_ =	swait.ge [sflag:s1], $0x2800  }
0xeb: {  	[sflag:s1] =	ssyncset.done $0x0  }
0xec: {  	s20 =	rddreg [dreg:$0x9];
	[sflag:s1] =	ssyncadd.s32 $0xFFFFD800  }
0xed: {  	[hbm4b:s20+s3] =	stream.linear.scatter [tilespmem:s4], [sflag:$0x3], $0x2800, $0x38;
	[tilespmem:$0x1BA00] =	vst v63  }
0xee: {  	_ =	swait.ge [sflag:s1], $0x2800  }
0xef: {  	[sflag:s1] =	ssyncset.done $0x0  }
0xf0: {  	[sflag:s1] =	ssyncadd.s32 $0xFFFFD800  }
0xf1: {  	[tilespmem:s4], [sflag:$0x3] =	stream.linear.gather [spmem:s29], $0x2800, $0x38;
	[tilespmem:$0x1BA00] =	vst v63  }
0xf2: {  	_ =	swait.ge [sflag:s1], $0x2800  }
0xf3: {  	[sflag:s1] =	ssyncset.done $0x0  }
0xf4: {  	s20 =	rddreg [dreg:$0xa];
	[sflag:s1] =	ssyncadd.s32 $0xFFFFD800  }
0xf5: {  	[hbm4b:s20+s3] =	stream.linear.scatter [tilespmem:s4], [sflag:$0x3], $0x2800, $0x38;
	[tilespmem:$0x1BA00] =	vst v63  }
0xf6: {  	_ =	swait.ge [sflag:s1], $0x2800  }
0xf7: {  	[sflag:s1] =	ssyncset.done $0x0  }
0xf8: {  	[sflag:s1] =	ssyncadd.s32 $0xFFFFD800  }
0xf9: {  	[tilespmem:s4], [sflag:$0x3] =	stream.linear.gather [spmem:s30], $0x2800, $0x38;
	[tilespmem:$0x1BA00] =	vst v63  }
0xfa: {  	_ =	swait.ge [sflag:s1], $0x2800  }
0xfb: {  	[sflag:s1] =	ssyncset.done $0x0  }
0xfc: {  	s20 =	rddreg [dreg:$0xb];
	[sflag:s1] =	ssyncadd.s32 $0xFFFFD800  }
0xfd: {  	[hbm4b:s20+s3] =	stream.linear.scatter [tilespmem:s4], [sflag:$0x3], $0x2800, $0x38;
	[tilespmem:$0x1BA00] =	vst v63  }
0xfe: {  	s14 =	sadd.s32 $0x1, s14;
	_ =	swait.ge [sflag:s1], $0x2800  }
0xff: {  	p0 =	sne.s32 s14, s0;
	[sflag:s1] =	ssyncset.done $0x0  }
.Ltmp1:
0x100: {  	[sflag:s1] =	ssyncadd.s32 $0xFFFFD800;
	(pc) =	sbr.rel @p0 .LBB2_1-.Ltmp1, $4  }
0x101: {  	[hbm4b:s31+s3] =	stream.linear.scatter [tilespmem:s5], [sflag:$0x3], $0x2800, $0x38;
	[tilespmem:$0x1BA00] =	vst v63  }
0x102: {  	_ =	swait.ge [sflag:s1], $0x2800  }
0x103: {  	[sflag:s1] =	ssyncset.done $0x0  }
0x104: {  	[sflag:s1] =	ssyncadd.s32 $0xFFFFD800  }
0x105: {  	_ =	sfence.sel $0x180000  }
0x106: {  	[bflag:$0x0] =	sbarrier.arrive $0xFFFF  }
0x107: {  	_ =	strace $0x90000047  }
0x108: {  	s0 =	stileid.u32;
	[bflag:$0x2] =	sbarrier.arrive $0xFFFF  }
0x109: {  	p0 =	sne.s32 s0, $0x0;
	s0 =	rddreg [dreg:$0x3]  }
0x10a: {  	s0 =	sadd.s32 @!p0 $0x100000, s0  }
0x10b: {  	[sflag:s0] =	ssyncadd.tile.s32 @!p0 $0x1;
	_ =	shalt  }
.Lfunc_end2:
_tile_overlayer_lowered:
.L_overlay_start_2:
0x10c: {  	(tag) =	ssettag $0x2  }
0x10d: {  	s0 =	rddreg [dreg:$0x0];
	s2 =	stileid.u32  }
0x10e: {  	s1 =	rddreg [dreg:$0x1];
	p0 =	sne.s32 s2, $0x0  }
0x10f: {  	s3 =	rddreg [dreg:$0x2];
	[bflag:$0x3] =	sbarrier.arrive $0xFFFF;
	s2 =	simm.s32 @!p0 $0x1C03  }
0x110: {  	[timem:s3], [sflag:s2] =	dma.local @!p0 [hbm:s0], s1  }
0x111: {  	s0 =	simm.s32 @!p0 $0x3  }
0x112: {  	_ =	swait.ge @!p0 [sflag:s0], s1  }
0x113: {  	s1 =	ssub.s32 @!p0 $0x0, s1;
	[sflag:s0] =	ssyncset.done @!p0 $0x0  }
0x114: {  	[sflag:s0] =	ssyncadd.s32 @!p0 s1  }
0x115: {  	[bflag:$0x3] =	sbarrier.arrive $0xFFFF  }
0x116: {  	_ =	shalt  }

</sc_bundles>
